<compile_context>
chip_gen: v7x
topology: tpu7x:2x2x1
jax: 0.10.2.dev20260603
libtpu: 0.0.44.dev20260713+nightly
codegen_flags: <defaults>
</compile_context>

<pallas_src>
import jax
import jax.numpy as jnp
from jax import lax
from jax.experimental import pallas as pl
from jax.experimental.pallas import tpu as pltpu
from jax.experimental.pallas import tpu_sc as plsc

_NC, _NS = 2, 16
_NW = _NC * _NS
_L = 16


def _wid():
    return lax.axis_index("s") * _NC + lax.axis_index("c")


def _requad_body(emb_t, emb_tail, tbl_q, in_v, out_v, is0, is1, os0, os1):
    wid = _wid()
    rows16 = lax.iota(jnp.int32, _L)
    iss = (is0, is1)
    oss = (os0, os1)

    def fire_in(c, s):
        pltpu.async_copy(emb_t.at[:, pl.ds(c * 128, 128)], in_v.at[s], iss[s])

    def wait_in(s):
        pltpu.make_async_copy(emb_t.at[:, pl.ds(0, 128)], in_v.at[s],
                              iss[s]).wait()

    def transpose(s):
        @plsc.parallel_loop(0, 32, 1, unroll=4)
        def _(a):
            for b in range(4):
                col = jnp.broadcast_to(4 * a + b, (_L,)).astype(jnp.int32)
                for h in range(2):
                    vals = plsc.load_gather(in_v.at[s],
                                            [rows16 + 16 * h, col])
                    out_v[s, a, pl.ds(32 * b + 16 * h, _L)] = vals

    def fire_out(c, s):
        pltpu.async_copy(out_v.at[s], tbl_q.at[pl.ds(c * 32, 32)], oss[s])

    def wait_out(s):
        pltpu.make_async_copy(out_v.at[s], tbl_q.at[pl.ds(0, 32)],
                              oss[s]).wait()

    def blk(k):
        return k * _NW + wid

    fire_in(blk(0), 0)

    def pair(p, carry):
        fire_in(blk(2 * p + 1), 1)
        wait_in(0)

        @pl.when(p > 0)
        def _():
            wait_out(0)

        transpose(0)
        fire_out(blk(2 * p), 0)

        @pl.when(p < 121)
        def _():
            fire_in(blk(2 * p + 2), 0)

        wait_in(1)

        @pl.when(p > 0)
        def _():
            wait_out(1)

        transpose(1)
        fire_out(blk(2 * p + 1), 1)
        return carry

    lax.fori_loop(0, 122, pair, 0)
    wait_out(0)
    wait_out(1)

    @pl.when(wid < 4)
    def _():
        fire_in(7808 + wid, 0)
        wait_in(0)
        transpose(0)
        fire_out(7808 + wid, 0)
        wait_out(0)

    @pl.when(wid == 4)
    def _():
        pltpu.async_copy(emb_tail, tbl_q.at[pl.ds(7812 * 32, 16)], os0).wait()


def _gather_body(tbl_q, idx_t, out_t, idx_v, q_v, r_v, g_v, o_v,
                 isem, gs0, gs1, os0, os1):
    wid = _wid()
    rows16 = lax.iota(jnp.int32, _L)
    gss = (gs0, gs1)
    oss = (os0, os1)

    def prep(j, s):
        @plsc.parallel_loop(0, 8, 1, unroll=2)
        def _(b):
            v = idx_v[j, pl.ds(16 * b, _L)]
            q_v[s, pl.ds(16 * b, _L)] = v >> 2
            r_v[s, pl.ds(16 * b, _L)] = (v & 3) * 32

    def fire(s):
        pltpu.async_copy(tbl_q.at[q_v.at[s]], g_v.at[s], gss[s])

    def drain(s):
        pltpu.make_async_copy(tbl_q.at[pl.ds(0, 128)], g_v.at[s],
                              gss[s]).wait()

    def extract(s, t):
        bases = [r_v[s, pl.ds(16 * lb, _L)] for lb in range(8)]

        @plsc.parallel_loop(0, 32, 1, unroll=2)
        def _(f):
            for lb in range(8):
                rr = rows16 + 16 * lb
                vals = plsc.load_gather(g_v.at[s], [rr, bases[lb] + f])
                o_v[t, f, pl.ds(16 * lb, _L)] = vals

    def wb(j, c, t):
        pltpu.async_copy(o_v.at[t], out_t.at[j, :, pl.ds(c * 128, 128)],
                         oss[t])

    def wb_wait(t):
        pltpu.make_async_copy(o_v.at[t], out_t.at[0, :, pl.ds(0, 128)],
                              oss[t]).wait()

    def do_cblock(cc, carry):
        c = cc * _NW + wid
        pltpu.async_copy(idx_t.at[:, pl.ds(c * 128, 128)], idx_v, isem)
        pltpu.make_async_copy(idx_t.at[:, pl.ds(0, 128)], idx_v, isem).wait()
        prep(0, 0)
        fire(0)

        def pair(p, carry2):
            j0 = 2 * p
            prep(j0 + 1, 1)
            fire(1)
            drain(0)

            @pl.when((cc > 0) | (p > 0))
            def _():
                wb_wait(0)

            extract(0, 0)
            wb(j0, c, 0)

            @pl.when(p < 24)
            def _():
                prep(j0 + 2, 0)
                fire(0)

            drain(1)

            @pl.when((cc > 0) | (p > 0))
            def _():
                wb_wait(1)

            extract(1, 1)
            wb(j0 + 1, c, 1)
            return carry2

        lax.fori_loop(0, 25, pair, 0)
        return carry

    lax.fori_loop(0, 16384 // 128 // _NW, do_cblock, 0)
    wb_wait(0)
    wb_wait(1)


def kernel(inputs, embedding):
    if inputs.shape[-1] == 1:
        inputs = jnp.squeeze(inputs, axis=-1)
    n, m = inputs.shape
    dim = embedding.shape[1]

    emb_t = jnp.transpose(embedding)
    idx_t = jnp.transpose(inputs).astype(jnp.int32)
    n_tail = embedding.shape[0] % 512
    emb_tail = jnp.reshape(
        lax.slice(embedding, (embedding.shape[0] - n_tail, 0),
                  (embedding.shape[0], dim)), (n_tail * dim // 128, 128))
    mesh = plsc.VectorSubcoreMesh(core_axis_name="c", subcore_axis_name="s")
    params = pltpu.CompilerParams(use_tc_tiling_on_sc=True,
                                  needs_layout_passes=False)

    tbl_q = pl.kernel(
        _requad_body,
        out_type=jax.ShapeDtypeStruct((250000, 128), jnp.float32),
        mesh=mesh,
        compiler_params=params,
        scratch_types=[
            pltpu.VMEM((2, dim, 128), jnp.float32),
            pltpu.VMEM((2, 32, 128), jnp.float32),
        ] + [pltpu.SemaphoreType.DMA] * 4,
    )(emb_t, emb_tail)

    out_t = pl.kernel(
        _gather_body,
        out_type=jax.ShapeDtypeStruct((m, dim, n), jnp.float32),
        mesh=mesh,
        compiler_params=params,
        scratch_types=[
            pltpu.VMEM((m, 128), jnp.int32),
            pltpu.VMEM((2, 128), jnp.int32),
            pltpu.VMEM((2, 128), jnp.int32),
            pltpu.VMEM((2, 128, 128), jnp.float32),
            pltpu.VMEM((2, dim, 128), jnp.float32),
        ] + [pltpu.SemaphoreType.DMA] * 5,
    )(tbl_q, idx_t)

    return jnp.transpose(out_t, (2, 0, 1))

# --- scband reference (transcript-rebuilt; emitter-appended) ---
"""Pipeline reference for scband-gloembed-23459111371278 (READ-ONLY COPY).

The authoritative reference and input builder live on the scoring server;
editing this copy changes nothing except your own understanding.
"""

import jax, jax.numpy as jnp
import numpy as np

NUM_EMBEDDINGS = 1000000
NUM_DIMS = 32

def setup_inputs(seed: int = 0) -> dict:
    key = jax.random.key(seed)
    k_idx, k_emb = jax.random.split(key)
    inputs = jax.random.randint(k_idx, (16384, 50), 0, NUM_EMBEDDINGS, dtype=jnp.int64 if jax.config.jax_enable_x64 else jnp.int32)
    # nn.initializers.uniform(scale=0.05) -> U[0, 0.05)
    embedding = jax.random.uniform(k_emb, (NUM_EMBEDDINGS, NUM_DIMS), dtype=jnp.float32, minval=0.0, maxval=0.05)
    return {"inputs": inputs, "embedding": embedding}

def reference(inputs, embedding):
    # GLOEmbed.__call__: squeeze trailing singleton dim, then nn.Embed lookup
    if inputs.shape[-1] == 1:
        inputs = jnp.squeeze(inputs, axis=-1)
    return jnp.take(embedding, inputs, axis=0)

if __name__ == "__main__":
    import jax
    _d = setup_inputs()
    print(jax.jit(kernel)(*tuple(_d.values())))

</pallas_src>

<mosaic_0001>
#map = affine_map<(d0, d1) -> (0, 0)>
module attributes {stable_mosaic.version = 14 : i64} {
  func.func @_requad_body(%arg0: i32, %arg1: i32, %arg2: memref<32x1000000xf32, #tpu.memory_space<hbm>>, %arg3: memref<16x128xf32, #tpu.memory_space<hbm>>, %arg4: memref<250000x128xf32, #tpu.memory_space<hbm>>, %arg5: memref<2x32x128xf32, #tpu.memory_space<vmem>>, %arg6: memref<2x32x128xf32, #tpu.memory_space<vmem>>, %arg7: memref<!tpu.dma_semaphore, #tpu.memory_space<semaphore_mem>>, %arg8: memref<!tpu.dma_semaphore, #tpu.memory_space<semaphore_mem>>, %arg9: memref<!tpu.dma_semaphore, #tpu.memory_space<semaphore_mem>>, %arg10: memref<!tpu.dma_semaphore, #tpu.memory_space<semaphore_mem>>) attributes {dimension_semantics = [#tpu.dimension_semantics<core_parallel>, #tpu.dimension_semantics<subcore_parallel>], iteration_bounds = array<i64: 2, 16>, scalar_prefetch = 0 : i64, scratch_operands = 6 : i64, tpu.core_type = #tpu.core_type<sc_vector_subcore>, window_params = [{transform_indices = #map}, {transform_indices = #map}, {transform_indices = #map}]} {
    %mul3A = arith.constant 2 : i32
    %mul3A_0 = arith.muli %arg1, %mul3A : i32
    %add3A = arith.addi %mul3A_0, %arg0 : i32
    %iota3A = tpu.iota {dimensions = array<i32: 0>} : vector<16xi32>
    %add3A_1 = arith.constant 0 : i32
    %add3A_2 = arith.addi %add3A_1, %add3A : i32
    %mul3A_3 = arith.constant 128 : i32
    %mul3A_4 = arith.muli %add3A_2, %mul3A_3 : i32
    %dma_start3A = arith.constant 0 : i32
    %dma_start3A_5 = arith.constant 0 : i32
    %dma_start3A_6 = arith.constant 0 : i32
    %dma_start3A_7 = tpu.memref_slice %arg5[%dma_start3A, %dma_start3A_5, %dma_start3A_6] : memref<2x32x128xf32, #tpu.memory_space<vmem>> -> memref<1x32x128xf32, #tpu.memory_space<vmem>>
    %dma_start3A_8 = tpu.memref_squeeze %dma_start3A_7 : memref<1x32x128xf32, #tpu.memory_space<vmem>> -> memref<32x128xf32, #tpu.memory_space<vmem>>
    %dma_start3A_9 = arith.constant 0 : i32
    %dma_start3A_10 = tpu.memref_slice %arg2[%dma_start3A_9, %mul3A_4] : memref<32x1000000xf32, #tpu.memory_space<hbm>> -> memref<32x128xf32, #tpu.memory_space<hbm>>
    %dma_start3A_11 = arith.constant 0 : i32
    %dma_start3A_12 = arith.constant 0 : i32
    %dma_start3A_13 = tpu.memref_slice %arg5[%dma_start3A, %dma_start3A_11, %dma_start3A_12] : memref<2x32x128xf32, #tpu.memory_space<vmem>> -> memref<1x32x128xf32, #tpu.memory_space<vmem>>
    %dma_start3A_14 = tpu.memref_squeeze %dma_start3A_13 : memref<1x32x128xf32, #tpu.memory_space<vmem>> -> memref<32x128xf32, #tpu.memory_space<vmem>>
    %dma_start3A_15 = arith.constant 0 : i32
    %dma_start3A_16 = tpu.memref_slice %arg2[%dma_start3A_15, %mul3A_4] : memref<32x1000000xf32, #tpu.memory_space<hbm>> -> memref<32x128xf32, #tpu.memory_space<hbm>>
    tpu.enqueue_dma source(%dma_start3A_16 : memref<32x128xf32, #tpu.memory_space<hbm>>) target(%dma_start3A_14 : memref<32x128xf32, #tpu.memory_space<vmem>>) target_semaphore(%arg7 : memref<!tpu.dma_semaphore, #tpu.memory_space<semaphore_mem>>)
    %scan3A = arith.constant 0 : i32
    %scan3A_17 = arith.constant 0 : i32
    %scan3A_18 = arith.constant 122 : i32
    %scan3A_19 = arith.addi %scan3A_17, %scan3A_18 : i32
    %scan3A_20 = arith.constant 1 : i32
    scf.for %scan3A_57 = %scan3A_17 to %scan3A_19 step %scan3A_20  : i32 {
      %mul3A_58 = arith.constant 2 : i32
      %mul3A_59 = arith.muli %mul3A_58, %scan3A_57 : i32
      %add3A_60 = arith.constant 1 : i32
      %add3A_61 = arith.addi %mul3A_59, %add3A_60 : i32
      %mul3A_62 = arith.constant 32 : i32
      %mul3A_63 = arith.muli %add3A_61, %mul3A_62 : i32
      %add3A_64 = arith.addi %mul3A_63, %add3A : i32
      %mul3A_65 = arith.constant 128 : i32
      %mul3A_66 = arith.muli %add3A_64, %mul3A_65 : i32
      %dma_start3A_67 = arith.constant 1 : i32
      %dma_start3A_68 = arith.constant 0 : i32
      %dma_start3A_69 = arith.constant 0 : i32
      %dma_start3A_70 = tpu.memref_slice %arg5[%dma_start3A_67, %dma_start3A_68, %dma_start3A_69] : memref<2x32x128xf32, #tpu.memory_space<vmem>> -> memref<1x32x128xf32, #tpu.memory_space<vmem>>
      %dma_start3A_71 = tpu.memref_squeeze %dma_start3A_70 : memref<1x32x128xf32, #tpu.memory_space<vmem>> -> memref<32x128xf32, #tpu.memory_space<vmem>>
      %dma_start3A_72 = arith.constant 0 : i32
      %dma_start3A_73 = tpu.memref_slice %arg2[%dma_start3A_72, %mul3A_66] : memref<32x1000000xf32, #tpu.memory_space<hbm>> -> memref<32x128xf32, #tpu.memory_space<hbm>>
      %dma_start3A_74 = arith.constant 0 : i32
      %dma_start3A_75 = arith.constant 0 : i32
      %dma_start3A_76 = tpu.memref_slice %arg5[%dma_start3A_67, %dma_start3A_74, %dma_start3A_75] : memref<2x32x128xf32, #tpu.memory_space<vmem>> -> memref<1x32x128xf32, #tpu.memory_space<vmem>>
      %dma_start3A_77 = tpu.memref_squeeze %dma_start3A_76 : memref<1x32x128xf32, #tpu.memory_space<vmem>> -> memref<32x128xf32, #tpu.memory_space<vmem>>
      %dma_start3A_78 = arith.constant 0 : i32
      %dma_start3A_79 = tpu.memref_slice %arg2[%dma_start3A_78, %mul3A_66] : memref<32x1000000xf32, #tpu.memory_space<hbm>> -> memref<32x128xf32, #tpu.memory_space<hbm>>
      tpu.enqueue_dma source(%dma_start3A_79 : memref<32x128xf32, #tpu.memory_space<hbm>>) target(%dma_start3A_77 : memref<32x128xf32, #tpu.memory_space<vmem>>) target_semaphore(%arg8 : memref<!tpu.dma_semaphore, #tpu.memory_space<semaphore_mem>>)
      %dma_wait3A_80 = arith.constant 0 : i32
      %dma_wait3A_81 = arith.constant 0 : i32
      %dma_wait3A_82 = arith.constant 0 : i32
      %dma_wait3A_83 = tpu.memref_slice %arg5[%dma_wait3A_80, %dma_wait3A_81, %dma_wait3A_82] : memref<2x32x128xf32, #tpu.memory_space<vmem>> -> memref<1x32x128xf32, #tpu.memory_space<vmem>>
      %dma_wait3A_84 = tpu.memref_squeeze %dma_wait3A_83 : memref<1x32x128xf32, #tpu.memory_space<vmem>> -> memref<32x128xf32, #tpu.memory_space<vmem>>
      %dma_wait3A_85 = arith.constant 0 : i32
      %dma_wait3A_86 = arith.constant 0 : i32
      %dma_wait3A_87 = tpu.memref_slice %arg2[%dma_wait3A_85, %dma_wait3A_86] : memref<32x1000000xf32, #tpu.memory_space<hbm>> -> memref<32x128xf32, #tpu.memory_space<hbm>>
      %dma_wait3A_88 = arith.constant 0 : i32
      %dma_wait3A_89 = arith.constant 0 : i32
      %dma_wait3A_90 = tpu.memref_slice %arg5[%dma_wait3A_80, %dma_wait3A_88, %dma_wait3A_89] : memref<2x32x128xf32, #tpu.memory_space<vmem>> -> memref<1x32x128xf32, #tpu.memory_space<vmem>>
      %dma_wait3A_91 = tpu.memref_squeeze %dma_wait3A_90 : memref<1x32x128xf32, #tpu.memory_space<vmem>> -> memref<32x128xf32, #tpu.memory_space<vmem>>
      %dma_wait3A_92 = arith.constant 0 : i32
      %dma_wait3A_93 = arith.constant 0 : i32
      %dma_wait3A_94 = tpu.memref_slice %arg2[%dma_wait3A_92, %dma_wait3A_93] : memref<32x1000000xf32, #tpu.memory_space<hbm>> -> memref<32x128xf32, #tpu.memory_space<hbm>>
      tpu.wait_dma2 semaphore(%arg7 : memref<!tpu.dma_semaphore, #tpu.memory_space<semaphore_mem>>) src(%dma_wait3A_94 : memref<32x128xf32, #tpu.memory_space<hbm>>) dst(%dma_wait3A_91 : memref<32x128xf32, #tpu.memory_space<vmem>>)
      %gt3A = arith.constant 0 : i32
      %gt3A_95 = arith.cmpi sgt, %scan3A_57, %gt3A : i32
      %convert_element_type3A_96 = arith.extui %gt3A_95 : i1 to i32
      %cond3A_97 = arith.constant 0 : i32
      %cond3A_98 = arith.cmpi ne, %convert_element_type3A_96, %cond3A_97 : i32
      scf.if %cond3A_98 {
        %dma_wait3A_171 = arith.constant 0 : i32
        %dma_wait3A_172 = arith.constant 0 : i32
        %dma_wait3A_173 = arith.constant 0 : i32
        %dma_wait3A_174 = tpu.memref_slice %arg6[%dma_wait3A_171, %dma_wait3A_172, %dma_wait3A_173] : memref<2x32x128xf32, #tpu.memory_space<vmem>> -> memref<1x32x128xf32, #tpu.memory_space<vmem>>
        %dma_wait3A_175 = tpu.memref_squeeze %dma_wait3A_174 : memref<1x32x128xf32, #tpu.memory_space<vmem>> -> memref<32x128xf32, #tpu.memory_space<vmem>>
        %dma_wait3A_176 = arith.constant 0 : i32
        %dma_wait3A_177 = arith.constant 0 : i32
        %dma_wait3A_178 = tpu.memref_slice %arg4[%dma_wait3A_176, %dma_wait3A_177] : memref<250000x128xf32, #tpu.memory_space<hbm>> -> memref<32x128xf32, #tpu.memory_space<hbm>>
        %dma_wait3A_179 = arith.constant 0 : i32
        %dma_wait3A_180 = arith.constant 0 : i32
        %dma_wait3A_181 = tpu.memref_slice %arg4[%dma_wait3A_179, %dma_wait3A_180] : memref<250000x128xf32, #tpu.memory_space<hbm>> -> memref<32x128xf32, #tpu.memory_space<hbm>>
        %dma_wait3A_182 = arith.constant 0 : i32
        %dma_wait3A_183 = arith.constant 0 : i32
        %dma_wait3A_184 = tpu.memref_slice %arg6[%dma_wait3A_171, %dma_wait3A_182, %dma_wait3A_183] : memref<2x32x128xf32, #tpu.memory_space<vmem>> -> memref<1x32x128xf32, #tpu.memory_space<vmem>>
        %dma_wait3A_185 = tpu.memref_squeeze %dma_wait3A_184 : memref<1x32x128xf32, #tpu.memory_space<vmem>> -> memref<32x128xf32, #tpu.memory_space<vmem>>
        tpu.wait_dma2 semaphore(%arg9 : memref<!tpu.dma_semaphore, #tpu.memory_space<semaphore_mem>>) src(%dma_wait3A_185 : memref<32x128xf32, #tpu.memory_space<vmem>>) dst(%dma_wait3A_181 : memref<32x128xf32, #tpu.memory_space<hbm>>)
      } else {
      }
      %parallel_loop3A = arith.constant 0 : i32
      %parallel_loop3A_99 = arith.constant 32 : i32
      %parallel_loop3A_100 = arith.constant 1 : i32
      scf.for %parallel_loop3A_171 = %parallel_loop3A to %parallel_loop3A_99 step %parallel_loop3A_100  : i32 {
        %parallel_loop3A_172 = arith.constant 4 : i32
        %parallel_loop3A_173 = arith.muli %parallel_loop3A_172, %parallel_loop3A_171 : i32
        %parallel_loop3A_174 = arith.constant 0 : i32
        %parallel_loop3A_175 = arith.addi %parallel_loop3A_173, %parallel_loop3A_174 : i32
        %parallel_loop3A_176 = vector.broadcast %parallel_loop3A_175 : i32 to vector<16xi32>
        %parallel_loop3A_177 = arith.constant 0 : i32
        %parallel_loop3A_178 = vector.broadcast %parallel_loop3A_177 : i32 to vector<16xi32>
        %parallel_loop3A_179 = arith.addi %iota3A, %parallel_loop3A_178 : vector<16xi32>
        %parallel_loop3A_180 = arith.constant 0 : i32
        %parallel_loop3A_181 = arith.constant 0 : i32
        %parallel_loop3A_182 = arith.constant 0 : i32
        %parallel_loop3A_183 = tpu.memref_slice %arg5[%parallel_loop3A_180, %parallel_loop3A_181, %parallel_loop3A_182] : memref<2x32x128xf32, #tpu.memory_space<vmem>> -> memref<1x32x128xf32, #tpu.memory_space<vmem>>
        %parallel_loop3A_184 = tpu.memref_squeeze %parallel_loop3A_183 : memref<1x32x128xf32, #tpu.memory_space<vmem>> -> memref<32x128xf32, #tpu.memory_space<vmem>>
        %parallel_loop3A_185 = tpu.vector_load_idx %parallel_loop3A_184[%parallel_loop3A_179, %parallel_loop3A_176] : memref<32x128xf32, #tpu.memory_space<vmem>>[vector<16xi32>, vector<16xi32>], vector<16xf32>,
        %parallel_loop3A_186 = arith.constant 0 : i32
        %parallel_loop3A_187 = arith.index_cast %parallel_loop3A_186 : i32 to index
        %parallel_loop3A_188 = arith.index_cast %parallel_loop3A_171 : i32 to index
        %parallel_loop3A_189 = arith.constant 0 : index
        %parallel_loop3A_190 = tpu.vector_load %arg6[%parallel_loop3A_187, %parallel_loop3A_188, %parallel_loop3A_189] {strides = array<i32>} : memref<2x32x128xf32, #tpu.memory_space<vmem>>, vector<16xf32>,
        tpu.vector_store %arg6[%parallel_loop3A_187, %parallel_loop3A_188, %parallel_loop3A_189], %parallel_loop3A_185 {strides = array<i32>} : memref<2x32x128xf32, #tpu.memory_space<vmem>>, vector<16xf32>,
        %parallel_loop3A_191 = arith.constant 16 : i32
        %parallel_loop3A_192 = vector.broadcast %parallel_loop3A_191 : i32 to vector<16xi32>
        %parallel_loop3A_193 = arith.addi %iota3A, %parallel_loop3A_192 : vector<16xi32>
        %parallel_loop3A_194 = arith.constant 0 : i32
        %parallel_loop3A_195 = arith.constant 0 : i32
        %parallel_loop3A_196 = arith.constant 0 : i32
        %parallel_loop3A_197 = tpu.memref_slice %arg5[%parallel_loop3A_194, %parallel_loop3A_195, %parallel_loop3A_196] : memref<2x32x128xf32, #tpu.memory_space<vmem>> -> memref<1x32x128xf32, #tpu.memory_space<vmem>>
        %parallel_loop3A_198 = tpu.memref_squeeze %parallel_loop3A_197 : memref<1x32x128xf32, #tpu.memory_space<vmem>> -> memref<32x128xf32, #tpu.memory_space<vmem>>
        %parallel_loop3A_199 = tpu.vector_load_idx %parallel_loop3A_198[%parallel_loop3A_193, %parallel_loop3A_176] : memref<32x128xf32, #tpu.memory_space<vmem>>[vector<16xi32>, vector<16xi32>], vector<16xf32>,
        %parallel_loop3A_200 = arith.constant 0 : i32
        %parallel_loop3A_201 = arith.index_cast %parallel_loop3A_200 : i32 to index
        %parallel_loop3A_202 = arith.index_cast %parallel_loop3A_171 : i32 to index
        %parallel_loop3A_203 = arith.constant 16 : index
        %parallel_loop3A_204 = tpu.vector_load %arg6[%parallel_loop3A_201, %parallel_loop3A_202, %parallel_loop3A_203] {strides = array<i32>} : memref<2x32x128xf32, #tpu.memory_space<vmem>>, vector<16xf32>,
        tpu.vector_store %arg6[%parallel_loop3A_201, %parallel_loop3A_202, %parallel_loop3A_203], %parallel_loop3A_199 {strides = array<i32>} : memref<2x32x128xf32, #tpu.memory_space<vmem>>, vector<16xf32>,
        %parallel_loop3A_205 = arith.constant 4 : i32
        %parallel_loop3A_206 = arith.muli %parallel_loop3A_205, %parallel_loop3A_171 : i32
        %parallel_loop3A_207 = arith.constant 1 : i32
        %parallel_loop3A_208 = arith.addi %parallel_loop3A_206, %parallel_loop3A_207 : i32
        %parallel_loop3A_209 = vector.broadcast %parallel_loop3A_208 : i32 to vector<16xi32>
        %parallel_loop3A_210 = arith.constant 0 : i32
        %parallel_loop3A_211 = vector.broadcast %parallel_loop3A_210 : i32 to vector<16xi32>
        %parallel_loop3A_212 = arith.addi %iota3A, %parallel_loop3A_211 : vector<16xi32>
        %parallel_loop3A_213 = arith.constant 0 : i32
        %parallel_loop3A_214 = arith.constant 0 : i32
        %parallel_loop3A_215 = arith.constant 0 : i32
        %parallel_loop3A_216 = tpu.memref_slice %arg5[%parallel_loop3A_213, %parallel_loop3A_214, %parallel_loop3A_215] : memref<2x32x128xf32, #tpu.memory_space<vmem>> -> memref<1x32x128xf32, #tpu.memory_space<vmem>>
        %parallel_loop3A_217 = tpu.memref_squeeze %parallel_loop3A_216 : memref<1x32x128xf32, #tpu.memory_space<vmem>> -> memref<32x128xf32, #tpu.memory_space<vmem>>
        %parallel_loop3A_218 = tpu.vector_load_idx %parallel_loop3A_217[%parallel_loop3A_212, %parallel_loop3A_209] : memref<32x128xf32, #tpu.memory_space<vmem>>[vector<16xi32>, vector<16xi32>], vector<16xf32>,
        %parallel_loop3A_219 = arith.constant 0 : i32
        %parallel_loop3A_220 = arith.index_cast %parallel_loop3A_219 : i32 to index
        %parallel_loop3A_221 = arith.index_cast %parallel_loop3A_171 : i32 to index
        %parallel_loop3A_222 = arith.constant 32 : index
        %parallel_loop3A_223 = tpu.vector_load %arg6[%parallel_loop3A_220, %parallel_loop3A_221, %parallel_loop3A_222] {strides = array<i32>} : memref<2x32x128xf32, #tpu.memory_space<vmem>>, vector<16xf32>,
        tpu.vector_store %arg6[%parallel_loop3A_220, %parallel_loop3A_221, %parallel_loop3A_222], %parallel_loop3A_218 {strides = array<i32>} : memref<2x32x128xf32, #tpu.memory_space<vmem>>, vector<16xf32>,
        %parallel_loop3A_224 = arith.constant 16 : i32
        %parallel_loop3A_225 = vector.broadcast %parallel_loop3A_224 : i32 to vector<16xi32>
        %parallel_loop3A_226 = arith.addi %iota3A, %parallel_loop3A_225 : vector<16xi32>
        %parallel_loop3A_227 = arith.constant 0 : i32
        %parallel_loop3A_228 = arith.constant 0 : i32
        %parallel_loop3A_229 = arith.constant 0 : i32
        %parallel_loop3A_230 = tpu.memref_slice %arg5[%parallel_loop3A_227, %parallel_loop3A_228, %parallel_loop3A_229] : memref<2x32x128xf32, #tpu.memory_space<vmem>> -> memref<1x32x128xf32, #tpu.memory_space<vmem>>
        %parallel_loop3A_231 = tpu.memref_squeeze %parallel_loop3A_230 : memref<1x32x128xf32, #tpu.memory_space<vmem>> -> memref<32x128xf32, #tpu.memory_space<vmem>>
        %parallel_loop3A_232 = tpu.vector_load_idx %parallel_loop3A_231[%parallel_loop3A_226, %parallel_loop3A_209] : memref<32x128xf32, #tpu.memory_space<vmem>>[vector<16xi32>, vector<16xi32>], vector<16xf32>,
        %parallel_loop3A_233 = arith.constant 0 : i32
        %parallel_loop3A_234 = arith.index_cast %parallel_loop3A_233 : i32 to index
        %parallel_loop3A_235 = arith.index_cast %parallel_loop3A_171 : i32 to index
        %parallel_loop3A_236 = arith.constant 48 : index
        %parallel_loop3A_237 = tpu.vector_load %arg6[%parallel_loop3A_234, %parallel_loop3A_235, %parallel_loop3A_236] {strides = array<i32>} : memref<2x32x128xf32, #tpu.memory_space<vmem>>, vector<16xf32>,
        tpu.vector_store %arg6[%parallel_loop3A_234, %parallel_loop3A_235, %parallel_loop3A_236], %parallel_loop3A_232 {strides = array<i32>} : memref<2x32x128xf32, #tpu.memory_space<vmem>>, vector<16xf32>,
        %parallel_loop3A_238 = arith.constant 4 : i32
        %parallel_loop3A_239 = arith.muli %parallel_loop3A_238, %parallel_loop3A_171 : i32
        %parallel_loop3A_240 = arith.constant 2 : i32
        %parallel_loop3A_241 = arith.addi %parallel_loop3A_239, %parallel_loop3A_240 : i32
        %parallel_loop3A_242 = vector.broadcast %parallel_loop3A_241 : i32 to vector<16xi32>
        %parallel_loop3A_243 = arith.constant 0 : i32
        %parallel_loop3A_244 = vector.broadcast %parallel_loop3A_243 : i32 to vector<16xi32>
        %parallel_loop3A_245 = arith.addi %iota3A, %parallel_loop3A_244 : vector<16xi32>
        %parallel_loop3A_246 = arith.constant 0 : i32
        %parallel_loop3A_247 = arith.constant 0 : i32
        %parallel_loop3A_248 = arith.constant 0 : i32
        %parallel_loop3A_249 = tpu.memref_slice %arg5[%parallel_loop3A_246, %parallel_loop3A_247, %parallel_loop3A_248] : memref<2x32x128xf32, #tpu.memory_space<vmem>> -> memref<1x32x128xf32, #tpu.memory_space<vmem>>
        %parallel_loop3A_250 = tpu.memref_squeeze %parallel_loop3A_249 : memref<1x32x128xf32, #tpu.memory_space<vmem>> -> memref<32x128xf32, #tpu.memory_space<vmem>>
        %parallel_loop3A_251 = tpu.vector_load_idx %parallel_loop3A_250[%parallel_loop3A_245, %parallel_loop3A_242] : memref<32x128xf32, #tpu.memory_space<vmem>>[vector<16xi32>, vector<16xi32>], vector<16xf32>,
        %parallel_loop3A_252 = arith.constant 0 : i32
        %parallel_loop3A_253 = arith.index_cast %parallel_loop3A_252 : i32 to index
        %parallel_loop3A_254 = arith.index_cast %parallel_loop3A_171 : i32 to index
        %parallel_loop3A_255 = arith.constant 64 : index
        %parallel_loop3A_256 = tpu.vector_load %arg6[%parallel_loop3A_253, %parallel_loop3A_254, %parallel_loop3A_255] {strides = array<i32>} : memref<2x32x128xf32, #tpu.memory_space<vmem>>, vector<16xf32>,
        tpu.vector_store %arg6[%parallel_loop3A_253, %parallel_loop3A_254, %parallel_loop3A_255], %parallel_loop3A_251 {strides = array<i32>} : memref<2x32x128xf32, #tpu.memory_space<vmem>>, vector<16xf32>,
        %parallel_loop3A_257 = arith.constant 16 : i32
        %parallel_loop3A_258 = vector.broadcast %parallel_loop3A_257 : i32 to vector<16xi32>
        %parallel_loop3A_259 = arith.addi %iota3A, %parallel_loop3A_258 : vector<16xi32>
        %parallel_loop3A_260 = arith.constant 0 : i32
        %parallel_loop3A_261 = arith.constant 0 : i32
        %parallel_loop3A_262 = arith.constant 0 : i32
        %parallel_loop3A_263 = tpu.memref_slice %arg5[%parallel_loop3A_260, %parallel_loop3A_261, %parallel_loop3A_262] : memref<2x32x128xf32, #tpu.memory_space<vmem>> -> memref<1x32x128xf32, #tpu.memory_space<vmem>>
        %parallel_loop3A_264 = tpu.memref_squeeze %parallel_loop3A_263 : memref<1x32x128xf32, #tpu.memory_space<vmem>> -> memref<32x128xf32, #tpu.memory_space<vmem>>
        %parallel_loop3A_265 = tpu.vector_load_idx %parallel_loop3A_264[%parallel_loop3A_259, %parallel_loop3A_242] : memref<32x128xf32, #tpu.memory_space<vmem>>[vector<16xi32>, vector<16xi32>], vector<16xf32>,
        %parallel_loop3A_266 = arith.constant 0 : i32
        %parallel_loop3A_267 = arith.index_cast %parallel_loop3A_266 : i32 to index
        %parallel_loop3A_268 = arith.index_cast %parallel_loop3A_171 : i32 to index
        %parallel_loop3A_269 = arith.constant 80 : index
        %parallel_loop3A_270 = tpu.vector_load %arg6[%parallel_loop3A_267, %parallel_loop3A_268, %parallel_loop3A_269] {strides = array<i32>} : memref<2x32x128xf32, #tpu.memory_space<vmem>>, vector<16xf32>,
        tpu.vector_store %arg6[%parallel_loop3A_267, %parallel_loop3A_268, %parallel_loop3A_269], %parallel_loop3A_265 {strides = array<i32>} : memref<2x32x128xf32, #tpu.memory_space<vmem>>, vector<16xf32>,
        %parallel_loop3A_271 = arith.constant 4 : i32
        %parallel_loop3A_272 = arith.muli %parallel_loop3A_271, %parallel_loop3A_171 : i32
        %parallel_loop3A_273 = arith.constant 3 : i32
        %parallel_loop3A_274 = arith.addi %parallel_loop3A_272, %parallel_loop3A_273 : i32
        %parallel_loop3A_275 = vector.broadcast %parallel_loop3A_274 : i32 to vector<16xi32>
        %parallel_loop3A_276 = arith.constant 0 : i32
        %parallel_loop3A_277 = vector.broadcast %parallel_loop3A_276 : i32 to vector<16xi32>
        %parallel_loop3A_278 = arith.addi %iota3A, %parallel_loop3A_277 : vector<16xi32>
        %parallel_loop3A_279 = arith.constant 0 : i32
        %parallel_loop3A_280 = arith.constant 0 : i32
        %parallel_loop3A_281 = arith.constant 0 : i32
        %parallel_loop3A_282 = tpu.memref_slice %arg5[%parallel_loop3A_279, %parallel_loop3A_280, %parallel_loop3A_281] : memref<2x32x128xf32, #tpu.memory_space<vmem>> -> memref<1x32x128xf32, #tpu.memory_space<vmem>>
        %parallel_loop3A_283 = tpu.memref_squeeze %parallel_loop3A_282 : memref<1x32x128xf32, #tpu.memory_space<vmem>> -> memref<32x128xf32, #tpu.memory_space<vmem>>
        %parallel_loop3A_284 = tpu.vector_load_idx %parallel_loop3A_283[%parallel_loop3A_278, %parallel_loop3A_275] : memref<32x128xf32, #tpu.memory_space<vmem>>[vector<16xi32>, vector<16xi32>], vector<16xf32>,
        %parallel_loop3A_285 = arith.constant 0 : i32
        %parallel_loop3A_286 = arith.index_cast %parallel_loop3A_285 : i32 to index
        %parallel_loop3A_287 = arith.index_cast %parallel_loop3A_171 : i32 to index
        %parallel_loop3A_288 = arith.constant 96 : index
        %parallel_loop3A_289 = tpu.vector_load %arg6[%parallel_loop3A_286, %parallel_loop3A_287, %parallel_loop3A_288] {strides = array<i32>} : memref<2x32x128xf32, #tpu.memory_space<vmem>>, vector<16xf32>,
        tpu.vector_store %arg6[%parallel_loop3A_286, %parallel_loop3A_287, %parallel_loop3A_288], %parallel_loop3A_284 {strides = array<i32>} : memref<2x32x128xf32, #tpu.memory_space<vmem>>, vector<16xf32>,
        %parallel_loop3A_290 = arith.constant 16 : i32
        %parallel_loop3A_291 = vector.broadcast %parallel_loop3A_290 : i32 to vector<16xi32>
        %parallel_loop3A_292 = arith.addi %iota3A, %parallel_loop3A_291 : vector<16xi32>
        %parallel_loop3A_293 = arith.constant 0 : i32
        %parallel_loop3A_294 = arith.constant 0 : i32
        %parallel_loop3A_295 = arith.constant 0 : i32
        %parallel_loop3A_296 = tpu.memref_slice %arg5[%parallel_loop3A_293, %parallel_loop3A_294, %parallel_loop3A_295] : memref<2x32x128xf32, #tpu.memory_space<vmem>> -> memref<1x32x128xf32, #tpu.memory_space<vmem>>
        %parallel_loop3A_297 = tpu.memref_squeeze %parallel_loop3A_296 : memref<1x32x128xf32, #tpu.memory_space<vmem>> -> memref<32x128xf32, #tpu.memory_space<vmem>>
        %parallel_loop3A_298 = tpu.vector_load_idx %parallel_loop3A_297[%parallel_loop3A_292, %parallel_loop3A_275] : memref<32x128xf32, #tpu.memory_space<vmem>>[vector<16xi32>, vector<16xi32>], vector<16xf32>,
        %parallel_loop3A_299 = arith.constant 0 : i32
        %parallel_loop3A_300 = arith.index_cast %parallel_loop3A_299 : i32 to index
        %parallel_loop3A_301 = arith.index_cast %parallel_loop3A_171 : i32 to index
        %parallel_loop3A_302 = arith.constant 112 : index
        %parallel_loop3A_303 = tpu.vector_load %arg6[%parallel_loop3A_300, %parallel_loop3A_301, %parallel_loop3A_302] {strides = array<i32>} : memref<2x32x128xf32, #tpu.memory_space<vmem>>, vector<16xf32>,
        tpu.vector_store %arg6[%parallel_loop3A_300, %parallel_loop3A_301, %parallel_loop3A_302], %parallel_loop3A_298 {strides = array<i32>} : memref<2x32x128xf32, #tpu.memory_space<vmem>>, vector<16xf32>,
      } {sc.loop_unroll_factor = 4 : i64, sc.parallel_access}
      %mul3A_101 = arith.constant 2 : i32
      %mul3A_102 = arith.muli %mul3A_101, %scan3A_57 : i32
      %mul3A_103 = arith.constant 32 : i32
      %mul3A_104 = arith.muli %mul3A_102, %mul3A_103 : i32
      %add3A_105 = arith.addi %mul3A_104, %add3A : i32
      %mul3A_106 = arith.constant 32 : i32
      %mul3A_107 = arith.muli %add3A_105, %mul3A_106 : i32
      %dma_start3A_108 = arith.constant 0 : i32
      %dma_start3A_109 = arith.constant 0 : i32
      %dma_start3A_110 = arith.constant 0 : i32
      %dma_start3A_111 = tpu.memref_slice %arg6[%dma_start3A_108, %dma_start3A_109, %dma_start3A_110] : memref<2x32x128xf32, #tpu.memory_space<vmem>> -> memref<1x32x128xf32, #tpu.memory_space<vmem>>
      %dma_start3A_112 = tpu.memref_squeeze %dma_start3A_111 : memref<1x32x128xf32, #tpu.memory_space<vmem>> -> memref<32x128xf32, #tpu.memory_space<vmem>>
      %dma_start3A_113 = arith.constant 0 : i32
      %dma_start3A_114 = tpu.memref_slice %arg4[%mul3A_107, %dma_start3A_113] : memref<250000x128xf32, #tpu.memory_space<hbm>> -> memref<32x128xf32, #tpu.memory_space<hbm>>
      %dma_start3A_115 = arith.constant 0 : i32
      %dma_start3A_116 = tpu.memref_slice %arg4[%mul3A_107, %dma_start3A_115] : memref<250000x128xf32, #tpu.memory_space<hbm>> -> memref<32x128xf32, #tpu.memory_space<hbm>>
      %dma_start3A_117 = arith.constant 0 : i32
      %dma_start3A_118 = arith.constant 0 : i32
      %dma_start3A_119 = tpu.memref_slice %arg6[%dma_start3A_108, %dma_start3A_117, %dma_start3A_118] : memref<2x32x128xf32, #tpu.memory_space<vmem>> -> memref<1x32x128xf32, #tpu.memory_space<vmem>>
      %dma_start3A_120 = tpu.memref_squeeze %dma_start3A_119 : memref<1x32x128xf32, #tpu.memory_space<vmem>> -> memref<32x128xf32, #tpu.memory_space<vmem>>
      tpu.enqueue_dma source(%dma_start3A_120 : memref<32x128xf32, #tpu.memory_space<vmem>>) target(%dma_start3A_116 : memref<32x128xf32, #tpu.memory_space<hbm>>) target_semaphore(%arg9 : memref<!tpu.dma_semaphore, #tpu.memory_space<semaphore_mem>>)
      %lt3A_121 = arith.constant 121 : i32
      %lt3A_122 = arith.cmpi slt, %scan3A_57, %lt3A_121 : i32
      %convert_element_type3A_123 = arith.extui %lt3A_122 : i1 to i32
      %cond3A_124 = arith.constant 0 : i32
      %cond3A_125 = arith.cmpi ne, %convert_element_type3A_123, %cond3A_124 : i32
      scf.if %cond3A_125 {
        %mul3A_171 = arith.constant 2 : i32
        %mul3A_172 = arith.muli %mul3A_171, %scan3A_57 : i32
        %add3A_173 = arith.constant 2 : i32
        %add3A_174 = arith.addi %mul3A_172, %add3A_173 : i32
        %mul3A_175 = arith.constant 32 : i32
        %mul3A_176 = arith.muli %add3A_174, %mul3A_175 : i32
        %add3A_177 = arith.addi %mul3A_176, %add3A : i32
        %mul3A_178 = arith.constant 128 : i32
        %mul3A_179 = arith.muli %add3A_177, %mul3A_178 : i32
        %dma_start3A_180 = arith.constant 0 : i32
        %dma_start3A_181 = arith.constant 0 : i32
        %dma_start3A_182 = arith.constant 0 : i32
        %dma_start3A_183 = tpu.memref_slice %arg5[%dma_start3A_180, %dma_start3A_181, %dma_start3A_182] : memref<2x32x128xf32, #tpu.memory_space<vmem>> -> memref<1x32x128xf32, #tpu.memory_space<vmem>>
        %dma_start3A_184 = tpu.memref_squeeze %dma_start3A_183 : memref<1x32x128xf32, #tpu.memory_space<vmem>> -> memref<32x128xf32, #tpu.memory_space<vmem>>
        %dma_start3A_185 = arith.constant 0 : i32
        %dma_start3A_186 = tpu.memref_slice %arg2[%dma_start3A_185, %mul3A_179] : memref<32x1000000xf32, #tpu.memory_space<hbm>> -> memref<32x128xf32, #tpu.memory_space<hbm>>
        %dma_start3A_187 = arith.constant 0 : i32
        %dma_start3A_188 = arith.constant 0 : i32
        %dma_start3A_189 = tpu.memref_slice %arg5[%dma_start3A_180, %dma_start3A_187, %dma_start3A_188] : memref<2x32x128xf32, #tpu.memory_space<vmem>> -> memref<1x32x128xf32, #tpu.memory_space<vmem>>
        %dma_start3A_190 = tpu.memref_squeeze %dma_start3A_189 : memref<1x32x128xf32, #tpu.memory_space<vmem>> -> memref<32x128xf32, #tpu.memory_space<vmem>>
        %dma_start3A_191 = arith.constant 0 : i32
        %dma_start3A_192 = tpu.memref_slice %arg2[%dma_start3A_191, %mul3A_179] : memref<32x1000000xf32, #tpu.memory_space<hbm>> -> memref<32x128xf32, #tpu.memory_space<hbm>>
        tpu.enqueue_dma source(%dma_start3A_192 : memref<32x128xf32, #tpu.memory_space<hbm>>) target(%dma_start3A_190 : memref<32x128xf32, #tpu.memory_space<vmem>>) target_semaphore(%arg7 : memref<!tpu.dma_semaphore, #tpu.memory_space<semaphore_mem>>)
      } else {
      }
      %dma_wait3A_126 = arith.constant 1 : i32
      %dma_wait3A_127 = arith.constant 0 : i32
      %dma_wait3A_128 = arith.constant 0 : i32
      %dma_wait3A_129 = tpu.memref_slice %arg5[%dma_wait3A_126, %dma_wait3A_127, %dma_wait3A_128] : memref<2x32x128xf32, #tpu.memory_space<vmem>> -> memref<1x32x128xf32, #tpu.memory_space<vmem>>
      %dma_wait3A_130 = tpu.memref_squeeze %dma_wait3A_129 : memref<1x32x128xf32, #tpu.memory_space<vmem>> -> memref<32x128xf32, #tpu.memory_space<vmem>>
      %dma_wait3A_131 = arith.constant 0 : i32
      %dma_wait3A_132 = arith.constant 0 : i32
      %dma_wait3A_133 = tpu.memref_slice %arg2[%dma_wait3A_131, %dma_wait3A_132] : memref<32x1000000xf32, #tpu.memory_space<hbm>> -> memref<32x128xf32, #tpu.memory_space<hbm>>
      %dma_wait3A_134 = arith.constant 0 : i32
      %dma_wait3A_135 = arith.constant 0 : i32
      %dma_wait3A_136 = tpu.memref_slice %arg5[%dma_wait3A_126, %dma_wait3A_134, %dma_wait3A_135] : memref<2x32x128xf32, #tpu.memory_space<vmem>> -> memref<1x32x128xf32, #tpu.memory_space<vmem>>
      %dma_wait3A_137 = tpu.memref_squeeze %dma_wait3A_136 : memref<1x32x128xf32, #tpu.memory_space<vmem>> -> memref<32x128xf32, #tpu.memory_space<vmem>>
      %dma_wait3A_138 = arith.constant 0 : i32
      %dma_wait3A_139 = arith.constant 0 : i32
      %dma_wait3A_140 = tpu.memref_slice %arg2[%dma_wait3A_138, %dma_wait3A_139] : memref<32x1000000xf32, #tpu.memory_space<hbm>> -> memref<32x128xf32, #tpu.memory_space<hbm>>
      tpu.wait_dma2 semaphore(%arg8 : memref<!tpu.dma_semaphore, #tpu.memory_space<semaphore_mem>>) src(%dma_wait3A_140 : memref<32x128xf32, #tpu.memory_space<hbm>>) dst(%dma_wait3A_137 : memref<32x128xf32, #tpu.memory_space<vmem>>)
      %gt3A_141 = arith.constant 0 : i32
      %gt3A_142 = arith.cmpi sgt, %scan3A_57, %gt3A_141 : i32
      %convert_element_type3A_143 = arith.extui %gt3A_142 : i1 to i32
      %cond3A_144 = arith.constant 0 : i32
      %cond3A_145 = arith.cmpi ne, %convert_element_type3A_143, %cond3A_144 : i32
      scf.if %cond3A_145 {
        %dma_wait3A_171 = arith.constant 1 : i32
        %dma_wait3A_172 = arith.constant 0 : i32
        %dma_wait3A_173 = arith.constant 0 : i32
        %dma_wait3A_174 = tpu.memref_slice %arg6[%dma_wait3A_171, %dma_wait3A_172, %dma_wait3A_173] : memref<2x32x128xf32, #tpu.memory_space<vmem>> -> memref<1x32x128xf32, #tpu.memory_space<vmem>>
        %dma_wait3A_175 = tpu.memref_squeeze %dma_wait3A_174 : memref<1x32x128xf32, #tpu.memory_space<vmem>> -> memref<32x128xf32, #tpu.memory_space<vmem>>
        %dma_wait3A_176 = arith.constant 0 : i32
        %dma_wait3A_177 = arith.constant 0 : i32
        %dma_wait3A_178 = tpu.memref_slice %arg4[%dma_wait3A_176, %dma_wait3A_177] : memref<250000x128xf32, #tpu.memory_space<hbm>> -> memref<32x128xf32, #tpu.memory_space<hbm>>
        %dma_wait3A_179 = arith.constant 0 : i32
        %dma_wait3A_180 = arith.constant 0 : i32
        %dma_wait3A_181 = tpu.memref_slice %arg4[%dma_wait3A_179, %dma_wait3A_180] : memref<250000x128xf32, #tpu.memory_space<hbm>> -> memref<32x128xf32, #tpu.memory_space<hbm>>
        %dma_wait3A_182 = arith.constant 0 : i32
        %dma_wait3A_183 = arith.constant 0 : i32
        %dma_wait3A_184 = tpu.memref_slice %arg6[%dma_wait3A_171, %dma_wait3A_182, %dma_wait3A_183] : memref<2x32x128xf32, #tpu.memory_space<vmem>> -> memref<1x32x128xf32, #tpu.memory_space<vmem>>
        %dma_wait3A_185 = tpu.memref_squeeze %dma_wait3A_184 : memref<1x32x128xf32, #tpu.memory_space<vmem>> -> memref<32x128xf32, #tpu.memory_space<vmem>>
        tpu.wait_dma2 semaphore(%arg10 : memref<!tpu.dma_semaphore, #tpu.memory_space<semaphore_mem>>) src(%dma_wait3A_185 : memref<32x128xf32, #tpu.memory_space<vmem>>) dst(%dma_wait3A_181 : memref<32x128xf32, #tpu.memory_space<hbm>>)
      } else {
      }
      %parallel_loop3A_146 = arith.constant 0 : i32
      %parallel_loop3A_147 = arith.constant 32 : i32
      %parallel_loop3A_148 = arith.constant 1 : i32
      scf.for %parallel_loop3A_171 = %parallel_loop3A_146 to %parallel_loop3A_147 step %parallel_loop3A_148  : i32 {
        %parallel_loop3A_172 = arith.constant 4 : i32
        %parallel_loop3A_173 = arith.muli %parallel_loop3A_172, %parallel_loop3A_171 : i32
        %parallel_loop3A_174 = arith.constant 0 : i32
        %parallel_loop3A_175 = arith.addi %parallel_loop3A_173, %parallel_loop3A_174 : i32
        %parallel_loop3A_176 = vector.broadcast %parallel_loop3A_175 : i32 to vector<16xi32>
        %parallel_loop3A_177 = arith.constant 0 : i32
        %parallel_loop3A_178 = vector.broadcast %parallel_loop3A_177 : i32 to vector<16xi32>
        %parallel_loop3A_179 = arith.addi %iota3A, %parallel_loop3A_178 : vector<16xi32>
        %parallel_loop3A_180 = arith.constant 1 : i32
        %parallel_loop3A_181 = arith.constant 0 : i32
        %parallel_loop3A_182 = arith.constant 0 : i32
        %parallel_loop3A_183 = tpu.memref_slice %arg5[%parallel_loop3A_180, %parallel_loop3A_181, %parallel_loop3A_182] : memref<2x32x128xf32, #tpu.memory_space<vmem>> -> memref<1x32x128xf32, #tpu.memory_space<vmem>>
        %parallel_loop3A_184 = tpu.memref_squeeze %parallel_loop3A_183 : memref<1x32x128xf32, #tpu.memory_space<vmem>> -> memref<32x128xf32, #tpu.memory_space<vmem>>
        %parallel_loop3A_185 = tpu.vector_load_idx %parallel_loop3A_184[%parallel_loop3A_179, %parallel_loop3A_176] : memref<32x128xf32, #tpu.memory_space<vmem>>[vector<16xi32>, vector<16xi32>], vector<16xf32>,
        %parallel_loop3A_186 = arith.constant 1 : i32
        %parallel_loop3A_187 = arith.index_cast %parallel_loop3A_186 : i32 to index
        %parallel_loop3A_188 = arith.index_cast %parallel_loop3A_171 : i32 to index
        %parallel_loop3A_189 = arith.constant 0 : index
        %parallel_loop3A_190 = tpu.vector_load %arg6[%parallel_loop3A_187, %parallel_loop3A_188, %parallel_loop3A_189] {strides = array<i32>} : memref<2x32x128xf32, #tpu.memory_space<vmem>>, vector<16xf32>,
        tpu.vector_store %arg6[%parallel_loop3A_187, %parallel_loop3A_188, %parallel_loop3A_189], %parallel_loop3A_185 {strides = array<i32>} : memref<2x32x128xf32, #tpu.memory_space<vmem>>, vector<16xf32>,
        %parallel_loop3A_191 = arith.constant 16 : i32
        %parallel_loop3A_192 = vector.broadcast %parallel_loop3A_191 : i32 to vector<16xi32>
        %parallel_loop3A_193 = arith.addi %iota3A, %parallel_loop3A_192 : vector<16xi32>
        %parallel_loop3A_194 = arith.constant 1 : i32
        %parallel_loop3A_195 = arith.constant 0 : i32
        %parallel_loop3A_196 = arith.constant 0 : i32
        %parallel_loop3A_197 = tpu.memref_slice %arg5[%parallel_loop3A_194, %parallel_loop3A_195, %parallel_loop3A_196] : memref<2x32x128xf32, #tpu.memory_space<vmem>> -> memref<1x32x128xf32, #tpu.memory_space<vmem>>
        %parallel_loop3A_198 = tpu.memref_squeeze %parallel_loop3A_197 : memref<1x32x128xf32, #tpu.memory_space<vmem>> -> memref<32x128xf32, #tpu.memory_space<vmem>>
        %parallel_loop3A_199 = tpu.vector_load_idx %parallel_loop3A_198[%parallel_loop3A_193, %parallel_loop3A_176] : memref<32x128xf32, #tpu.memory_space<vmem>>[vector<16xi32>, vector<16xi32>], vector<16xf32>,
        %parallel_loop3A_200 = arith.constant 1 : i32
        %parallel_loop3A_201 = arith.index_cast %parallel_loop3A_200 : i32 to index
        %parallel_loop3A_202 = arith.index_cast %parallel_loop3A_171 : i32 to index
        %parallel_loop3A_203 = arith.constant 16 : index
        %parallel_loop3A_204 = tpu.vector_load %arg6[%parallel_loop3A_201, %parallel_loop3A_202, %parallel_loop3A_203] {strides = array<i32>} : memref<2x32x128xf32, #tpu.memory_space<vmem>>, vector<16xf32>,
        tpu.vector_store %arg6[%parallel_loop3A_201, %parallel_loop3A_202, %parallel_loop3A_203], %parallel_loop3A_199 {strides = array<i32>} : memref<2x32x128xf32, #tpu.memory_space<vmem>>, vector<16xf32>,
        %parallel_loop3A_205 = arith.constant 4 : i32
        %parallel_loop3A_206 = arith.muli %parallel_loop3A_205, %parallel_loop3A_171 : i32
        %parallel_loop3A_207 = arith.constant 1 : i32
        %parallel_loop3A_208 = arith.addi %parallel_loop3A_206, %parallel_loop3A_207 : i32
        %parallel_loop3A_209 = vector.broadcast %parallel_loop3A_208 : i32 to vector<16xi32>
        %parallel_loop3A_210 = arith.constant 0 : i32
        %parallel_loop3A_211 = vector.broadcast %parallel_loop3A_210 : i32 to vector<16xi32>
        %parallel_loop3A_212 = arith.addi %iota3A, %parallel_loop3A_211 : vector<16xi32>
        %parallel_loop3A_213 = arith.constant 1 : i32
        %parallel_loop3A_214 = arith.constant 0 : i32
        %parallel_loop3A_215 = arith.constant 0 : i32
        %parallel_loop3A_216 = tpu.memref_slice %arg5[%parallel_loop3A_213, %parallel_loop3A_214, %parallel_loop3A_215] : memref<2x32x128xf32, #tpu.memory_space<vmem>> -> memref<1x32x128xf32, #tpu.memory_space<vmem>>
        %parallel_loop3A_217 = tpu.memref_squeeze %parallel_loop3A_216 : memref<1x32x128xf32, #tpu.memory_space<vmem>> -> memref<32x128xf32, #tpu.memory_space<vmem>>
        %parallel_loop3A_218 = tpu.vector_load_idx %parallel_loop3A_217[%parallel_loop3A_212, %parallel_loop3A_209] : memref<32x128xf32, #tpu.memory_space<vmem>>[vector<16xi32>, vector<16xi32>], vector<16xf32>,
        %parallel_loop3A_219 = arith.constant 1 : i32
        %parallel_loop3A_220 = arith.index_cast %parallel_loop3A_219 : i32 to index
        %parallel_loop3A_221 = arith.index_cast %parallel_loop3A_171 : i32 to index
        %parallel_loop3A_222 = arith.constant 32 : index
        %parallel_loop3A_223 = tpu.vector_load %arg6[%parallel_loop3A_220, %parallel_loop3A_221, %parallel_loop3A_222] {strides = array<i32>} : memref<2x32x128xf32, #tpu.memory_space<vmem>>, vector<16xf32>,
        tpu.vector_store %arg6[%parallel_loop3A_220, %parallel_loop3A_221, %parallel_loop3A_222], %parallel_loop3A_218 {strides = array<i32>} : memref<2x32x128xf32, #tpu.memory_space<vmem>>, vector<16xf32>,
        %parallel_loop3A_224 = arith.constant 16 : i32
        %parallel_loop3A_225 = vector.broadcast %parallel_loop3A_224 : i32 to vector<16xi32>
        %parallel_loop3A_226 = arith.addi %iota3A, %parallel_loop3A_225 : vector<16xi32>
        %parallel_loop3A_227 = arith.constant 1 : i32
        %parallel_loop3A_228 = arith.constant 0 : i32
        %parallel_loop3A_229 = arith.constant 0 : i32
        %parallel_loop3A_230 = tpu.memref_slice %arg5[%parallel_loop3A_227, %parallel_loop3A_228, %parallel_loop3A_229] : memref<2x32x128xf32, #tpu.memory_space<vmem>> -> memref<1x32x128xf32, #tpu.memory_space<vmem>>
        %parallel_loop3A_231 = tpu.memref_squeeze %parallel_loop3A_230 : memref<1x32x128xf32, #tpu.memory_space<vmem>> -> memref<32x128xf32, #tpu.memory_space<vmem>>
        %parallel_loop3A_232 = tpu.vector_load_idx %parallel_loop3A_231[%parallel_loop3A_226, %parallel_loop3A_209] : memref<32x128xf32, #tpu.memory_space<vmem>>[vector<16xi32>, vector<16xi32>], vector<16xf32>,
        %parallel_loop3A_233 = arith.constant 1 : i32
        %parallel_loop3A_234 = arith.index_cast %parallel_loop3A_233 : i32 to index
        %parallel_loop3A_235 = arith.index_cast %parallel_loop3A_171 : i32 to index
        %parallel_loop3A_236 = arith.constant 48 : index
        %parallel_loop3A_237 = tpu.vector_load %arg6[%parallel_loop3A_234, %parallel_loop3A_235, %parallel_loop3A_236] {strides = array<i32>} : memref<2x32x128xf32, #tpu.memory_space<vmem>>, vector<16xf32>,
        tpu.vector_store %arg6[%parallel_loop3A_234, %parallel_loop3A_235, %parallel_loop3A_236], %parallel_loop3A_232 {strides = array<i32>} : memref<2x32x128xf32, #tpu.memory_space<vmem>>, vector<16xf32>,
        %parallel_loop3A_238 = arith.constant 4 : i32
        %parallel_loop3A_239 = arith.muli %parallel_loop3A_238, %parallel_loop3A_171 : i32
        %parallel_loop3A_240 = arith.constant 2 : i32
        %parallel_loop3A_241 = arith.addi %parallel_loop3A_239, %parallel_loop3A_240 : i32
        %parallel_loop3A_242 = vector.broadcast %parallel_loop3A_241 : i32 to vector<16xi32>
        %parallel_loop3A_243 = arith.constant 0 : i32
        %parallel_loop3A_244 = vector.broadcast %parallel_loop3A_243 : i32 to vector<16xi32>
        %parallel_loop3A_245 = arith.addi %iota3A, %parallel_loop3A_244 : vector<16xi32>
        %parallel_loop3A_246 = arith.constant 1 : i32
        %parallel_loop3A_247 = arith.constant 0 : i32
        %parallel_loop3A_248 = arith.constant 0 : i32
        %parallel_loop3A_249 = tpu.memref_slice %arg5[%parallel_loop3A_246, %parallel_loop3A_247, %parallel_loop3A_248] : memref<2x32x128xf32, #tpu.memory_space<vmem>> -> memref<1x32x128xf32, #tpu.memory_space<vmem>>
        %parallel_loop3A_250 = tpu.memref_squeeze %parallel_loop3A_249 : memref<1x32x128xf32, #tpu.memory_space<vmem>> -> memref<32x128xf32, #tpu.memory_space<vmem>>
        %parallel_loop3A_251 = tpu.vector_load_idx %parallel_loop3A_250[%parallel_loop3A_245, %parallel_loop3A_242] : memref<32x128xf32, #tpu.memory_space<vmem>>[vector<16xi32>, vector<16xi32>], vector<16xf32>,
        %parallel_loop3A_252 = arith.constant 1 : i32
        %parallel_loop3A_253 = arith.index_cast %parallel_loop3A_252 : i32 to index
        %parallel_loop3A_254 = arith.index_cast %parallel_loop3A_171 : i32 to index
        %parallel_loop3A_255 = arith.constant 64 : index
        %parallel_loop3A_256 = tpu.vector_load %arg6[%parallel_loop3A_253, %parallel_loop3A_254, %parallel_loop3A_255] {strides = array<i32>} : memref<2x32x128xf32, #tpu.memory_space<vmem>>, vector<16xf32>,
        tpu.vector_store %arg6[%parallel_loop3A_253, %parallel_loop3A_254, %parallel_loop3A_255], %parallel_loop3A_251 {strides = array<i32>} : memref<2x32x128xf32, #tpu.memory_space<vmem>>, vector<16xf32>,
        %parallel_loop3A_257 = arith.constant 16 : i32
        %parallel_loop3A_258 = vector.broadcast %parallel_loop3A_257 : i32 to vector<16xi32>
        %parallel_loop3A_259 = arith.addi %iota3A, %parallel_loop3A_258 : vector<16xi32>
        %parallel_loop3A_260 = arith.constant 1 : i32
        %parallel_loop3A_261 = arith.constant 0 : i32
        %parallel_loop3A_262 = arith.constant 0 : i32
        %parallel_loop3A_263 = tpu.memref_slice %arg5[%parallel_loop3A_260, %parallel_loop3A_261, %parallel_loop3A_262] : memref<2x32x128xf32, #tpu.memory_space<vmem>> -> memref<1x32x128xf32, #tpu.memory_space<vmem>>
        %parallel_loop3A_264 = tpu.memref_squeeze %parallel_loop3A_263 : memref<1x32x128xf32, #tpu.memory_space<vmem>> -> memref<32x128xf32, #tpu.memory_space<vmem>>
        %parallel_loop3A_265 = tpu.vector_load_idx %parallel_loop3A_264[%parallel_loop3A_259, %parallel_loop3A_242] : memref<32x128xf32, #tpu.memory_space<vmem>>[vector<16xi32>, vector<16xi32>], vector<16xf32>,
        %parallel_loop3A_266 = arith.constant 1 : i32
        %parallel_loop3A_267 = arith.index_cast %parallel_loop3A_266 : i32 to index
        %parallel_loop3A_268 = arith.index_cast %parallel_loop3A_171 : i32 to index
        %parallel_loop3A_269 = arith.constant 80 : index
        %parallel_loop3A_270 = tpu.vector_load %arg6[%parallel_loop3A_267, %parallel_loop3A_268, %parallel_loop3A_269] {strides = array<i32>} : memref<2x32x128xf32, #tpu.memory_space<vmem>>, vector<16xf32>,
        tpu.vector_store %arg6[%parallel_loop3A_267, %parallel_loop3A_268, %parallel_loop3A_269], %parallel_loop3A_265 {strides = array<i32>} : memref<2x32x128xf32, #tpu.memory_space<vmem>>, vector<16xf32>,
        %parallel_loop3A_271 = arith.constant 4 : i32
        %parallel_loop3A_272 = arith.muli %parallel_loop3A_271, %parallel_loop3A_171 : i32
        %parallel_loop3A_273 = arith.constant 3 : i32
        %parallel_loop3A_274 = arith.addi %parallel_loop3A_272, %parallel_loop3A_273 : i32
        %parallel_loop3A_275 = vector.broadcast %parallel_loop3A_274 : i32 to vector<16xi32>
        %parallel_loop3A_276 = arith.constant 0 : i32
        %parallel_loop3A_277 = vector.broadcast %parallel_loop3A_276 : i32 to vector<16xi32>
        %parallel_loop3A_278 = arith.addi %iota3A, %parallel_loop3A_277 : vector<16xi32>
        %parallel_loop3A_279 = arith.constant 1 : i32
        %parallel_loop3A_280 = arith.constant 0 : i32
        %parallel_loop3A_281 = arith.constant 0 : i32
        %parallel_loop3A_282 = tpu.memref_slice %arg5[%parallel_loop3A_279, %parallel_loop3A_280, %parallel_loop3A_281] : memref<2x32x128xf32, #tpu.memory_space<vmem>> -> memref<1x32x128xf32, #tpu.memory_space<vmem>>
        %parallel_loop3A_283 = tpu.memref_squeeze %parallel_loop3A_282 : memref<1x32x128xf32, #tpu.memory_space<vmem>> -> memref<32x128xf32, #tpu.memory_space<vmem>>
        %parallel_loop3A_284 = tpu.vector_load_idx %parallel_loop3A_283[%parallel_loop3A_278, %parallel_loop3A_275] : memref<32x128xf32, #tpu.memory_space<vmem>>[vector<16xi32>, vector<16xi32>], vector<16xf32>,
        %parallel_loop3A_285 = arith.constant 1 : i32
        %parallel_loop3A_286 = arith.index_cast %parallel_loop3A_285 : i32 to index
        %parallel_loop3A_287 = arith.index_cast %parallel_loop3A_171 : i32 to index
        %parallel_loop3A_288 = arith.constant 96 : index
        %parallel_loop3A_289 = tpu.vector_load %arg6[%parallel_loop3A_286, %parallel_loop3A_287, %parallel_loop3A_288] {strides = array<i32>} : memref<2x32x128xf32, #tpu.memory_space<vmem>>, vector<16xf32>,
        tpu.vector_store %arg6[%parallel_loop3A_286, %parallel_loop3A_287, %parallel_loop3A_288], %parallel_loop3A_284 {strides = array<i32>} : memref<2x32x128xf32, #tpu.memory_space<vmem>>, vector<16xf32>,
        %parallel_loop3A_290 = arith.constant 16 : i32
        %parallel_loop3A_291 = vector.broadcast %parallel_loop3A_290 : i32 to vector<16xi32>
        %parallel_loop3A_292 = arith.addi %iota3A, %parallel_loop3A_291 : vector<16xi32>
        %parallel_loop3A_293 = arith.constant 1 : i32
        %parallel_loop3A_294 = arith.constant 0 : i32
        %parallel_loop3A_295 = arith.constant 0 : i32
        %parallel_loop3A_296 = tpu.memref_slice %arg5[%parallel_loop3A_293, %parallel_loop3A_294, %parallel_loop3A_295] : memref<2x32x128xf32, #tpu.memory_space<vmem>> -> memref<1x32x128xf32, #tpu.memory_space<vmem>>
        %parallel_loop3A_297 = tpu.memref_squeeze %parallel_loop3A_296 : memref<1x32x128xf32, #tpu.memory_space<vmem>> -> memref<32x128xf32, #tpu.memory_space<vmem>>
        %parallel_loop3A_298 = tpu.vector_load_idx %parallel_loop3A_297[%parallel_loop3A_292, %parallel_loop3A_275] : memref<32x128xf32, #tpu.memory_space<vmem>>[vector<16xi32>, vector<16xi32>], vector<16xf32>,
        %parallel_loop3A_299 = arith.constant 1 : i32
        %parallel_loop3A_300 = arith.index_cast %parallel_loop3A_299 : i32 to index
        %parallel_loop3A_301 = arith.index_cast %parallel_loop3A_171 : i32 to index
        %parallel_loop3A_302 = arith.constant 112 : index
        %parallel_loop3A_303 = tpu.vector_load %arg6[%parallel_loop3A_300, %parallel_loop3A_301, %parallel_loop3A_302] {strides = array<i32>} : memref<2x32x128xf32, #tpu.memory_space<vmem>>, vector<16xf32>,
        tpu.vector_store %arg6[%parallel_loop3A_300, %parallel_loop3A_301, %parallel_loop3A_302], %parallel_loop3A_298 {strides = array<i32>} : memref<2x32x128xf32, #tpu.memory_space<vmem>>, vector<16xf32>,
      } {sc.loop_unroll_factor = 4 : i64, sc.parallel_access}
      %mul3A_149 = arith.constant 2 : i32
      %mul3A_150 = arith.muli %mul3A_149, %scan3A_57 : i32
      %add3A_151 = arith.constant 1 : i32
      %add3A_152 = arith.addi %mul3A_150, %add3A_151 : i32
      %mul3A_153 = arith.constant 32 : i32
      %mul3A_154 = arith.muli %add3A_152, %mul3A_153 : i32
      %add3A_155 = arith.addi %mul3A_154, %add3A : i32
      %mul3A_156 = arith.constant 32 : i32
      %mul3A_157 = arith.muli %add3A_155, %mul3A_156 : i32
      %dma_start3A_158 = arith.constant 1 : i32
      %dma_start3A_159 = arith.constant 0 : i32
      %dma_start3A_160 = arith.constant 0 : i32
      %dma_start3A_161 = tpu.memref_slice %arg6[%dma_start3A_158, %dma_start3A_159, %dma_start3A_160] : memref<2x32x128xf32, #tpu.memory_space<vmem>> -> memref<1x32x128xf32, #tpu.memory_space<vmem>>
      %dma_start3A_162 = tpu.memref_squeeze %dma_start3A_161 : memref<1x32x128xf32, #tpu.memory_space<vmem>> -> memref<32x128xf32, #tpu.memory_space<vmem>>
      %dma_start3A_163 = arith.constant 0 : i32
      %dma_start3A_164 = tpu.memref_slice %arg4[%mul3A_157, %dma_start3A_163] : memref<250000x128xf32, #tpu.memory_space<hbm>> -> memref<32x128xf32, #tpu.memory_space<hbm>>
      %dma_start3A_165 = arith.constant 0 : i32
      %dma_start3A_166 = tpu.memref_slice %arg4[%mul3A_157, %dma_start3A_165] : memref<250000x128xf32, #tpu.memory_space<hbm>> -> memref<32x128xf32, #tpu.memory_space<hbm>>
      %dma_start3A_167 = arith.constant 0 : i32
      %dma_start3A_168 = arith.constant 0 : i32
      %dma_start3A_169 = tpu.memref_slice %arg6[%dma_start3A_158, %dma_start3A_167, %dma_start3A_168] : memref<2x32x128xf32, #tpu.memory_space<vmem>> -> memref<1x32x128xf32, #tpu.memory_space<vmem>>
      %dma_start3A_170 = tpu.memref_squeeze %dma_start3A_169 : memref<1x32x128xf32, #tpu.memory_space<vmem>> -> memref<32x128xf32, #tpu.memory_space<vmem>>
      tpu.enqueue_dma source(%dma_start3A_170 : memref<32x128xf32, #tpu.memory_space<vmem>>) target(%dma_start3A_166 : memref<32x128xf32, #tpu.memory_space<hbm>>) target_semaphore(%arg10 : memref<!tpu.dma_semaphore, #tpu.memory_space<semaphore_mem>>)
    }
    %scan3A_21 = arith.constant 122 : i32
    %dma_wait3A = arith.constant 0 : i32
    %dma_wait3A_22 = arith.constant 0 : i32
    %dma_wait3A_23 = arith.constant 0 : i32
    %dma_wait3A_24 = tpu.memref_slice %arg6[%dma_wait3A, %dma_wait3A_22, %dma_wait3A_23] : memref<2x32x128xf32, #tpu.memory_space<vmem>> -> memref<1x32x128xf32, #tpu.memory_space<vmem>>
    %dma_wait3A_25 = tpu.memref_squeeze %dma_wait3A_24 : memref<1x32x128xf32, #tpu.memory_space<vmem>> -> memref<32x128xf32, #tpu.memory_space<vmem>>
    %dma_wait3A_26 = arith.constant 0 : i32
    %dma_wait3A_27 = arith.constant 0 : i32
    %dma_wait3A_28 = tpu.memref_slice %arg4[%dma_wait3A_26, %dma_wait3A_27] : memref<250000x128xf32, #tpu.memory_space<hbm>> -> memref<32x128xf32, #tpu.memory_space<hbm>>
    %dma_wait3A_29 = arith.constant 0 : i32
    %dma_wait3A_30 = arith.constant 0 : i32
    %dma_wait3A_31 = tpu.memref_slice %arg4[%dma_wait3A_29, %dma_wait3A_30] : memref<250000x128xf32, #tpu.memory_space<hbm>> -> memref<32x128xf32, #tpu.memory_space<hbm>>
    %dma_wait3A_32 = arith.constant 0 : i32
    %dma_wait3A_33 = arith.constant 0 : i32
    %dma_wait3A_34 = tpu.memref_slice %arg6[%dma_wait3A, %dma_wait3A_32, %dma_wait3A_33] : memref<2x32x128xf32, #tpu.memory_space<vmem>> -> memref<1x32x128xf32, #tpu.memory_space<vmem>>
    %dma_wait3A_35 = tpu.memref_squeeze %dma_wait3A_34 : memref<1x32x128xf32, #tpu.memory_space<vmem>> -> memref<32x128xf32, #tpu.memory_space<vmem>>
    tpu.wait_dma2 semaphore(%arg9 : memref<!tpu.dma_semaphore, #tpu.memory_space<semaphore_mem>>) src(%dma_wait3A_35 : memref<32x128xf32, #tpu.memory_space<vmem>>) dst(%dma_wait3A_31 : memref<32x128xf32, #tpu.memory_space<hbm>>)
    %dma_wait3A_36 = arith.constant 1 : i32
    %dma_wait3A_37 = arith.constant 0 : i32
    %dma_wait3A_38 = arith.constant 0 : i32
    %dma_wait3A_39 = tpu.memref_slice %arg6[%dma_wait3A_36, %dma_wait3A_37, %dma_wait3A_38] : memref<2x32x128xf32, #tpu.memory_space<vmem>> -> memref<1x32x128xf32, #tpu.memory_space<vmem>>
    %dma_wait3A_40 = tpu.memref_squeeze %dma_wait3A_39 : memref<1x32x128xf32, #tpu.memory_space<vmem>> -> memref<32x128xf32, #tpu.memory_space<vmem>>
    %dma_wait3A_41 = arith.constant 0 : i32
    %dma_wait3A_42 = arith.constant 0 : i32
    %dma_wait3A_43 = tpu.memref_slice %arg4[%dma_wait3A_41, %dma_wait3A_42] : memref<250000x128xf32, #tpu.memory_space<hbm>> -> memref<32x128xf32, #tpu.memory_space<hbm>>
    %dma_wait3A_44 = arith.constant 0 : i32
    %dma_wait3A_45 = arith.constant 0 : i32
    %dma_wait3A_46 = tpu.memref_slice %arg4[%dma_wait3A_44, %dma_wait3A_45] : memref<250000x128xf32, #tpu.memory_space<hbm>> -> memref<32x128xf32, #tpu.memory_space<hbm>>
    %dma_wait3A_47 = arith.constant 0 : i32
    %dma_wait3A_48 = arith.constant 0 : i32
    %dma_wait3A_49 = tpu.memref_slice %arg6[%dma_wait3A_36, %dma_wait3A_47, %dma_wait3A_48] : memref<2x32x128xf32, #tpu.memory_space<vmem>> -> memref<1x32x128xf32, #tpu.memory_space<vmem>>
    %dma_wait3A_50 = tpu.memref_squeeze %dma_wait3A_49 : memref<1x32x128xf32, #tpu.memory_space<vmem>> -> memref<32x128xf32, #tpu.memory_space<vmem>>
    tpu.wait_dma2 semaphore(%arg10 : memref<!tpu.dma_semaphore, #tpu.memory_space<semaphore_mem>>) src(%dma_wait3A_50 : memref<32x128xf32, #tpu.memory_space<vmem>>) dst(%dma_wait3A_46 : memref<32x128xf32, #tpu.memory_space<hbm>>)
    %lt3A = arith.constant 4 : i32
    %lt3A_51 = arith.cmpi slt, %add3A, %lt3A : i32
    %convert_element_type3A = arith.extui %lt3A_51 : i1 to i32
    %cond3A = arith.constant 0 : i32
    %cond3A_52 = arith.cmpi ne, %convert_element_type3A, %cond3A : i32
    scf.if %cond3A_52 {
      %add3A_57 = arith.constant 7808 : i32
      %add3A_58 = arith.addi %add3A_57, %add3A : i32
      %mul3A_59 = arith.constant 128 : i32
      %mul3A_60 = arith.muli %add3A_58, %mul3A_59 : i32
      %dma_start3A_61 = arith.constant 0 : i32
      %dma_start3A_62 = arith.constant 0 : i32
      %dma_start3A_63 = arith.constant 0 : i32
      %dma_start3A_64 = tpu.memref_slice %arg5[%dma_start3A_61, %dma_start3A_62, %dma_start3A_63] : memref<2x32x128xf32, #tpu.memory_space<vmem>> -> memref<1x32x128xf32, #tpu.memory_space<vmem>>
      %dma_start3A_65 = tpu.memref_squeeze %dma_start3A_64 : memref<1x32x128xf32, #tpu.memory_space<vmem>> -> memref<32x128xf32, #tpu.memory_space<vmem>>
      %dma_start3A_66 = arith.constant 0 : i32
      %dma_start3A_67 = tpu.memref_slice %arg2[%dma_start3A_66, %mul3A_60] : memref<32x1000000xf32, #tpu.memory_space<hbm>> -> memref<32x128xf32, #tpu.memory_space<hbm>>
      %dma_start3A_68 = arith.constant 0 : i32
      %dma_start3A_69 = arith.constant 0 : i32
      %dma_start3A_70 = tpu.memref_slice %arg5[%dma_start3A_61, %dma_start3A_68, %dma_start3A_69] : memref<2x32x128xf32, #tpu.memory_space<vmem>> -> memref<1x32x128xf32, #tpu.memory_space<vmem>>
      %dma_start3A_71 = tpu.memref_squeeze %dma_start3A_70 : memref<1x32x128xf32, #tpu.memory_space<vmem>> -> memref<32x128xf32, #tpu.memory_space<vmem>>
      %dma_start3A_72 = arith.constant 0 : i32
      %dma_start3A_73 = tpu.memref_slice %arg2[%dma_start3A_72, %mul3A_60] : memref<32x1000000xf32, #tpu.memory_space<hbm>> -> memref<32x128xf32, #tpu.memory_space<hbm>>
      tpu.enqueue_dma source(%dma_start3A_73 : memref<32x128xf32, #tpu.memory_space<hbm>>) target(%dma_start3A_71 : memref<32x128xf32, #tpu.memory_space<vmem>>) target_semaphore(%arg7 : memref<!tpu.dma_semaphore, #tpu.memory_space<semaphore_mem>>)
      %dma_wait3A_74 = arith.constant 0 : i32
      %dma_wait3A_75 = arith.constant 0 : i32
      %dma_wait3A_76 = arith.constant 0 : i32
      %dma_wait3A_77 = tpu.memref_slice %arg5[%dma_wait3A_74, %dma_wait3A_75, %dma_wait3A_76] : memref<2x32x128xf32, #tpu.memory_space<vmem>> -> memref<1x32x128xf32, #tpu.memory_space<vmem>>
      %dma_wait3A_78 = tpu.memref_squeeze %dma_wait3A_77 : memref<1x32x128xf32, #tpu.memory_space<vmem>> -> memref<32x128xf32, #tpu.memory_space<vmem>>
      %dma_wait3A_79 = arith.constant 0 : i32
      %dma_wait3A_80 = arith.constant 0 : i32
      %dma_wait3A_81 = tpu.memref_slice %arg2[%dma_wait3A_79, %dma_wait3A_80] : memref<32x1000000xf32, #tpu.memory_space<hbm>> -> memref<32x128xf32, #tpu.memory_space<hbm>>
      %dma_wait3A_82 = arith.constant 0 : i32
      %dma_wait3A_83 = arith.constant 0 : i32
      %dma_wait3A_84 = tpu.memref_slice %arg5[%dma_wait3A_74, %dma_wait3A_82, %dma_wait3A_83] : memref<2x32x128xf32, #tpu.memory_space<vmem>> -> memref<1x32x128xf32, #tpu.memory_space<vmem>>
      %dma_wait3A_85 = tpu.memref_squeeze %dma_wait3A_84 : memref<1x32x128xf32, #tpu.memory_space<vmem>> -> memref<32x128xf32, #tpu.memory_space<vmem>>
      %dma_wait3A_86 = arith.constant 0 : i32
      %dma_wait3A_87 = arith.constant 0 : i32
      %dma_wait3A_88 = tpu.memref_slice %arg2[%dma_wait3A_86, %dma_wait3A_87] : memref<32x1000000xf32, #tpu.memory_space<hbm>> -> memref<32x128xf32, #tpu.memory_space<hbm>>
      tpu.wait_dma2 semaphore(%arg7 : memref<!tpu.dma_semaphore, #tpu.memory_space<semaphore_mem>>) src(%dma_wait3A_88 : memref<32x128xf32, #tpu.memory_space<hbm>>) dst(%dma_wait3A_85 : memref<32x128xf32, #tpu.memory_space<vmem>>)
      %parallel_loop3A = arith.constant 0 : i32
      %parallel_loop3A_89 = arith.constant 32 : i32
      %parallel_loop3A_90 = arith.constant 1 : i32
      scf.for %parallel_loop3A_123 = %parallel_loop3A to %parallel_loop3A_89 step %parallel_loop3A_90  : i32 {
        %parallel_loop3A_124 = arith.constant 4 : i32
        %parallel_loop3A_125 = arith.muli %parallel_loop3A_124, %parallel_loop3A_123 : i32
        %parallel_loop3A_126 = arith.constant 0 : i32
        %parallel_loop3A_127 = arith.addi %parallel_loop3A_125, %parallel_loop3A_126 : i32
        %parallel_loop3A_128 = vector.broadcast %parallel_loop3A_127 : i32 to vector<16xi32>
        %parallel_loop3A_129 = arith.constant 0 : i32
        %parallel_loop3A_130 = vector.broadcast %parallel_loop3A_129 : i32 to vector<16xi32>
        %parallel_loop3A_131 = arith.addi %iota3A, %parallel_loop3A_130 : vector<16xi32>
        %parallel_loop3A_132 = arith.constant 0 : i32
        %parallel_loop3A_133 = arith.constant 0 : i32
        %parallel_loop3A_134 = arith.constant 0 : i32
        %parallel_loop3A_135 = tpu.memref_slice %arg5[%parallel_loop3A_132, %parallel_loop3A_133, %parallel_loop3A_134] : memref<2x32x128xf32, #tpu.memory_space<vmem>> -> memref<1x32x128xf32, #tpu.memory_space<vmem>>
        %parallel_loop3A_136 = tpu.memref_squeeze %parallel_loop3A_135 : memref<1x32x128xf32, #tpu.memory_space<vmem>> -> memref<32x128xf32, #tpu.memory_space<vmem>>
        %parallel_loop3A_137 = tpu.vector_load_idx %parallel_loop3A_136[%parallel_loop3A_131, %parallel_loop3A_128] : memref<32x128xf32, #tpu.memory_space<vmem>>[vector<16xi32>, vector<16xi32>], vector<16xf32>,
        %parallel_loop3A_138 = arith.constant 0 : i32
        %parallel_loop3A_139 = arith.index_cast %parallel_loop3A_138 : i32 to index
        %parallel_loop3A_140 = arith.index_cast %parallel_loop3A_123 : i32 to index
        %parallel_loop3A_141 = arith.constant 0 : index
        %parallel_loop3A_142 = tpu.vector_load %arg6[%parallel_loop3A_139, %parallel_loop3A_140, %parallel_loop3A_141] {strides = array<i32>} : memref<2x32x128xf32, #tpu.memory_space<vmem>>, vector<16xf32>,
        tpu.vector_store %arg6[%parallel_loop3A_139, %parallel_loop3A_140, %parallel_loop3A_141], %parallel_loop3A_137 {strides = array<i32>} : memref<2x32x128xf32, #tpu.memory_space<vmem>>, vector<16xf32>,
        %parallel_loop3A_143 = arith.constant 16 : i32
        %parallel_loop3A_144 = vector.broadcast %parallel_loop3A_143 : i32 to vector<16xi32>
        %parallel_loop3A_145 = arith.addi %iota3A, %parallel_loop3A_144 : vector<16xi32>
        %parallel_loop3A_146 = arith.constant 0 : i32
        %parallel_loop3A_147 = arith.constant 0 : i32
        %parallel_loop3A_148 = arith.constant 0 : i32
        %parallel_loop3A_149 = tpu.memref_slice %arg5[%parallel_loop3A_146, %parallel_loop3A_147, %parallel_loop3A_148] : memref<2x32x128xf32, #tpu.memory_space<vmem>> -> memref<1x32x128xf32, #tpu.memory_space<vmem>>
        %parallel_loop3A_150 = tpu.memref_squeeze %parallel_loop3A_149 : memref<1x32x128xf32, #tpu.memory_space<vmem>> -> memref<32x128xf32, #tpu.memory_space<vmem>>
        %parallel_loop3A_151 = tpu.vector_load_idx %parallel_loop3A_150[%parallel_loop3A_145, %parallel_loop3A_128] : memref<32x128xf32, #tpu.memory_space<vmem>>[vector<16xi32>, vector<16xi32>], vector<16xf32>,
        %parallel_loop3A_152 = arith.constant 0 : i32
        %parallel_loop3A_153 = arith.index_cast %parallel_loop3A_152 : i32 to index
        %parallel_loop3A_154 = arith.index_cast %parallel_loop3A_123 : i32 to index
        %parallel_loop3A_155 = arith.constant 16 : index
        %parallel_loop3A_156 = tpu.vector_load %arg6[%parallel_loop3A_153, %parallel_loop3A_154, %parallel_loop3A_155] {strides = array<i32>} : memref<2x32x128xf32, #tpu.memory_space<vmem>>, vector<16xf32>,
        tpu.vector_store %arg6[%parallel_loop3A_153, %parallel_loop3A_154, %parallel_loop3A_155], %parallel_loop3A_151 {strides = array<i32>} : memref<2x32x128xf32, #tpu.memory_space<vmem>>, vector<16xf32>,
        %parallel_loop3A_157 = arith.constant 4 : i32
        %parallel_loop3A_158 = arith.muli %parallel_loop3A_157, %parallel_loop3A_123 : i32
        %parallel_loop3A_159 = arith.constant 1 : i32
        %parallel_loop3A_160 = arith.addi %parallel_loop3A_158, %parallel_loop3A_159 : i32
        %parallel_loop3A_161 = vector.broadcast %parallel_loop3A_160 : i32 to vector<16xi32>
        %parallel_loop3A_162 = arith.constant 0 : i32
        %parallel_loop3A_163 = vector.broadcast %parallel_loop3A_162 : i32 to vector<16xi32>
        %parallel_loop3A_164 = arith.addi %iota3A, %parallel_loop3A_163 : vector<16xi32>
        %parallel_loop3A_165 = arith.constant 0 : i32
        %parallel_loop3A_166 = arith.constant 0 : i32
        %parallel_loop3A_167 = arith.constant 0 : i32
        %parallel_loop3A_168 = tpu.memref_slice %arg5[%parallel_loop3A_165, %parallel_loop3A_166, %parallel_loop3A_167] : memref<2x32x128xf32, #tpu.memory_space<vmem>> -> memref<1x32x128xf32, #tpu.memory_space<vmem>>
        %parallel_loop3A_169 = tpu.memref_squeeze %parallel_loop3A_168 : memref<1x32x128xf32, #tpu.memory_space<vmem>> -> memref<32x128xf32, #tpu.memory_space<vmem>>
        %parallel_loop3A_170 = tpu.vector_load_idx %parallel_loop3A_169[%parallel_loop3A_164, %parallel_loop3A_161] : memref<32x128xf32, #tpu.memory_space<vmem>>[vector<16xi32>, vector<16xi32>], vector<16xf32>,
        %parallel_loop3A_171 = arith.constant 0 : i32
        %parallel_loop3A_172 = arith.index_cast %parallel_loop3A_171 : i32 to index
        %parallel_loop3A_173 = arith.index_cast %parallel_loop3A_123 : i32 to index
        %parallel_loop3A_174 = arith.constant 32 : index
        %parallel_loop3A_175 = tpu.vector_load %arg6[%parallel_loop3A_172, %parallel_loop3A_173, %parallel_loop3A_174] {strides = array<i32>} : memref<2x32x128xf32, #tpu.memory_space<vmem>>, vector<16xf32>,
        tpu.vector_store %arg6[%parallel_loop3A_172, %parallel_loop3A_173, %parallel_loop3A_174], %parallel_loop3A_170 {strides = array<i32>} : memref<2x32x128xf32, #tpu.memory_space<vmem>>, vector<16xf32>,
        %parallel_loop3A_176 = arith.constant 16 : i32
        %parallel_loop3A_177 = vector.broadcast %parallel_loop3A_176 : i32 to vector<16xi32>
        %parallel_loop3A_178 = arith.addi %iota3A, %parallel_loop3A_177 : vector<16xi32>
        %parallel_loop3A_179 = arith.constant 0 : i32
        %parallel_loop3A_180 = arith.constant 0 : i32
        %parallel_loop3A_181 = arith.constant 0 : i32
        %parallel_loop3A_182 = tpu.memref_slice %arg5[%parallel_loop3A_179, %parallel_loop3A_180, %parallel_loop3A_181] : memref<2x32x128xf32, #tpu.memory_space<vmem>> -> memref<1x32x128xf32, #tpu.memory_space<vmem>>
        %parallel_loop3A_183 = tpu.memref_squeeze %parallel_loop3A_182 : memref<1x32x128xf32, #tpu.memory_space<vmem>> -> memref<32x128xf32, #tpu.memory_space<vmem>>
        %parallel_loop3A_184 = tpu.vector_load_idx %parallel_loop3A_183[%parallel_loop3A_178, %parallel_loop3A_161] : memref<32x128xf32, #tpu.memory_space<vmem>>[vector<16xi32>, vector<16xi32>], vector<16xf32>,
        %parallel_loop3A_185 = arith.constant 0 : i32
        %parallel_loop3A_186 = arith.index_cast %parallel_loop3A_185 : i32 to index
        %parallel_loop3A_187 = arith.index_cast %parallel_loop3A_123 : i32 to index
        %parallel_loop3A_188 = arith.constant 48 : index
        %parallel_loop3A_189 = tpu.vector_load %arg6[%parallel_loop3A_186, %parallel_loop3A_187, %parallel_loop3A_188] {strides = array<i32>} : memref<2x32x128xf32, #tpu.memory_space<vmem>>, vector<16xf32>,
        tpu.vector_store %arg6[%parallel_loop3A_186, %parallel_loop3A_187, %parallel_loop3A_188], %parallel_loop3A_184 {strides = array<i32>} : memref<2x32x128xf32, #tpu.memory_space<vmem>>, vector<16xf32>,
        %parallel_loop3A_190 = arith.constant 4 : i32
        %parallel_loop3A_191 = arith.muli %parallel_loop3A_190, %parallel_loop3A_123 : i32
        %parallel_loop3A_192 = arith.constant 2 : i32
        %parallel_loop3A_193 = arith.addi %parallel_loop3A_191, %parallel_loop3A_192 : i32
        %parallel_loop3A_194 = vector.broadcast %parallel_loop3A_193 : i32 to vector<16xi32>
        %parallel_loop3A_195 = arith.constant 0 : i32
        %parallel_loop3A_196 = vector.broadcast %parallel_loop3A_195 : i32 to vector<16xi32>
        %parallel_loop3A_197 = arith.addi %iota3A, %parallel_loop3A_196 : vector<16xi32>
        %parallel_loop3A_198 = arith.constant 0 : i32
        %parallel_loop3A_199 = arith.constant 0 : i32
        %parallel_loop3A_200 = arith.constant 0 : i32
        %parallel_loop3A_201 = tpu.memref_slice %arg5[%parallel_loop3A_198, %parallel_loop3A_199, %parallel_loop3A_200] : memref<2x32x128xf32, #tpu.memory_space<vmem>> -> memref<1x32x128xf32, #tpu.memory_space<vmem>>
        %parallel_loop3A_202 = tpu.memref_squeeze %parallel_loop3A_201 : memref<1x32x128xf32, #tpu.memory_space<vmem>> -> memref<32x128xf32, #tpu.memory_space<vmem>>
        %parallel_loop3A_203 = tpu.vector_load_idx %parallel_loop3A_202[%parallel_loop3A_197, %parallel_loop3A_194] : memref<32x128xf32, #tpu.memory_space<vmem>>[vector<16xi32>, vector<16xi32>], vector<16xf32>,
        %parallel_loop3A_204 = arith.constant 0 : i32
        %parallel_loop3A_205 = arith.index_cast %parallel_loop3A_204 : i32 to index
        %parallel_loop3A_206 = arith.index_cast %parallel_loop3A_123 : i32 to index
        %parallel_loop3A_207 = arith.constant 64 : index
        %parallel_loop3A_208 = tpu.vector_load %arg6[%parallel_loop3A_205, %parallel_loop3A_206, %parallel_loop3A_207] {strides = array<i32>} : memref<2x32x128xf32, #tpu.memory_space<vmem>>, vector<16xf32>,
        tpu.vector_store %arg6[%parallel_loop3A_205, %parallel_loop3A_206, %parallel_loop3A_207], %parallel_loop3A_203 {strides = array<i32>} : memref<2x32x128xf32, #tpu.memory_space<vmem>>, vector<16xf32>,
        %parallel_loop3A_209 = arith.constant 16 : i32
        %parallel_loop3A_210 = vector.broadcast %parallel_loop3A_209 : i32 to vector<16xi32>
        %parallel_loop3A_211 = arith.addi %iota3A, %parallel_loop3A_210 : vector<16xi32>
        %parallel_loop3A_212 = arith.constant 0 : i32
        %parallel_loop3A_213 = arith.constant 0 : i32
        %parallel_loop3A_214 = arith.constant 0 : i32
        %parallel_loop3A_215 = tpu.memref_slice %arg5[%parallel_loop3A_212, %parallel_loop3A_213, %parallel_loop3A_214] : memref<2x32x128xf32, #tpu.memory_space<vmem>> -> memref<1x32x128xf32, #tpu.memory_space<vmem>>
        %parallel_loop3A_216 = tpu.memref_squeeze %parallel_loop3A_215 : memref<1x32x128xf32, #tpu.memory_space<vmem>> -> memref<32x128xf32, #tpu.memory_space<vmem>>
        %parallel_loop3A_217 = tpu.vector_load_idx %parallel_loop3A_216[%parallel_loop3A_211, %parallel_loop3A_194] : memref<32x128xf32, #tpu.memory_space<vmem>>[vector<16xi32>, vector<16xi32>], vector<16xf32>,
        %parallel_loop3A_218 = arith.constant 0 : i32
        %parallel_loop3A_219 = arith.index_cast %parallel_loop3A_218 : i32 to index
        %parallel_loop3A_220 = arith.index_cast %parallel_loop3A_123 : i32 to index
        %parallel_loop3A_221 = arith.constant 80 : index
        %parallel_loop3A_222 = tpu.vector_load %arg6[%parallel_loop3A_219, %parallel_loop3A_220, %parallel_loop3A_221] {strides = array<i32>} : memref<2x32x128xf32, #tpu.memory_space<vmem>>, vector<16xf32>,
        tpu.vector_store %arg6[%parallel_loop3A_219, %parallel_loop3A_220, %parallel_loop3A_221], %parallel_loop3A_217 {strides = array<i32>} : memref<2x32x128xf32, #tpu.memory_space<vmem>>, vector<16xf32>,
        %parallel_loop3A_223 = arith.constant 4 : i32
        %parallel_loop3A_224 = arith.muli %parallel_loop3A_223, %parallel_loop3A_123 : i32
        %parallel_loop3A_225 = arith.constant 3 : i32
        %parallel_loop3A_226 = arith.addi %parallel_loop3A_224, %parallel_loop3A_225 : i32
        %parallel_loop3A_227 = vector.broadcast %parallel_loop3A_226 : i32 to vector<16xi32>
        %parallel_loop3A_228 = arith.constant 0 : i32
        %parallel_loop3A_229 = vector.broadcast %parallel_loop3A_228 : i32 to vector<16xi32>
        %parallel_loop3A_230 = arith.addi %iota3A, %parallel_loop3A_229 : vector<16xi32>
        %parallel_loop3A_231 = arith.constant 0 : i32
        %parallel_loop3A_232 = arith.constant 0 : i32
        %parallel_loop3A_233 = arith.constant 0 : i32
        %parallel_loop3A_234 = tpu.memref_slice %arg5[%parallel_loop3A_231, %parallel_loop3A_232, %parallel_loop3A_233] : memref<2x32x128xf32, #tpu.memory_space<vmem>> -> memref<1x32x128xf32, #tpu.memory_space<vmem>>
        %parallel_loop3A_235 = tpu.memref_squeeze %parallel_loop3A_234 : memref<1x32x128xf32, #tpu.memory_space<vmem>> -> memref<32x128xf32, #tpu.memory_space<vmem>>
        %parallel_loop3A_236 = tpu.vector_load_idx %parallel_loop3A_235[%parallel_loop3A_230, %parallel_loop3A_227] : memref<32x128xf32, #tpu.memory_space<vmem>>[vector<16xi32>, vector<16xi32>], vector<16xf32>,
        %parallel_loop3A_237 = arith.constant 0 : i32
        %parallel_loop3A_238 = arith.index_cast %parallel_loop3A_237 : i32 to index
        %parallel_loop3A_239 = arith.index_cast %parallel_loop3A_123 : i32 to index
        %parallel_loop3A_240 = arith.constant 96 : index
        %parallel_loop3A_241 = tpu.vector_load %arg6[%parallel_loop3A_238, %parallel_loop3A_239, %parallel_loop3A_240] {strides = array<i32>} : memref<2x32x128xf32, #tpu.memory_space<vmem>>, vector<16xf32>,
        tpu.vector_store %arg6[%parallel_loop3A_238, %parallel_loop3A_239, %parallel_loop3A_240], %parallel_loop3A_236 {strides = array<i32>} : memref<2x32x128xf32, #tpu.memory_space<vmem>>, vector<16xf32>,
        %parallel_loop3A_242 = arith.constant 16 : i32
        %parallel_loop3A_243 = vector.broadcast %parallel_loop3A_242 : i32 to vector<16xi32>
        %parallel_loop3A_244 = arith.addi %iota3A, %parallel_loop3A_243 : vector<16xi32>
        %parallel_loop3A_245 = arith.constant 0 : i32
        %parallel_loop3A_246 = arith.constant 0 : i32
        %parallel_loop3A_247 = arith.constant 0 : i32
        %parallel_loop3A_248 = tpu.memref_slice %arg5[%parallel_loop3A_245, %parallel_loop3A_246, %parallel_loop3A_247] : memref<2x32x128xf32, #tpu.memory_space<vmem>> -> memref<1x32x128xf32, #tpu.memory_space<vmem>>
        %parallel_loop3A_249 = tpu.memref_squeeze %parallel_loop3A_248 : memref<1x32x128xf32, #tpu.memory_space<vmem>> -> memref<32x128xf32, #tpu.memory_space<vmem>>
        %parallel_loop3A_250 = tpu.vector_load_idx %parallel_loop3A_249[%parallel_loop3A_244, %parallel_loop3A_227] : memref<32x128xf32, #tpu.memory_space<vmem>>[vector<16xi32>, vector<16xi32>], vector<16xf32>,
        %parallel_loop3A_251 = arith.constant 0 : i32
        %parallel_loop3A_252 = arith.index_cast %parallel_loop3A_251 : i32 to index
        %parallel_loop3A_253 = arith.index_cast %parallel_loop3A_123 : i32 to index
        %parallel_loop3A_254 = arith.constant 112 : index
        %parallel_loop3A_255 = tpu.vector_load %arg6[%parallel_loop3A_252, %parallel_loop3A_253, %parallel_loop3A_254] {strides = array<i32>} : memref<2x32x128xf32, #tpu.memory_space<vmem>>, vector<16xf32>,
        tpu.vector_store %arg6[%parallel_loop3A_252, %parallel_loop3A_253, %parallel_loop3A_254], %parallel_loop3A_250 {strides = array<i32>} : memref<2x32x128xf32, #tpu.memory_space<vmem>>, vector<16xf32>,
      } {sc.loop_unroll_factor = 4 : i64, sc.parallel_access}
      %add3A_91 = arith.constant 7808 : i32
      %add3A_92 = arith.addi %add3A_91, %add3A : i32
      %mul3A_93 = arith.constant 32 : i32
      %mul3A_94 = arith.muli %add3A_92, %mul3A_93 : i32
      %dma_start3A_95 = arith.constant 0 : i32
      %dma_start3A_96 = arith.constant 0 : i32
      %dma_start3A_97 = arith.constant 0 : i32
      %dma_start3A_98 = tpu.memref_slice %arg6[%dma_start3A_95, %dma_start3A_96, %dma_start3A_97] : memref<2x32x128xf32, #tpu.memory_space<vmem>> -> memref<1x32x128xf32, #tpu.memory_space<vmem>>
      %dma_start3A_99 = tpu.memref_squeeze %dma_start3A_98 : memref<1x32x128xf32, #tpu.memory_space<vmem>> -> memref<32x128xf32, #tpu.memory_space<vmem>>
      %dma_start3A_100 = arith.constant 0 : i32
      %dma_start3A_101 = tpu.memref_slice %arg4[%mul3A_94, %dma_start3A_100] : memref<250000x128xf32, #tpu.memory_space<hbm>> -> memref<32x128xf32, #tpu.memory_space<hbm>>
      %dma_start3A_102 = arith.constant 0 : i32
      %dma_start3A_103 = tpu.memref_slice %arg4[%mul3A_94, %dma_start3A_102] : memref<250000x128xf32, #tpu.memory_space<hbm>> -> memref<32x128xf32, #tpu.memory_space<hbm>>
      %dma_start3A_104 = arith.constant 0 : i32
      %dma_start3A_105 = arith.constant 0 : i32
      %dma_start3A_106 = tpu.memref_slice %arg6[%dma_start3A_95, %dma_start3A_104, %dma_start3A_105] : memref<2x32x128xf32, #tpu.memory_space<vmem>> -> memref<1x32x128xf32, #tpu.memory_space<vmem>>
      %dma_start3A_107 = tpu.memref_squeeze %dma_start3A_106 : memref<1x32x128xf32, #tpu.memory_space<vmem>> -> memref<32x128xf32, #tpu.memory_space<vmem>>
      tpu.enqueue_dma source(%dma_start3A_107 : memref<32x128xf32, #tpu.memory_space<vmem>>) target(%dma_start3A_103 : memref<32x128xf32, #tpu.memory_space<hbm>>) target_semaphore(%arg9 : memref<!tpu.dma_semaphore, #tpu.memory_space<semaphore_mem>>)
      %dma_wait3A_108 = arith.constant 0 : i32
      %dma_wait3A_109 = arith.constant 0 : i32
      %dma_wait3A_110 = arith.constant 0 : i32
      %dma_wait3A_111 = tpu.memref_slice %arg6[%dma_wait3A_108, %dma_wait3A_109, %dma_wait3A_110] : memref<2x32x128xf32, #tpu.memory_space<vmem>> -> memref<1x32x128xf32, #tpu.memory_space<vmem>>
      %dma_wait3A_112 = tpu.memref_squeeze %dma_wait3A_111 : memref<1x32x128xf32, #tpu.memory_space<vmem>> -> memref<32x128xf32, #tpu.memory_space<vmem>>
      %dma_wait3A_113 = arith.constant 0 : i32
      %dma_wait3A_114 = arith.constant 0 : i32
      %dma_wait3A_115 = tpu.memref_slice %arg4[%dma_wait3A_113, %dma_wait3A_114] : memref<250000x128xf32, #tpu.memory_space<hbm>> -> memref<32x128xf32, #tpu.memory_space<hbm>>
      %dma_wait3A_116 = arith.constant 0 : i32
      %dma_wait3A_117 = arith.constant 0 : i32
      %dma_wait3A_118 = tpu.memref_slice %arg4[%dma_wait3A_116, %dma_wait3A_117] : memref<250000x128xf32, #tpu.memory_space<hbm>> -> memref<32x128xf32, #tpu.memory_space<hbm>>
      %dma_wait3A_119 = arith.constant 0 : i32
      %dma_wait3A_120 = arith.constant 0 : i32
      %dma_wait3A_121 = tpu.memref_slice %arg6[%dma_wait3A_108, %dma_wait3A_119, %dma_wait3A_120] : memref<2x32x128xf32, #tpu.memory_space<vmem>> -> memref<1x32x128xf32, #tpu.memory_space<vmem>>
      %dma_wait3A_122 = tpu.memref_squeeze %dma_wait3A_121 : memref<1x32x128xf32, #tpu.memory_space<vmem>> -> memref<32x128xf32, #tpu.memory_space<vmem>>
      tpu.wait_dma2 semaphore(%arg9 : memref<!tpu.dma_semaphore, #tpu.memory_space<semaphore_mem>>) src(%dma_wait3A_122 : memref<32x128xf32, #tpu.memory_space<vmem>>) dst(%dma_wait3A_118 : memref<32x128xf32, #tpu.memory_space<hbm>>)
    } else {
    }
    %eq3A = arith.constant 4 : i32
    %eq3A_53 = arith.cmpi eq, %add3A, %eq3A : i32
    %convert_element_type3A_54 = arith.extui %eq3A_53 : i1 to i32
    %cond3A_55 = arith.constant 0 : i32
    %cond3A_56 = arith.cmpi ne, %convert_element_type3A_54, %cond3A_55 : i32
    scf.if %cond3A_56 {
      %dma_start3A_57 = arith.constant 249984 : i32
      %dma_start3A_58 = arith.constant 0 : i32
      %dma_start3A_59 = tpu.memref_slice %arg4[%dma_start3A_57, %dma_start3A_58] : memref<250000x128xf32, #tpu.memory_space<hbm>> -> memref<16x128xf32, #tpu.memory_space<hbm>>
      tpu.enqueue_dma source(%arg3 : memref<16x128xf32, #tpu.memory_space<hbm>>) target(%dma_start3A_59 : memref<16x128xf32, #tpu.memory_space<hbm>>) target_semaphore(%arg9 : memref<!tpu.dma_semaphore, #tpu.memory_space<semaphore_mem>>)
      %dma_wait3A_60 = arith.constant 249984 : i32
      %dma_wait3A_61 = arith.constant 0 : i32
      %dma_wait3A_62 = tpu.memref_slice %arg4[%dma_wait3A_60, %dma_wait3A_61] : memref<250000x128xf32, #tpu.memory_space<hbm>> -> memref<16x128xf32, #tpu.memory_space<hbm>>
      tpu.wait_dma2 semaphore(%arg9 : memref<!tpu.dma_semaphore, #tpu.memory_space<semaphore_mem>>) src(%arg3 : memref<16x128xf32, #tpu.memory_space<hbm>>) dst(%dma_wait3A_62 : memref<16x128xf32, #tpu.memory_space<hbm>>)
    } else {
    }
    return
  }
}

#map = affine_map<(d0, d1) -> (0, 0)>
#map1 = affine_map<(d0, d1) -> (0, 0, 0)>
module attributes {stable_mosaic.version = 14 : i64} {
  func.func @_gather_body(%arg0: i32, %arg1: i32, %arg2: memref<250000x128xf32, #tpu.memory_space<hbm>>, %arg3: memref<50x16384xi32, #tpu.memory_space<hbm>>, %arg4: memref<50x32x16384xf32, #tpu.memory_space<hbm>>, %arg5: memref<50x128xi32, #tpu.memory_space<vmem>>, %arg6: memref<2x128xi32, #tpu.memory_space<vmem>>, %arg7: memref<2x128xi32, #tpu.memory_space<vmem>>, %arg8: memref<2x128x128xf32, #tpu.memory_space<vmem>>, %arg9: memref<2x32x128xf32, #tpu.memory_space<vmem>>, %arg10: memref<!tpu.dma_semaphore, #tpu.memory_space<semaphore_mem>>, %arg11: memref<!tpu.dma_semaphore, #tpu.memory_space<semaphore_mem>>, %arg12: memref<!tpu.dma_semaphore, #tpu.memory_space<semaphore_mem>>, %arg13: memref<!tpu.dma_semaphore, #tpu.memory_space<semaphore_mem>>, %arg14: memref<!tpu.dma_semaphore, #tpu.memory_space<semaphore_mem>>) attributes {dimension_semantics = [#tpu.dimension_semantics<core_parallel>, #tpu.dimension_semantics<subcore_parallel>], iteration_bounds = array<i64: 2, 16>, scalar_prefetch = 0 : i64, scratch_operands = 10 : i64, tpu.core_type = #tpu.core_type<sc_vector_subcore>, window_params = [{transform_indices = #map}, {transform_indices = #map}, {transform_indices = #map1}]} {
    %mul3A = arith.constant 2 : i32
    %mul3A_0 = arith.muli %arg1, %mul3A : i32
    %add3A = arith.addi %mul3A_0, %arg0 : i32
    %iota3A = tpu.iota {dimensions = array<i32: 0>} : vector<16xi32>
    %scan3A = arith.constant 0 : i32
    %scan3A_1 = arith.constant 0 : i32
    %scan3A_2 = arith.constant 4 : i32
    %scan3A_3 = arith.addi %scan3A_1, %scan3A_2 : i32
    %scan3A_4 = arith.constant 1 : i32
    scf.for %scan3A_41 = %scan3A_1 to %scan3A_3 step %scan3A_4  : i32 {
      %mul3A_42 = arith.constant 32 : i32
      %mul3A_43 = arith.muli %scan3A_41, %mul3A_42 : i32
      %add3A_44 = arith.addi %mul3A_43, %add3A : i32
      %mul3A_45 = arith.constant 128 : i32
      %mul3A_46 = arith.muli %add3A_44, %mul3A_45 : i32
      %dma_start3A = arith.constant 0 : i32
      %dma_start3A_47 = tpu.memref_slice %arg3[%dma_start3A, %mul3A_46] : memref<50x16384xi32, #tpu.memory_space<hbm>> -> memref<50x128xi32, #tpu.memory_space<hbm>>
      %dma_start3A_48 = arith.constant 0 : i32
      %dma_start3A_49 = tpu.memref_slice %arg3[%dma_start3A_48, %mul3A_46] : memref<50x16384xi32, #tpu.memory_space<hbm>> -> memref<50x128xi32, #tpu.memory_space<hbm>>
      tpu.enqueue_dma source(%dma_start3A_49 : memref<50x128xi32, #tpu.memory_space<hbm>>) target(%arg5 : memref<50x128xi32, #tpu.memory_space<vmem>>) target_semaphore(%arg10 : memref<!tpu.dma_semaphore, #tpu.memory_space<semaphore_mem>>)
      %dma_wait3A_50 = arith.constant 0 : i32
      %dma_wait3A_51 = arith.constant 0 : i32
      %dma_wait3A_52 = tpu.memref_slice %arg3[%dma_wait3A_50, %dma_wait3A_51] : memref<50x16384xi32, #tpu.memory_space<hbm>> -> memref<50x128xi32, #tpu.memory_space<hbm>>
      %dma_wait3A_53 = arith.constant 0 : i32
      %dma_wait3A_54 = arith.constant 0 : i32
      %dma_wait3A_55 = tpu.memref_slice %arg3[%dma_wait3A_53, %dma_wait3A_54] : memref<50x16384xi32, #tpu.memory_space<hbm>> -> memref<50x128xi32, #tpu.memory_space<hbm>>
      tpu.wait_dma2 semaphore(%arg10 : memref<!tpu.dma_semaphore, #tpu.memory_space<semaphore_mem>>) src(%dma_wait3A_55 : memref<50x128xi32, #tpu.memory_space<hbm>>) dst(%arg5 : memref<50x128xi32, #tpu.memory_space<vmem>>)
      %parallel_loop3A = arith.constant 0 : i32
      %parallel_loop3A_56 = arith.constant 8 : i32
      %parallel_loop3A_57 = arith.constant 1 : i32
      scf.for %parallel_loop3A_76 = %parallel_loop3A to %parallel_loop3A_56 step %parallel_loop3A_57  : i32 {
        %parallel_loop3A_77 = arith.constant 16 : i32
        %parallel_loop3A_78 = arith.muli %parallel_loop3A_77, %parallel_loop3A_76 : i32
        %parallel_loop3A_79 = arith.constant 0 : i32
        %parallel_loop3A_80 = arith.index_cast %parallel_loop3A_79 : i32 to index
        %parallel_loop3A_81 = arith.index_cast %parallel_loop3A_78 : i32 to index
        %parallel_loop3A_82 = tpu.vector_load %arg5[%parallel_loop3A_80, %parallel_loop3A_81] {strides = array<i32>} : memref<50x128xi32, #tpu.memory_space<vmem>>, vector<16xi32>,
        %parallel_loop3A_83 = arith.constant 2 : i32
        %parallel_loop3A_84 = vector.broadcast %parallel_loop3A_83 : i32 to vector<16xi32>
        %parallel_loop3A_85 = arith.shrsi %parallel_loop3A_82, %parallel_loop3A_84 : vector<16xi32>
        %parallel_loop3A_86 = arith.constant 16 : i32
        %parallel_loop3A_87 = arith.muli %parallel_loop3A_86, %parallel_loop3A_76 : i32
        %parallel_loop3A_88 = arith.constant 0 : i32
        %parallel_loop3A_89 = arith.index_cast %parallel_loop3A_88 : i32 to index
        %parallel_loop3A_90 = arith.index_cast %parallel_loop3A_87 : i32 to index
        %parallel_loop3A_91 = tpu.vector_load %arg6[%parallel_loop3A_89, %parallel_loop3A_90] {strides = array<i32>} : memref<2x128xi32, #tpu.memory_space<vmem>>, vector<16xi32>,
        tpu.vector_store %arg6[%parallel_loop3A_89, %parallel_loop3A_90], %parallel_loop3A_85 {strides = array<i32>} : memref<2x128xi32, #tpu.memory_space<vmem>>, vector<16xi32>,
        %parallel_loop3A_92 = arith.constant 3 : i32
        %parallel_loop3A_93 = vector.broadcast %parallel_loop3A_92 : i32 to vector<16xi32>
        %parallel_loop3A_94 = arith.andi %parallel_loop3A_82, %parallel_loop3A_93 : vector<16xi32>
        %parallel_loop3A_95 = arith.constant 32 : i32
        %parallel_loop3A_96 = vector.broadcast %parallel_loop3A_95 : i32 to vector<16xi32>
        %parallel_loop3A_97 = arith.muli %parallel_loop3A_94, %parallel_loop3A_96 : vector<16xi32>
        %parallel_loop3A_98 = arith.constant 16 : i32
        %parallel_loop3A_99 = arith.muli %parallel_loop3A_98, %parallel_loop3A_76 : i32
        %parallel_loop3A_100 = arith.constant 0 : i32
        %parallel_loop3A_101 = arith.index_cast %parallel_loop3A_100 : i32 to index
        %parallel_loop3A_102 = arith.index_cast %parallel_loop3A_99 : i32 to index
        %parallel_loop3A_103 = tpu.vector_load %arg7[%parallel_loop3A_101, %parallel_loop3A_102] {strides = array<i32>} : memref<2x128xi32, #tpu.memory_space<vmem>>, vector<16xi32>,
        tpu.vector_store %arg7[%parallel_loop3A_101, %parallel_loop3A_102], %parallel_loop3A_97 {strides = array<i32>} : memref<2x128xi32, #tpu.memory_space<vmem>>, vector<16xi32>,
      } {sc.loop_unroll_factor = 2 : i64, sc.parallel_access}
      %dma_start3A_58 = arith.constant 0 : i32
      %dma_start3A_59 = arith.constant 0 : i32
      %dma_start3A_60 = arith.constant 0 : i32
      %dma_start3A_61 = arith.constant 0 : i32
      %dma_start3A_62 = tpu.memref_slice %arg8[%dma_start3A_59, %dma_start3A_60, %dma_start3A_61] : memref<2x128x128xf32, #tpu.memory_space<vmem>> -> memref<1x128x128xf32, #tpu.memory_space<vmem>>
      %dma_start3A_63 = tpu.memref_squeeze %dma_start3A_62 : memref<1x128x128xf32, #tpu.memory_space<vmem>> -> memref<128x128xf32, #tpu.memory_space<vmem>>
      %dma_start3A_64 = arith.constant 0 : i32
      %dma_start3A_65 = tpu.memref_slice %arg6[%dma_start3A_58, %dma_start3A_64] : memref<2x128xi32, #tpu.memory_space<vmem>> -> memref<1x128xi32, #tpu.memory_space<vmem>>
      %dma_start3A_66 = tpu.memref_squeeze %dma_start3A_65 : memref<1x128xi32, #tpu.memory_space<vmem>> -> memref<128xi32, #tpu.memory_space<vmem>>
      %dma_start3A_67 = arith.constant 0 : i32
      %dma_start3A_68 = arith.constant 0 : i32
      %dma_start3A_69 = tpu.memref_slice %arg2[%dma_start3A_67, %dma_start3A_68] : memref<250000x128xf32, #tpu.memory_space<hbm>> -> memref<250000x128xf32, #tpu.memory_space<hbm>>
      tpu.enqueue_indirect_dma source(%dma_start3A_69 : memref<250000x128xf32, #tpu.memory_space<hbm>>) target(%dma_start3A_63 : memref<128x128xf32, #tpu.memory_space<vmem>>) offsets(%dma_start3A_66 : memref<128xi32, #tpu.memory_space<vmem>>) semaphore(%arg11 : memref<!tpu.dma_semaphore, #tpu.memory_space<semaphore_mem>>)
      %scan3A_70 = arith.constant 0 : i32
      %scan3A_71 = arith.constant 0 : i32
      %scan3A_72 = arith.constant 25 : i32
      %scan3A_73 = arith.addi %scan3A_71, %scan3A_72 : i32
      %scan3A_74 = arith.constant 1 : i32
      scf.for %scan3A_76 = %scan3A_71 to %scan3A_73 step %scan3A_74  : i32 {
        %mul3A_77 = arith.constant 2 : i32
        %mul3A_78 = arith.muli %mul3A_77, %scan3A_76 : i32
        %add3A_79 = arith.constant 1 : i32
        %add3A_80 = arith.addi %mul3A_78, %add3A_79 : i32
        %parallel_loop3A_81 = arith.constant 0 : i32
        %parallel_loop3A_82 = arith.constant 8 : i32
        %parallel_loop3A_83 = arith.constant 1 : i32
        scf.for %parallel_loop3A_247 = %parallel_loop3A_81 to %parallel_loop3A_82 step %parallel_loop3A_83  : i32 {
          %parallel_loop3A_248 = arith.constant 16 : i32
          %parallel_loop3A_249 = arith.muli %parallel_loop3A_248, %parallel_loop3A_247 : i32
          %parallel_loop3A_250 = arith.index_cast %add3A_80 : i32 to index
          %parallel_loop3A_251 = arith.index_cast %parallel_loop3A_249 : i32 to index
          %parallel_loop3A_252 = tpu.vector_load %arg5[%parallel_loop3A_250, %parallel_loop3A_251] {strides = array<i32>} : memref<50x128xi32, #tpu.memory_space<vmem>>, vector<16xi32>,
          %parallel_loop3A_253 = arith.constant 2 : i32
          %parallel_loop3A_254 = vector.broadcast %parallel_loop3A_253 : i32 to vector<16xi32>
          %parallel_loop3A_255 = arith.shrsi %parallel_loop3A_252, %parallel_loop3A_254 : vector<16xi32>
          %parallel_loop3A_256 = arith.constant 16 : i32
          %parallel_loop3A_257 = arith.muli %parallel_loop3A_256, %parallel_loop3A_247 : i32
          %parallel_loop3A_258 = arith.constant 1 : i32
          %parallel_loop3A_259 = arith.index_cast %parallel_loop3A_258 : i32 to index
          %parallel_loop3A_260 = arith.index_cast %parallel_loop3A_257 : i32 to index
          %parallel_loop3A_261 = tpu.vector_load %arg6[%parallel_loop3A_259, %parallel_loop3A_260] {strides = array<i32>} : memref<2x128xi32, #tpu.memory_space<vmem>>, vector<16xi32>,
          tpu.vector_store %arg6[%parallel_loop3A_259, %parallel_loop3A_260], %parallel_loop3A_255 {strides = array<i32>} : memref<2x128xi32, #tpu.memory_space<vmem>>, vector<16xi32>,
          %parallel_loop3A_262 = arith.constant 3 : i32
          %parallel_loop3A_263 = vector.broadcast %parallel_loop3A_262 : i32 to vector<16xi32>
          %parallel_loop3A_264 = arith.andi %parallel_loop3A_252, %parallel_loop3A_263 : vector<16xi32>
          %parallel_loop3A_265 = arith.constant 32 : i32
          %parallel_loop3A_266 = vector.broadcast %parallel_loop3A_265 : i32 to vector<16xi32>
          %parallel_loop3A_267 = arith.muli %parallel_loop3A_264, %parallel_loop3A_266 : vector<16xi32>
          %parallel_loop3A_268 = arith.constant 16 : i32
          %parallel_loop3A_269 = arith.muli %parallel_loop3A_268, %parallel_loop3A_247 : i32
          %parallel_loop3A_270 = arith.constant 1 : i32
          %parallel_loop3A_271 = arith.index_cast %parallel_loop3A_270 : i32 to index
          %parallel_loop3A_272 = arith.index_cast %parallel_loop3A_269 : i32 to index
          %parallel_loop3A_273 = tpu.vector_load %arg7[%parallel_loop3A_271, %parallel_loop3A_272] {strides = array<i32>} : memref<2x128xi32, #tpu.memory_space<vmem>>, vector<16xi32>,
          tpu.vector_store %arg7[%parallel_loop3A_271, %parallel_loop3A_272], %parallel_loop3A_267 {strides = array<i32>} : memref<2x128xi32, #tpu.memory_space<vmem>>, vector<16xi32>,
        } {sc.loop_unroll_factor = 2 : i64, sc.parallel_access}
        %dma_start3A_84 = arith.constant 1 : i32
        %dma_start3A_85 = arith.constant 1 : i32
        %dma_start3A_86 = arith.constant 0 : i32
        %dma_start3A_87 = arith.constant 0 : i32
        %dma_start3A_88 = tpu.memref_slice %arg8[%dma_start3A_85, %dma_start3A_86, %dma_start3A_87] : memref<2x128x128xf32, #tpu.memory_space<vmem>> -> memref<1x128x128xf32, #tpu.memory_space<vmem>>
        %dma_start3A_89 = tpu.memref_squeeze %dma_start3A_88 : memref<1x128x128xf32, #tpu.memory_space<vmem>> -> memref<128x128xf32, #tpu.memory_space<vmem>>
        %dma_start3A_90 = arith.constant 0 : i32
        %dma_start3A_91 = tpu.memref_slice %arg6[%dma_start3A_84, %dma_start3A_90] : memref<2x128xi32, #tpu.memory_space<vmem>> -> memref<1x128xi32, #tpu.memory_space<vmem>>
        %dma_start3A_92 = tpu.memref_squeeze %dma_start3A_91 : memref<1x128xi32, #tpu.memory_space<vmem>> -> memref<128xi32, #tpu.memory_space<vmem>>
        %dma_start3A_93 = arith.constant 0 : i32
        %dma_start3A_94 = arith.constant 0 : i32
        %dma_start3A_95 = tpu.memref_slice %arg2[%dma_start3A_93, %dma_start3A_94] : memref<250000x128xf32, #tpu.memory_space<hbm>> -> memref<250000x128xf32, #tpu.memory_space<hbm>>
        tpu.enqueue_indirect_dma source(%dma_start3A_95 : memref<250000x128xf32, #tpu.memory_space<hbm>>) target(%dma_start3A_89 : memref<128x128xf32, #tpu.memory_space<vmem>>) offsets(%dma_start3A_92 : memref<128xi32, #tpu.memory_space<vmem>>) semaphore(%arg12 : memref<!tpu.dma_semaphore, #tpu.memory_space<semaphore_mem>>)
        %dma_wait3A_96 = arith.constant 0 : i32
        %dma_wait3A_97 = arith.constant 0 : i32
        %dma_wait3A_98 = arith.constant 0 : i32
        %dma_wait3A_99 = tpu.memref_slice %arg8[%dma_wait3A_96, %dma_wait3A_97, %dma_wait3A_98] : memref<2x128x128xf32, #tpu.memory_space<vmem>> -> memref<1x128x128xf32, #tpu.memory_space<vmem>>
        %dma_wait3A_100 = tpu.memref_squeeze %dma_wait3A_99 : memref<1x128x128xf32, #tpu.memory_space<vmem>> -> memref<128x128xf32, #tpu.memory_space<vmem>>
        %dma_wait3A_101 = arith.constant 0 : i32
        %dma_wait3A_102 = arith.constant 0 : i32
        %dma_wait3A_103 = tpu.memref_slice %arg2[%dma_wait3A_101, %dma_wait3A_102] : memref<250000x128xf32, #tpu.memory_space<hbm>> -> memref<128x128xf32, #tpu.memory_space<hbm>>
        %dma_wait3A_104 = arith.constant 0 : i32
        %dma_wait3A_105 = arith.constant 0 : i32
        %dma_wait3A_106 = tpu.memref_slice %arg8[%dma_wait3A_96, %dma_wait3A_104, %dma_wait3A_105] : memref<2x128x128xf32, #tpu.memory_space<vmem>> -> memref<1x128x128xf32, #tpu.memory_space<vmem>>
        %dma_wait3A_107 = tpu.memref_squeeze %dma_wait3A_106 : memref<1x128x128xf32, #tpu.memory_space<vmem>> -> memref<128x128xf32, #tpu.memory_space<vmem>>
        %dma_wait3A_108 = arith.constant 0 : i32
        %dma_wait3A_109 = arith.constant 0 : i32
        %dma_wait3A_110 = tpu.memref_slice %arg2[%dma_wait3A_108, %dma_wait3A_109] : memref<250000x128xf32, #tpu.memory_space<hbm>> -> memref<128x128xf32, #tpu.memory_space<hbm>>
        tpu.wait_dma2 semaphore(%arg11 : memref<!tpu.dma_semaphore, #tpu.memory_space<semaphore_mem>>) src(%dma_wait3A_110 : memref<128x128xf32, #tpu.memory_space<hbm>>) dst(%dma_wait3A_107 : memref<128x128xf32, #tpu.memory_space<vmem>>)
        %gt3A = arith.constant 0 : i32
        %gt3A_111 = arith.cmpi sgt, %scan3A_41, %gt3A : i32
        %gt3A_112 = arith.constant 0 : i32
        %gt3A_113 = arith.cmpi sgt, %scan3A_76, %gt3A_112 : i32
        %or3A = arith.ori %gt3A_111, %gt3A_113 : i1
        %convert_element_type3A = arith.extui %or3A : i1 to i32
        %cond3A = arith.constant 0 : i32
        %cond3A_114 = arith.cmpi ne, %convert_element_type3A, %cond3A : i32
        scf.if %cond3A_114 {
          %dma_wait3A_247 = arith.constant 0 : i32
          %dma_wait3A_248 = arith.constant 0 : i32
          %dma_wait3A_249 = arith.constant 0 : i32
          %dma_wait3A_250 = arith.constant 0 : i32
          %dma_wait3A_251 = tpu.memref_slice %arg9[%dma_wait3A_247, %dma_wait3A_249, %dma_wait3A_250] : memref<2x32x128xf32, #tpu.memory_space<vmem>> -> memref<1x32x128xf32, #tpu.memory_space<vmem>>
          %dma_wait3A_252 = tpu.memref_squeeze %dma_wait3A_251 : memref<1x32x128xf32, #tpu.memory_space<vmem>> -> memref<32x128xf32, #tpu.memory_space<vmem>>
          %dma_wait3A_253 = arith.constant 0 : i32
          %dma_wait3A_254 = arith.constant 0 : i32
          %dma_wait3A_255 = tpu.memref_slice %arg4[%dma_wait3A_248, %dma_wait3A_253, %dma_wait3A_254] : memref<50x32x16384xf32, #tpu.memory_space<hbm>> -> memref<1x32x128xf32, #tpu.memory_space<hbm>>
          %dma_wait3A_256 = tpu.memref_squeeze %dma_wait3A_255 : memref<1x32x128xf32, #tpu.memory_space<hbm>> -> memref<32x128xf32, #tpu.memory_space<hbm>>
          %dma_wait3A_257 = arith.constant 0 : i32
          %dma_wait3A_258 = arith.constant 0 : i32
          %dma_wait3A_259 = tpu.memref_slice %arg4[%dma_wait3A_248, %dma_wait3A_257, %dma_wait3A_258] : memref<50x32x16384xf32, #tpu.memory_space<hbm>> -> memref<1x32x128xf32, #tpu.memory_space<hbm>>
          %dma_wait3A_260 = tpu.memref_squeeze %dma_wait3A_259 : memref<1x32x128xf32, #tpu.memory_space<hbm>> -> memref<32x128xf32, #tpu.memory_space<hbm>>
          %dma_wait3A_261 = arith.constant 0 : i32
          %dma_wait3A_262 = arith.constant 0 : i32
          %dma_wait3A_263 = tpu.memref_slice %arg9[%dma_wait3A_247, %dma_wait3A_261, %dma_wait3A_262] : memref<2x32x128xf32, #tpu.memory_space<vmem>> -> memref<1x32x128xf32, #tpu.memory_space<vmem>>
          %dma_wait3A_264 = tpu.memref_squeeze %dma_wait3A_263 : memref<1x32x128xf32, #tpu.memory_space<vmem>> -> memref<32x128xf32, #tpu.memory_space<vmem>>
          tpu.wait_dma2 semaphore(%arg13 : memref<!tpu.dma_semaphore, #tpu.memory_space<semaphore_mem>>) src(%dma_wait3A_264 : memref<32x128xf32, #tpu.memory_space<vmem>>) dst(%dma_wait3A_260 : memref<32x128xf32, #tpu.memory_space<hbm>>)
        } else {
        }
        %get3A = arith.constant 0 : i32
        %get3A_115 = arith.index_cast %get3A : i32 to index
        %get3A_116 = arith.constant 0 : index
        %get3A_117 = tpu.vector_load %arg7[%get3A_115, %get3A_116] {strides = array<i32>} : memref<2x128xi32, #tpu.memory_space<vmem>>, vector<16xi32>,
        %get3A_118 = arith.constant 0 : i32
        %get3A_119 = arith.index_cast %get3A_118 : i32 to index
        %get3A_120 = arith.constant 16 : index
        %get3A_121 = tpu.vector_load %arg7[%get3A_119, %get3A_120] {strides = array<i32>} : memref<2x128xi32, #tpu.memory_space<vmem>>, vector<16xi32>,
        %get3A_122 = arith.constant 0 : i32
        %get3A_123 = arith.index_cast %get3A_122 : i32 to index
        %get3A_124 = arith.constant 32 : index
        %get3A_125 = tpu.vector_load %arg7[%get3A_123, %get3A_124] {strides = array<i32>} : memref<2x128xi32, #tpu.memory_space<vmem>>, vector<16xi32>,
        %get3A_126 = arith.constant 0 : i32
        %get3A_127 = arith.index_cast %get3A_126 : i32 to index
        %get3A_128 = arith.constant 48 : index
        %get3A_129 = tpu.vector_load %arg7[%get3A_127, %get3A_128] {strides = array<i32>} : memref<2x128xi32, #tpu.memory_space<vmem>>, vector<16xi32>,
        %get3A_130 = arith.constant 0 : i32
        %get3A_131 = arith.index_cast %get3A_130 : i32 to index
        %get3A_132 = arith.constant 64 : index
        %get3A_133 = tpu.vector_load %arg7[%get3A_131, %get3A_132] {strides = array<i32>} : memref<2x128xi32, #tpu.memory_space<vmem>>, vector<16xi32>,
        %get3A_134 = arith.constant 0 : i32
        %get3A_135 = arith.index_cast %get3A_134 : i32 to index
        %get3A_136 = arith.constant 80 : index
        %get3A_137 = tpu.vector_load %arg7[%get3A_135, %get3A_136] {strides = array<i32>} : memref<2x128xi32, #tpu.memory_space<vmem>>, vector<16xi32>,
        %get3A_138 = arith.constant 0 : i32
        %get3A_139 = arith.index_cast %get3A_138 : i32 to index
        %get3A_140 = arith.constant 96 : index
        %get3A_141 = tpu.vector_load %arg7[%get3A_139, %get3A_140] {strides = array<i32>} : memref<2x128xi32, #tpu.memory_space<vmem>>, vector<16xi32>,
        %get3A_142 = arith.constant 0 : i32
        %get3A_143 = arith.index_cast %get3A_142 : i32 to index
        %get3A_144 = arith.constant 112 : index
        %get3A_145 = tpu.vector_load %arg7[%get3A_143, %get3A_144] {strides = array<i32>} : memref<2x128xi32, #tpu.memory_space<vmem>>, vector<16xi32>,
        %parallel_loop3A_146 = arith.constant 0 : i32
        %parallel_loop3A_147 = arith.constant 32 : i32
        %parallel_loop3A_148 = arith.constant 1 : i32
        scf.for %parallel_loop3A_247 = %parallel_loop3A_146 to %parallel_loop3A_147 step %parallel_loop3A_148  : i32 {
          %parallel_loop3A_248 = arith.constant 0 : i32
          %parallel_loop3A_249 = vector.broadcast %parallel_loop3A_248 : i32 to vector<16xi32>
          %parallel_loop3A_250 = arith.addi %iota3A, %parallel_loop3A_249 : vector<16xi32>
          %parallel_loop3A_251 = vector.broadcast %parallel_loop3A_247 : i32 to vector<16xi32>
          %parallel_loop3A_252 = arith.addi %get3A_117, %parallel_loop3A_251 : vector<16xi32>
          %parallel_loop3A_253 = arith.constant 0 : i32
          %parallel_loop3A_254 = arith.constant 0 : i32
          %parallel_loop3A_255 = arith.constant 0 : i32
          %parallel_loop3A_256 = tpu.memref_slice %arg8[%parallel_loop3A_253, %parallel_loop3A_254, %parallel_loop3A_255] : memref<2x128x128xf32, #tpu.memory_space<vmem>> -> memref<1x128x128xf32, #tpu.memory_space<vmem>>
          %parallel_loop3A_257 = tpu.memref_squeeze %parallel_loop3A_256 : memref<1x128x128xf32, #tpu.memory_space<vmem>> -> memref<128x128xf32, #tpu.memory_space<vmem>>
          %parallel_loop3A_258 = tpu.vector_load_idx %parallel_loop3A_257[%parallel_loop3A_250, %parallel_loop3A_252] : memref<128x128xf32, #tpu.memory_space<vmem>>[vector<16xi32>, vector<16xi32>], vector<16xf32>,
          %parallel_loop3A_259 = arith.constant 0 : i32
          %parallel_loop3A_260 = arith.index_cast %parallel_loop3A_259 : i32 to index
          %parallel_loop3A_261 = arith.index_cast %parallel_loop3A_247 : i32 to index
          %parallel_loop3A_262 = arith.constant 0 : index
          %parallel_loop3A_263 = tpu.vector_load %arg9[%parallel_loop3A_260, %parallel_loop3A_261, %parallel_loop3A_262] {strides = array<i32>} : memref<2x32x128xf32, #tpu.memory_space<vmem>>, vector<16xf32>,
          tpu.vector_store %arg9[%parallel_loop3A_260, %parallel_loop3A_261, %parallel_loop3A_262], %parallel_loop3A_258 {strides = array<i32>} : memref<2x32x128xf32, #tpu.memory_space<vmem>>, vector<16xf32>,
          %parallel_loop3A_264 = arith.constant 16 : i32
          %parallel_loop3A_265 = vector.broadcast %parallel_loop3A_264 : i32 to vector<16xi32>
          %parallel_loop3A_266 = arith.addi %iota3A, %parallel_loop3A_265 : vector<16xi32>
          %parallel_loop3A_267 = vector.broadcast %parallel_loop3A_247 : i32 to vector<16xi32>
          %parallel_loop3A_268 = arith.addi %get3A_121, %parallel_loop3A_267 : vector<16xi32>
          %parallel_loop3A_269 = arith.constant 0 : i32
          %parallel_loop3A_270 = arith.constant 0 : i32
          %parallel_loop3A_271 = arith.constant 0 : i32
          %parallel_loop3A_272 = tpu.memref_slice %arg8[%parallel_loop3A_269, %parallel_loop3A_270, %parallel_loop3A_271] : memref<2x128x128xf32, #tpu.memory_space<vmem>> -> memref<1x128x128xf32, #tpu.memory_space<vmem>>
          %parallel_loop3A_273 = tpu.memref_squeeze %parallel_loop3A_272 : memref<1x128x128xf32, #tpu.memory_space<vmem>> -> memref<128x128xf32, #tpu.memory_space<vmem>>
          %parallel_loop3A_274 = tpu.vector_load_idx %parallel_loop3A_273[%parallel_loop3A_266, %parallel_loop3A_268] : memref<128x128xf32, #tpu.memory_space<vmem>>[vector<16xi32>, vector<16xi32>], vector<16xf32>,
          %parallel_loop3A_275 = arith.constant 0 : i32
          %parallel_loop3A_276 = arith.index_cast %parallel_loop3A_275 : i32 to index
          %parallel_loop3A_277 = arith.index_cast %parallel_loop3A_247 : i32 to index
          %parallel_loop3A_278 = arith.constant 16 : index
          %parallel_loop3A_279 = tpu.vector_load %arg9[%parallel_loop3A_276, %parallel_loop3A_277, %parallel_loop3A_278] {strides = array<i32>} : memref<2x32x128xf32, #tpu.memory_space<vmem>>, vector<16xf32>,
          tpu.vector_store %arg9[%parallel_loop3A_276, %parallel_loop3A_277, %parallel_loop3A_278], %parallel_loop3A_274 {strides = array<i32>} : memref<2x32x128xf32, #tpu.memory_space<vmem>>, vector<16xf32>,
          %parallel_loop3A_280 = arith.constant 32 : i32
          %parallel_loop3A_281 = vector.broadcast %parallel_loop3A_280 : i32 to vector<16xi32>
          %parallel_loop3A_282 = arith.addi %iota3A, %parallel_loop3A_281 : vector<16xi32>
          %parallel_loop3A_283 = vector.broadcast %parallel_loop3A_247 : i32 to vector<16xi32>
          %parallel_loop3A_284 = arith.addi %get3A_125, %parallel_loop3A_283 : vector<16xi32>
          %parallel_loop3A_285 = arith.constant 0 : i32
          %parallel_loop3A_286 = arith.constant 0 : i32
          %parallel_loop3A_287 = arith.constant 0 : i32
          %parallel_loop3A_288 = tpu.memref_slice %arg8[%parallel_loop3A_285, %parallel_loop3A_286, %parallel_loop3A_287] : memref<2x128x128xf32, #tpu.memory_space<vmem>> -> memref<1x128x128xf32, #tpu.memory_space<vmem>>
          %parallel_loop3A_289 = tpu.memref_squeeze %parallel_loop3A_288 : memref<1x128x128xf32, #tpu.memory_space<vmem>> -> memref<128x128xf32, #tpu.memory_space<vmem>>
          %parallel_loop3A_290 = tpu.vector_load_idx %parallel_loop3A_289[%parallel_loop3A_282, %parallel_loop3A_284] : memref<128x128xf32, #tpu.memory_space<vmem>>[vector<16xi32>, vector<16xi32>], vector<16xf32>,
          %parallel_loop3A_291 = arith.constant 0 : i32
          %parallel_loop3A_292 = arith.index_cast %parallel_loop3A_291 : i32 to index
          %parallel_loop3A_293 = arith.index_cast %parallel_loop3A_247 : i32 to index
          %parallel_loop3A_294 = arith.constant 32 : index
          %parallel_loop3A_295 = tpu.vector_load %arg9[%parallel_loop3A_292, %parallel_loop3A_293, %parallel_loop3A_294] {strides = array<i32>} : memref<2x32x128xf32, #tpu.memory_space<vmem>>, vector<16xf32>,
          tpu.vector_store %arg9[%parallel_loop3A_292, %parallel_loop3A_293, %parallel_loop3A_294], %parallel_loop3A_290 {strides = array<i32>} : memref<2x32x128xf32, #tpu.memory_space<vmem>>, vector<16xf32>,
          %parallel_loop3A_296 = arith.constant 48 : i32
          %parallel_loop3A_297 = vector.broadcast %parallel_loop3A_296 : i32 to vector<16xi32>
          %parallel_loop3A_298 = arith.addi %iota3A, %parallel_loop3A_297 : vector<16xi32>
          %parallel_loop3A_299 = vector.broadcast %parallel_loop3A_247 : i32 to vector<16xi32>
          %parallel_loop3A_300 = arith.addi %get3A_129, %parallel_loop3A_299 : vector<16xi32>
          %parallel_loop3A_301 = arith.constant 0 : i32
          %parallel_loop3A_302 = arith.constant 0 : i32
          %parallel_loop3A_303 = arith.constant 0 : i32
          %parallel_loop3A_304 = tpu.memref_slice %arg8[%parallel_loop3A_301, %parallel_loop3A_302, %parallel_loop3A_303] : memref<2x128x128xf32, #tpu.memory_space<vmem>> -> memref<1x128x128xf32, #tpu.memory_space<vmem>>
          %parallel_loop3A_305 = tpu.memref_squeeze %parallel_loop3A_304 : memref<1x128x128xf32, #tpu.memory_space<vmem>> -> memref<128x128xf32, #tpu.memory_space<vmem>>
          %parallel_loop3A_306 = tpu.vector_load_idx %parallel_loop3A_305[%parallel_loop3A_298, %parallel_loop3A_300] : memref<128x128xf32, #tpu.memory_space<vmem>>[vector<16xi32>, vector<16xi32>], vector<16xf32>,
          %parallel_loop3A_307 = arith.constant 0 : i32
          %parallel_loop3A_308 = arith.index_cast %parallel_loop3A_307 : i32 to index
          %parallel_loop3A_309 = arith.index_cast %parallel_loop3A_247 : i32 to index
          %parallel_loop3A_310 = arith.constant 48 : index
          %parallel_loop3A_311 = tpu.vector_load %arg9[%parallel_loop3A_308, %parallel_loop3A_309, %parallel_loop3A_310] {strides = array<i32>} : memref<2x32x128xf32, #tpu.memory_space<vmem>>, vector<16xf32>,
          tpu.vector_store %arg9[%parallel_loop3A_308, %parallel_loop3A_309, %parallel_loop3A_310], %parallel_loop3A_306 {strides = array<i32>} : memref<2x32x128xf32, #tpu.memory_space<vmem>>, vector<16xf32>,
          %parallel_loop3A_312 = arith.constant 64 : i32
          %parallel_loop3A_313 = vector.broadcast %parallel_loop3A_312 : i32 to vector<16xi32>
          %parallel_loop3A_314 = arith.addi %iota3A, %parallel_loop3A_313 : vector<16xi32>
          %parallel_loop3A_315 = vector.broadcast %parallel_loop3A_247 : i32 to vector<16xi32>
          %parallel_loop3A_316 = arith.addi %get3A_133, %parallel_loop3A_315 : vector<16xi32>
          %parallel_loop3A_317 = arith.constant 0 : i32
          %parallel_loop3A_318 = arith.constant 0 : i32
          %parallel_loop3A_319 = arith.constant 0 : i32
          %parallel_loop3A_320 = tpu.memref_slice %arg8[%parallel_loop3A_317, %parallel_loop3A_318, %parallel_loop3A_319] : memref<2x128x128xf32, #tpu.memory_space<vmem>> -> memref<1x128x128xf32, #tpu.memory_space<vmem>>
          %parallel_loop3A_321 = tpu.memref_squeeze %parallel_loop3A_320 : memref<1x128x128xf32, #tpu.memory_space<vmem>> -> memref<128x128xf32, #tpu.memory_space<vmem>>
          %parallel_loop3A_322 = tpu.vector_load_idx %parallel_loop3A_321[%parallel_loop3A_314, %parallel_loop3A_316] : memref<128x128xf32, #tpu.memory_space<vmem>>[vector<16xi32>, vector<16xi32>], vector<16xf32>,
          %parallel_loop3A_323 = arith.constant 0 : i32
          %parallel_loop3A_324 = arith.index_cast %parallel_loop3A_323 : i32 to index
          %parallel_loop3A_325 = arith.index_cast %parallel_loop3A_247 : i32 to index
          %parallel_loop3A_326 = arith.constant 64 : index
          %parallel_loop3A_327 = tpu.vector_load %arg9[%parallel_loop3A_324, %parallel_loop3A_325, %parallel_loop3A_326] {strides = array<i32>} : memref<2x32x128xf32, #tpu.memory_space<vmem>>, vector<16xf32>,
          tpu.vector_store %arg9[%parallel_loop3A_324, %parallel_loop3A_325, %parallel_loop3A_326], %parallel_loop3A_322 {strides = array<i32>} : memref<2x32x128xf32, #tpu.memory_space<vmem>>, vector<16xf32>,
          %parallel_loop3A_328 = arith.constant 80 : i32
          %parallel_loop3A_329 = vector.broadcast %parallel_loop3A_328 : i32 to vector<16xi32>
          %parallel_loop3A_330 = arith.addi %iota3A, %parallel_loop3A_329 : vector<16xi32>
          %parallel_loop3A_331 = vector.broadcast %parallel_loop3A_247 : i32 to vector<16xi32>
          %parallel_loop3A_332 = arith.addi %get3A_137, %parallel_loop3A_331 : vector<16xi32>
          %parallel_loop3A_333 = arith.constant 0 : i32
          %parallel_loop3A_334 = arith.constant 0 : i32
          %parallel_loop3A_335 = arith.constant 0 : i32
          %parallel_loop3A_336 = tpu.memref_slice %arg8[%parallel_loop3A_333, %parallel_loop3A_334, %parallel_loop3A_335] : memref<2x128x128xf32, #tpu.memory_space<vmem>> -> memref<1x128x128xf32, #tpu.memory_space<vmem>>
          %parallel_loop3A_337 = tpu.memref_squeeze %parallel_loop3A_336 : memref<1x128x128xf32, #tpu.memory_space<vmem>> -> memref<128x128xf32, #tpu.memory_space<vmem>>
          %parallel_loop3A_338 = tpu.vector_load_idx %parallel_loop3A_337[%parallel_loop3A_330, %parallel_loop3A_332] : memref<128x128xf32, #tpu.memory_space<vmem>>[vector<16xi32>, vector<16xi32>], vector<16xf32>,
          %parallel_loop3A_339 = arith.constant 0 : i32
          %parallel_loop3A_340 = arith.index_cast %parallel_loop3A_339 : i32 to index
          %parallel_loop3A_341 = arith.index_cast %parallel_loop3A_247 : i32 to index
          %parallel_loop3A_342 = arith.constant 80 : index
          %parallel_loop3A_343 = tpu.vector_load %arg9[%parallel_loop3A_340, %parallel_loop3A_341, %parallel_loop3A_342] {strides = array<i32>} : memref<2x32x128xf32, #tpu.memory_space<vmem>>, vector<16xf32>,
          tpu.vector_store %arg9[%parallel_loop3A_340, %parallel_loop3A_341, %parallel_loop3A_342], %parallel_loop3A_338 {strides = array<i32>} : memref<2x32x128xf32, #tpu.memory_space<vmem>>, vector<16xf32>,
          %parallel_loop3A_344 = arith.constant 96 : i32
          %parallel_loop3A_345 = vector.broadcast %parallel_loop3A_344 : i32 to vector<16xi32>
          %parallel_loop3A_346 = arith.addi %iota3A, %parallel_loop3A_345 : vector<16xi32>
          %parallel_loop3A_347 = vector.broadcast %parallel_loop3A_247 : i32 to vector<16xi32>
          %parallel_loop3A_348 = arith.addi %get3A_141, %parallel_loop3A_347 : vector<16xi32>
          %parallel_loop3A_349 = arith.constant 0 : i32
          %parallel_loop3A_350 = arith.constant 0 : i32
          %parallel_loop3A_351 = arith.constant 0 : i32
          %parallel_loop3A_352 = tpu.memref_slice %arg8[%parallel_loop3A_349, %parallel_loop3A_350, %parallel_loop3A_351] : memref<2x128x128xf32, #tpu.memory_space<vmem>> -> memref<1x128x128xf32, #tpu.memory_space<vmem>>
          %parallel_loop3A_353 = tpu.memref_squeeze %parallel_loop3A_352 : memref<1x128x128xf32, #tpu.memory_space<vmem>> -> memref<128x128xf32, #tpu.memory_space<vmem>>
          %parallel_loop3A_354 = tpu.vector_load_idx %parallel_loop3A_353[%parallel_loop3A_346, %parallel_loop3A_348] : memref<128x128xf32, #tpu.memory_space<vmem>>[vector<16xi32>, vector<16xi32>], vector<16xf32>,
          %parallel_loop3A_355 = arith.constant 0 : i32
          %parallel_loop3A_356 = arith.index_cast %parallel_loop3A_355 : i32 to index
          %parallel_loop3A_357 = arith.index_cast %parallel_loop3A_247 : i32 to index
          %parallel_loop3A_358 = arith.constant 96 : index
          %parallel_loop3A_359 = tpu.vector_load %arg9[%parallel_loop3A_356, %parallel_loop3A_357, %parallel_loop3A_358] {strides = array<i32>} : memref<2x32x128xf32, #tpu.memory_space<vmem>>, vector<16xf32>,
          tpu.vector_store %arg9[%parallel_loop3A_356, %parallel_loop3A_357, %parallel_loop3A_358], %parallel_loop3A_354 {strides = array<i32>} : memref<2x32x128xf32, #tpu.memory_space<vmem>>, vector<16xf32>,
          %parallel_loop3A_360 = arith.constant 112 : i32
          %parallel_loop3A_361 = vector.broadcast %parallel_loop3A_360 : i32 to vector<16xi32>
          %parallel_loop3A_362 = arith.addi %iota3A, %parallel_loop3A_361 : vector<16xi32>
          %parallel_loop3A_363 = vector.broadcast %parallel_loop3A_247 : i32 to vector<16xi32>
          %parallel_loop3A_364 = arith.addi %get3A_145, %parallel_loop3A_363 : vector<16xi32>
          %parallel_loop3A_365 = arith.constant 0 : i32
          %parallel_loop3A_366 = arith.constant 0 : i32
          %parallel_loop3A_367 = arith.constant 0 : i32
          %parallel_loop3A_368 = tpu.memref_slice %arg8[%parallel_loop3A_365, %parallel_loop3A_366, %parallel_loop3A_367] : memref<2x128x128xf32, #tpu.memory_space<vmem>> -> memref<1x128x128xf32, #tpu.memory_space<vmem>>
          %parallel_loop3A_369 = tpu.memref_squeeze %parallel_loop3A_368 : memref<1x128x128xf32, #tpu.memory_space<vmem>> -> memref<128x128xf32, #tpu.memory_space<vmem>>
          %parallel_loop3A_370 = tpu.vector_load_idx %parallel_loop3A_369[%parallel_loop3A_362, %parallel_loop3A_364] : memref<128x128xf32, #tpu.memory_space<vmem>>[vector<16xi32>, vector<16xi32>], vector<16xf32>,
          %parallel_loop3A_371 = arith.constant 0 : i32
          %parallel_loop3A_372 = arith.index_cast %parallel_loop3A_371 : i32 to index
          %parallel_loop3A_373 = arith.index_cast %parallel_loop3A_247 : i32 to index
          %parallel_loop3A_374 = arith.constant 112 : index
          %parallel_loop3A_375 = tpu.vector_load %arg9[%parallel_loop3A_372, %parallel_loop3A_373, %parallel_loop3A_374] {strides = array<i32>} : memref<2x32x128xf32, #tpu.memory_space<vmem>>, vector<16xf32>,
          tpu.vector_store %arg9[%parallel_loop3A_372, %parallel_loop3A_373, %parallel_loop3A_374], %parallel_loop3A_370 {strides = array<i32>} : memref<2x32x128xf32, #tpu.memory_space<vmem>>, vector<16xf32>,
        } {sc.loop_unroll_factor = 2 : i64, sc.parallel_access}
        %mul3A_149 = arith.constant 128 : i32
        %mul3A_150 = arith.muli %add3A_44, %mul3A_149 : i32
        %dma_start3A_151 = arith.constant 0 : i32
        %dma_start3A_152 = arith.constant 0 : i32
        %dma_start3A_153 = arith.constant 0 : i32
        %dma_start3A_154 = tpu.memref_slice %arg9[%dma_start3A_151, %dma_start3A_152, %dma_start3A_153] : memref<2x32x128xf32, #tpu.memory_space<vmem>> -> memref<1x32x128xf32, #tpu.memory_space<vmem>>
        %dma_start3A_155 = tpu.memref_squeeze %dma_start3A_154 : memref<1x32x128xf32, #tpu.memory_space<vmem>> -> memref<32x128xf32, #tpu.memory_space<vmem>>
        %dma_start3A_156 = arith.constant 0 : i32
        %dma_start3A_157 = tpu.memref_slice %arg4[%mul3A_78, %dma_start3A_156, %mul3A_150] : memref<50x32x16384xf32, #tpu.memory_space<hbm>> -> memref<1x32x128xf32, #tpu.memory_space<hbm>>
        %dma_start3A_158 = tpu.memref_squeeze %dma_start3A_157 : memref<1x32x128xf32, #tpu.memory_space<hbm>> -> memref<32x128xf32, #tpu.memory_space<hbm>>
        %dma_start3A_159 = arith.constant 0 : i32
        %dma_start3A_160 = tpu.memref_slice %arg4[%mul3A_78, %dma_start3A_159, %mul3A_150] : memref<50x32x16384xf32, #tpu.memory_space<hbm>> -> memref<1x32x128xf32, #tpu.memory_space<hbm>>
        %dma_start3A_161 = tpu.memref_squeeze %dma_start3A_160 : memref<1x32x128xf32, #tpu.memory_space<hbm>> -> memref<32x128xf32, #tpu.memory_space<hbm>>
        %dma_start3A_162 = arith.constant 0 : i32
        %dma_start3A_163 = arith.constant 0 : i32
        %dma_start3A_164 = tpu.memref_slice %arg9[%dma_start3A_151, %dma_start3A_162, %dma_start3A_163] : memref<2x32x128xf32, #tpu.memory_space<vmem>> -> memref<1x32x128xf32, #tpu.memory_space<vmem>>
        %dma_start3A_165 = tpu.memref_squeeze %dma_start3A_164 : memref<1x32x128xf32, #tpu.memory_space<vmem>> -> memref<32x128xf32, #tpu.memory_space<vmem>>
        tpu.enqueue_dma source(%dma_start3A_165 : memref<32x128xf32, #tpu.memory_space<vmem>>) target(%dma_start3A_161 : memref<32x128xf32, #tpu.memory_space<hbm>>) target_semaphore(%arg13 : memref<!tpu.dma_semaphore, #tpu.memory_space<semaphore_mem>>)
        %lt3A = arith.constant 24 : i32
        %lt3A_166 = arith.cmpi slt, %scan3A_76, %lt3A : i32
        %convert_element_type3A_167 = arith.extui %lt3A_166 : i1 to i32
        %cond3A_168 = arith.constant 0 : i32
        %cond3A_169 = arith.cmpi ne, %convert_element_type3A_167, %cond3A_168 : i32
        scf.if %cond3A_169 {
          %add3A_247 = arith.constant 2 : i32
          %add3A_248 = arith.addi %mul3A_78, %add3A_247 : i32
          %parallel_loop3A_249 = arith.constant 0 : i32
          %parallel_loop3A_250 = arith.constant 8 : i32
          %parallel_loop3A_251 = arith.constant 1 : i32
          scf.for %parallel_loop3A_264 = %parallel_loop3A_249 to %parallel_loop3A_250 step %parallel_loop3A_251  : i32 {
            %parallel_loop3A_265 = arith.constant 16 : i32
            %parallel_loop3A_266 = arith.muli %parallel_loop3A_265, %parallel_loop3A_264 : i32
            %parallel_loop3A_267 = arith.index_cast %add3A_248 : i32 to index
            %parallel_loop3A_268 = arith.index_cast %parallel_loop3A_266 : i32 to index
            %parallel_loop3A_269 = tpu.vector_load %arg5[%parallel_loop3A_267, %parallel_loop3A_268] {strides = array<i32>} : memref<50x128xi32, #tpu.memory_space<vmem>>, vector<16xi32>,
            %parallel_loop3A_270 = arith.constant 2 : i32
            %parallel_loop3A_271 = vector.broadcast %parallel_loop3A_270 : i32 to vector<16xi32>
            %parallel_loop3A_272 = arith.shrsi %parallel_loop3A_269, %parallel_loop3A_271 : vector<16xi32>
            %parallel_loop3A_273 = arith.constant 16 : i32
            %parallel_loop3A_274 = arith.muli %parallel_loop3A_273, %parallel_loop3A_264 : i32
            %parallel_loop3A_275 = arith.constant 0 : i32
            %parallel_loop3A_276 = arith.index_cast %parallel_loop3A_275 : i32 to index
            %parallel_loop3A_277 = arith.index_cast %parallel_loop3A_274 : i32 to index
            %parallel_loop3A_278 = tpu.vector_load %arg6[%parallel_loop3A_276, %parallel_loop3A_277] {strides = array<i32>} : memref<2x128xi32, #tpu.memory_space<vmem>>, vector<16xi32>,
            tpu.vector_store %arg6[%parallel_loop3A_276, %parallel_loop3A_277], %parallel_loop3A_272 {strides = array<i32>} : memref<2x128xi32, #tpu.memory_space<vmem>>, vector<16xi32>,
            %parallel_loop3A_279 = arith.constant 3 : i32
            %parallel_loop3A_280 = vector.broadcast %parallel_loop3A_279 : i32 to vector<16xi32>
            %parallel_loop3A_281 = arith.andi %parallel_loop3A_269, %parallel_loop3A_280 : vector<16xi32>
            %parallel_loop3A_282 = arith.constant 32 : i32
            %parallel_loop3A_283 = vector.broadcast %parallel_loop3A_282 : i32 to vector<16xi32>
            %parallel_loop3A_284 = arith.muli %parallel_loop3A_281, %parallel_loop3A_283 : vector<16xi32>
            %parallel_loop3A_285 = arith.constant 16 : i32
            %parallel_loop3A_286 = arith.muli %parallel_loop3A_285, %parallel_loop3A_264 : i32
            %parallel_loop3A_287 = arith.constant 0 : i32
            %parallel_loop3A_288 = arith.index_cast %parallel_loop3A_287 : i32 to index
            %parallel_loop3A_289 = arith.index_cast %parallel_loop3A_286 : i32 to index
            %parallel_loop3A_290 = tpu.vector_load %arg7[%parallel_loop3A_288, %parallel_loop3A_289] {strides = array<i32>} : memref<2x128xi32, #tpu.memory_space<vmem>>, vector<16xi32>,
            tpu.vector_store %arg7[%parallel_loop3A_288, %parallel_loop3A_289], %parallel_loop3A_284 {strides = array<i32>} : memref<2x128xi32, #tpu.memory_space<vmem>>, vector<16xi32>,
          } {sc.loop_unroll_factor = 2 : i64, sc.parallel_access}
          %dma_start3A_252 = arith.constant 0 : i32
          %dma_start3A_253 = arith.constant 0 : i32
          %dma_start3A_254 = arith.constant 0 : i32
          %dma_start3A_255 = arith.constant 0 : i32
          %dma_start3A_256 = tpu.memref_slice %arg8[%dma_start3A_253, %dma_start3A_254, %dma_start3A_255] : memref<2x128x128xf32, #tpu.memory_space<vmem>> -> memref<1x128x128xf32, #tpu.memory_space<vmem>>
          %dma_start3A_257 = tpu.memref_squeeze %dma_start3A_256 : memref<1x128x128xf32, #tpu.memory_space<vmem>> -> memref<128x128xf32, #tpu.memory_space<vmem>>
          %dma_start3A_258 = arith.constant 0 : i32
          %dma_start3A_259 = tpu.memref_slice %arg6[%dma_start3A_252, %dma_start3A_258] : memref<2x128xi32, #tpu.memory_space<vmem>> -> memref<1x128xi32, #tpu.memory_space<vmem>>
          %dma_start3A_260 = tpu.memref_squeeze %dma_start3A_259 : memref<1x128xi32, #tpu.memory_space<vmem>> -> memref<128xi32, #tpu.memory_space<vmem>>
          %dma_start3A_261 = arith.constant 0 : i32
          %dma_start3A_262 = arith.constant 0 : i32
          %dma_start3A_263 = tpu.memref_slice %arg2[%dma_start3A_261, %dma_start3A_262] : memref<250000x128xf32, #tpu.memory_space<hbm>> -> memref<250000x128xf32, #tpu.memory_space<hbm>>
          tpu.enqueue_indirect_dma source(%dma_start3A_263 : memref<250000x128xf32, #tpu.memory_space<hbm>>) target(%dma_start3A_257 : memref<128x128xf32, #tpu.memory_space<vmem>>) offsets(%dma_start3A_260 : memref<128xi32, #tpu.memory_space<vmem>>) semaphore(%arg11 : memref<!tpu.dma_semaphore, #tpu.memory_space<semaphore_mem>>)
        } else {
        }
        %dma_wait3A_170 = arith.constant 1 : i32
        %dma_wait3A_171 = arith.constant 0 : i32
        %dma_wait3A_172 = arith.constant 0 : i32
        %dma_wait3A_173 = tpu.memref_slice %arg8[%dma_wait3A_170, %dma_wait3A_171, %dma_wait3A_172] : memref<2x128x128xf32, #tpu.memory_space<vmem>> -> memref<1x128x128xf32, #tpu.memory_space<vmem>>
        %dma_wait3A_174 = tpu.memref_squeeze %dma_wait3A_173 : memref<1x128x128xf32, #tpu.memory_space<vmem>> -> memref<128x128xf32, #tpu.memory_space<vmem>>
        %dma_wait3A_175 = arith.constant 0 : i32
        %dma_wait3A_176 = arith.constant 0 : i32
        %dma_wait3A_177 = tpu.memref_slice %arg2[%dma_wait3A_175, %dma_wait3A_176] : memref<250000x128xf32, #tpu.memory_space<hbm>> -> memref<128x128xf32, #tpu.memory_space<hbm>>
        %dma_wait3A_178 = arith.constant 0 : i32
        %dma_wait3A_179 = arith.constant 0 : i32
        %dma_wait3A_180 = tpu.memref_slice %arg8[%dma_wait3A_170, %dma_wait3A_178, %dma_wait3A_179] : memref<2x128x128xf32, #tpu.memory_space<vmem>> -> memref<1x128x128xf32, #tpu.memory_space<vmem>>
        %dma_wait3A_181 = tpu.memref_squeeze %dma_wait3A_180 : memref<1x128x128xf32, #tpu.memory_space<vmem>> -> memref<128x128xf32, #tpu.memory_space<vmem>>
        %dma_wait3A_182 = arith.constant 0 : i32
        %dma_wait3A_183 = arith.constant 0 : i32
        %dma_wait3A_184 = tpu.memref_slice %arg2[%dma_wait3A_182, %dma_wait3A_183] : memref<250000x128xf32, #tpu.memory_space<hbm>> -> memref<128x128xf32, #tpu.memory_space<hbm>>
        tpu.wait_dma2 semaphore(%arg12 : memref<!tpu.dma_semaphore, #tpu.memory_space<semaphore_mem>>) src(%dma_wait3A_184 : memref<128x128xf32, #tpu.memory_space<hbm>>) dst(%dma_wait3A_181 : memref<128x128xf32, #tpu.memory_space<vmem>>)
        %gt3A_185 = arith.constant 0 : i32
        %gt3A_186 = arith.cmpi sgt, %scan3A_41, %gt3A_185 : i32
        %gt3A_187 = arith.constant 0 : i32
        %gt3A_188 = arith.cmpi sgt, %scan3A_76, %gt3A_187 : i32
        %or3A_189 = arith.ori %gt3A_186, %gt3A_188 : i1
        %convert_element_type3A_190 = arith.extui %or3A_189 : i1 to i32
        %cond3A_191 = arith.constant 0 : i32
        %cond3A_192 = arith.cmpi ne, %convert_element_type3A_190, %cond3A_191 : i32
        scf.if %cond3A_192 {
          %dma_wait3A_247 = arith.constant 1 : i32
          %dma_wait3A_248 = arith.constant 0 : i32
          %dma_wait3A_249 = arith.constant 0 : i32
          %dma_wait3A_250 = arith.constant 0 : i32
          %dma_wait3A_251 = tpu.memref_slice %arg9[%dma_wait3A_247, %dma_wait3A_249, %dma_wait3A_250] : memref<2x32x128xf32, #tpu.memory_space<vmem>> -> memref<1x32x128xf32, #tpu.memory_space<vmem>>
          %dma_wait3A_252 = tpu.memref_squeeze %dma_wait3A_251 : memref<1x32x128xf32, #tpu.memory_space<vmem>> -> memref<32x128xf32, #tpu.memory_space<vmem>>
          %dma_wait3A_253 = arith.constant 0 : i32
          %dma_wait3A_254 = arith.constant 0 : i32
          %dma_wait3A_255 = tpu.memref_slice %arg4[%dma_wait3A_248, %dma_wait3A_253, %dma_wait3A_254] : memref<50x32x16384xf32, #tpu.memory_space<hbm>> -> memref<1x32x128xf32, #tpu.memory_space<hbm>>
          %dma_wait3A_256 = tpu.memref_squeeze %dma_wait3A_255 : memref<1x32x128xf32, #tpu.memory_space<hbm>> -> memref<32x128xf32, #tpu.memory_space<hbm>>
          %dma_wait3A_257 = arith.constant 0 : i32
          %dma_wait3A_258 = arith.constant 0 : i32
          %dma_wait3A_259 = tpu.memref_slice %arg4[%dma_wait3A_248, %dma_wait3A_257, %dma_wait3A_258] : memref<50x32x16384xf32, #tpu.memory_space<hbm>> -> memref<1x32x128xf32, #tpu.memory_space<hbm>>
          %dma_wait3A_260 = tpu.memref_squeeze %dma_wait3A_259 : memref<1x32x128xf32, #tpu.memory_space<hbm>> -> memref<32x128xf32, #tpu.memory_space<hbm>>
          %dma_wait3A_261 = arith.constant 0 : i32
          %dma_wait3A_262 = arith.constant 0 : i32
          %dma_wait3A_263 = tpu.memref_slice %arg9[%dma_wait3A_247, %dma_wait3A_261, %dma_wait3A_262] : memref<2x32x128xf32, #tpu.memory_space<vmem>> -> memref<1x32x128xf32, #tpu.memory_space<vmem>>
          %dma_wait3A_264 = tpu.memref_squeeze %dma_wait3A_263 : memref<1x32x128xf32, #tpu.memory_space<vmem>> -> memref<32x128xf32, #tpu.memory_space<vmem>>
          tpu.wait_dma2 semaphore(%arg14 : memref<!tpu.dma_semaphore, #tpu.memory_space<semaphore_mem>>) src(%dma_wait3A_264 : memref<32x128xf32, #tpu.memory_space<vmem>>) dst(%dma_wait3A_260 : memref<32x128xf32, #tpu.memory_space<hbm>>)
        } else {
        }
        %get3A_193 = arith.constant 1 : i32
        %get3A_194 = arith.index_cast %get3A_193 : i32 to index
        %get3A_195 = arith.constant 0 : index
        %get3A_196 = tpu.vector_load %arg7[%get3A_194, %get3A_195] {strides = array<i32>} : memref<2x128xi32, #tpu.memory_space<vmem>>, vector<16xi32>,
        %get3A_197 = arith.constant 1 : i32
        %get3A_198 = arith.index_cast %get3A_197 : i32 to index
        %get3A_199 = arith.constant 16 : index
        %get3A_200 = tpu.vector_load %arg7[%get3A_198, %get3A_199] {strides = array<i32>} : memref<2x128xi32, #tpu.memory_space<vmem>>, vector<16xi32>,
        %get3A_201 = arith.constant 1 : i32
        %get3A_202 = arith.index_cast %get3A_201 : i32 to index
        %get3A_203 = arith.constant 32 : index
        %get3A_204 = tpu.vector_load %arg7[%get3A_202, %get3A_203] {strides = array<i32>} : memref<2x128xi32, #tpu.memory_space<vmem>>, vector<16xi32>,
        %get3A_205 = arith.constant 1 : i32
        %get3A_206 = arith.index_cast %get3A_205 : i32 to index
        %get3A_207 = arith.constant 48 : index
        %get3A_208 = tpu.vector_load %arg7[%get3A_206, %get3A_207] {strides = array<i32>} : memref<2x128xi32, #tpu.memory_space<vmem>>, vector<16xi32>,
        %get3A_209 = arith.constant 1 : i32
        %get3A_210 = arith.index_cast %get3A_209 : i32 to index
        %get3A_211 = arith.constant 64 : index
        %get3A_212 = tpu.vector_load %arg7[%get3A_210, %get3A_211] {strides = array<i32>} : memref<2x128xi32, #tpu.memory_space<vmem>>, vector<16xi32>,
        %get3A_213 = arith.constant 1 : i32
        %get3A_214 = arith.index_cast %get3A_213 : i32 to index
        %get3A_215 = arith.constant 80 : index
        %get3A_216 = tpu.vector_load %arg7[%get3A_214, %get3A_215] {strides = array<i32>} : memref<2x128xi32, #tpu.memory_space<vmem>>, vector<16xi32>,
        %get3A_217 = arith.constant 1 : i32
        %get3A_218 = arith.index_cast %get3A_217 : i32 to index
        %get3A_219 = arith.constant 96 : index
        %get3A_220 = tpu.vector_load %arg7[%get3A_218, %get3A_219] {strides = array<i32>} : memref<2x128xi32, #tpu.memory_space<vmem>>, vector<16xi32>,
        %get3A_221 = arith.constant 1 : i32
        %get3A_222 = arith.index_cast %get3A_221 : i32 to index
        %get3A_223 = arith.constant 112 : index
        %get3A_224 = tpu.vector_load %arg7[%get3A_222, %get3A_223] {strides = array<i32>} : memref<2x128xi32, #tpu.memory_space<vmem>>, vector<16xi32>,
        %parallel_loop3A_225 = arith.constant 0 : i32
        %parallel_loop3A_226 = arith.constant 32 : i32
        %parallel_loop3A_227 = arith.constant 1 : i32
        scf.for %parallel_loop3A_247 = %parallel_loop3A_225 to %parallel_loop3A_226 step %parallel_loop3A_227  : i32 {
          %parallel_loop3A_248 = arith.constant 0 : i32
          %parallel_loop3A_249 = vector.broadcast %parallel_loop3A_248 : i32 to vector<16xi32>
          %parallel_loop3A_250 = arith.addi %iota3A, %parallel_loop3A_249 : vector<16xi32>
          %parallel_loop3A_251 = vector.broadcast %parallel_loop3A_247 : i32 to vector<16xi32>
          %parallel_loop3A_252 = arith.addi %get3A_196, %parallel_loop3A_251 : vector<16xi32>
          %parallel_loop3A_253 = arith.constant 1 : i32
          %parallel_loop3A_254 = arith.constant 0 : i32
          %parallel_loop3A_255 = arith.constant 0 : i32
          %parallel_loop3A_256 = tpu.memref_slice %arg8[%parallel_loop3A_253, %parallel_loop3A_254, %parallel_loop3A_255] : memref<2x128x128xf32, #tpu.memory_space<vmem>> -> memref<1x128x128xf32, #tpu.memory_space<vmem>>
          %parallel_loop3A_257 = tpu.memref_squeeze %parallel_loop3A_256 : memref<1x128x128xf32, #tpu.memory_space<vmem>> -> memref<128x128xf32, #tpu.memory_space<vmem>>
          %parallel_loop3A_258 = tpu.vector_load_idx %parallel_loop3A_257[%parallel_loop3A_250, %parallel_loop3A_252] : memref<128x128xf32, #tpu.memory_space<vmem>>[vector<16xi32>, vector<16xi32>], vector<16xf32>,
          %parallel_loop3A_259 = arith.constant 1 : i32
          %parallel_loop3A_260 = arith.index_cast %parallel_loop3A_259 : i32 to index
          %parallel_loop3A_261 = arith.index_cast %parallel_loop3A_247 : i32 to index
          %parallel_loop3A_262 = arith.constant 0 : index
          %parallel_loop3A_263 = tpu.vector_load %arg9[%parallel_loop3A_260, %parallel_loop3A_261, %parallel_loop3A_262] {strides = array<i32>} : memref<2x32x128xf32, #tpu.memory_space<vmem>>, vector<16xf32>,
          tpu.vector_store %arg9[%parallel_loop3A_260, %parallel_loop3A_261, %parallel_loop3A_262], %parallel_loop3A_258 {strides = array<i32>} : memref<2x32x128xf32, #tpu.memory_space<vmem>>, vector<16xf32>,
          %parallel_loop3A_264 = arith.constant 16 : i32
          %parallel_loop3A_265 = vector.broadcast %parallel_loop3A_264 : i32 to vector<16xi32>
          %parallel_loop3A_266 = arith.addi %iota3A, %parallel_loop3A_265 : vector<16xi32>
          %parallel_loop3A_267 = vector.broadcast %parallel_loop3A_247 : i32 to vector<16xi32>
          %parallel_loop3A_268 = arith.addi %get3A_200, %parallel_loop3A_267 : vector<16xi32>
          %parallel_loop3A_269 = arith.constant 1 : i32
          %parallel_loop3A_270 = arith.constant 0 : i32
          %parallel_loop3A_271 = arith.constant 0 : i32
          %parallel_loop3A_272 = tpu.memref_slice %arg8[%parallel_loop3A_269, %parallel_loop3A_270, %parallel_loop3A_271] : memref<2x128x128xf32, #tpu.memory_space<vmem>> -> memref<1x128x128xf32, #tpu.memory_space<vmem>>
          %parallel_loop3A_273 = tpu.memref_squeeze %parallel_loop3A_272 : memref<1x128x128xf32, #tpu.memory_space<vmem>> -> memref<128x128xf32, #tpu.memory_space<vmem>>
          %parallel_loop3A_274 = tpu.vector_load_idx %parallel_loop3A_273[%parallel_loop3A_266, %parallel_loop3A_268] : memref<128x128xf32, #tpu.memory_space<vmem>>[vector<16xi32>, vector<16xi32>], vector<16xf32>,
          %parallel_loop3A_275 = arith.constant 1 : i32
          %parallel_loop3A_276 = arith.index_cast %parallel_loop3A_275 : i32 to index
          %parallel_loop3A_277 = arith.index_cast %parallel_loop3A_247 : i32 to index
          %parallel_loop3A_278 = arith.constant 16 : index
          %parallel_loop3A_279 = tpu.vector_load %arg9[%parallel_loop3A_276, %parallel_loop3A_277, %parallel_loop3A_278] {strides = array<i32>} : memref<2x32x128xf32, #tpu.memory_space<vmem>>, vector<16xf32>,
          tpu.vector_store %arg9[%parallel_loop3A_276, %parallel_loop3A_277, %parallel_loop3A_278], %parallel_loop3A_274 {strides = array<i32>} : memref<2x32x128xf32, #tpu.memory_space<vmem>>, vector<16xf32>,
          %parallel_loop3A_280 = arith.constant 32 : i32
          %parallel_loop3A_281 = vector.broadcast %parallel_loop3A_280 : i32 to vector<16xi32>
          %parallel_loop3A_282 = arith.addi %iota3A, %parallel_loop3A_281 : vector<16xi32>
          %parallel_loop3A_283 = vector.broadcast %parallel_loop3A_247 : i32 to vector<16xi32>
          %parallel_loop3A_284 = arith.addi %get3A_204, %parallel_loop3A_283 : vector<16xi32>
          %parallel_loop3A_285 = arith.constant 1 : i32
          %parallel_loop3A_286 = arith.constant 0 : i32
          %parallel_loop3A_287 = arith.constant 0 : i32
          %parallel_loop3A_288 = tpu.memref_slice %arg8[%parallel_loop3A_285, %parallel_loop3A_286, %parallel_loop3A_287] : memref<2x128x128xf32, #tpu.memory_space<vmem>> -> memref<1x128x128xf32, #tpu.memory_space<vmem>>
          %parallel_loop3A_289 = tpu.memref_squeeze %parallel_loop3A_288 : memref<1x128x128xf32, #tpu.memory_space<vmem>> -> memref<128x128xf32, #tpu.memory_space<vmem>>
          %parallel_loop3A_290 = tpu.vector_load_idx %parallel_loop3A_289[%parallel_loop3A_282, %parallel_loop3A_284] : memref<128x128xf32, #tpu.memory_space<vmem>>[vector<16xi32>, vector<16xi32>], vector<16xf32>,
          %parallel_loop3A_291 = arith.constant 1 : i32
          %parallel_loop3A_292 = arith.index_cast %parallel_loop3A_291 : i32 to index
          %parallel_loop3A_293 = arith.index_cast %parallel_loop3A_247 : i32 to index
          %parallel_loop3A_294 = arith.constant 32 : index
          %parallel_loop3A_295 = tpu.vector_load %arg9[%parallel_loop3A_292, %parallel_loop3A_293, %parallel_loop3A_294] {strides = array<i32>} : memref<2x32x128xf32, #tpu.memory_space<vmem>>, vector<16xf32>,
          tpu.vector_store %arg9[%parallel_loop3A_292, %parallel_loop3A_293, %parallel_loop3A_294], %parallel_loop3A_290 {strides = array<i32>} : memref<2x32x128xf32, #tpu.memory_space<vmem>>, vector<16xf32>,
          %parallel_loop3A_296 = arith.constant 48 : i32
          %parallel_loop3A_297 = vector.broadcast %parallel_loop3A_296 : i32 to vector<16xi32>
          %parallel_loop3A_298 = arith.addi %iota3A, %parallel_loop3A_297 : vector<16xi32>
          %parallel_loop3A_299 = vector.broadcast %parallel_loop3A_247 : i32 to vector<16xi32>
          %parallel_loop3A_300 = arith.addi %get3A_208, %parallel_loop3A_299 : vector<16xi32>
          %parallel_loop3A_301 = arith.constant 1 : i32
          %parallel_loop3A_302 = arith.constant 0 : i32
          %parallel_loop3A_303 = arith.constant 0 : i32
          %parallel_loop3A_304 = tpu.memref_slice %arg8[%parallel_loop3A_301, %parallel_loop3A_302, %parallel_loop3A_303] : memref<2x128x128xf32, #tpu.memory_space<vmem>> -> memref<1x128x128xf32, #tpu.memory_space<vmem>>
          %parallel_loop3A_305 = tpu.memref_squeeze %parallel_loop3A_304 : memref<1x128x128xf32, #tpu.memory_space<vmem>> -> memref<128x128xf32, #tpu.memory_space<vmem>>
          %parallel_loop3A_306 = tpu.vector_load_idx %parallel_loop3A_305[%parallel_loop3A_298, %parallel_loop3A_300] : memref<128x128xf32, #tpu.memory_space<vmem>>[vector<16xi32>, vector<16xi32>], vector<16xf32>,
          %parallel_loop3A_307 = arith.constant 1 : i32
          %parallel_loop3A_308 = arith.index_cast %parallel_loop3A_307 : i32 to index
          %parallel_loop3A_309 = arith.index_cast %parallel_loop3A_247 : i32 to index
          %parallel_loop3A_310 = arith.constant 48 : index
          %parallel_loop3A_311 = tpu.vector_load %arg9[%parallel_loop3A_308, %parallel_loop3A_309, %parallel_loop3A_310] {strides = array<i32>} : memref<2x32x128xf32, #tpu.memory_space<vmem>>, vector<16xf32>,
          tpu.vector_store %arg9[%parallel_loop3A_308, %parallel_loop3A_309, %parallel_loop3A_310], %parallel_loop3A_306 {strides = array<i32>} : memref<2x32x128xf32, #tpu.memory_space<vmem>>, vector<16xf32>,
          %parallel_loop3A_312 = arith.constant 64 : i32
          %parallel_loop3A_313 = vector.broadcast %parallel_loop3A_312 : i32 to vector<16xi32>
          %parallel_loop3A_314 = arith.addi %iota3A, %parallel_loop3A_313 : vector<16xi32>
          %parallel_loop3A_315 = vector.broadcast %parallel_loop3A_247 : i32 to vector<16xi32>
          %parallel_loop3A_316 = arith.addi %get3A_212, %parallel_loop3A_315 : vector<16xi32>
          %parallel_loop3A_317 = arith.constant 1 : i32
          %parallel_loop3A_318 = arith.constant 0 : i32
          %parallel_loop3A_319 = arith.constant 0 : i32
          %parallel_loop3A_320 = tpu.memref_slice %arg8[%parallel_loop3A_317, %parallel_loop3A_318, %parallel_loop3A_319] : memref<2x128x128xf32, #tpu.memory_space<vmem>> -> memref<1x128x128xf32, #tpu.memory_space<vmem>>
          %parallel_loop3A_321 = tpu.memref_squeeze %parallel_loop3A_320 : memref<1x128x128xf32, #tpu.memory_space<vmem>> -> memref<128x128xf32, #tpu.memory_space<vmem>>
          %parallel_loop3A_322 = tpu.vector_load_idx %parallel_loop3A_321[%parallel_loop3A_314, %parallel_loop3A_316] : memref<128x128xf32, #tpu.memory_space<vmem>>[vector<16xi32>, vector<16xi32>], vector<16xf32>,
          %parallel_loop3A_323 = arith.constant 1 : i32
          %parallel_loop3A_324 = arith.index_cast %parallel_loop3A_323 : i32 to index
          %parallel_loop3A_325 = arith.index_cast %parallel_loop3A_247 : i32 to index
          %parallel_loop3A_326 = arith.constant 64 : index
          %parallel_loop3A_327 = tpu.vector_load %arg9[%parallel_loop3A_324, %parallel_loop3A_325, %parallel_loop3A_326] {strides = array<i32>} : memref<2x32x128xf32, #tpu.memory_space<vmem>>, vector<16xf32>,
          tpu.vector_store %arg9[%parallel_loop3A_324, %parallel_loop3A_325, %parallel_loop3A_326], %parallel_loop3A_322 {strides = array<i32>} : memref<2x32x128xf32, #tpu.memory_space<vmem>>, vector<16xf32>,
          %parallel_loop3A_328 = arith.constant 80 : i32
          %parallel_loop3A_329 = vector.broadcast %parallel_loop3A_328 : i32 to vector<16xi32>
          %parallel_loop3A_330 = arith.addi %iota3A, %parallel_loop3A_329 : vector<16xi32>
          %parallel_loop3A_331 = vector.broadcast %parallel_loop3A_247 : i32 to vector<16xi32>
          %parallel_loop3A_332 = arith.addi %get3A_216, %parallel_loop3A_331 : vector<16xi32>
          %parallel_loop3A_333 = arith.constant 1 : i32
          %parallel_loop3A_334 = arith.constant 0 : i32
          %parallel_loop3A_335 = arith.constant 0 : i32
          %parallel_loop3A_336 = tpu.memref_slice %arg8[%parallel_loop3A_333, %parallel_loop3A_334, %parallel_loop3A_335] : memref<2x128x128xf32, #tpu.memory_space<vmem>> -> memref<1x128x128xf32, #tpu.memory_space<vmem>>
          %parallel_loop3A_337 = tpu.memref_squeeze %parallel_loop3A_336 : memref<1x128x128xf32, #tpu.memory_space<vmem>> -> memref<128x128xf32, #tpu.memory_space<vmem>>
          %parallel_loop3A_338 = tpu.vector_load_idx %parallel_loop3A_337[%parallel_loop3A_330, %parallel_loop3A_332] : memref<128x128xf32, #tpu.memory_space<vmem>>[vector<16xi32>, vector<16xi32>], vector<16xf32>,
          %parallel_loop3A_339 = arith.constant 1 : i32
          %parallel_loop3A_340 = arith.index_cast %parallel_loop3A_339 : i32 to index
          %parallel_loop3A_341 = arith.index_cast %parallel_loop3A_247 : i32 to index
          %parallel_loop3A_342 = arith.constant 80 : index
          %parallel_loop3A_343 = tpu.vector_load %arg9[%parallel_loop3A_340, %parallel_loop3A_341, %parallel_loop3A_342] {strides = array<i32>} : memref<2x32x128xf32, #tpu.memory_space<vmem>>, vector<16xf32>,
          tpu.vector_store %arg9[%parallel_loop3A_340, %parallel_loop3A_341, %parallel_loop3A_342], %parallel_loop3A_338 {strides = array<i32>} : memref<2x32x128xf32, #tpu.memory_space<vmem>>, vector<16xf32>,
          %parallel_loop3A_344 = arith.constant 96 : i32
          %parallel_loop3A_345 = vector.broadcast %parallel_loop3A_344 : i32 to vector<16xi32>
          %parallel_loop3A_346 = arith.addi %iota3A, %parallel_loop3A_345 : vector<16xi32>
          %parallel_loop3A_347 = vector.broadcast %parallel_loop3A_247 : i32 to vector<16xi32>
          %parallel_loop3A_348 = arith.addi %get3A_220, %parallel_loop3A_347 : vector<16xi32>
          %parallel_loop3A_349 = arith.constant 1 : i32
          %parallel_loop3A_350 = arith.constant 0 : i32
          %parallel_loop3A_351 = arith.constant 0 : i32
          %parallel_loop3A_352 = tpu.memref_slice %arg8[%parallel_loop3A_349, %parallel_loop3A_350, %parallel_loop3A_351] : memref<2x128x128xf32, #tpu.memory_space<vmem>> -> memref<1x128x128xf32, #tpu.memory_space<vmem>>
          %parallel_loop3A_353 = tpu.memref_squeeze %parallel_loop3A_352 : memref<1x128x128xf32, #tpu.memory_space<vmem>> -> memref<128x128xf32, #tpu.memory_space<vmem>>
          %parallel_loop3A_354 = tpu.vector_load_idx %parallel_loop3A_353[%parallel_loop3A_346, %parallel_loop3A_348] : memref<128x128xf32, #tpu.memory_space<vmem>>[vector<16xi32>, vector<16xi32>], vector<16xf32>,
          %parallel_loop3A_355 = arith.constant 1 : i32
          %parallel_loop3A_356 = arith.index_cast %parallel_loop3A_355 : i32 to index
          %parallel_loop3A_357 = arith.index_cast %parallel_loop3A_247 : i32 to index
          %parallel_loop3A_358 = arith.constant 96 : index
          %parallel_loop3A_359 = tpu.vector_load %arg9[%parallel_loop3A_356, %parallel_loop3A_357, %parallel_loop3A_358] {strides = array<i32>} : memref<2x32x128xf32, #tpu.memory_space<vmem>>, vector<16xf32>,
          tpu.vector_store %arg9[%parallel_loop3A_356, %parallel_loop3A_357, %parallel_loop3A_358], %parallel_loop3A_354 {strides = array<i32>} : memref<2x32x128xf32, #tpu.memory_space<vmem>>, vector<16xf32>,
          %parallel_loop3A_360 = arith.constant 112 : i32
          %parallel_loop3A_361 = vector.broadcast %parallel_loop3A_360 : i32 to vector<16xi32>
          %parallel_loop3A_362 = arith.addi %iota3A, %parallel_loop3A_361 : vector<16xi32>
          %parallel_loop3A_363 = vector.broadcast %parallel_loop3A_247 : i32 to vector<16xi32>
          %parallel_loop3A_364 = arith.addi %get3A_224, %parallel_loop3A_363 : vector<16xi32>
          %parallel_loop3A_365 = arith.constant 1 : i32
          %parallel_loop3A_366 = arith.constant 0 : i32
          %parallel_loop3A_367 = arith.constant 0 : i32
          %parallel_loop3A_368 = tpu.memref_slice %arg8[%parallel_loop3A_365, %parallel_loop3A_366, %parallel_loop3A_367] : memref<2x128x128xf32, #tpu.memory_space<vmem>> -> memref<1x128x128xf32, #tpu.memory_space<vmem>>
          %parallel_loop3A_369 = tpu.memref_squeeze %parallel_loop3A_368 : memref<1x128x128xf32, #tpu.memory_space<vmem>> -> memref<128x128xf32, #tpu.memory_space<vmem>>
          %parallel_loop3A_370 = tpu.vector_load_idx %parallel_loop3A_369[%parallel_loop3A_362, %parallel_loop3A_364] : memref<128x128xf32, #tpu.memory_space<vmem>>[vector<16xi32>, vector<16xi32>], vector<16xf32>,
          %parallel_loop3A_371 = arith.constant 1 : i32
          %parallel_loop3A_372 = arith.index_cast %parallel_loop3A_371 : i32 to index
          %parallel_loop3A_373 = arith.index_cast %parallel_loop3A_247 : i32 to index
          %parallel_loop3A_374 = arith.constant 112 : index
          %parallel_loop3A_375 = tpu.vector_load %arg9[%parallel_loop3A_372, %parallel_loop3A_373, %parallel_loop3A_374] {strides = array<i32>} : memref<2x32x128xf32, #tpu.memory_space<vmem>>, vector<16xf32>,
          tpu.vector_store %arg9[%parallel_loop3A_372, %parallel_loop3A_373, %parallel_loop3A_374], %parallel_loop3A_370 {strides = array<i32>} : memref<2x32x128xf32, #tpu.memory_space<vmem>>, vector<16xf32>,
        } {sc.loop_unroll_factor = 2 : i64, sc.parallel_access}
        %add3A_228 = arith.constant 1 : i32
        %add3A_229 = arith.addi %mul3A_78, %add3A_228 : i32
        %mul3A_230 = arith.constant 128 : i32
        %mul3A_231 = arith.muli %add3A_44, %mul3A_230 : i32
        %dma_start3A_232 = arith.constant 1 : i32
        %dma_start3A_233 = arith.constant 0 : i32
        %dma_start3A_234 = arith.constant 0 : i32
        %dma_start3A_235 = tpu.memref_slice %arg9[%dma_start3A_232, %dma_start3A_233, %dma_start3A_234] : memref<2x32x128xf32, #tpu.memory_space<vmem>> -> memref<1x32x128xf32, #tpu.memory_space<vmem>>
        %dma_start3A_236 = tpu.memref_squeeze %dma_start3A_235 : memref<1x32x128xf32, #tpu.memory_space<vmem>> -> memref<32x128xf32, #tpu.memory_space<vmem>>
        %dma_start3A_237 = arith.constant 0 : i32
        %dma_start3A_238 = tpu.memref_slice %arg4[%add3A_229, %dma_start3A_237, %mul3A_231] : memref<50x32x16384xf32, #tpu.memory_space<hbm>> -> memref<1x32x128xf32, #tpu.memory_space<hbm>>
        %dma_start3A_239 = tpu.memref_squeeze %dma_start3A_238 : memref<1x32x128xf32, #tpu.memory_space<hbm>> -> memref<32x128xf32, #tpu.memory_space<hbm>>
        %dma_start3A_240 = arith.constant 0 : i32
        %dma_start3A_241 = tpu.memref_slice %arg4[%add3A_229, %dma_start3A_240, %mul3A_231] : memref<50x32x16384xf32, #tpu.memory_space<hbm>> -> memref<1x32x128xf32, #tpu.memory_space<hbm>>
        %dma_start3A_242 = tpu.memref_squeeze %dma_start3A_241 : memref<1x32x128xf32, #tpu.memory_space<hbm>> -> memref<32x128xf32, #tpu.memory_space<hbm>>
        %dma_start3A_243 = arith.constant 0 : i32
        %dma_start3A_244 = arith.constant 0 : i32
        %dma_start3A_245 = tpu.memref_slice %arg9[%dma_start3A_232, %dma_start3A_243, %dma_start3A_244] : memref<2x32x128xf32, #tpu.memory_space<vmem>> -> memref<1x32x128xf32, #tpu.memory_space<vmem>>
        %dma_start3A_246 = tpu.memref_squeeze %dma_start3A_245 : memref<1x32x128xf32, #tpu.memory_space<vmem>> -> memref<32x128xf32, #tpu.memory_space<vmem>>
        tpu.enqueue_dma source(%dma_start3A_246 : memref<32x128xf32, #tpu.memory_space<vmem>>) target(%dma_start3A_242 : memref<32x128xf32, #tpu.memory_space<hbm>>) target_semaphore(%arg14 : memref<!tpu.dma_semaphore, #tpu.memory_space<semaphore_mem>>)
      }
      %scan3A_75 = arith.constant 25 : i32
    }
    %scan3A_5 = arith.constant 4 : i32
    %dma_wait3A = arith.constant 0 : i32
    %dma_wait3A_6 = arith.constant 0 : i32
    %dma_wait3A_7 = arith.constant 0 : i32
    %dma_wait3A_8 = arith.constant 0 : i32
    %dma_wait3A_9 = tpu.memref_slice %arg9[%dma_wait3A, %dma_wait3A_7, %dma_wait3A_8] : memref<2x32x128xf32, #tpu.memory_space<vmem>> -> memref<1x32x128xf32, #tpu.memory_space<vmem>>
    %dma_wait3A_10 = tpu.memref_squeeze %dma_wait3A_9 : memref<1x32x128xf32, #tpu.memory_space<vmem>> -> memref<32x128xf32, #tpu.memory_space<vmem>>
    %dma_wait3A_11 = arith.constant 0 : i32
    %dma_wait3A_12 = arith.constant 0 : i32
    %dma_wait3A_13 = tpu.memref_slice %arg4[%dma_wait3A_6, %dma_wait3A_11, %dma_wait3A_12] : memref<50x32x16384xf32, #tpu.memory_space<hbm>> -> memref<1x32x128xf32, #tpu.memory_space<hbm>>
    %dma_wait3A_14 = tpu.memref_squeeze %dma_wait3A_13 : memref<1x32x128xf32, #tpu.memory_space<hbm>> -> memref<32x128xf32, #tpu.memory_space<hbm>>
    %dma_wait3A_15 = arith.constant 0 : i32
    %dma_wait3A_16 = arith.constant 0 : i32
    %dma_wait3A_17 = tpu.memref_slice %arg4[%dma_wait3A_6, %dma_wait3A_15, %dma_wait3A_16] : memref<50x32x16384xf32, #tpu.memory_space<hbm>> -> memref<1x32x128xf32, #tpu.memory_space<hbm>>
    %dma_wait3A_18 = tpu.memref_squeeze %dma_wait3A_17 : memref<1x32x128xf32, #tpu.memory_space<hbm>> -> memref<32x128xf32, #tpu.memory_space<hbm>>
    %dma_wait3A_19 = arith.constant 0 : i32
    %dma_wait3A_20 = arith.constant 0 : i32
    %dma_wait3A_21 = tpu.memref_slice %arg9[%dma_wait3A, %dma_wait3A_19, %dma_wait3A_20] : memref<2x32x128xf32, #tpu.memory_space<vmem>> -> memref<1x32x128xf32, #tpu.memory_space<vmem>>
    %dma_wait3A_22 = tpu.memref_squeeze %dma_wait3A_21 : memref<1x32x128xf32, #tpu.memory_space<vmem>> -> memref<32x128xf32, #tpu.memory_space<vmem>>
    tpu.wait_dma2 semaphore(%arg13 : memref<!tpu.dma_semaphore, #tpu.memory_space<semaphore_mem>>) src(%dma_wait3A_22 : memref<32x128xf32, #tpu.memory_space<vmem>>) dst(%dma_wait3A_18 : memref<32x128xf32, #tpu.memory_space<hbm>>)
    %dma_wait3A_23 = arith.constant 1 : i32
    %dma_wait3A_24 = arith.constant 0 : i32
    %dma_wait3A_25 = arith.constant 0 : i32
    %dma_wait3A_26 = arith.constant 0 : i32
    %dma_wait3A_27 = tpu.memref_slice %arg9[%dma_wait3A_23, %dma_wait3A_25, %dma_wait3A_26] : memref<2x32x128xf32, #tpu.memory_space<vmem>> -> memref<1x32x128xf32, #tpu.memory_space<vmem>>
    %dma_wait3A_28 = tpu.memref_squeeze %dma_wait3A_27 : memref<1x32x128xf32, #tpu.memory_space<vmem>> -> memref<32x128xf32, #tpu.memory_space<vmem>>
    %dma_wait3A_29 = arith.constant 0 : i32
    %dma_wait3A_30 = arith.constant 0 : i32
    %dma_wait3A_31 = tpu.memref_slice %arg4[%dma_wait3A_24, %dma_wait3A_29, %dma_wait3A_30] : memref<50x32x16384xf32, #tpu.memory_space<hbm>> -> memref<1x32x128xf32, #tpu.memory_space<hbm>>
    %dma_wait3A_32 = tpu.memref_squeeze %dma_wait3A_31 : memref<1x32x128xf32, #tpu.memory_space<hbm>> -> memref<32x128xf32, #tpu.memory_space<hbm>>
    %dma_wait3A_33 = arith.constant 0 : i32
    %dma_wait3A_34 = arith.constant 0 : i32
    %dma_wait3A_35 = tpu.memref_slice %arg4[%dma_wait3A_24, %dma_wait3A_33, %dma_wait3A_34] : memref<50x32x16384xf32, #tpu.memory_space<hbm>> -> memref<1x32x128xf32, #tpu.memory_space<hbm>>
    %dma_wait3A_36 = tpu.memref_squeeze %dma_wait3A_35 : memref<1x32x128xf32, #tpu.memory_space<hbm>> -> memref<32x128xf32, #tpu.memory_space<hbm>>
    %dma_wait3A_37 = arith.constant 0 : i32
    %dma_wait3A_38 = arith.constant 0 : i32
    %dma_wait3A_39 = tpu.memref_slice %arg9[%dma_wait3A_23, %dma_wait3A_37, %dma_wait3A_38] : memref<2x32x128xf32, #tpu.memory_space<vmem>> -> memref<1x32x128xf32, #tpu.memory_space<vmem>>
    %dma_wait3A_40 = tpu.memref_squeeze %dma_wait3A_39 : memref<1x32x128xf32, #tpu.memory_space<vmem>> -> memref<32x128xf32, #tpu.memory_space<vmem>>
    tpu.wait_dma2 semaphore(%arg14 : memref<!tpu.dma_semaphore, #tpu.memory_space<semaphore_mem>>) src(%dma_wait3A_40 : memref<32x128xf32, #tpu.memory_space<vmem>>) dst(%dma_wait3A_36 : memref<32x128xf32, #tpu.memory_space<hbm>>)
    return
  }
}

</mosaic_0001>

<sc_bundles>
// kernel: kernel.4.cloned.1.call-start
scs
__scs_entry_jumppad:
0x0: {  	(pc) =	sbr.rel $0x88, $3  }
0x1: {  	(tag) =	ssettag $0x0;
	lr =	simm.s32 $0x1  }
0x2: {  	[smem:$0x3F9F] =	sst lr;
	_ =	strace $0xD0000000  }
0x3: {  	_ = 	snop  }
0x4: {  	_ = 	snop  }
0x5: {  	_ = 	snop  }
0x6: {  	_ = 	snop  }
0x7: {  	_ = 	snop  }
__scs_overlays_trampoline_lowered:
0x8: {  	[smem:$0x3FAE] =	sst s0  }
0x9: {  	[smem:$0x3FAF] =	sst s1  }
0xa: {  	[smem:$0x3FB0] =	sst s2  }
0xb: {  	[smem:$0x3FB1] =	sst s3  }
0xc: {  	[smem:$0x3FB2] =	sst s4  }
0xd: {  	[smem:$0x3FB3] =	sst s5  }
0xe: {  	[smem:$0x3FB4] =	sst s6  }
0xf: {  	[smem:$0x3FB5] =	sst s7  }
0x10: {  	[smem:$0x3FB6] =	sst s8  }
0x11: {  	[smem:$0x3FB7] =	sst s9;
	s0 =	simm.s32 @!p0 $0x0  }
0x12: {  	s1 =	sld [smem:$0x3F9D];
	s0 =	simm.s32 @p0 $0x1  }
0x13: {  	[smem:$0x3FB8] =	sst s0;
	s0 =	simm.s32 @!p1 $0x0  }
0x14: {  	s2 =	sld [smem:$0x3F9C];
	s0 =	simm.s32 @p1 $0x1  }
0x15: {  	[smem:$0x3FB9] =	sst s0;
	s0 =	simm.s32 @!p2 $0x0  }
0x16: {  	s3 =	sld [smem:$0x3FDB];
	s0 =	simm.s32 @p2 $0x1  }
0x17: {  	s4 =	simm.s32 $0x1BF5;
	[smem:$0x3FBB] =	sst s0  }
0x18: {  	s0 =	sld [smem:$0x3F9E];
	_ =	swait.ge [sflag:s4], $0x0  }
0x19: {  	s7 =	sld [smem:$0x3F9F]  }
0x1a: {  	s8 =	sadd.s32 $0xFFFFE003, lr  }
0x1b: {  	s9 =	sadd.s32 $0xFFFFFEF7, lr;
	s5 =	simm.s32 $0xFFFFFFFF;
	p2 =	slt.u32 s8, $0xFFFFF086  }
0x1c: {  	p1 =	slt.u32 s9, $0xF7A;
	s5 =	simm.s32 @!p2 $0x0  }
0x1d: {  	s5 =	simm.s32 @p1 $0x1;
	p0 =	seq.s32 s7, s2  }
0x1e: {  	s7 =	smul.u32 @!p0 $0xF7A, s2;
	p2 =	seq.s32 @!p0 s5, $0x0  }
0x1f: {  	s9 =	smul.u32 $0xF7A, s1;
	s8 =	simm.s32 @!p0 $0x1BF5;
	p2 =	por !p2, p0  }
0x20: {  	[sflag:s8] =	ssyncset.s32 @!p0 $0xFFFFF086;
	s6 =	sadd.s32 @!p0 s3, s7;
	s7 =	simm.s32 @!p0 $0x108  }
0x21: {  	s3 =	sadd.s32 s3, s9;
	s6 =	sadd.s32 @!p0 $0x88, s6;
	s7 =	simm.s32 @p2 $0x1082  }
0x22: {  	[simem:s7], [sflag:s8] =	dma.local @!p0 [hbm:s6], $0xF7A  }
0x23: {  	s9 =	sor.u32 $0xD0000000, s2;
	s6 =	simm.s32 $0x108;
	_ =	swait.ge @!p0 [sflag:s8], $0x0  }
0x24: {  	s3 =	sadd.s32 $0x88, s3;
	s6 =	simm.s32 @!p1 $0x1082;
	[sflag:s4] =	ssyncset.s32 $0xFFFFF086  }
0x25: {  	[simem:s6], [sflag:s4] =	dma.local [hbm:s3], $0xF7A  }
0x26: {  	[smem:$0x3F9F] =	sst s1;
	(tag) =	ssettag s2;
	_ =	strace s9  }
0x27: {  	s1 =	sld [smem:$0x3FAF]  }
0x28: {  	s2 =	sld [smem:$0x3FB0]  }
0x29: {  	s4 =	sld [smem:$0x3FB2]  }
0x2a: {  	p0 =	seq.s32 s5, $0x0;
	s5 =	sld [smem:$0x3FB3]  }
0x2b: {  	s6 =	sld [smem:$0x3FB4]  }
0x2c: {  	s7 =	sld [smem:$0x3FB5]  }
0x2d: {  	s3 =	simm.s32 $0x108;
	s8 =	sld [smem:$0x3FB6]  }
0x2e: {  	s3 =	simm.s32 @!p0 $0x1082;
	s9 =	sld [smem:$0x3FB7]  }
0x2f: {  	lr =	sadd.s32 s0, s3;
	s0 =	sld [smem:$0x3FAE]  }
0x30: {  	s3 =	sld [smem:$0x3FB1]  }
0x31: {  	[smem:$0x3FBA] =	sst s10  }
0x32: {  	s10 =	sld [smem:$0x3FB8];
	_ =	sdelay $0x3  }
0x33: {  	p0 =	seq.s32 s10, $0x1;
	s10 =	sld [smem:$0x3FBA];
	_ =	sdelay $0x3  }
0x34: {  	[smem:$0x3FBA] =	sst s10  }
0x35: {  	s10 =	sld [smem:$0x3FB9];
	_ =	sdelay $0x3  }
0x36: {  	p1 =	seq.s32 s10, $0x1;
	s10 =	sld [smem:$0x3FBA];
	_ =	sdelay $0x3  }
0x37: {  	[smem:$0x3FBA] =	sst s10  }
0x38: {  	s10 =	sld [smem:$0x3FBB]  }
0x39: {  	_ = 	snop;
	(pc) =	sbr.ind lr, $3  }
0x3a: {  	_ = 	snop  }
0x3b: {  	_ = 	snop  }
0x3c: {  	p2 =	seq.s32 s10, $0x1;
	s10 =	sld [smem:$0x3FBA]  }
0x3d: {  	_ =	shalt  }
0x3e: {  	_ =	shalt  }
0x3f: {  	_ =	shalt  }
0x40: {  	_ =	shalt  }
0x41: {  	_ =	shalt  }
0x42: {  	_ =	shalt  }
0x43: {  	_ =	shalt  }
0x44: {  	_ =	shalt  }
0x45: {  	_ =	shalt  }
0x46: {  	_ =	shalt  }
0x47: {  	_ =	shalt  }
0x48: {  	_ =	shalt  }
0x49: {  	_ =	shalt  }
0x4a: {  	_ =	shalt  }
0x4b: {  	_ =	shalt  }
0x4c: {  	_ =	shalt  }
0x4d: {  	_ =	shalt  }
0x4e: {  	_ =	shalt  }
0x4f: {  	_ =	shalt  }
0x50: {  	_ =	shalt  }
0x51: {  	_ =	shalt  }
0x52: {  	_ =	shalt  }
0x53: {  	_ =	shalt  }
0x54: {  	_ =	shalt  }
0x55: {  	_ =	shalt  }
0x56: {  	_ =	shalt  }
0x57: {  	_ =	shalt  }
0x58: {  	_ =	shalt  }
0x59: {  	_ =	shalt  }
0x5a: {  	_ =	shalt  }
0x5b: {  	_ =	shalt  }
0x5c: {  	_ =	shalt  }
0x5d: {  	_ =	shalt  }
0x5e: {  	_ =	shalt  }
0x5f: {  	_ =	shalt  }
0x60: {  	_ =	shalt  }
0x61: {  	_ =	shalt  }
0x62: {  	_ =	shalt  }
0x63: {  	_ =	shalt  }
0x64: {  	_ =	shalt  }
0x65: {  	_ =	shalt  }
0x66: {  	_ =	shalt  }
0x67: {  	_ =	shalt  }
0x68: {  	_ =	shalt  }
0x69: {  	_ =	shalt  }
0x6a: {  	_ =	shalt  }
0x6b: {  	_ =	shalt  }
0x6c: {  	_ =	shalt  }
0x6d: {  	_ =	shalt  }
0x6e: {  	_ =	shalt  }
0x6f: {  	_ =	shalt  }
0x70: {  	_ =	shalt  }
0x71: {  	_ =	shalt  }
0x72: {  	_ =	shalt  }
0x73: {  	_ =	shalt  }
0x74: {  	_ =	shalt  }
0x75: {  	_ =	shalt  }
0x76: {  	_ =	shalt  }
0x77: {  	_ =	shalt  }
0x78: {  	_ =	shalt  }
0x79: {  	_ =	shalt  }
0x7a: {  	_ =	shalt  }
0x7b: {  	_ =	shalt  }
0x7c: {  	_ =	shalt  }
0x7d: {  	_ =	shalt  }
0x7e: {  	_ =	shalt  }
0x7f: {  	_ =	shalt  }
0x80: {  	_ =	shalt  }
0x81: {  	_ =	shalt  }
0x82: {  	_ =	shalt  }
0x83: {  	_ =	shalt  }
0x84: {  	_ =	shalt  }
0x85: {  	_ =	shalt  }
0x86: {  	_ =	shalt  }
0x87: {  	_ =	shalt  }
.Lfunc_end0:
.L_simem_size_0:
called_computation_lowered:
.L_overlay_start_0:
0x88: {  	s2 =	sld [smem:$0x3FD9]  }
0x89: {  	s3 =	sld [smem:$0x3FFE];
	_ =	sdelay $0x1  }
0x8a: {  	s1 =	srdreg.scid  }
0x8b: {  	s0 =	sand.u32 $0x1, s1  }
0x8c: {  	s17 =	sshll.u32 s0, $0xA;
	s2 =	sadd.s32 s3, s2  }
0x8d: {  	s2 =	sadd.s32 s2, s17  }
0x8e: {  	[smem:$0x3FC6] =	sst s2  }
0x8f: {  	_ = 	snop  }
0x90: {  	s2 =	sld [smem:$0x3FC8]  }
0x91: {  	s18 =	sld [smem:$0x3FD0];
	(tm) =	ssettm $0x1  }
0x92: {  	s4 =	sld [smem:$0x3FFB];
	_ =	sdelay $0x3  }
0x93: {  	_ =	strace s4  }
0x94: {  	s4 =	sld [smem:$0x3FFC];
	_ =	sdelay $0x3  }
0x95: {  	_ =	strace s4  }
0x96: {  	s4 =	sld [smem:$0x3FFD];
	_ =	sdelay $0x3  }
0x97: {  	_ =	strace s4  }
0x98: {  	_ =	strace $0x8FFFFFFF  }
0x99: {  	s19 =	sld [smem:$0x3FDB];
	_ =	sdelay $0x1  }
0x9a: {  	s5 =	simm.s32 $_scs_section_size  }
0x9b: {  	s6 =	simm.s32 $_size__tile_overlayer_lowered;
	s7 =	simm.s32 $_tile_overlayer_lowered  }
0x9c: {  	s22 =	simm.s32 $0x1BFF;
	s21 =	sshll.u32 s7, $0x1;
	s4 =	sadd.s32 s5, s19  }
0x9d: {  	s8 =	simm.s32 $0x0;
	s20 =	sshll.u32 s6, $0x1;
	s6 =	sadd.s32 s21, s4  }
0x9e: {  	[timem:s8], [sflag:s22] =	dma.local [hbm:s6], s20  }
0x9f: {  	_ =	swait.ge [sflag:s22], s20  }
0xa0: {  	s5 =	ssub.s32 $0x0, s20;
	[sflag:s22] =	ssyncset.done $0x0  }
0xa1: {  	[sflag:s22] =	ssyncadd.s32 s5;
	_ =	sdelay $0x1  }
0xa2: {  	s23 =	simm.s32 $0x1B8B  }
0xa3: {  	_ =	swait.ge [sflag:s23], $0x1  }
0xa4: {  	[sflag:s23] =	ssyncset.done $0x0  }
0xa5: {  	s25 =	simm.s32 $0x1B8E;
	s24 =	sld [smem:$0x3FFE];
	[sflag:s23] =	ssyncadd.s32 $0xFFFFFFFF  }
0xa6: {  	s26 =	simm.s32 $execute0_lowered;
	[smem:$0x3FD2] =	sst s25  }
0xa7: {  	s6 =	sshll.u32 s26, $0x1;
	_ =	strace $0x80000046;
	[dreg:$0x1] =	wrdreg $0xFFFFFFFF  }
0xa8: {  	s28 =	simm.s32 $_size_execute0_lowered;
	s4 =	sadd.s32 s4, s6;
	[dreg:$0x0] =	wrdreg $0x0  }
0xa9: {  	s6 =	sshll.u32 s28, $0x1;
	[dreg:$0x2] =	wrdreg s4  }
0xaa: {  	[dreg:$0x3] =	wrdreg s6  }
0xab: {  	[dreg:$0x4] =	wrdreg $0xC0  }
0xac: {  	_ =	task [dreg:s8], $0x5FFFF  }
0xad: {  	[dreg:$0x1] =	wrdreg $0xFFFFFFFF  }
0xae: {  	[dreg:$0x0] =	wrdreg $0x60  }
0xaf: {  	[dreg:$0x2] =	wrdreg s2  }
0xb0: {  	[dreg:$0x3] =	wrdreg s18  }
0xb1: {  	[dreg:$0x4] =	wrdreg s24  }
0xb2: {  	[dreg:$0x5] =	wrdreg $0x9  }
0xb3: {  	_ =	task.clear_ibuf [dreg:s8], $0x6FFFF;
	_ =	strace $0x90000046  }
0xb4: {  	s29 =	simm.s32 $0x9;
	_ =	strace $0x80000048  }
0xb5: {  	_ =	swait.ge [sflag:s29], $0x1  }
0xb6: {  	[sflag:s29] =	ssyncadd.s32 $0xFFFFFFFF  }
0xb7: {  	_ =	strace $0x90000048  }
0xb8: {  	_ =	sfence  }
0xb9: {  	s30 =	sld [smem:$0x0];
	_ =	sdelay $0x2  }
0xba: {  	s31 =	sshll.u32 s1, $0xD;
	s1 =	sshrl.u32 s1, $0x2  }
0xbb: {  	s3 =	sand.u32 $0x4000, s31;
	s1 =	sadd.s32 s1, s30  }
0xbc: {  	s0 =	sor.u32 s3, s0;
	s1 =	sshll.u32 s1, $0x11  }
0xbd: {  	s0 =	sor.u32 s1, s0  }
0xbe: {  	s0 =	sadd.s32 $0x8F2B, s0  }
0xbf: {  	[sflag:s0] =	ssyncadd.remote.s32 $0x1  }
0xc0: {  	_ =	sfence.sel $0xFFFF  }
0xc1: {  	[dreg:$0x0] =	wrdreg $0xFFFFFFFF;
	(pc) =	sbr.abs _section_cstart, $3  }
0xc2: {  	[dreg:$0x1] =	wrdreg $0xFFFFFFFF  }
0xc3: {  	_ =	task.clear_ibuf [dreg:s8], $0x2FFFF;
	_ =	strace $0x9FFFFFFF  }
0xc4: {  	(tm) =	ssettm $0x7FFFFFFF  }
0xc5: {  	_ =	shalt  }
tec
execute0_lowered:
.L_overlay_start_1:
0x0: {  	(tag) =	ssettag $0x1  }
0x1: {  	s1 =	rddreg [dreg:$0x0]  }
0x2: {  	s0 =	rddreg [dreg:$0x2]  }
0x3: {  	s2 =	srdreg.scid;
	s4 =	simm.s32 $0x0;
	s22 =	stileid.u32  }
0x4: {  	s14 =	simm.s32 $0x400;
	s15 =	simm.s32 $0x7A1400;
	s16 =	simm.s32 $0x1000  }
0x5: {  	s17 =	simm.s32 $0x1;
	s18 =	simm.s32 $0x2000;
	s19 =	simm.s32 $0x2  }
0x6: {  	s20 =	simm.s32 $0x4;
	s21 =	simm.s32 $0x3000;
	s23 =	simm.s32 $0x0  }
0x7: {  	s2 =	sand.u32 $0x1, s2;
	[smem:$0x7FF] =	sst s4;
	s5 =	sshll.u32 s22, $0x1  }
0x8: {  	p0 =	sgt.u32 s22, $0x1;
	s22 =	simm.s32 $0x3;
	s3 =	ssub.s32 $0x2, s2  }
0x9: {  	_ =	strace $0x80000047;
	s2 =	sor.u32 s2, s5;
	s5 =	sadd.s32 $0x800, s0  }
0xa: {  	s0 =	sadd.s32 $0x3D1000, s0;
	s6 =	sshrl.u32 s3, $0x1;
	s29 =	sshll.u32 s2, $0x7  }
0xb: {  	s7 =	sor.u32 $0x40, s2;
	s8 =	sor.u32 $0x1E80, s2;
	s9 =	sshll.u32 s2, $0x9  }
.Ltmp0:
0xc: {  	[dreg:$0x7] =	wrdreg s0;
	s13 =	sor.u32 $0x20, s2;
	(pc) =	sbr.rel .LBB2_1-.Ltmp0, $4  }
0xd: {  	v0 =	vlaneseq.u32;
	s3 =	ssub.s32 s3, s6;
	s6 =	sadd.s32 s1, s29;
	s10 =	sshll.u32 s8, $0x7  }
0xe: {  	v0 =	vmul.u32 $0x80, v0;
	s11 =	sshll.u32 s8, $0x9;
	[dreg:$0x4] =	wrdreg s6;
	s30 =	sadd.s32 s1, s10  }
0xf: {  	p1 =	sne.s32 s2, $0x4;
	s31 =	sadd.s32 s5, s11;
	[dreg:$0x5] =	wrdreg s30  }
0x10: {  	v1 =	vor.u32 $0x800, v0;
	s8 =	sadd.s32 s5, s9;
	s12 =	smax.u32 s3, $0x1;
	[dreg:$0x6] =	wrdreg s31  }
.LBB2_15:
0x11: {  	s0 =	stileid.u32  }
0x12: {  	s2 =	rddreg [dreg:$0x1];
	s23 =	sadd.s32 $0x1, s23;
	s0 =	sshll.u32 @!p1 s0, $0x6  }
0x13: {  	s3 =	rddreg [dreg:$0x7];
	p2 =	sne.s32 s23, s12;
	s0 =	sor.u32 @!p1 $0x1C03, s0  }
0x14: {  	[hbm:s3], [sflag:s0] =	dma.local @!p1 [hbm:s2], $0x100  }
.Ltmp1:
0x15: {  	_ = 	snop;
	(pc) =	sbr.rel @!p2 .LBB2_16-.Ltmp1, $4  }
0x16: {  	s0 =	simm.s32 @!p1 $0x3  }
0x17: {  	_ =	swait.ge @!p1 [sflag:s0], $0x100  }
0x18: {  	[sflag:s0] =	ssyncset.done @!p1 $0x0  }
0x19: {  	[sflag:s0] =	ssyncadd.s32 @!p1 $0xFFFFFF00  }
.LBB2_1:
0x1a: {  	s0 =	rddreg [dreg:$0x4];
	s24 =	simm.s32 $0x0  }
0x1b: {  	[tilespmem:s4], [sflag:$0x1] =	stream.strided.gather [hbm4b:s0+s14], $0x1000, s15, s14, $0x38;
	[tilespmem:$0x4000] =	vst v63  }
.LBB2_2:
0x1c: {  	s26 =	sshll.u32 s24, $0x6;
	s0 =	simm.s32 $0x0;
	s2 =	simm.s32 $0x8  }
0x1d: {  	s3 =	simm.s32 $0x4;
	s6 =	simm.s32 $0x1;
	s25 =	sor.u32 s13, s26  }
0x1e: {  	s9 =	simm.s32 $0x5;
	s10 =	simm.s32 $0x9;
	v2 =	vmov s0;
	v3 =	vmov s2;
	v4 =	vmov s3;
	s11 =	sshll.u32 s25, $0x7  }
0x1f: {  	v9 =	vmov s6;
	v11 =	vmov s9;
	v12 =	vmov s10;
	s0 =	sand.u32 $0x1FFFFF80, s11  }
0x20: {  	s3 =	simm.s32 $0xC;
	v2 =	vand.u32 $0x70, v2;
	v4 =	vand.u32 $0x74, v4;
	v3 =	vand.u32 $0x78, v3;
	s0 =	sadd.s32 s1, s0  }
0x21: {  	v5 =	vmov s3;
	v9 =	vand.u32 $0x71, v9;
	v2 =	vbroadcast v2, $0x0;
	[tilespmem:s16], [sflag:$0x2] =	stream.strided.gather [hbm4b:s0+s14], $0x1000, s15, s14, $0x38;
	[tilespmem:$0x4000] =	vst v63  }
0x22: {  	p2 =	seq.s32 s24, $0x0;
	v11 =	vand.u32 $0x75, v11;
	v12 =	vand.u32 $0x79, v12;
	v4 =	vbroadcast v4, $0x0;
	_ =	swait.ge [sflag:s17], $0x1000  }
0x23: {  	s2 =	simm.s32 @!p2 $0x3;
	s6 =	simm.s32 $0x18;
	v3 =	vbroadcast v3, $0x0;
	v5 =	vand.u32 $0x7C, v5;
	v6 =	vor.u32 v0, v2;
	[sflag:s17] =	ssyncset.done $0x0  }
0x24: {  	s9 =	simm.s32 $0x14;
	s10 =	simm.s32 $0x1C;
	v18 =	vmov s6;
	v5 =	vbroadcast v5, $0x0;
	v7 =	vor.u32 v0, v4;
	[sflag:s17] =	ssyncadd.s32 $0xFFFFF000  }
0x25: {  	v19 =	vmov s9;
	v21 =	vmov s10;
	v8 =	vor.u32 v0, v3;
	_ =	swait.ge @!p2 [sflag:s2], $0x1000  }
0x26: {  	s3 =	simm.s32 $0x10;
	v9 =	vbroadcast v9, $0x0;
	v11 =	vbroadcast v11, $0x0;
	v10 =	vor.u32 v0, v5;
	[sflag:s2] =	ssyncset.done @!p2 $0x0  }
0x27: {  	s11 =	simm.s32 $0xD;
	v12 =	vbroadcast v12, $0x0;
	v17 =	vmov s3;
	v19 =	vand.u32 $0x74, v19;
	[sflag:s2] =	ssyncadd.s32 @!p2 $0xFFFFF000  }
0x28: {  	v13 =	vmov s11;
	v17 =	vand.u32 $0x70, v17;
	v2 =	vor.u32 v1, v2;
	v6 =	vld.idx.msk [tilespmem:v6+s4+$0x0], $0xffff  }
0x29: {  	v4 =	vor.u32 v1, v4;
	v13 =	vand.u32 $0x7D, v13;
	v3 =	vor.u32 v1, v3;
	v7 =	vld.idx.msk [tilespmem:v7+s4+$0x0], $0xffff  }
0x2a: {  	v14 =	vor.u32 v0, v9;
	v15 =	vor.u32 v0, v11;
	v16 =	vor.u32 v0, v12;
	v8 =	vld.idx.msk [tilespmem:v8+s4+$0x0], $0xffff  }
0x2b: {  	v12 =	vor.u32 v1, v12;
	v22 =	vor.u32 v1, v11;
	v17 =	vbroadcast v17, $0x0;
	s2 =	simm.s32 $0xA;
	v10 =	vld.idx.msk [tilespmem:v10+s4+$0x0], $0xffff  }
0x2c: {  	s29 =	simm.s32 $0x2100;
	v5 =	vor.u32 v1, v5;
	v13 =	vbroadcast v13, $0x0;
	v11 =	vmov s2  }
0x2d: {  	v11 =	vand.u32 $0x7A, v11;
	[tilespmem:s29+$0xFFFFFF00] =	vst v6;
	v6 =	vand.u32 $0x78, v18;
	v18 =	vbroadcast v19, $0x0  }
0x2e: {  	v19 =	vand.u32 $0x7C, v21;
	v21 =	vbroadcast v11, $0x0;
	v11 =	vor.u32 v0, v17;
	[tilespmem:s29+$0xFFFFFF80] =	vst v7;
	v2 =	vld.idx.msk [tilespmem:v2+s4+$0x0], $0xffff  }
0x2f: {  	s11 =	simm.s32 $0x11;
	v27 =	vor.u32 v1, v17;
	v20 =	vor.u32 v0, v13;
	s2 =	simm.s32 $0x15;
	[tilespmem:s29+$0x0] =	vst v8;
	v4 =	vld.idx.msk [tilespmem:v4+s4+$0x0], $0xffff  }
0x30: {  	v13 =	vor.u32 v1, v13;
	v7 =	vmov s11;
	v17 =	vmov s2;
	[tilespmem:s29+$0x80] =	vst v10;
	v3 =	vld.idx.msk [tilespmem:v3+s4+$0x0], $0xffff  }
0x31: {  	s10 =	simm.s32 $0x6;
	v6 =	vbroadcast v6, $0x0;
	v19 =	vbroadcast v19, $0x0;
	v7 =	vand.u32 $0x71, v7;
	v31 =	vld.idx.msk [tilespmem:v5+s4+$0x0], $0xffff  }
0x32: {  	s3 =	simm.s32 $0x19;
	v5 =	vmov s10;
	v23 =	vor.u32 v0, v18;
	v26 =	vor.u32 v0, v21  }
0x33: {  	v28 =	vor.u32 v1, v18;
	v8 =	vbroadcast v7, $0x0;
	v18 =	vmov s3;
	v29 =	vld.idx.msk [tilespmem:v11+s4+$0x0], $0xffff;
	[tilespmem:s29+$0xFFFFFF10] =	vst v2  }
0x34: {  	s9 =	simm.s32 $0x2;
	v24 =	vor.u32 v0, v6;
	v25 =	vor.u32 v0, v19;
	v18 =	vand.u32 $0x79, v18;
	[tilespmem:s29+$0xFFFFFF90] =	vst v4;
	v14 =	vld.idx.msk [tilespmem:v14+s4+$0x0], $0xffff  }
0x35: {  	s6 =	simm.s32 $0x1D;
	v7 =	vor.u32 v1, v19;
	v10 =	vbroadcast v18, $0x0;
	v18 =	vmov s9;
	[tilespmem:s29+$0x10] =	vst v3;
	v15 =	vld.idx.msk [tilespmem:v15+s4+$0x0], $0xffff  }
0x36: {  	v2 =	vor.u32 v1, v9;
	v9 =	vand.u32 $0x75, v17;
	v4 =	vmov s6;
	[tilespmem:s29+$0x90] =	vst v31;
	v16 =	vld.idx.msk [tilespmem:v16+s4+$0x0], $0xffff  }
0x37: {  	s9 =	simm.s32 $0x24;
	v17 =	vor.u32 v1, v6;
	v6 =	vor.u32 v0, v8;
	v4 =	vand.u32 $0x7D, v4;
	v20 =	vld.idx.msk [tilespmem:v20+s4+$0x0], $0xffff  }
0x38: {  	v31 =	vmov s9;
	v9 =	vbroadcast v9, $0x0;
	v23 =	vld.idx.msk [tilespmem:v23+s4+$0x0], $0xffff;
	v30 =	vbroadcast v4, $0x0  }
0x39: {  	s28 =	simm.s32 $0x2300;
	v8 =	vor.u32 v1, v8;
	v11 =	vld.idx.msk [tilespmem:v24+s4+$0x0], $0xffff;
	v24 =	vor.u32 v1, v21;
	v4 =	vand.u32 $0x72, v18  }
0x3a: {  	v18 =	vor.u32 v0, v10;
	v19 =	vor.u32 v0, v9;
	[tilespmem:s28+$0xFFFFFF00] =	vst v29;
	v3 =	vor.u32 v0, v30  }
0x3b: {  	s11 =	simm.s32 $0xB;
	s2 =	simm.s32 $0x1A;
	v27 =	vld.idx.msk [tilespmem:v27+s4+$0x0], $0xffff;
	[tilespmem:s29+$0xFFFFFF20] =	vst v14;
	v14 =	vbroadcast v4, $0x0;
	v4 =	vand.u32 $0x76, v5;
	v5 =	vor.u32 v1, v9  }
0x3c: {  	s3 =	simm.s32 $0x20;
	[tilespmem:s29+$0xFFFFFFA0] =	vst v15;
	v15 =	vmov s2;
	v32 =	vld.idx.msk [tilespmem:v2+s4+$0x0], $0xffff;
	v29 =	vbroadcast v4, $0x0;
	v2 =	vmov s11  }
0x3d: {  	[tilespmem:s29+$0x20] =	vst v16;
	v4 =	vor.u32 v1, v10;
	v10 =	vld.idx.msk [tilespmem:v25+s4+$0x0], $0xffff;
	v25 =	vmov s3;
	v15 =	vand.u32 $0x7A, v15  }
0x3e: {  	[tilespmem:s29+$0xA0] =	vst v20;
	v12 =	vld.idx.msk [tilespmem:v12+s4+$0x0], $0xffff;
	s11 =	simm.s32 $0x2C;
	v33 =	vor.u32 v0, v14;
	v2 =	vand.u32 $0x7B, v2;
	v25 =	vand.u32 $0x70, v25  }
0x3f: {  	[tilespmem:s28+$0xFFFFFF80] =	vst v23;
	v22 =	vld.idx.msk [tilespmem:v22+s4+$0x0], $0xffff;
	v60 =	vmov s11;
	v35 =	vbroadcast v15, $0x0;
	v14 =	vor.u32 v1, v14  }
0x40: {  	s6 =	simm.s32 $0x28;
	v13 =	vld.idx.msk [tilespmem:v13+s4+$0x0], $0xffff;
	[tilespmem:s28+$0x0] =	vst v11;
	v9 =	vor.u32 v0, v29;
	v21 =	vbroadcast v2, $0x0;
	v2 =	vor.u32 v1, v30  }
0x41: {  	v17 =	vld.idx.msk [tilespmem:v17+s4+$0x0], $0xffff;
	v30 =	vmov s6;
	v16 =	vbroadcast v25, $0x0;
	v25 =	vand.u32 $0x74, v31;
	[tilespmem:s28+$0xFFFFFF10] =	vst v27  }
0x42: {  	v23 =	vor.u32 v1, v29;
	v27 =	vand.u32 $0x78, v30;
	v25 =	vbroadcast v25, $0x0;
	v30 =	vld.idx.msk [tilespmem:v6+s4+$0x0], $0xffff;
	[tilespmem:s29+$0xFFFFFF30] =	vst v32  }
0x43: {  	s10 =	simm.s32 $0xE;
	s2 =	simm.s32 $0x3;
	v34 =	vor.u32 v0, v21;
	v31 =	vor.u32 v0, v16;
	v27 =	vbroadcast v27, $0x0;
	[tilespmem:s29+$0x30] =	vst v12;
	v15 =	vld.idx.msk [tilespmem:v33+s4+$0x0], $0xffff  }
0x44: {  	v6 =	vmov s10;
	v38 =	vor.u32 v1, v16;
	v16 =	vmov s2;
	[tilespmem:s28+$0x80] =	vst v10;
	v26 =	vld.idx.msk [tilespmem:v26+s4+$0x0], $0xffff  }
0x45: {  	v21 =	vor.u32 v1, v21;
	[tilespmem:s29+$0xFFFFFFB0] =	vst v22;
	v6 =	vand.u32 $0x7E, v6;
	v22 =	vand.u32 $0x7C, v60;
	v44 =	vld.idx.msk [tilespmem:v7+s4+$0x0], $0xffff  }
0x46: {  	s9 =	simm.s32 $0x29;
	v36 =	vor.u32 v0, v25;
	v16 =	vand.u32 $0x73, v16;
	[tilespmem:s29+$0xB0] =	vst v13;
	v20 =	vbroadcast v6, $0x0;
	v62 =	vld.idx.msk [tilespmem:v9+s4+$0x0], $0xffff  }
0x47: {  	v13 =	vmov s9;
	v61 =	vor.u32 v0, v27;
	[tilespmem:s28+$0x10] =	vst v17;
	v9 =	vor.u32 v1, v25;
	v25 =	vld.idx.msk [tilespmem:v28+s4+$0x0], $0xffff  }
0x48: {  	s6 =	simm.s32 $0x25;
	v22 =	vbroadcast v22, $0x0;
	v39 =	vbroadcast v16, $0x0;
	v33 =	vld.idx.msk [tilespmem:v18+s4+$0x0], $0xffff;
	v29 =	vor.u32 v0, v20  }
0x49: {  	v13 =	vand.u32 $0x79, v13;
	v28 =	vor.u32 v1, v20;
	v20 =	vmov s6;
	v31 =	vld.idx.msk [tilespmem:v31+s4+$0x0], $0xffff;
	[tilespmem:s28+$0xFFFFFF20] =	vst v30  }
0x4a: {  	v6 =	vor.u32 v0, v35;
	v41 =	vbroadcast v13, $0x0;
	v16 =	vand.u32 $0x75, v20;
	v20 =	vld.idx.msk [tilespmem:v8+s4+$0x0], $0xffff  }
0x4b: {  	v37 =	vor.u32 v0, v22;
	v10 =	vor.u32 v1, v22;
	v40 =	vor.u32 v0, v39;
	s6 =	simm.s32 $0x12;
	v36 =	vld.idx.msk [tilespmem:v36+s4+$0x0], $0xffff  }
0x4c: {  	s3 =	simm.s32 $0x21;
	v13 =	vor.u32 v0, v41;
	v30 =	vmov s6;
	v17 =	vor.u32 v1, v41;
	[tilespmem:s29+$0xFFFFFF40] =	vst v15;
	v12 =	vld.idx.msk [tilespmem:v61+s4+$0x0], $0xffff  }
0x4d: {  	s10 =	simm.s32 $0xF;
	v8 =	vor.u32 v1, v35;
	v15 =	vmov s3;
	[tilespmem:s29+$0x40] =	vst v26;
	v26 =	vbroadcast v16, $0x0;
	v29 =	vld.idx.msk [tilespmem:v29+s4+$0x0], $0xffff  }
0x4e: {  	s11 =	simm.s32 $0x2D;
	v15 =	vand.u32 $0x71, v15;
	v63 =	vld.idx.msk [tilespmem:v14+s4+$0x0], $0xffff;
	v14 =	vor.u32 v1, v27;
	[tilespmem:s28+$0xFFFFFF90] =	vst v25;
	v25 =	vmov s10  }
0x4f: {  	s9 =	simm.s32 $0x7;
	[tilespmem:s28+$0x90] =	vst v44;
	v24 =	vld.idx.msk [tilespmem:v24+s4+$0x0], $0xffff;
	v27 =	vmov s11;
	v15 =	vbroadcast v15, $0x0;
	v11 =	vor.u32 v0, v26  }
0x50: {  	s0 =	simm.s32 $0x2500;
	[tilespmem:s29+$0xFFFFFFC0] =	vst v62;
	s10 =	simm.s32 $0x16;
	v42 =	vld.idx.msk [tilespmem:v19+s4+$0x0], $0xffff;
	v19 =	vmov s9;
	v25 =	vand.u32 $0x7F, v25;
	v27 =	vand.u32 $0x7D, v27  }
0x51: {  	v43 =	vld.idx.msk [tilespmem:v23+s4+$0x0], $0xffff;
	v7 =	vmov s10;
	[tilespmem:s0+$0xFFFFFF00] =	vst v31;
	v23 =	vand.u32 $0x77, v19;
	v19 =	vbroadcast v27, $0x0  }
0x52: {  	v22 =	vld.idx.msk [tilespmem:v37+s4+$0x0], $0xffff;
	v27 =	vand.u32 $0x72, v30;
	v32 =	vbroadcast v25, $0x0;
	v7 =	vand.u32 $0x76, v7;
	[tilespmem:s29+$0xC0] =	vst v29  }
0x53: {  	s11 =	simm.s32 $0x1B;
	v16 =	vor.u32 v0, v15;
	v45 =	vbroadcast v23, $0x0;
	[tilespmem:s28+$0xFFFFFF30] =	vst v20;
	v20 =	vbroadcast v27, $0x0;
	v35 =	vld.idx.msk [tilespmem:v28+s4+$0x0], $0xffff  }
0x54: {  	v31 =	vld.idx.msk [tilespmem:v38+s4+$0x0], $0xffff;
	v23 =	vbroadcast v7, $0x0;
	v7 =	vmov s11;
	v25 =	vor.u32 v0, v19;
	[tilespmem:s29+$0xFFFFFF50] =	vst v63  }
0x55: {  	v37 =	vor.u32 v0, v32;
	v30 =	vor.u32 v0, v45;
	[tilespmem:s29+$0x50] =	vst v24;
	v27 =	vor.u32 v0, v20  }
0x56: {  	s31 =	simm.s32 $0x2F;
	s30 =	simm.s32 $0x2500;
	s2 =	simm.s32 $0x1F;
	v7 =	vand.u32 $0x7B, v7;
	v24 =	vor.u32 v1, v26;
	v26 =	vor.u32 v0, v23;
	v34 =	vld.idx.msk [tilespmem:v34+s4+$0x0], $0xffff;
	[tilespmem:s28+$0xFFFFFFA0] =	vst v42  }
0x57: {  	s3 =	simm.s32 $0x2A;
	s9 =	simm.s32 $0x8;
	s10 =	simm.s32 $0x3F;
	v7 =	vbroadcast v7, $0x0;
	v29 =	vor.u32 v1, v39;
	v38 =	vld.idx.msk [tilespmem:v40+s4+$0x0], $0xffff;
	[tilespmem:s29+$0xFFFFFFD0] =	vst v43;
	v28 =	vor.u32 v1, v45  }
.LBB2_3:
0x58: {  	s6 =	sadd.s32 $0xFFFFFFF1, s10;
	s11 =	sadd.s32 $0xFFFFFFF9, s10;
	s9 =	sadd.s32 $0x4, s9;
	v39 =	vmov s3;
	v19 =	vor.u32 v1, v19;
	v40 =	vld.idx.msk [tilespmem:v3+s4+$0x0], $0xffff;
	[tilespmem:s29+$0xD0] =	vst v35;
	v32 =	vor.u32 v1, v32;
	v3 =	vmovc v25  }
0x59: {  	s3 =	sadd.s32 $0xFFFFFFF5, s10;
	v25 =	vmov s6;
	v35 =	vmov s11;
	p3 =	slt.u32 s9, $0x1C;
	[tilespmem:s0+$0x80] =	vst v22;
	v22 =	vld.idx.msk [tilespmem:v5+s4+$0x0], $0xffff;
	v18 =	vor.u32 v0, v7;
	v5 =	vmovc v24  }
0x5a: {  	v24 =	vand.u32 $0x70, v25;
	v25 =	vmov s3;
	[tilespmem:s0+$0xFFFFFF10] =	vst v31;
	v31 =	vand.u32 $0x7A, v39;
	v37 =	vld.idx.msk [tilespmem:v37+s4+$0x0], $0xffff  }
0x5b: {  	v35 =	vand.u32 $0x78, v35;
	s3 =	sadd.s32 $0xFFFFFFFD, s10;
	v24 =	vbroadcast v24, $0x0;
	v25 =	vand.u32 $0x74, v25;
	v16 =	vld.idx.msk [tilespmem:v16+s4+$0x0], $0xffff;
	[tilespmem:s29+$0x60] =	vst v34  }
0x5c: {  	v34 =	vmov s3;
	v31 =	vbroadcast v31, $0x0;
	v25 =	vbroadcast v25, $0x0;
	[tilespmem:s29+$0xFFFFFF60] =	vst v38;
	v38 =	vld.idx.msk [tilespmem:v21+s4+$0x0], $0xffff  }
0x5d: {  	v35 =	vbroadcast v35, $0x0;
	v34 =	vand.u32 $0x7C, v34;
	v39 =	vor.u32 v0, v24;
	[tilespmem:s28+$0x20] =	vst v33;
	v30 =	vld.idx.msk [tilespmem:v30+s4+$0x0], $0xffff  }
0x5e: {  	v23 =	vor.u32 v1, v23;
	v33 =	vbroadcast v34, $0x0;
	v21 =	vor.u32 v0, v25;
	[tilespmem:s0+$0xFFFFFF80] =	vst v36;
	v34 =	vld.idx.msk [tilespmem:v4+s4+$0x0], $0xffff  }
0x5f: {  	v20 =	vor.u32 v1, v20;
	s3 =	sadd.s32 $0xFFFFFFFF, s2;
	v36 =	vor.u32 v0, v35;
	v4 =	vmov v17;
	v27 =	vld.idx.msk [tilespmem:v27+s4+$0x0], $0xffff;
	[tilespmem:s28+$0xFFFFFFB0] =	vst v22  }
0x60: {  	v17 =	vor.u32 v0, v33;
	v22 =	vmov s3;
	v29 =	vld.idx.msk [tilespmem:v29+s4+$0x0], $0xffff;
	[tilespmem:s29+$0xE0] =	vst v37  }
0x61: {  	[tilespmem:s0+$0xFFFFFF20] =	vst v16;
	v16 =	vand.u32 $0x7E, v22;
	v22 =	vld.idx.msk [tilespmem:v32+s4+$0x0], $0xffff  }
0x62: {  	v26 =	vld.idx.msk [tilespmem:v26+s4+$0x0], $0xffff;
	[tilespmem:s28+$0xA0] =	vst v40;
	v16 =	vbroadcast v16, $0x0  }
0x63: {  	v32 =	vor.u32 v0, v31;
	v37 =	vld.idx.msk [tilespmem:v2+s4+$0x0], $0xffff;
	[tilespmem:s29+$0xFFFFFFE0] =	vst v30;
	v2 =	vmov v19  }
0x64: {  	v24 =	vor.u32 v1, v24;
	[tilespmem:s28+$0x30] =	vst v34;
	v19 =	vor.u32 v0, v16;
	v28 =	vld.idx.msk [tilespmem:v28+s4+$0x0], $0xffff  }
0x65: {  	v25 =	vor.u32 v1, v25;
	s3 =	sadd.s32 $0xFFFFFFF4, s2;
	v30 =	vor.u32 v1, v15;
	[tilespmem:s28+$0xFFFFFF40] =	vst v27;
	v27 =	vld.idx.msk [tilespmem:v6+s4+$0x0], $0xffff;
	v6 =	vmov v32  }
0x66: {  	s6 =	sadd.s32 $0xFFFFFFF2, s10;
	v15 =	vmov s3;
	v34 =	vor.u32 v1, v16;
	v32 =	vld.idx.msk [tilespmem:v39+s4+$0x0], $0xffff;
	[tilespmem:s29+$0x70] =	vst v38  }
0x67: {  	v33 =	vor.u32 v1, v33;
	s0 =	sadd.s32 $0x200, s0;
	s3 =	sadd.s32 $0xFFFFFFF6, s10;
	v16 =	vmov s6;
	v15 =	vand.u32 $0x73, v15;
	v38 =	vld.idx.msk [tilespmem:v9+s4+$0x0], $0xffff;
	[tilespmem:s29+$0xFFFFFF70] =	vst v29;
	v9 =	vmovc v25  }
0x68: {  	v16 =	vand.u32 $0x71, v16;
	v25 =	vmov s3;
	v29 =	vld.idx.msk [tilespmem:v36+s4+$0x0], $0xffff;
	v36 =	vbroadcast v15, $0x0;
	[tilespmem:s29+$0xF0] =	vst v22  }
0x69: {  	s3 =	sadd.s32 $0xFFFFFFFA, s10;
	v15 =	vbroadcast v16, $0x0;
	v16 =	vand.u32 $0x75, v25;
	v25 =	vor.u32 v1, v35;
	v20 =	vld.idx.msk [tilespmem:v20+s4+$0x0], $0xffff;
	[tilespmem:s28+$0xB0] =	vst v37  }
0x6a: {  	v22 =	vmov s3;
	v39 =	vbroadcast v16, $0x0;
	v40 =	vor.u32 v0, v36;
	v35 =	vld.idx.msk [tilespmem:v19+s4+$0x0], $0xffff;
	[tilespmem:s29+$0xFFFFFFF0] =	vst v28;
	s29 =	smov.u32 s28;
	s28 =	smov.u32 s30;
	s30 =	smov.u32 s0  }
0x6b: {  	v16 =	vor.u32 v0, v15;
	v19 =	vand.u32 $0x79, v22;
	v22 =	vor.u32 v1, v31;
	v28 =	vld.idx.msk [tilespmem:v30+s4+$0x0], $0xffff;
	[tilespmem:s29+$0x40] =	vst v27  }
0x6c: {  	v27 =	vor.u32 v0, v39;
	v41 =	vbroadcast v19, $0x0;
	[tilespmem:s0+$0xFFFFFF00] =	vst v32;
	v37 =	vld.idx.msk [tilespmem:v8+s4+$0x0], $0xffff;
	v8 =	vmov v22  }
0x6d: {  	v22 =	vld.idx.msk [tilespmem:v17+s4+$0x0], $0xffff;
	[tilespmem:s28+$0x0] =	vst v12  }
0x6e: {  	s6 =	sadd.s32 $0xFFFFFFF8, s2;
	s3 =	sadd.s32 $0xFFFFFFFE, s10;
	v19 =	vmov s2;
	s2 =	smov.u32 s31;
	v42 =	vor.u32 v0, v41;
	v12 =	vmovc v29;
	[tilespmem:s28+$0xFFFFFF90] =	vst v38;
	v17 =	vld.idx.msk [tilespmem:v14+s4+$0x0], $0xffff;
	v14 =	vmov v25  }
0x6f: {  	s31 =	smov.u32 s10;
	v30 =	vand.u32 $0x7F, v19;
	v25 =	vmov s3;
	s3 =	sadd.s32 $0xFFFFFFF3, s2;
	v29 =	vld.idx.msk [tilespmem:v11+s4+$0x0], $0xffff;
	[tilespmem:s29+$0xFFFFFFC0] =	vst v26;
	v26 =	vmov s6;
	v11 =	vmovc v27  }
0x70: {  	v19 =	vand.u32 $0x7D, v25;
	v25 =	vmov s3;
	[tilespmem:s29+$0xFFFFFF50] =	vst v20;
	v43 =	vld.idx.msk [tilespmem:v23+s4+$0x0], $0xffff;
	v20 =	vand.u32 $0x77, v26  }
0x71: {  	s3 =	sadd.s32 $0xFFFFFFF7, s2;
	v19 =	vbroadcast v19, $0x0;
	v23 =	vand.u32 $0x72, v25;
	v44 =	vld.idx.msk [tilespmem:v10+s4+$0x0], $0xffff;
	v45 =	vbroadcast v20, $0x0;
	[tilespmem:s29+$0xC0] =	vst v35;
	v10 =	vmovc v33  }
0x72: {  	v32 =	vbroadcast v30, $0x0;
	v20 =	vbroadcast v23, $0x0;
	v23 =	vmov s3;
	[tilespmem:s28+$0xFFFFFF30] =	vst v28;
	v35 =	vld.idx.msk [tilespmem:v34+s4+$0x0], $0xffff  }
.Ltmp2:
0x73: {  	v25 =	vor.u32 v0, v19;
	v23 =	vand.u32 $0x76, v23;
	v31 =	vld.idx.msk [tilespmem:v24+s4+$0x0], $0xffff;
	v30 =	vor.u32 v0, v45;
	[tilespmem:s29+$0x50] =	vst v37;
	(pc) =	sbr.rel @p3 .LBB2_3-.Ltmp2, $4  }
0x74: {  	s3 =	sadd.s32 $0xFFFFFFFC, s2;
	v27 =	vor.u32 v0, v20;
	v23 =	vbroadcast v23, $0x0;
	v37 =	vor.u32 v0, v32;
	[tilespmem:s28+$0x10] =	vst v17;
	v34 =	vld.idx.msk [tilespmem:v18+s4+$0x0], $0xffff  }
0x75: {  	v17 =	vor.u32 v1, v41;
	v18 =	vmov s3;
	[tilespmem:s28+$0xFFFFFFA0] =	vst v29;
	v33 =	vld.idx.msk [tilespmem:v13+s4+$0x0], $0xffff;
	v29 =	vor.u32 v1, v36;
	v13 =	vmovc v42  }
0x76: {  	v24 =	vor.u32 v1, v39;
	v26 =	vor.u32 v0, v23;
	v18 =	vand.u32 $0x7B, v18;
	v38 =	vld.idx.msk [tilespmem:v40+s4+$0x0], $0xffff;
	[tilespmem:s29+$0xFFFFFFD0] =	vst v43  }
0x77: {  	s10 =	sadd.s32 $0x10, s10;
	v28 =	vor.u32 v1, v45;
	s3 =	sadd.s32 $0xFFFFFFFB, s31;
	v36 =	vld.idx.msk [tilespmem:v21+s4+$0x0], $0xffff;
	[tilespmem:s28+$0x90] =	vst v44;
	v21 =	vor.u32 v1, v7;
	v7 =	vbroadcast v18, $0x0  }
0x78: {  	_ = 	snop  }
0x79: {  	[tilespmem:s29+$0xD0] =	vst v35  }
0x7a: {  	[tilespmem:s0+$0x80] =	vst v22  }
0x7b: {  	[tilespmem:s0+$0xFFFFFF10] =	vst v31  }
0x7c: {  	v5 =	vld.idx.msk [tilespmem:v5+s4+$0x0], $0xffff;
	[tilespmem:s30+$0x0] =	vst v12  }
0x7d: {  	v3 =	vld.idx.msk [tilespmem:v3+s4+$0x0], $0xffff;
	[tilespmem:s29+$0x60] =	vst v34  }
0x7e: {  	v45 =	vld.idx.msk [tilespmem:v30+s4+$0x0], $0xffff;
	[tilespmem:s28+$0x20] =	vst v33  }
0x7f: {  	v47 =	vld.idx.msk [tilespmem:v27+s4+$0x0], $0xffff;
	[tilespmem:s29+$0xFFFFFF60] =	vst v38  }
0x80: {  	v18 =	vld.idx.msk [tilespmem:v37+s4+$0x0], $0xffff;
	[tilespmem:s0+$0xFFFFFF80] =	vst v36  }
0x81: {  	v16 =	vld.idx.msk [tilespmem:v16+s4+$0x0], $0xffff;
	[tilespmem:s28+$0xFFFFFFB0] =	vst v5  }
0x82: {  	v48 =	vld.idx.msk [tilespmem:v21+s4+$0x0], $0xffff;
	[tilespmem:s28+$0xA0] =	vst v3  }
0x83: {  	v4 =	vld.idx.msk [tilespmem:v4+s4+$0x0], $0xffff;
	[tilespmem:s29+$0xFFFFFFE0] =	vst v45  }
0x84: {  	v53 =	vor.u32 v1, v20;
	v3 =	vld.idx.msk [tilespmem:v29+s4+$0x0], $0xffff;
	[tilespmem:s28+$0xFFFFFF40] =	vst v47  }
0x85: {  	v9 =	vld.idx.msk [tilespmem:v9+s4+$0x0], $0xffff;
	[tilespmem:s29+$0xE0] =	vst v18  }
0x86: {  	v46 =	vor.u32 v1, v32;
	[tilespmem:s0+$0xFFFFFF20] =	vst v16;
	v2 =	vld.idx.msk [tilespmem:v2+s4+$0x0], $0xffff  }
0x87: {  	s10 =	sadd.s32 $0xFFFFFFFF, s2;
	v52 =	vld.idx.msk [tilespmem:v28+s4+$0x0], $0xffff;
	[tilespmem:s29+$0x70] =	vst v48  }
0x88: {  	v49 =	vmov s10;
	v56 =	vld.idx.msk [tilespmem:v26+s4+$0x0], $0xffff;
	[tilespmem:s28+$0x30] =	vst v4  }
0x89: {  	v55 =	vor.u32 v1, v15;
	v51 =	vand.u32 $0x7E, v49;
	v57 =	vld.idx.msk [tilespmem:v53+s4+$0x0], $0xffff;
	[tilespmem:s29+$0xFFFFFF70] =	vst v3  }
0x8a: {  	v4 =	vbroadcast v51, $0x0;
	v3 =	vld.idx.msk [tilespmem:v14+s4+$0x0], $0xffff;
	[tilespmem:s30+$0xFFFFFF90] =	vst v9  }
0x8b: {  	v50 =	vld.idx.msk [tilespmem:v46+s4+$0x0], $0xffff;
	[tilespmem:s28+$0xB0] =	vst v2  }
0x8c: {  	v54 =	vor.u32 v0, v4;
	v2 =	vld.idx.msk [tilespmem:v10+s4+$0x0], $0xffff;
	[tilespmem:s29+$0xFFFFFFF0] =	vst v52  }
0x8d: {  	v6 =	vld.idx.msk [tilespmem:v6+s4+$0x0], $0xffff;
	[tilespmem:s28+$0xFFFFFFC0] =	vst v56  }
0x8e: {  	s11 =	sadd.s32 $0xFFFFFFF4, s2;
	v59 =	vor.u32 v1, v23;
	v14 =	vld.idx.msk [tilespmem:v55+s4+$0x0], $0xffff;
	[tilespmem:s28+$0xFFFFFF50] =	vst v57  }
0x8f: {  	s6 =	sadd.s32 $0xFFFFFFF7, s31;
	v60 =	vmov s11;
	v11 =	vld.idx.msk [tilespmem:v11+s4+$0x0], $0xffff;
	[tilespmem:s30+$0x10] =	vst v3  }
0x90: {  	v35 =	vmov s6;
	v62 =	vand.u32 $0x73, v60;
	[tilespmem:s29+$0xF0] =	vst v50;
	s29 =	sadd.s32 $0xFFFFFFF3, s31;
	v3 =	vmov s3;
	v61 =	vld.idx.msk [tilespmem:v13+s4+$0x0], $0xffff  }
0x91: {  	v63 =	vbroadcast v62, $0x0;
	v31 =	vmov s29;
	v58 =	vld.idx.msk [tilespmem:v54+s4+$0x0], $0xffff;
	v3 =	vand.u32 $0x7A, v3;
	[tilespmem:s30+$0x90] =	vst v2  }
0x92: {  	[tilespmem:s28+$0x40] =	vst v6;
	v18 =	vand.u32 $0x72, v31;
	v2 =	vbroadcast v3, $0x0;
	v3 =	vor.u32 v1, v4;
	v26 =	vld.idx.msk [tilespmem:v25+s4+$0x0], $0xffff  }
0x93: {  	v27 =	vor.u32 v1, v19;
	v12 =	vld.idx.msk [tilespmem:v59+s4+$0x0], $0xffff;
	[tilespmem:s30+$0xFFFFFF30] =	vst v14;
	v34 =	vbroadcast v18, $0x0;
	v18 =	vand.u32 $0x76, v35  }
0x94: {  	v30 =	vor.u32 v0, v63;
	v8 =	vld.idx.msk [tilespmem:v8+s4+$0x0], $0xffff;
	s3 =	sadd.s32 $0xFFFFFFFF, s31;
	v18 =	vbroadcast v18, $0x0;
	[tilespmem:s30+$0xFFFFFFA0] =	vst v11  }
0x95: {  	v33 =	vmov s3;
	v37 =	vor.u32 v0, v34;
	v40 =	vld.idx.msk [tilespmem:v24+s4+$0x0], $0xffff;
	[tilespmem:s30+$0x20] =	vst v61  }
0x96: {  	v9 =	vand.u32 $0x7E, v33;
	v42 =	vor.u32 v0, v18;
	[tilespmem:s28+$0xC0] =	vst v58;
	v17 =	vld.idx.msk [tilespmem:v17+s4+$0x0], $0xffff  }
0x97: {  	v9 =	vbroadcast v9, $0x0;
	v29 =	vor.u32 v0, v2;
	v3 =	vld.idx.msk [tilespmem:v3+s4+$0x0], $0xffff;
	[tilespmem:s30+$0xA0] =	vst v26  }
0x98: {  	s9 =	sadd.s32 $0xFFFFFFF8, s2;
	v28 =	vor.u32 v0, v7;
	[tilespmem:s28+$0xFFFFFFD0] =	vst v12;
	v38 =	vld.idx.msk [tilespmem:v27+s4+$0x0], $0xffff  }
0x99: {  	v36 =	vmov s9;
	v16 =	vld.idx.msk [tilespmem:v30+s4+$0x0], $0xffff;
	[tilespmem:s28+$0x50] =	vst v8;
	v41 =	vor.u32 v0, v9  }
0x9a: {  	v39 =	vand.u32 $0x77, v36;
	v4 =	vor.u32 v1, v63;
	v45 =	vld.idx.msk [tilespmem:v37+s4+$0x0], $0xffff;
	[tilespmem:s30+$0xFFFFFFB0] =	vst v40  }
0x9b: {  	v32 =	vmov s2;
	v13 =	vbroadcast v39, $0x0;
	v47 =	vor.u32 v1, v34;
	v49 =	vld.idx.msk [tilespmem:v42+s4+$0x0], $0xffff;
	[tilespmem:s30+$0x30] =	vst v17  }
0x9c: {  	s11 =	sadd.s32 $0xFFFFFFF4, s31;
	v6 =	vand.u32 $0x7F, v32;
	v50 =	vor.u32 v1, v18;
	[tilespmem:s28+$0xD0] =	vst v3;
	v3 =	vld.idx.msk [tilespmem:v29+s4+$0x0], $0xffff  }
0x9d: {  	v51 =	vmov s11;
	s29 =	sadd.s32 $0xFFFFFFF8, s31;
	v6 =	vbroadcast v6, $0x0;
	v44 =	vor.u32 v0, v13;
	v15 =	vld.idx.msk [tilespmem:v28+s4+$0x0], $0xffff;
	[tilespmem:s30+$0xB0] =	vst v38  }
0x9e: {  	v54 =	vmov s29;
	[tilespmem:s28+$0xFFFFFF60] =	vst v16;
	v16 =	vand.u32 $0x73, v51;
	v2 =	vor.u32 v1, v2;
	v48 =	vld.idx.msk [tilespmem:v41+s4+$0x0], $0xffff  }
0x9f: {  	s10 =	sadd.s32 $0xFFFFFFFC, s31;
	v53 =	vbroadcast v16, $0x0;
	v16 =	vand.u32 $0x77, v54;
	v9 =	vor.u32 v1, v9;
	v4 =	vld.idx.msk [tilespmem:v4+s4+$0x0], $0xffff;
	[tilespmem:s30+$0xFFFFFF40] =	vst v45  }
0xa0: {  	v46 =	vmov s10;
	v43 =	vor.u32 v0, v6;
	v57 =	vbroadcast v16, $0x0;
	v11 =	vld.idx.msk [tilespmem:v47+s4+$0x0], $0xffff;
	[tilespmem:s30+$0xFFFFFFC0] =	vst v49  }
0xa1: {  	v10 =	vand.u32 $0x7B, v46;
	v56 =	vor.u32 v0, v53;
	v58 =	vld.idx.msk [tilespmem:v50+s4+$0x0], $0xffff;
	[tilespmem:s30+$0x40] =	vst v3;
	v3 =	vmov s31  }
0xa2: {  	v10 =	vbroadcast v10, $0x0;
	v16 =	vor.u32 v0, v57;
	[tilespmem:s28+$0x60] =	vst v15;
	v17 =	vld.idx.msk [tilespmem:v44+s4+$0x0], $0xffff;
	v3 =	vand.u32 $0x7F, v3  }
0xa3: {  	v52 =	vor.u32 v1, v7;
	v2 =	vld.idx.msk [tilespmem:v2+s4+$0x0], $0xffff;
	[tilespmem:s30+$0xC0] =	vst v48;
	v3 =	vbroadcast v3, $0x0  }
0xa4: {  	v55 =	vor.u32 v0, v10;
	[tilespmem:s28+$0xFFFFFF70] =	vst v4;
	v9 =	vld.idx.msk [tilespmem:v9+s4+$0x0], $0xffff  }
0xa5: {  	v12 =	vld.idx.msk [tilespmem:v43+s4+$0x0], $0xffff;
	[tilespmem:s30+$0xFFFFFF50] =	vst v11;
	v59 =	vor.u32 v0, v3  }
0xa6: {  	v6 =	vor.u32 v1, v6;
	v8 =	vld.idx.msk [tilespmem:v56+s4+$0x0], $0xffff;
	[tilespmem:s30+$0xFFFFFFD0] =	vst v58  }
0xa7: {  	v5 =	vor.u32 v1, v53;
	[tilespmem:s28+$0xFFFFFFE0] =	vst v17;
	v61 =	vld.idx.msk [tilespmem:v16+s4+$0x0], $0xffff  }
0xa8: {  	v62 =	vor.u32 v1, v57;
	v7 =	vld.idx.msk [tilespmem:v52+s4+$0x0], $0xffff;
	[tilespmem:s30+$0x50] =	vst v2  }
0xa9: {  	v2 =	vor.u32 v1, v13;
	v60 =	vld.idx.msk [tilespmem:v55+s4+$0x0], $0xffff;
	[tilespmem:s30+$0xD0] =	vst v9  }
0xaa: {  	v10 =	vor.u32 v1, v10;
	[tilespmem:s28+$0xE0] =	vst v12;
	v9 =	vld.idx.msk [tilespmem:v59+s4+$0x0], $0xffff  }
0xab: {  	v6 =	vld.idx.msk [tilespmem:v6+s4+$0x0], $0xffff;
	v3 =	vor.u32 v1, v3;
	[tilespmem:s30+$0xFFFFFF60] =	vst v8  }
0xac: {  	v5 =	vld.idx.msk [tilespmem:v5+s4+$0x0], $0xffff;
	[tilespmem:s30+$0xFFFFFFE0] =	vst v61  }
0xad: {  	[tilespmem:s28+$0x70] =	vst v7;
	v4 =	vld.idx.msk [tilespmem:v62+s4+$0x0], $0xffff  }
0xae: {  	v2 =	vld.idx.msk [tilespmem:v2+s4+$0x0], $0xffff;
	[tilespmem:s30+$0x60] =	vst v60  }
0xaf: {  	v63 =	vld.idx.msk [tilespmem:v10+s4+$0x0], $0xffff;
	[tilespmem:s30+$0xE0] =	vst v9  }
0xb0: {  	[tilespmem:s28+$0xF0] =	vst v6;
	v3 =	vld.idx.msk [tilespmem:v3+s4+$0x0], $0xffff  }
0xb1: {  	p3 =	sne.s32 s24, $0x79;
	[tilespmem:s30+$0xFFFFFF70] =	vst v5  }
.Ltmp3:
0xb2: {  	[tilespmem:s30+$0xFFFFFFF0] =	vst v4;
	(pc) =	sbr.rel @p3 .LBB2_6-.Ltmp3, $4  }
0xb3: {  	[tilespmem:s28+$0xFFFFFFF0] =	vst v2  }
0xb4: {  	s31 =	sshll.u32 s24, $0xF;
	[tilespmem:s30+$0x70] =	vst v63  }
0xb5: {  	s0 =	sadd.s32 s31, s8;
	[tilespmem:s30+$0xF0] =	vst v3  }
0xb6: {  	[hbm4b:s0+s4] =	stream.linear.scatter [tilespmem:s18], [sflag:$0x3], $0x1000, $0x38;
	[tilespmem:$0x4000] =	vst v63  }
.Ltmp4:
0xb7: {  	(pc) =	sbr.rel .LBB2_7-.Ltmp4, $4  }
0xb8: {  	_ = 	snop  }
0xb9: {  	_ =	swait.ge [sflag:s19], $0x1000  }
0xba: {  	[sflag:s19] =	ssyncset.done $0x0  }
0xbb: {  	[sflag:s19] =	ssyncadd.s32 $0xFFFFF000  }
.LBB2_6:
0xbc: {  	s0 =	sadd.s32 s7, s26  }
0xbd: {  	s0 =	sshll.u32 s0, $0x7  }
.Ltmp5:
0xbe: {  	s0 =	sadd.s32 s1, s0;
	(pc) =	sbr.rel @p2 .LBB2_8-.Ltmp5, $4  }
0xbf: {  	[tilespmem:s4], [sflag:$0x1] =	stream.strided.gather [hbm4b:s0+s14], $0x1000, s15, s14, $0x38;
	[tilespmem:$0x4000] =	vst v63  }
0xc0: {  	_ =	swait.ge [sflag:s19], $0x1000  }
0xc1: {  	[sflag:s19] =	ssyncset.done $0x0  }
0xc2: {  	[sflag:s19] =	ssyncadd.s32 $0xFFFFF000  }
.LBB2_7:
0xc3: {  	_ =	swait.ge [sflag:s20], $0x1000  }
0xc4: {  	[sflag:s20] =	ssyncset.done $0x0  }
0xc5: {  	[sflag:s20] =	ssyncadd.s32 $0xFFFFF000  }
.LBB2_8:
0xc6: {  	s0 =	simm.s32 $0x0;
	s6 =	simm.s32 $0x8;
	s2 =	simm.s32 $0x4  }
0xc7: {  	s9 =	simm.s32 $0xC;
	s10 =	simm.s32 $0x1;
	s11 =	simm.s32 $0x5;
	v2 =	vmov s0;
	v3 =	vmov s6;
	v4 =	vmov s2  }
0xc8: {  	s26 =	simm.s32 $0x9;
	s31 =	simm.s32 $0xD;
	v5 =	vmov s9;
	v9 =	vmov s10;
	v11 =	vmov s11  }
0xc9: {  	s3 =	simm.s32 $0x18;
	v12 =	vmov s26;
	v13 =	vmov s31;
	v2 =	vand.u32 $0x70, v2  }
0xca: {  	v18 =	vmov s3;
	v4 =	vand.u32 $0x74, v4;
	v2 =	vbroadcast v2, $0x0  }
0xcb: {  	v3 =	vand.u32 $0x78, v3;
	v5 =	vand.u32 $0x7C, v5;
	v4 =	vbroadcast v4, $0x0  }
0xcc: {  	v9 =	vand.u32 $0x71, v9;
	v3 =	vbroadcast v3, $0x0;
	v6 =	vor.u32 v0, v2  }
0xcd: {  	v11 =	vand.u32 $0x75, v11;
	v5 =	vbroadcast v5, $0x0;
	v7 =	vor.u32 v0, v4  }
0xce: {  	s6 =	simm.s32 $0x10;
	s9 =	simm.s32 $0x14;
	v12 =	vand.u32 $0x79, v12;
	v13 =	vand.u32 $0x7D, v13;
	v8 =	vor.u32 v0, v3  }
0xcf: {  	s10 =	simm.s32 $0x1C;
	v17 =	vmov s6;
	v19 =	vmov s9;
	v10 =	vor.u32 v0, v5  }
0xd0: {  	v21 =	vmov s10;
	v9 =	vbroadcast v9, $0x0;
	v11 =	vbroadcast v11, $0x0  }
0xd1: {  	v12 =	vbroadcast v12, $0x0;
	v13 =	vbroadcast v13, $0x0;
	v17 =	vand.u32 $0x70, v17;
	v6 =	vld.idx.msk [tilespmem:v6+s16+$0x0], $0xffff  }
0xd2: {  	v19 =	vand.u32 $0x74, v19;
	v17 =	vbroadcast v17, $0x0;
	v2 =	vor.u32 v1, v2;
	v7 =	vld.idx.msk [tilespmem:v7+s16+$0x0], $0xffff  }
0xd3: {  	v4 =	vor.u32 v1, v4;
	v5 =	vor.u32 v1, v5;
	v3 =	vor.u32 v1, v3;
	v8 =	vld.idx.msk [tilespmem:v8+s16+$0x0], $0xffff  }
0xd4: {  	s2 =	simm.s32 $0xA;
	v14 =	vor.u32 v0, v9;
	v15 =	vor.u32 v0, v11;
	v16 =	vor.u32 v0, v12;
	v10 =	vld.idx.msk [tilespmem:v10+s16+$0x0], $0xffff  }
0xd5: {  	s28 =	simm.s32 $0x31F0;
	v20 =	vor.u32 v0, v13;
	v22 =	vor.u32 v1, v11;
	v11 =	vmov s2  }
0xd6: {  	v11 =	vand.u32 $0x7A, v11;
	[tilespmem:s28+$0xFFFFFE10] =	vst v6;
	v6 =	vand.u32 $0x78, v18;
	v18 =	vbroadcast v19, $0x0  }
0xd7: {  	v19 =	vand.u32 $0x7C, v21;
	v21 =	vbroadcast v11, $0x0;
	v11 =	vor.u32 v0, v17;
	[tilespmem:s28+$0xFFFFFE90] =	vst v7;
	v2 =	vld.idx.msk [tilespmem:v2+s16+$0x0], $0xffff  }
0xd8: {  	s11 =	simm.s32 $0x11;
	s26 =	simm.s32 $0x15;
	v12 =	vor.u32 v1, v12;
	v13 =	vor.u32 v1, v13;
	[tilespmem:s28+$0xFFFFFF10] =	vst v8;
	v4 =	vld.idx.msk [tilespmem:v4+s16+$0x0], $0xffff  }
0xd9: {  	v27 =	vor.u32 v1, v17;
	v7 =	vmov s11;
	v17 =	vmov s26;
	[tilespmem:s28+$0xFFFFFF90] =	vst v10;
	v3 =	vld.idx.msk [tilespmem:v3+s16+$0x0], $0xffff  }
0xda: {  	s6 =	simm.s32 $0x6;
	v6 =	vbroadcast v6, $0x0;
	v19 =	vbroadcast v19, $0x0;
	v7 =	vand.u32 $0x71, v7;
	v31 =	vld.idx.msk [tilespmem:v5+s16+$0x0], $0xffff  }
0xdb: {  	s31 =	simm.s32 $0x19;
	v5 =	vmov s6;
	v23 =	vor.u32 v0, v18;
	v26 =	vor.u32 v0, v21  }
0xdc: {  	v28 =	vor.u32 v1, v18;
	v8 =	vbroadcast v7, $0x0;
	v18 =	vmov s31;
	v29 =	vld.idx.msk [tilespmem:v11+s16+$0x0], $0xffff;
	[tilespmem:s28+$0xFFFFFE20] =	vst v2  }
0xdd: {  	s3 =	simm.s32 $0x2;
	v24 =	vor.u32 v0, v6;
	v25 =	vor.u32 v0, v19;
	v18 =	vand.u32 $0x79, v18;
	[tilespmem:s28+$0xFFFFFEA0] =	vst v4;
	v14 =	vld.idx.msk [tilespmem:v14+s16+$0x0], $0xffff  }
0xde: {  	s2 =	simm.s32 $0x1D;
	v7 =	vor.u32 v1, v19;
	v10 =	vbroadcast v18, $0x0;
	v18 =	vmov s3;
	[tilespmem:s28+$0xFFFFFF20] =	vst v3;
	v15 =	vld.idx.msk [tilespmem:v15+s16+$0x0], $0xffff  }
0xdf: {  	v2 =	vor.u32 v1, v9;
	v9 =	vand.u32 $0x75, v17;
	v4 =	vmov s2;
	[tilespmem:s28+$0xFFFFFFA0] =	vst v31;
	v16 =	vld.idx.msk [tilespmem:v16+s16+$0x0], $0xffff  }
0xe0: {  	v17 =	vor.u32 v1, v6;
	v6 =	vor.u32 v0, v8;
	v4 =	vand.u32 $0x7D, v4;
	v20 =	vld.idx.msk [tilespmem:v20+s16+$0x0], $0xffff  }
0xe1: {  	s2 =	simm.s32 $0x24;
	v8 =	vor.u32 v1, v8;
	v9 =	vbroadcast v9, $0x0;
	v23 =	vld.idx.msk [tilespmem:v23+s16+$0x0], $0xffff;
	v30 =	vbroadcast v4, $0x0  }
0xe2: {  	s26 =	simm.s32 $0x33F0;
	v31 =	vmov s2;
	v11 =	vld.idx.msk [tilespmem:v24+s16+$0x0], $0xffff;
	v24 =	vor.u32 v1, v21;
	v4 =	vand.u32 $0x72, v18  }
0xe3: {  	v18 =	vor.u32 v0, v10;
	v19 =	vor.u32 v0, v9;
	[tilespmem:s26+$0xFFFFFE10] =	vst v29;
	v3 =	vor.u32 v0, v30  }
0xe4: {  	s9 =	simm.s32 $0xB;
	s10 =	simm.s32 $0x1A;
	v27 =	vld.idx.msk [tilespmem:v27+s16+$0x0], $0xffff;
	[tilespmem:s28+$0xFFFFFE30] =	vst v14;
	v14 =	vbroadcast v4, $0x0;
	v4 =	vand.u32 $0x76, v5;
	v5 =	vor.u32 v1, v9  }
0xe5: {  	s11 =	simm.s32 $0x20;
	[tilespmem:s28+$0xFFFFFEB0] =	vst v15;
	v15 =	vmov s10;
	v32 =	vld.idx.msk [tilespmem:v2+s16+$0x0], $0xffff;
	v29 =	vbroadcast v4, $0x0;
	v2 =	vmov s9  }
0xe6: {  	[tilespmem:s28+$0xFFFFFF30] =	vst v16;
	v4 =	vor.u32 v1, v10;
	v10 =	vld.idx.msk [tilespmem:v25+s16+$0x0], $0xffff;
	v25 =	vmov s11;
	v15 =	vand.u32 $0x7A, v15  }
0xe7: {  	[tilespmem:s28+$0xFFFFFFB0] =	vst v20;
	v12 =	vld.idx.msk [tilespmem:v12+s16+$0x0], $0xffff;
	s9 =	simm.s32 $0x2C;
	v33 =	vor.u32 v0, v14;
	v2 =	vand.u32 $0x7B, v2;
	v25 =	vand.u32 $0x70, v25  }
0xe8: {  	[tilespmem:s26+$0xFFFFFE90] =	vst v23;
	v22 =	vld.idx.msk [tilespmem:v22+s16+$0x0], $0xffff;
	v60 =	vmov s9;
	v35 =	vbroadcast v15, $0x0;
	v14 =	vor.u32 v1, v14  }
0xe9: {  	s31 =	simm.s32 $0x28;
	v13 =	vld.idx.msk [tilespmem:v13+s16+$0x0], $0xffff;
	[tilespmem:s26+$0xFFFFFF10] =	vst v11;
	v9 =	vor.u32 v0, v29;
	v21 =	vbroadcast v2, $0x0;
	v2 =	vor.u32 v1, v30  }
0xea: {  	v17 =	vld.idx.msk [tilespmem:v17+s16+$0x0], $0xffff;
	v30 =	vmov s31;
	v16 =	vbroadcast v25, $0x0;
	v25 =	vand.u32 $0x74, v31;
	[tilespmem:s26+$0xFFFFFE20] =	vst v27  }
0xeb: {  	v23 =	vor.u32 v1, v29;
	v27 =	vand.u32 $0x78, v30;
	v25 =	vbroadcast v25, $0x0;
	v30 =	vld.idx.msk [tilespmem:v6+s16+$0x0], $0xffff;
	[tilespmem:s28+$0xFFFFFE40] =	vst v32  }
0xec: {  	s6 =	simm.s32 $0xE;
	s10 =	simm.s32 $0x3;
	v34 =	vor.u32 v0, v21;
	v31 =	vor.u32 v0, v16;
	v27 =	vbroadcast v27, $0x0;
	[tilespmem:s28+$0xFFFFFF40] =	vst v12;
	v15 =	vld.idx.msk [tilespmem:v33+s16+$0x0], $0xffff  }
0xed: {  	v6 =	vmov s6;
	v38 =	vor.u32 v1, v16;
	v16 =	vmov s10;
	[tilespmem:s26+$0xFFFFFF90] =	vst v10;
	v26 =	vld.idx.msk [tilespmem:v26+s16+$0x0], $0xffff  }
0xee: {  	v21 =	vor.u32 v1, v21;
	[tilespmem:s28+$0xFFFFFEC0] =	vst v22;
	v6 =	vand.u32 $0x7E, v6;
	v22 =	vand.u32 $0x7C, v60;
	v44 =	vld.idx.msk [tilespmem:v7+s16+$0x0], $0xffff  }
0xef: {  	s2 =	simm.s32 $0x29;
	v36 =	vor.u32 v0, v25;
	v16 =	vand.u32 $0x73, v16;
	[tilespmem:s28+$0xFFFFFFC0] =	vst v13;
	v20 =	vbroadcast v6, $0x0;
	v62 =	vld.idx.msk [tilespmem:v9+s16+$0x0], $0xffff  }
0xf0: {  	v13 =	vmov s2;
	v61 =	vor.u32 v0, v27;
	[tilespmem:s26+$0xFFFFFF20] =	vst v17;
	v9 =	vor.u32 v1, v25;
	v25 =	vld.idx.msk [tilespmem:v28+s16+$0x0], $0xffff  }
0xf1: {  	s31 =	simm.s32 $0x25;
	v22 =	vbroadcast v22, $0x0;
	v39 =	vbroadcast v16, $0x0;
	v33 =	vld.idx.msk [tilespmem:v18+s16+$0x0], $0xffff;
	v29 =	vor.u32 v0, v20  }
0xf2: {  	v13 =	vand.u32 $0x79, v13;
	v28 =	vor.u32 v1, v20;
	v20 =	vmov s31;
	v31 =	vld.idx.msk [tilespmem:v31+s16+$0x0], $0xffff;
	[tilespmem:s26+$0xFFFFFE30] =	vst v30  }
0xf3: {  	v6 =	vor.u32 v0, v35;
	v41 =	vbroadcast v13, $0x0;
	v16 =	vand.u32 $0x75, v20;
	v20 =	vld.idx.msk [tilespmem:v8+s16+$0x0], $0xffff  }
0xf4: {  	s10 =	simm.s32 $0x12;
	v37 =	vor.u32 v0, v22;
	v10 =	vor.u32 v1, v22;
	v40 =	vor.u32 v0, v39;
	v36 =	vld.idx.msk [tilespmem:v36+s16+$0x0], $0xffff  }
0xf5: {  	s11 =	simm.s32 $0x21;
	v13 =	vor.u32 v0, v41;
	v30 =	vmov s10;
	v17 =	vor.u32 v1, v41;
	[tilespmem:s28+$0xFFFFFE50] =	vst v15;
	v12 =	vld.idx.msk [tilespmem:v61+s16+$0x0], $0xffff  }
0xf6: {  	s3 =	simm.s32 $0xF;
	v8 =	vor.u32 v1, v35;
	v15 =	vmov s11;
	[tilespmem:s28+$0xFFFFFF50] =	vst v26;
	v26 =	vbroadcast v16, $0x0;
	v29 =	vld.idx.msk [tilespmem:v29+s16+$0x0], $0xffff  }
0xf7: {  	s9 =	simm.s32 $0x2D;
	s11 =	simm.s32 $0x16;
	v15 =	vand.u32 $0x71, v15;
	v63 =	vld.idx.msk [tilespmem:v14+s16+$0x0], $0xffff;
	v14 =	vor.u32 v1, v27;
	[tilespmem:s26+$0xFFFFFEA0] =	vst v25;
	v25 =	vmov s3  }
0xf8: {  	s6 =	simm.s32 $0x7;
	[tilespmem:s26+$0xFFFFFFA0] =	vst v44;
	v24 =	vld.idx.msk [tilespmem:v24+s16+$0x0], $0xffff;
	v27 =	vmov s9;
	v7 =	vmov s11;
	v15 =	vbroadcast v15, $0x0  }
0xf9: {  	s0 =	simm.s32 $0x35F0;
	[tilespmem:s28+$0xFFFFFED0] =	vst v62;
	v11 =	vor.u32 v0, v26;
	v42 =	vld.idx.msk [tilespmem:v19+s16+$0x0], $0xffff;
	v19 =	vmov s6;
	v25 =	vand.u32 $0x7F, v25  }
0xfa: {  	v27 =	vand.u32 $0x7D, v27;
	v43 =	vld.idx.msk [tilespmem:v23+s16+$0x0], $0xffff;
	v7 =	vand.u32 $0x76, v7;
	[tilespmem:s0+$0xFFFFFE10] =	vst v31;
	v23 =	vand.u32 $0x77, v19  }
0xfb: {  	v22 =	vld.idx.msk [tilespmem:v37+s16+$0x0], $0xffff;
	v19 =	vbroadcast v27, $0x0;
	v27 =	vand.u32 $0x72, v30;
	v32 =	vbroadcast v25, $0x0;
	[tilespmem:s28+$0xFFFFFFD0] =	vst v29  }
0xfc: {  	s31 =	simm.s32 $0x1B;
	v16 =	vor.u32 v0, v15;
	v45 =	vbroadcast v23, $0x0;
	[tilespmem:s26+$0xFFFFFE40] =	vst v20;
	v20 =	vbroadcast v27, $0x0;
	v35 =	vld.idx.msk [tilespmem:v28+s16+$0x0], $0xffff  }
0xfd: {  	v31 =	vld.idx.msk [tilespmem:v38+s16+$0x0], $0xffff;
	v23 =	vbroadcast v7, $0x0;
	v7 =	vmov s31;
	v25 =	vor.u32 v0, v19;
	[tilespmem:s28+$0xFFFFFE60] =	vst v63  }
0xfe: {  	v37 =	vor.u32 v0, v32;
	v30 =	vor.u32 v0, v45;
	[tilespmem:s28+$0xFFFFFF60] =	vst v24;
	v27 =	vor.u32 v0, v20  }
0xff: {  	s30 =	simm.s32 $0x2F;
	s29 =	simm.s32 $0x35F0;
	s2 =	simm.s32 $0x1F;
	v7 =	vand.u32 $0x7B, v7;
	v24 =	vor.u32 v1, v26;
	v26 =	vor.u32 v0, v23;
	v34 =	vld.idx.msk [tilespmem:v34+s16+$0x0], $0xffff;
	[tilespmem:s26+$0xFFFFFEB0] =	vst v42  }
0x100: {  	s10 =	simm.s32 $0x3F;
	s9 =	simm.s32 $0x8;
	s3 =	simm.s32 $0x2A;
	v7 =	vbroadcast v7, $0x0;
	v29 =	vor.u32 v1, v39;
	v38 =	vld.idx.msk [tilespmem:v40+s16+$0x0], $0xffff;
	[tilespmem:s28+$0xFFFFFEE0] =	vst v43;
	v28 =	vor.u32 v1, v45  }
.LBB2_9:
0x101: {  	s6 =	sadd.s32 $0xFFFFFFF1, s10;
	s11 =	sadd.s32 $0xFFFFFFF9, s10;
	s9 =	sadd.s32 $0x4, s9;
	v39 =	vmov s3;
	v19 =	vor.u32 v1, v19;
	v40 =	vld.idx.msk [tilespmem:v3+s16+$0x0], $0xffff;
	[tilespmem:s28+$0xFFFFFFE0] =	vst v35;
	v32 =	vor.u32 v1, v32;
	v3 =	vmovc v25  }
0x102: {  	s3 =	sadd.s32 $0xFFFFFFF5, s10;
	v25 =	vmov s6;
	v35 =	vmov s11;
	p2 =	slt.u32 s9, $0x1C;
	[tilespmem:s0+$0xFFFFFF90] =	vst v22;
	v22 =	vld.idx.msk [tilespmem:v5+s16+$0x0], $0xffff;
	v18 =	vor.u32 v0, v7;
	v5 =	vmovc v24  }
0x103: {  	v24 =	vand.u32 $0x70, v25;
	v25 =	vmov s3;
	[tilespmem:s0+$0xFFFFFE20] =	vst v31;
	v31 =	vand.u32 $0x7A, v39;
	v37 =	vld.idx.msk [tilespmem:v37+s16+$0x0], $0xffff  }
0x104: {  	v35 =	vand.u32 $0x78, v35;
	s3 =	sadd.s32 $0xFFFFFFFD, s10;
	v24 =	vbroadcast v24, $0x0;
	v25 =	vand.u32 $0x74, v25;
	v16 =	vld.idx.msk [tilespmem:v16+s16+$0x0], $0xffff;
	[tilespmem:s28+$0xFFFFFF70] =	vst v34  }
0x105: {  	v34 =	vmov s3;
	v31 =	vbroadcast v31, $0x0;
	v25 =	vbroadcast v25, $0x0;
	[tilespmem:s28+$0xFFFFFE70] =	vst v38;
	v38 =	vld.idx.msk [tilespmem:v21+s16+$0x0], $0xffff  }
0x106: {  	v35 =	vbroadcast v35, $0x0;
	v34 =	vand.u32 $0x7C, v34;
	v39 =	vor.u32 v0, v24;
	[tilespmem:s26+$0xFFFFFF30] =	vst v33;
	v30 =	vld.idx.msk [tilespmem:v30+s16+$0x0], $0xffff  }
0x107: {  	v23 =	vor.u32 v1, v23;
	v33 =	vbroadcast v34, $0x0;
	v21 =	vor.u32 v0, v25;
	[tilespmem:s0+$0xFFFFFE90] =	vst v36;
	v34 =	vld.idx.msk [tilespmem:v4+s16+$0x0], $0xffff  }
0x108: {  	v20 =	vor.u32 v1, v20;
	s3 =	sadd.s32 $0xFFFFFFFF, s2;
	v36 =	vor.u32 v0, v35;
	v4 =	vmov v17;
	v27 =	vld.idx.msk [tilespmem:v27+s16+$0x0], $0xffff;
	[tilespmem:s26+$0xFFFFFEC0] =	vst v22  }
0x109: {  	v17 =	vor.u32 v0, v33;
	v22 =	vmov s3;
	v29 =	vld.idx.msk [tilespmem:v29+s16+$0x0], $0xffff;
	[tilespmem:s28+$0xFFFFFFF0] =	vst v37  }
0x10a: {  	[tilespmem:s0+$0xFFFFFE30] =	vst v16;
	v16 =	vand.u32 $0x7E, v22;
	v22 =	vld.idx.msk [tilespmem:v32+s16+$0x0], $0xffff  }
0x10b: {  	v26 =	vld.idx.msk [tilespmem:v26+s16+$0x0], $0xffff;
	[tilespmem:s26+$0xFFFFFFB0] =	vst v40;
	v16 =	vbroadcast v16, $0x0  }
0x10c: {  	v32 =	vor.u32 v0, v31;
	v37 =	vld.idx.msk [tilespmem:v2+s16+$0x0], $0xffff;
	[tilespmem:s28+$0xFFFFFEF0] =	vst v30;
	v2 =	vmov v19  }
0x10d: {  	v24 =	vor.u32 v1, v24;
	[tilespmem:s26+$0xFFFFFF40] =	vst v34;
	v19 =	vor.u32 v0, v16;
	v28 =	vld.idx.msk [tilespmem:v28+s16+$0x0], $0xffff  }
0x10e: {  	v25 =	vor.u32 v1, v25;
	s3 =	sadd.s32 $0xFFFFFFF4, s2;
	v30 =	vor.u32 v1, v15;
	[tilespmem:s26+$0xFFFFFE50] =	vst v27;
	v27 =	vld.idx.msk [tilespmem:v6+s16+$0x0], $0xffff;
	v6 =	vmov v32  }
0x10f: {  	s6 =	sadd.s32 $0xFFFFFFF2, s10;
	v15 =	vmov s3;
	v34 =	vor.u32 v1, v16;
	v32 =	vld.idx.msk [tilespmem:v39+s16+$0x0], $0xffff;
	[tilespmem:s28+$0xFFFFFF80] =	vst v38  }
0x110: {  	v33 =	vor.u32 v1, v33;
	s0 =	sadd.s32 $0x200, s0;
	s3 =	sadd.s32 $0xFFFFFFF6, s10;
	v16 =	vmov s6;
	v15 =	vand.u32 $0x73, v15;
	v38 =	vld.idx.msk [tilespmem:v9+s16+$0x0], $0xffff;
	[tilespmem:s28+$0xFFFFFE80] =	vst v29;
	v9 =	vmovc v25  }
0x111: {  	v16 =	vand.u32 $0x71, v16;
	v25 =	vmov s3;
	v29 =	vld.idx.msk [tilespmem:v36+s16+$0x0], $0xffff;
	v36 =	vbroadcast v15, $0x0;
	[tilespmem:s28+$0x0] =	vst v22  }
0x112: {  	s3 =	sadd.s32 $0xFFFFFFFA, s10;
	v15 =	vbroadcast v16, $0x0;
	v16 =	vand.u32 $0x75, v25;
	v25 =	vor.u32 v1, v35;
	v20 =	vld.idx.msk [tilespmem:v20+s16+$0x0], $0xffff;
	[tilespmem:s26+$0xFFFFFFC0] =	vst v37  }
0x113: {  	v22 =	vmov s3;
	v39 =	vbroadcast v16, $0x0;
	v40 =	vor.u32 v0, v36;
	v35 =	vld.idx.msk [tilespmem:v19+s16+$0x0], $0xffff;
	[tilespmem:s28+$0xFFFFFF00] =	vst v28;
	s28 =	smov.u32 s26;
	s26 =	smov.u32 s29;
	s29 =	smov.u32 s0  }
0x114: {  	v16 =	vor.u32 v0, v15;
	v19 =	vand.u32 $0x79, v22;
	v22 =	vor.u32 v1, v31;
	v28 =	vld.idx.msk [tilespmem:v30+s16+$0x0], $0xffff;
	[tilespmem:s28+$0xFFFFFF50] =	vst v27  }
0x115: {  	v27 =	vor.u32 v0, v39;
	v41 =	vbroadcast v19, $0x0;
	[tilespmem:s0+$0xFFFFFE10] =	vst v32;
	v37 =	vld.idx.msk [tilespmem:v8+s16+$0x0], $0xffff;
	v8 =	vmov v22  }
0x116: {  	v22 =	vld.idx.msk [tilespmem:v17+s16+$0x0], $0xffff;
	[tilespmem:s26+$0xFFFFFF10] =	vst v12  }
0x117: {  	s6 =	sadd.s32 $0xFFFFFFF8, s2;
	s3 =	sadd.s32 $0xFFFFFFFE, s10;
	v19 =	vmov s2;
	s2 =	smov.u32 s30;
	v42 =	vor.u32 v0, v41;
	v12 =	vmovc v29;
	[tilespmem:s26+$0xFFFFFEA0] =	vst v38;
	v17 =	vld.idx.msk [tilespmem:v14+s16+$0x0], $0xffff;
	v14 =	vmov v25  }
0x118: {  	s30 =	smov.u32 s10;
	v30 =	vand.u32 $0x7F, v19;
	v25 =	vmov s3;
	s3 =	sadd.s32 $0xFFFFFFF3, s2;
	v29 =	vld.idx.msk [tilespmem:v11+s16+$0x0], $0xffff;
	[tilespmem:s28+$0xFFFFFED0] =	vst v26;
	v26 =	vmov s6;
	v11 =	vmovc v27  }
0x119: {  	v19 =	vand.u32 $0x7D, v25;
	v25 =	vmov s3;
	[tilespmem:s28+$0xFFFFFE60] =	vst v20;
	v43 =	vld.idx.msk [tilespmem:v23+s16+$0x0], $0xffff;
	v20 =	vand.u32 $0x77, v26  }
0x11a: {  	s3 =	sadd.s32 $0xFFFFFFF7, s2;
	v19 =	vbroadcast v19, $0x0;
	v23 =	vand.u32 $0x72, v25;
	v44 =	vld.idx.msk [tilespmem:v10+s16+$0x0], $0xffff;
	v45 =	vbroadcast v20, $0x0;
	[tilespmem:s28+$0xFFFFFFD0] =	vst v35;
	v10 =	vmovc v33  }
0x11b: {  	v32 =	vbroadcast v30, $0x0;
	v20 =	vbroadcast v23, $0x0;
	v23 =	vmov s3;
	[tilespmem:s26+$0xFFFFFE40] =	vst v28;
	v35 =	vld.idx.msk [tilespmem:v34+s16+$0x0], $0xffff  }
.Ltmp6:
0x11c: {  	v25 =	vor.u32 v0, v19;
	v23 =	vand.u32 $0x76, v23;
	v31 =	vld.idx.msk [tilespmem:v24+s16+$0x0], $0xffff;
	v30 =	vor.u32 v0, v45;
	[tilespmem:s28+$0xFFFFFF60] =	vst v37;
	(pc) =	sbr.rel @p2 .LBB2_9-.Ltmp6, $4  }
0x11d: {  	s3 =	sadd.s32 $0xFFFFFFFC, s2;
	v27 =	vor.u32 v0, v20;
	v23 =	vbroadcast v23, $0x0;
	v37 =	vor.u32 v0, v32;
	[tilespmem:s26+$0xFFFFFF20] =	vst v17;
	v34 =	vld.idx.msk [tilespmem:v18+s16+$0x0], $0xffff  }
0x11e: {  	v17 =	vor.u32 v1, v41;
	v18 =	vmov s3;
	[tilespmem:s26+$0xFFFFFEB0] =	vst v29;
	v33 =	vld.idx.msk [tilespmem:v13+s16+$0x0], $0xffff;
	v29 =	vor.u32 v1, v36;
	v13 =	vmovc v42  }
0x11f: {  	v24 =	vor.u32 v1, v39;
	v26 =	vor.u32 v0, v23;
	v18 =	vand.u32 $0x7B, v18;
	v38 =	vld.idx.msk [tilespmem:v40+s16+$0x0], $0xffff;
	[tilespmem:s28+$0xFFFFFEE0] =	vst v43  }
0x120: {  	s10 =	sadd.s32 $0x10, s10;
	v28 =	vor.u32 v1, v45;
	s3 =	sadd.s32 $0xFFFFFFFB, s30;
	v36 =	vld.idx.msk [tilespmem:v21+s16+$0x0], $0xffff;
	[tilespmem:s26+$0xFFFFFFA0] =	vst v44;
	v21 =	vor.u32 v1, v7;
	v7 =	vbroadcast v18, $0x0  }
0x121: {  	_ = 	snop  }
0x122: {  	[tilespmem:s28+$0xFFFFFFE0] =	vst v35  }
0x123: {  	[tilespmem:s0+$0xFFFFFF90] =	vst v22  }
0x124: {  	[tilespmem:s0+$0xFFFFFE20] =	vst v31  }
0x125: {  	v5 =	vld.idx.msk [tilespmem:v5+s16+$0x0], $0xffff;
	[tilespmem:s29+$0xFFFFFF10] =	vst v12  }
0x126: {  	v3 =	vld.idx.msk [tilespmem:v3+s16+$0x0], $0xffff;
	[tilespmem:s28+$0xFFFFFF70] =	vst v34  }
0x127: {  	v45 =	vld.idx.msk [tilespmem:v30+s16+$0x0], $0xffff;
	[tilespmem:s26+$0xFFFFFF30] =	vst v33  }
0x128: {  	v47 =	vld.idx.msk [tilespmem:v27+s16+$0x0], $0xffff;
	[tilespmem:s28+$0xFFFFFE70] =	vst v38  }
0x129: {  	v18 =	vld.idx.msk [tilespmem:v37+s16+$0x0], $0xffff;
	[tilespmem:s0+$0xFFFFFE90] =	vst v36  }
0x12a: {  	v16 =	vld.idx.msk [tilespmem:v16+s16+$0x0], $0xffff;
	[tilespmem:s26+$0xFFFFFEC0] =	vst v5  }
0x12b: {  	v48 =	vld.idx.msk [tilespmem:v21+s16+$0x0], $0xffff;
	[tilespmem:s26+$0xFFFFFFB0] =	vst v3  }
0x12c: {  	v4 =	vld.idx.msk [tilespmem:v4+s16+$0x0], $0xffff;
	[tilespmem:s28+$0xFFFFFEF0] =	vst v45  }
0x12d: {  	v53 =	vor.u32 v1, v20;
	v3 =	vld.idx.msk [tilespmem:v29+s16+$0x0], $0xffff;
	[tilespmem:s26+$0xFFFFFE50] =	vst v47  }
0x12e: {  	v46 =	vor.u32 v1, v32;
	v9 =	vld.idx.msk [tilespmem:v9+s16+$0x0], $0xffff;
	[tilespmem:s28+$0xFFFFFFF0] =	vst v18  }
0x12f: {  	[tilespmem:s0+$0xFFFFFE30] =	vst v16;
	v2 =	vld.idx.msk [tilespmem:v2+s16+$0x0], $0xffff  }
0x130: {  	v52 =	vld.idx.msk [tilespmem:v28+s16+$0x0], $0xffff;
	[tilespmem:s28+$0xFFFFFF80] =	vst v48  }
0x131: {  	s11 =	sadd.s32 $0xFFFFFFFF, s2;
	v56 =	vld.idx.msk [tilespmem:v26+s16+$0x0], $0xffff;
	[tilespmem:s26+$0xFFFFFF40] =	vst v4  }
0x132: {  	v55 =	vor.u32 v1, v15;
	v49 =	vmov s11;
	v57 =	vld.idx.msk [tilespmem:v53+s16+$0x0], $0xffff;
	[tilespmem:s28+$0xFFFFFE80] =	vst v3  }
0x133: {  	v51 =	vand.u32 $0x7E, v49;
	v50 =	vld.idx.msk [tilespmem:v46+s16+$0x0], $0xffff;
	[tilespmem:s29+$0xFFFFFEA0] =	vst v9  }
0x134: {  	v59 =	vor.u32 v1, v23;
	s31 =	sadd.s32 $0xFFFFFFF3, s30;
	v4 =	vbroadcast v51, $0x0;
	v3 =	vld.idx.msk [tilespmem:v14+s16+$0x0], $0xffff;
	[tilespmem:s26+$0xFFFFFFC0] =	vst v2  }
0x135: {  	v31 =	vmov s31;
	v6 =	vld.idx.msk [tilespmem:v6+s16+$0x0], $0xffff;
	[tilespmem:s28+$0xFFFFFF00] =	vst v52  }
0x136: {  	v18 =	vand.u32 $0x72, v31;
	v54 =	vor.u32 v0, v4;
	v2 =	vld.idx.msk [tilespmem:v10+s16+$0x0], $0xffff;
	[tilespmem:s26+$0xFFFFFED0] =	vst v56  }
0x137: {  	v34 =	vbroadcast v18, $0x0;
	v14 =	vld.idx.msk [tilespmem:v55+s16+$0x0], $0xffff;
	[tilespmem:s26+$0xFFFFFE60] =	vst v57  }
0x138: {  	v11 =	vld.idx.msk [tilespmem:v11+s16+$0x0], $0xffff;
	[tilespmem:s28+$0x0] =	vst v50  }
0x139: {  	v37 =	vor.u32 v0, v34;
	s28 =	sadd.s32 $0xFFFFFFF4, s2;
	v12 =	vld.idx.msk [tilespmem:v59+s16+$0x0], $0xffff;
	[tilespmem:s29+$0xFFFFFF20] =	vst v3  }
0x13a: {  	s6 =	sadd.s32 $0xFFFFFFF7, s30;
	v60 =	vmov s28;
	[tilespmem:s26+$0xFFFFFF50] =	vst v6;
	v3 =	vmov s3;
	v61 =	vld.idx.msk [tilespmem:v13+s16+$0x0], $0xffff  }
0x13b: {  	v35 =	vmov s6;
	v62 =	vand.u32 $0x73, v60;
	v58 =	vld.idx.msk [tilespmem:v54+s16+$0x0], $0xffff;
	v3 =	vand.u32 $0x7A, v3;
	[tilespmem:s29+$0xFFFFFFA0] =	vst v2  }
0x13c: {  	v63 =	vbroadcast v62, $0x0;
	[tilespmem:s29+$0xFFFFFE40] =	vst v14;
	v2 =	vbroadcast v3, $0x0;
	v3 =	vor.u32 v1, v4;
	v26 =	vld.idx.msk [tilespmem:v25+s16+$0x0], $0xffff  }
0x13d: {  	v27 =	vor.u32 v1, v19;
	v18 =	vand.u32 $0x76, v35;
	v8 =	vld.idx.msk [tilespmem:v8+s16+$0x0], $0xffff;
	[tilespmem:s29+$0xFFFFFEB0] =	vst v11  }
0x13e: {  	v18 =	vbroadcast v18, $0x0;
	s3 =	sadd.s32 $0xFFFFFFFF, s30;
	v45 =	vld.idx.msk [tilespmem:v37+s16+$0x0], $0xffff;
	v30 =	vor.u32 v0, v63;
	[tilespmem:s26+$0xFFFFFEE0] =	vst v12  }
0x13f: {  	v28 =	vor.u32 v0, v7;
	v33 =	vmov s3;
	v40 =	vld.idx.msk [tilespmem:v24+s16+$0x0], $0xffff;
	[tilespmem:s29+$0xFFFFFF30] =	vst v61  }
0x140: {  	s9 =	sadd.s32 $0xFFFFFFF8, s2;
	v42 =	vor.u32 v0, v18;
	v9 =	vand.u32 $0x7E, v33;
	[tilespmem:s26+$0xFFFFFFD0] =	vst v58;
	v17 =	vld.idx.msk [tilespmem:v17+s16+$0x0], $0xffff  }
0x141: {  	v36 =	vmov s9;
	v9 =	vbroadcast v9, $0x0;
	v29 =	vor.u32 v0, v2;
	v3 =	vld.idx.msk [tilespmem:v3+s16+$0x0], $0xffff;
	[tilespmem:s29+$0xFFFFFFB0] =	vst v26  }
0x142: {  	v39 =	vand.u32 $0x77, v36;
	[tilespmem:s26+$0xFFFFFF60] =	vst v8;
	v38 =	vld.idx.msk [tilespmem:v27+s16+$0x0], $0xffff  }
0x143: {  	v13 =	vbroadcast v39, $0x0;
	v41 =	vor.u32 v0, v9;
	[tilespmem:s29+$0xFFFFFE50] =	vst v45;
	v16 =	vld.idx.msk [tilespmem:v30+s16+$0x0], $0xffff  }
0x144: {  	v47 =	vor.u32 v1, v34;
	v15 =	vld.idx.msk [tilespmem:v28+s16+$0x0], $0xffff;
	[tilespmem:s29+$0xFFFFFEC0] =	vst v40  }
0x145: {  	v32 =	vmov s2;
	v44 =	vor.u32 v0, v13;
	v49 =	vld.idx.msk [tilespmem:v42+s16+$0x0], $0xffff;
	[tilespmem:s29+$0xFFFFFF40] =	vst v17  }
0x146: {  	s11 =	sadd.s32 $0xFFFFFFF4, s30;
	v50 =	vor.u32 v1, v18;
	v6 =	vand.u32 $0x7F, v32;
	[tilespmem:s26+$0xFFFFFFE0] =	vst v3;
	v3 =	vld.idx.msk [tilespmem:v29+s16+$0x0], $0xffff  }
0x147: {  	v51 =	vmov s11;
	v52 =	vor.u32 v1, v7;
	s28 =	sadd.s32 $0xFFFFFFF8, s30;
	v6 =	vbroadcast v6, $0x0;
	[tilespmem:s29+$0xFFFFFFC0] =	vst v38  }
0x148: {  	v54 =	vmov s28;
	v2 =	vor.u32 v1, v2;
	[tilespmem:s26+$0xFFFFFE70] =	vst v16;
	v16 =	vand.u32 $0x73, v51;
	v48 =	vld.idx.msk [tilespmem:v41+s16+$0x0], $0xffff  }
0x149: {  	s10 =	sadd.s32 $0xFFFFFFFC, s30;
	v9 =	vor.u32 v1, v9;
	v11 =	vld.idx.msk [tilespmem:v47+s16+$0x0], $0xffff;
	[tilespmem:s26+$0xFFFFFF70] =	vst v15;
	v53 =	vbroadcast v16, $0x0;
	v16 =	vand.u32 $0x77, v54  }
0x14a: {  	v46 =	vmov s10;
	v43 =	vor.u32 v0, v6;
	v17 =	vld.idx.msk [tilespmem:v44+s16+$0x0], $0xffff;
	[tilespmem:s29+$0xFFFFFED0] =	vst v49;
	v57 =	vbroadcast v16, $0x0  }
0x14b: {  	v10 =	vand.u32 $0x7B, v46;
	v58 =	vld.idx.msk [tilespmem:v50+s16+$0x0], $0xffff;
	v56 =	vor.u32 v0, v53;
	[tilespmem:s29+$0xFFFFFF50] =	vst v3;
	v3 =	vmov s30  }
0x14c: {  	v10 =	vbroadcast v10, $0x0;
	v7 =	vld.idx.msk [tilespmem:v52+s16+$0x0], $0xffff;
	v16 =	vor.u32 v0, v57;
	v3 =	vand.u32 $0x7F, v3  }
0x14d: {  	v4 =	vor.u32 v1, v63;
	v2 =	vld.idx.msk [tilespmem:v2+s16+$0x0], $0xffff;
	[tilespmem:s29+$0xFFFFFFD0] =	vst v48;
	v3 =	vbroadcast v3, $0x0  }
0x14e: {  	v55 =	vor.u32 v0, v10;
	[tilespmem:s29+$0xFFFFFE60] =	vst v11;
	v9 =	vld.idx.msk [tilespmem:v9+s16+$0x0], $0xffff  }
0x14f: {  	v12 =	vld.idx.msk [tilespmem:v43+s16+$0x0], $0xffff;
	[tilespmem:s26+$0xFFFFFEF0] =	vst v17;
	v59 =	vor.u32 v0, v3  }
0x150: {  	v6 =	vor.u32 v1, v6;
	[tilespmem:s29+$0xFFFFFEE0] =	vst v58;
	v8 =	vld.idx.msk [tilespmem:v56+s16+$0x0], $0xffff  }
0x151: {  	v5 =	vor.u32 v1, v53;
	[tilespmem:s26+$0xFFFFFF80] =	vst v7;
	v61 =	vld.idx.msk [tilespmem:v16+s16+$0x0], $0xffff  }
0x152: {  	v4 =	vld.idx.msk [tilespmem:v4+s16+$0x0], $0xffff;
	v62 =	vor.u32 v1, v57;
	[tilespmem:s29+$0xFFFFFF60] =	vst v2  }
0x153: {  	v2 =	vor.u32 v1, v13;
	v60 =	vld.idx.msk [tilespmem:v55+s16+$0x0], $0xffff;
	[tilespmem:s29+$0xFFFFFFE0] =	vst v9  }
0x154: {  	v10 =	vor.u32 v1, v10;
	[tilespmem:s26+$0xFFFFFFF0] =	vst v12;
	v9 =	vld.idx.msk [tilespmem:v59+s16+$0x0], $0xffff  }
0x155: {  	v6 =	vld.idx.msk [tilespmem:v6+s16+$0x0], $0xffff;
	v3 =	vor.u32 v1, v3;
	[tilespmem:s29+$0xFFFFFE70] =	vst v8  }
0x156: {  	v5 =	vld.idx.msk [tilespmem:v5+s16+$0x0], $0xffff;
	[tilespmem:s29+$0xFFFFFEF0] =	vst v61  }
0x157: {  	[tilespmem:s26+$0xFFFFFE80] =	vst v4;
	v4 =	vld.idx.msk [tilespmem:v62+s16+$0x0], $0xffff  }
0x158: {  	v2 =	vld.idx.msk [tilespmem:v2+s16+$0x0], $0xffff;
	[tilespmem:s29+$0xFFFFFF70] =	vst v60  }
0x159: {  	v63 =	vld.idx.msk [tilespmem:v10+s16+$0x0], $0xffff;
	[tilespmem:s29+$0xFFFFFFF0] =	vst v9  }
0x15a: {  	s24 =	sadd.s32 $0x1, s24;
	[tilespmem:s26+$0x0] =	vst v6;
	v3 =	vld.idx.msk [tilespmem:v3+s16+$0x0], $0xffff  }
0x15b: {  	p2 =	sne.s32 s24, $0x7A;
	[tilespmem:s29+$0xFFFFFE80] =	vst v5  }
.Ltmp7:
0x15c: {  	[tilespmem:s29+$0xFFFFFF00] =	vst v4;
	(pc) =	sbr.rel @p2 .LBB2_2-.Ltmp7, $4  }
0x15d: {  	s31 =	sshll.u32 s25, $0x9;
	[tilespmem:s26+$0xFFFFFF00] =	vst v2  }
0x15e: {  	s0 =	sand.u32 $0x1FFFFE00, s31;
	[tilespmem:s29+$0xFFFFFF80] =	vst v63  }
0x15f: {  	s0 =	sadd.s32 s5, s0;
	[tilespmem:s29+$0x0] =	vst v3  }
0x160: {  	[hbm4b:s0+s4] =	stream.linear.scatter [tilespmem:s21], [sflag:$0x4], $0x1000, $0x38;
	[tilespmem:$0x4000] =	vst v63  }
0x161: {  	_ =	swait.ge [sflag:s22], $0x1000  }
.Ltmp8:
0x162: {  	[sflag:s22] =	ssyncset.done $0x0;
	(pc) =	sbr.rel @p0 .LBB2_15-.Ltmp8, $4  }
0x163: {  	[sflag:s22] =	ssyncadd.s32 $0xFFFFF000  }
0x164: {  	_ =	swait.ge [sflag:s20], $0x1000  }
0x165: {  	[sflag:s20] =	ssyncset.done $0x0  }
0x166: {  	[sflag:s20] =	ssyncadd.s32 $0xFFFFF000  }
0x167: {  	s0 =	simm.s32 $0x0;
	s29 =	simm.s32 $0x8  }
0x168: {  	s2 =	simm.s32 $0x4;
	s30 =	simm.s32 $0xC;
	s31 =	simm.s32 $0x1;
	v2 =	vmov s0;
	v3 =	vmov s29  }
0x169: {  	s6 =	simm.s32 $0x5;
	s9 =	simm.s32 $0x9;
	s10 =	simm.s32 $0xD;
	v4 =	vmov s2;
	v5 =	vmov s30;
	v9 =	vmov s31  }
0x16a: {  	s24 =	simm.s32 $0x10;
	s25 =	simm.s32 $0x14;
	v11 =	vmov s6;
	v12 =	vmov s9;
	v13 =	vmov s10  }
0x16b: {  	s26 =	simm.s32 $0x1C;
	v17 =	vmov s24;
	v19 =	vmov s25;
	v2 =	vand.u32 $0x70, v2  }
0x16c: {  	v21 =	vmov s26;
	v4 =	vand.u32 $0x74, v4;
	v2 =	vbroadcast v2, $0x0  }
0x16d: {  	v3 =	vand.u32 $0x78, v3;
	v5 =	vand.u32 $0x7C, v5;
	v4 =	vbroadcast v4, $0x0  }
0x16e: {  	s3 =	rddreg [dreg:$0x5];
	v9 =	vand.u32 $0x71, v9;
	v3 =	vbroadcast v3, $0x0;
	v6 =	vor.u32 v0, v2  }
0x16f: {  	[tilespmem:s4], [sflag:$0x1] =	stream.strided.gather [hbm4b:s3+s14], $0x1000, s15, s14, $0x38;
	v11 =	vand.u32 $0x75, v11;
	v5 =	vbroadcast v5, $0x0;
	v7 =	vor.u32 v0, v4;
	[tilespmem:$0x4000] =	vst v63  }
0x170: {  	s3 =	simm.s32 $0x18;
	_ =	swait.ge [sflag:s17], $0x1000;
	v12 =	vand.u32 $0x79, v12;
	v13 =	vand.u32 $0x7D, v13;
	v8 =	vor.u32 v0, v3  }
0x171: {  	v18 =	vmov s3;
	v9 =	vbroadcast v9, $0x0;
	[sflag:s17] =	ssyncset.done $0x0;
	v10 =	vor.u32 v0, v5  }
0x172: {  	v17 =	vand.u32 $0x70, v17;
	v11 =	vbroadcast v11, $0x0;
	v12 =	vbroadcast v12, $0x0;
	[sflag:s17] =	ssyncadd.s32 $0xFFFFF000  }
0x173: {  	v19 =	vand.u32 $0x74, v19;
	v13 =	vbroadcast v13, $0x0;
	v17 =	vbroadcast v17, $0x0;
	v6 =	vld.idx.msk [tilespmem:v6+s4+$0x0], $0xffff  }
0x174: {  	v2 =	vor.u32 v1, v2;
	v4 =	vor.u32 v1, v4;
	v5 =	vor.u32 v1, v5;
	v7 =	vld.idx.msk [tilespmem:v7+s4+$0x0], $0xffff  }
0x175: {  	v3 =	vor.u32 v1, v3;
	v14 =	vor.u32 v0, v9;
	v15 =	vor.u32 v0, v11;
	v8 =	vld.idx.msk [tilespmem:v8+s4+$0x0], $0xffff  }
0x176: {  	s11 =	simm.s32 $0xA;
	v16 =	vor.u32 v0, v12;
	v20 =	vor.u32 v0, v13;
	v12 =	vor.u32 v1, v12;
	v10 =	vld.idx.msk [tilespmem:v10+s4+$0x0], $0xffff  }
0x177: {  	s25 =	simm.s32 $0x2100;
	v22 =	vor.u32 v1, v11;
	v11 =	vmov s11;
	v13 =	vor.u32 v1, v13  }
0x178: {  	v11 =	vand.u32 $0x7A, v11;
	[tilespmem:s25+$0xFFFFFF00] =	vst v6;
	v6 =	vand.u32 $0x78, v18;
	v18 =	vbroadcast v19, $0x0  }
0x179: {  	s29 =	simm.s32 $0x11;
	s30 =	simm.s32 $0x15;
	v19 =	vand.u32 $0x7C, v21;
	v21 =	vbroadcast v11, $0x0;
	v11 =	vor.u32 v0, v17;
	[tilespmem:s25+$0xFFFFFF80] =	vst v7;
	v2 =	vld.idx.msk [tilespmem:v2+s4+$0x0], $0xffff  }
0x17a: {  	v27 =	vor.u32 v1, v17;
	v7 =	vmov s29;
	v17 =	vmov s30;
	[tilespmem:s25+$0x0] =	vst v8;
	v4 =	vld.idx.msk [tilespmem:v4+s4+$0x0], $0xffff  }
0x17b: {  	s6 =	simm.s32 $0x6;
	[tilespmem:s25+$0x80] =	vst v10;
	v6 =	vbroadcast v6, $0x0;
	v19 =	vbroadcast v19, $0x0;
	v7 =	vand.u32 $0x71, v7;
	v3 =	vld.idx.msk [tilespmem:v3+s4+$0x0], $0xffff  }
0x17c: {  	s31 =	simm.s32 $0x19;
	v31 =	vld.idx.msk [tilespmem:v5+s4+$0x0], $0xffff;
	v5 =	vmov s6;
	v23 =	vor.u32 v0, v18;
	v26 =	vor.u32 v0, v21  }
0x17d: {  	v28 =	vor.u32 v1, v18;
	v8 =	vbroadcast v7, $0x0;
	v18 =	vmov s31  }
0x17e: {  	s31 =	simm.s32 $0x2C;
	v24 =	vor.u32 v0, v6;
	v25 =	vor.u32 v0, v19;
	v18 =	vand.u32 $0x79, v18;
	v29 =	vld.idx.msk [tilespmem:v11+s4+$0x0], $0xffff;
	[tilespmem:s25+$0xFFFFFF10] =	vst v2  }
0x17f: {  	s3 =	simm.s32 $0x2;
	v7 =	vor.u32 v1, v19;
	v60 =	vmov s31;
	v10 =	vbroadcast v18, $0x0;
	[tilespmem:s25+$0xFFFFFF90] =	vst v4;
	v14 =	vld.idx.msk [tilespmem:v14+s4+$0x0], $0xffff  }
0x180: {  	s2 =	simm.s32 $0x1D;
	v18 =	vmov s3;
	v2 =	vor.u32 v1, v9;
	v9 =	vand.u32 $0x75, v17;
	[tilespmem:s25+$0x10] =	vst v3;
	v15 =	vld.idx.msk [tilespmem:v15+s4+$0x0], $0xffff  }
0x181: {  	s29 =	simm.s32 $0x24;
	v17 =	vor.u32 v1, v6;
	v6 =	vor.u32 v0, v8;
	v4 =	vmov s2;
	[tilespmem:s25+$0x90] =	vst v31;
	v16 =	vld.idx.msk [tilespmem:v16+s4+$0x0], $0xffff  }
0x182: {  	v31 =	vmov s29;
	v9 =	vbroadcast v9, $0x0;
	v4 =	vand.u32 $0x7D, v4;
	v20 =	vld.idx.msk [tilespmem:v20+s4+$0x0], $0xffff  }
0x183: {  	s24 =	simm.s32 $0x2300;
	v8 =	vor.u32 v1, v8;
	v11 =	vld.idx.msk [tilespmem:v24+s4+$0x0], $0xffff;
	v24 =	vor.u32 v1, v21;
	v30 =	vbroadcast v4, $0x0  }
0x184: {  	v23 =	vld.idx.msk [tilespmem:v23+s4+$0x0], $0xffff;
	v4 =	vand.u32 $0x72, v18;
	v18 =	vor.u32 v0, v10;
	v19 =	vor.u32 v0, v9;
	[tilespmem:s24+$0xFFFFFF00] =	vst v29  }
0x185: {  	s10 =	simm.s32 $0x1A;
	v3 =	vor.u32 v0, v30;
	v27 =	vld.idx.msk [tilespmem:v27+s4+$0x0], $0xffff;
	[tilespmem:s25+$0xFFFFFF20] =	vst v14;
	v14 =	vbroadcast v4, $0x0;
	v4 =	vand.u32 $0x76, v5  }
0x186: {  	s9 =	simm.s32 $0xB;
	s11 =	simm.s32 $0x20;
	[tilespmem:s25+$0xFFFFFFA0] =	vst v15;
	v5 =	vor.u32 v1, v9;
	v15 =	vmov s10;
	v32 =	vld.idx.msk [tilespmem:v2+s4+$0x0], $0xffff;
	v29 =	vbroadcast v4, $0x0  }
0x187: {  	[tilespmem:s25+$0x20] =	vst v16;
	v2 =	vmov s9;
	v4 =	vor.u32 v1, v10;
	v10 =	vld.idx.msk [tilespmem:v25+s4+$0x0], $0xffff;
	v25 =	vmov s11  }
0x188: {  	[tilespmem:s25+$0xA0] =	vst v20;
	v12 =	vld.idx.msk [tilespmem:v12+s4+$0x0], $0xffff;
	v15 =	vand.u32 $0x7A, v15;
	v33 =	vor.u32 v0, v14;
	v2 =	vand.u32 $0x7B, v2  }
0x189: {  	[tilespmem:s24+$0xFFFFFF80] =	vst v23;
	v22 =	vld.idx.msk [tilespmem:v22+s4+$0x0], $0xffff;
	v25 =	vand.u32 $0x70, v25;
	v35 =	vbroadcast v15, $0x0;
	v14 =	vor.u32 v1, v14  }
0x18a: {  	s26 =	simm.s32 $0x28;
	v13 =	vld.idx.msk [tilespmem:v13+s4+$0x0], $0xffff;
	[tilespmem:s24+$0x0] =	vst v11;
	v9 =	vor.u32 v0, v29;
	v21 =	vbroadcast v2, $0x0;
	v2 =	vor.u32 v1, v30  }
0x18b: {  	v17 =	vld.idx.msk [tilespmem:v17+s4+$0x0], $0xffff;
	v30 =	vmov s26;
	v16 =	vbroadcast v25, $0x0;
	v25 =	vand.u32 $0x74, v31;
	[tilespmem:s24+$0xFFFFFF10] =	vst v27  }
0x18c: {  	v23 =	vor.u32 v1, v29;
	v27 =	vand.u32 $0x78, v30;
	v25 =	vbroadcast v25, $0x0;
	v30 =	vld.idx.msk [tilespmem:v6+s4+$0x0], $0xffff;
	[tilespmem:s25+$0xFFFFFF30] =	vst v32  }
0x18d: {  	s30 =	simm.s32 $0xE;
	s3 =	simm.s32 $0x3;
	v34 =	vor.u32 v0, v21;
	v31 =	vor.u32 v0, v16;
	v27 =	vbroadcast v27, $0x0;
	[tilespmem:s25+$0x30] =	vst v12;
	v15 =	vld.idx.msk [tilespmem:v33+s4+$0x0], $0xffff  }
0x18e: {  	v6 =	vmov s30;
	v38 =	vor.u32 v1, v16;
	v16 =	vmov s3;
	[tilespmem:s24+$0x80] =	vst v10;
	v26 =	vld.idx.msk [tilespmem:v26+s4+$0x0], $0xffff  }
0x18f: {  	v21 =	vor.u32 v1, v21;
	[tilespmem:s25+$0xFFFFFFB0] =	vst v22;
	v6 =	vand.u32 $0x7E, v6;
	v22 =	vand.u32 $0x7C, v60;
	v44 =	vld.idx.msk [tilespmem:v7+s4+$0x0], $0xffff  }
0x190: {  	s10 =	simm.s32 $0x29;
	v36 =	vor.u32 v0, v25;
	v16 =	vand.u32 $0x73, v16;
	[tilespmem:s25+$0xB0] =	vst v13;
	v20 =	vbroadcast v6, $0x0;
	v62 =	vld.idx.msk [tilespmem:v9+s4+$0x0], $0xffff  }
0x191: {  	v13 =	vmov s10;
	v61 =	vor.u32 v0, v27;
	[tilespmem:s24+$0x10] =	vst v17;
	v9 =	vor.u32 v1, v25;
	v25 =	vld.idx.msk [tilespmem:v28+s4+$0x0], $0xffff  }
0x192: {  	s9 =	simm.s32 $0x25;
	v22 =	vbroadcast v22, $0x0;
	v6 =	vor.u32 v0, v35;
	v33 =	vld.idx.msk [tilespmem:v18+s4+$0x0], $0xffff;
	v29 =	vor.u32 v0, v20  }
0x193: {  	v13 =	vand.u32 $0x79, v13;
	v28 =	vor.u32 v1, v20;
	v20 =	vmov s9;
	v31 =	vld.idx.msk [tilespmem:v31+s4+$0x0], $0xffff;
	[tilespmem:s24+$0xFFFFFF20] =	vst v30  }
0x194: {  	s30 =	simm.s32 $0x16;
	v39 =	vbroadcast v16, $0x0;
	v41 =	vbroadcast v13, $0x0;
	v16 =	vand.u32 $0x75, v20;
	v20 =	vld.idx.msk [tilespmem:v8+s4+$0x0], $0xffff  }
0x195: {  	v7 =	vmov s30;
	v37 =	vor.u32 v0, v22;
	v10 =	vor.u32 v1, v22;
	v36 =	vld.idx.msk [tilespmem:v36+s4+$0x0], $0xffff  }
0x196: {  	s6 =	simm.s32 $0x21;
	s29 =	simm.s32 $0x12;
	v7 =	vand.u32 $0x76, v7;
	v40 =	vor.u32 v0, v39;
	v13 =	vor.u32 v0, v41;
	[tilespmem:s25+$0xFFFFFF40] =	vst v15;
	v12 =	vld.idx.msk [tilespmem:v61+s4+$0x0], $0xffff  }
0x197: {  	v30 =	vmov s29;
	v17 =	vor.u32 v1, v41;
	v15 =	vmov s6;
	[tilespmem:s25+$0x40] =	vst v26;
	v29 =	vld.idx.msk [tilespmem:v29+s4+$0x0], $0xffff  }
0x198: {  	s11 =	simm.s32 $0xF;
	s26 =	simm.s32 $0x2D;
	v8 =	vor.u32 v1, v35;
	v26 =	vbroadcast v16, $0x0;
	[tilespmem:s24+$0x90] =	vst v44;
	v15 =	vand.u32 $0x71, v15;
	v63 =	vld.idx.msk [tilespmem:v14+s4+$0x0], $0xffff  }
0x199: {  	s6 =	simm.s32 $0x7;
	v14 =	vor.u32 v1, v27;
	v24 =	vld.idx.msk [tilespmem:v24+s4+$0x0], $0xffff;
	[tilespmem:s24+$0xFFFFFF90] =	vst v25;
	v25 =	vmov s11;
	v27 =	vmov s26  }
0x19a: {  	s0 =	simm.s32 $0x2500;
	[tilespmem:s25+$0xFFFFFFC0] =	vst v62;
	v15 =	vbroadcast v15, $0x0;
	v11 =	vor.u32 v0, v26;
	v42 =	vld.idx.msk [tilespmem:v19+s4+$0x0], $0xffff;
	v19 =	vmov s6  }
0x19b: {  	v25 =	vand.u32 $0x7F, v25;
	v27 =	vand.u32 $0x7D, v27;
	v43 =	vld.idx.msk [tilespmem:v23+s4+$0x0], $0xffff;
	[tilespmem:s0+$0xFFFFFF00] =	vst v31;
	v23 =	vand.u32 $0x77, v19  }
0x19c: {  	v22 =	vld.idx.msk [tilespmem:v37+s4+$0x0], $0xffff;
	v19 =	vbroadcast v27, $0x0;
	v27 =	vand.u32 $0x72, v30;
	v32 =	vbroadcast v25, $0x0;
	[tilespmem:s25+$0xC0] =	vst v29  }
0x19d: {  	s31 =	simm.s32 $0x1B;
	v16 =	vor.u32 v0, v15;
	v45 =	vbroadcast v23, $0x0;
	[tilespmem:s24+$0xFFFFFF30] =	vst v20;
	v20 =	vbroadcast v27, $0x0;
	v35 =	vld.idx.msk [tilespmem:v28+s4+$0x0], $0xffff  }
0x19e: {  	v31 =	vld.idx.msk [tilespmem:v38+s4+$0x0], $0xffff;
	v23 =	vbroadcast v7, $0x0;
	v7 =	vmov s31;
	v25 =	vor.u32 v0, v19;
	[tilespmem:s25+$0xFFFFFF50] =	vst v63  }
0x19f: {  	v37 =	vor.u32 v0, v32;
	v30 =	vor.u32 v0, v45;
	[tilespmem:s25+$0x50] =	vst v24;
	v27 =	vor.u32 v0, v20  }
0x1a0: {  	s28 =	simm.s32 $0x2F;
	s2 =	simm.s32 $0x1F;
	s3 =	simm.s32 $0x2A;
	v7 =	vand.u32 $0x7B, v7;
	v24 =	vor.u32 v1, v26;
	v26 =	vor.u32 v0, v23;
	v34 =	vld.idx.msk [tilespmem:v34+s4+$0x0], $0xffff;
	[tilespmem:s24+$0xFFFFFFA0] =	vst v42  }
0x1a1: {  	s10 =	simm.s32 $0x3F;
	s9 =	simm.s32 $0x8;
	s26 =	simm.s32 $0x2500;
	v7 =	vbroadcast v7, $0x0;
	v29 =	vor.u32 v1, v39;
	v38 =	vld.idx.msk [tilespmem:v40+s4+$0x0], $0xffff;
	[tilespmem:s25+$0xFFFFFFD0] =	vst v43;
	v28 =	vor.u32 v1, v45  }
.LBB2_13:
0x1a2: {  	s6 =	sadd.s32 $0xFFFFFFF1, s10;
	s11 =	sadd.s32 $0xFFFFFFF9, s10;
	s9 =	sadd.s32 $0x4, s9;
	v39 =	vmov s3;
	v19 =	vor.u32 v1, v19;
	v40 =	vld.idx.msk [tilespmem:v3+s4+$0x0], $0xffff;
	[tilespmem:s25+$0xD0] =	vst v35;
	v32 =	vor.u32 v1, v32;
	v3 =	vmovc v25  }
0x1a3: {  	s3 =	sadd.s32 $0xFFFFFFF5, s10;
	v25 =	vmov s6;
	v35 =	vmov s11;
	p2 =	slt.u32 s9, $0x1C;
	[tilespmem:s0+$0x80] =	vst v22;
	v22 =	vld.idx.msk [tilespmem:v5+s4+$0x0], $0xffff;
	v18 =	vor.u32 v0, v7;
	v5 =	vmovc v24  }
0x1a4: {  	v24 =	vand.u32 $0x70, v25;
	v25 =	vmov s3;
	[tilespmem:s0+$0xFFFFFF10] =	vst v31;
	v31 =	vand.u32 $0x7A, v39;
	v37 =	vld.idx.msk [tilespmem:v37+s4+$0x0], $0xffff  }
0x1a5: {  	v35 =	vand.u32 $0x78, v35;
	s3 =	sadd.s32 $0xFFFFFFFD, s10;
	v24 =	vbroadcast v24, $0x0;
	v25 =	vand.u32 $0x74, v25;
	v16 =	vld.idx.msk [tilespmem:v16+s4+$0x0], $0xffff;
	[tilespmem:s25+$0x60] =	vst v34  }
0x1a6: {  	v34 =	vmov s3;
	v31 =	vbroadcast v31, $0x0;
	v25 =	vbroadcast v25, $0x0;
	[tilespmem:s25+$0xFFFFFF60] =	vst v38;
	v38 =	vld.idx.msk [tilespmem:v21+s4+$0x0], $0xffff  }
0x1a7: {  	v35 =	vbroadcast v35, $0x0;
	v34 =	vand.u32 $0x7C, v34;
	v39 =	vor.u32 v0, v24;
	[tilespmem:s24+$0x20] =	vst v33;
	v30 =	vld.idx.msk [tilespmem:v30+s4+$0x0], $0xffff  }
0x1a8: {  	v23 =	vor.u32 v1, v23;
	v33 =	vbroadcast v34, $0x0;
	v21 =	vor.u32 v0, v25;
	[tilespmem:s0+$0xFFFFFF80] =	vst v36;
	v34 =	vld.idx.msk [tilespmem:v4+s4+$0x0], $0xffff  }
0x1a9: {  	v20 =	vor.u32 v1, v20;
	s3 =	sadd.s32 $0xFFFFFFFF, s2;
	v36 =	vor.u32 v0, v35;
	v4 =	vmov v17;
	v27 =	vld.idx.msk [tilespmem:v27+s4+$0x0], $0xffff;
	[tilespmem:s24+$0xFFFFFFB0] =	vst v22  }
0x1aa: {  	v17 =	vor.u32 v0, v33;
	v22 =	vmov s3;
	v29 =	vld.idx.msk [tilespmem:v29+s4+$0x0], $0xffff;
	[tilespmem:s25+$0xE0] =	vst v37  }
0x1ab: {  	[tilespmem:s0+$0xFFFFFF20] =	vst v16;
	v16 =	vand.u32 $0x7E, v22;
	v22 =	vld.idx.msk [tilespmem:v32+s4+$0x0], $0xffff  }
0x1ac: {  	v26 =	vld.idx.msk [tilespmem:v26+s4+$0x0], $0xffff;
	[tilespmem:s24+$0xA0] =	vst v40;
	v16 =	vbroadcast v16, $0x0  }
0x1ad: {  	v32 =	vor.u32 v0, v31;
	v37 =	vld.idx.msk [tilespmem:v2+s4+$0x0], $0xffff;
	[tilespmem:s25+$0xFFFFFFE0] =	vst v30;
	v2 =	vmov v19  }
0x1ae: {  	v24 =	vor.u32 v1, v24;
	[tilespmem:s24+$0x30] =	vst v34;
	v19 =	vor.u32 v0, v16;
	v28 =	vld.idx.msk [tilespmem:v28+s4+$0x0], $0xffff  }
0x1af: {  	v25 =	vor.u32 v1, v25;
	s3 =	sadd.s32 $0xFFFFFFF4, s2;
	v30 =	vor.u32 v1, v15;
	[tilespmem:s24+$0xFFFFFF40] =	vst v27;
	v27 =	vld.idx.msk [tilespmem:v6+s4+$0x0], $0xffff;
	v6 =	vmov v32  }
0x1b0: {  	s6 =	sadd.s32 $0xFFFFFFF2, s10;
	v15 =	vmov s3;
	v34 =	vor.u32 v1, v16;
	v32 =	vld.idx.msk [tilespmem:v39+s4+$0x0], $0xffff;
	[tilespmem:s25+$0x70] =	vst v38  }
0x1b1: {  	v33 =	vor.u32 v1, v33;
	s0 =	sadd.s32 $0x200, s0;
	s3 =	sadd.s32 $0xFFFFFFF6, s10;
	v16 =	vmov s6;
	v15 =	vand.u32 $0x73, v15;
	v38 =	vld.idx.msk [tilespmem:v9+s4+$0x0], $0xffff;
	[tilespmem:s25+$0xFFFFFF70] =	vst v29;
	v9 =	vmovc v25  }
0x1b2: {  	v16 =	vand.u32 $0x71, v16;
	v25 =	vmov s3;
	v29 =	vld.idx.msk [tilespmem:v36+s4+$0x0], $0xffff;
	v36 =	vbroadcast v15, $0x0;
	[tilespmem:s25+$0xF0] =	vst v22  }
0x1b3: {  	s3 =	sadd.s32 $0xFFFFFFFA, s10;
	v15 =	vbroadcast v16, $0x0;
	v16 =	vand.u32 $0x75, v25;
	v25 =	vor.u32 v1, v35;
	v20 =	vld.idx.msk [tilespmem:v20+s4+$0x0], $0xffff;
	[tilespmem:s24+$0xB0] =	vst v37  }
0x1b4: {  	v22 =	vmov s3;
	v39 =	vbroadcast v16, $0x0;
	v40 =	vor.u32 v0, v36;
	v35 =	vld.idx.msk [tilespmem:v19+s4+$0x0], $0xffff;
	[tilespmem:s25+$0xFFFFFFF0] =	vst v28;
	s25 =	smov.u32 s24;
	s24 =	smov.u32 s26;
	s26 =	smov.u32 s0  }
0x1b5: {  	v16 =	vor.u32 v0, v15;
	v19 =	vand.u32 $0x79, v22;
	v22 =	vor.u32 v1, v31;
	v28 =	vld.idx.msk [tilespmem:v30+s4+$0x0], $0xffff;
	[tilespmem:s25+$0x40] =	vst v27  }
0x1b6: {  	v27 =	vor.u32 v0, v39;
	v41 =	vbroadcast v19, $0x0;
	[tilespmem:s0+$0xFFFFFF00] =	vst v32;
	v37 =	vld.idx.msk [tilespmem:v8+s4+$0x0], $0xffff;
	v8 =	vmov v22  }
0x1b7: {  	v22 =	vld.idx.msk [tilespmem:v17+s4+$0x0], $0xffff;
	[tilespmem:s24+$0x0] =	vst v12  }
0x1b8: {  	s6 =	sadd.s32 $0xFFFFFFF8, s2;
	s3 =	sadd.s32 $0xFFFFFFFE, s10;
	v19 =	vmov s2;
	s2 =	smov.u32 s28;
	v42 =	vor.u32 v0, v41;
	v12 =	vmovc v29;
	[tilespmem:s24+$0xFFFFFF90] =	vst v38;
	v17 =	vld.idx.msk [tilespmem:v14+s4+$0x0], $0xffff;
	v14 =	vmov v25  }
0x1b9: {  	s28 =	smov.u32 s10;
	v30 =	vand.u32 $0x7F, v19;
	v25 =	vmov s3;
	s3 =	sadd.s32 $0xFFFFFFF3, s2;
	v29 =	vld.idx.msk [tilespmem:v11+s4+$0x0], $0xffff;
	[tilespmem:s25+$0xFFFFFFC0] =	vst v26;
	v26 =	vmov s6;
	v11 =	vmovc v27  }
0x1ba: {  	v19 =	vand.u32 $0x7D, v25;
	v25 =	vmov s3;
	[tilespmem:s25+$0xFFFFFF50] =	vst v20;
	v43 =	vld.idx.msk [tilespmem:v23+s4+$0x0], $0xffff;
	v20 =	vand.u32 $0x77, v26  }
0x1bb: {  	s3 =	sadd.s32 $0xFFFFFFF7, s2;
	v19 =	vbroadcast v19, $0x0;
	v23 =	vand.u32 $0x72, v25;
	v44 =	vld.idx.msk [tilespmem:v10+s4+$0x0], $0xffff;
	v45 =	vbroadcast v20, $0x0;
	[tilespmem:s25+$0xC0] =	vst v35;
	v10 =	vmovc v33  }
0x1bc: {  	v32 =	vbroadcast v30, $0x0;
	v20 =	vbroadcast v23, $0x0;
	v23 =	vmov s3;
	[tilespmem:s24+$0xFFFFFF30] =	vst v28;
	v35 =	vld.idx.msk [tilespmem:v34+s4+$0x0], $0xffff  }
.Ltmp9:
0x1bd: {  	v25 =	vor.u32 v0, v19;
	v23 =	vand.u32 $0x76, v23;
	v31 =	vld.idx.msk [tilespmem:v24+s4+$0x0], $0xffff;
	v30 =	vor.u32 v0, v45;
	[tilespmem:s25+$0x50] =	vst v37;
	(pc) =	sbr.rel @p2 .LBB2_13-.Ltmp9, $4  }
0x1be: {  	s3 =	sadd.s32 $0xFFFFFFFC, s2;
	v27 =	vor.u32 v0, v20;
	v23 =	vbroadcast v23, $0x0;
	v37 =	vor.u32 v0, v32;
	[tilespmem:s24+$0x10] =	vst v17;
	v34 =	vld.idx.msk [tilespmem:v18+s4+$0x0], $0xffff  }
0x1bf: {  	v17 =	vor.u32 v1, v41;
	v18 =	vmov s3;
	[tilespmem:s24+$0xFFFFFFA0] =	vst v29;
	v33 =	vld.idx.msk [tilespmem:v13+s4+$0x0], $0xffff;
	v29 =	vor.u32 v1, v36;
	v13 =	vmovc v42  }
0x1c0: {  	v24 =	vor.u32 v1, v39;
	v26 =	vor.u32 v0, v23;
	v18 =	vand.u32 $0x7B, v18;
	v38 =	vld.idx.msk [tilespmem:v40+s4+$0x0], $0xffff;
	[tilespmem:s25+$0xFFFFFFD0] =	vst v43  }
0x1c1: {  	s10 =	sadd.s32 $0x10, s10;
	v28 =	vor.u32 v1, v45;
	s3 =	sadd.s32 $0xFFFFFFFB, s28;
	v36 =	vld.idx.msk [tilespmem:v21+s4+$0x0], $0xffff;
	[tilespmem:s24+$0x90] =	vst v44;
	v21 =	vor.u32 v1, v7;
	v7 =	vbroadcast v18, $0x0  }
0x1c2: {  	_ = 	snop  }
0x1c3: {  	[tilespmem:s25+$0xD0] =	vst v35  }
0x1c4: {  	[tilespmem:s0+$0x80] =	vst v22  }
0x1c5: {  	[tilespmem:s0+$0xFFFFFF10] =	vst v31  }
0x1c6: {  	v5 =	vld.idx.msk [tilespmem:v5+s4+$0x0], $0xffff;
	[tilespmem:s26+$0x0] =	vst v12  }
0x1c7: {  	v3 =	vld.idx.msk [tilespmem:v3+s4+$0x0], $0xffff;
	[tilespmem:s25+$0x60] =	vst v34  }
0x1c8: {  	v45 =	vld.idx.msk [tilespmem:v30+s4+$0x0], $0xffff;
	[tilespmem:s24+$0x20] =	vst v33  }
0x1c9: {  	v47 =	vld.idx.msk [tilespmem:v27+s4+$0x0], $0xffff;
	[tilespmem:s25+$0xFFFFFF60] =	vst v38  }
0x1ca: {  	v18 =	vld.idx.msk [tilespmem:v37+s4+$0x0], $0xffff;
	[tilespmem:s0+$0xFFFFFF80] =	vst v36  }
0x1cb: {  	v16 =	vld.idx.msk [tilespmem:v16+s4+$0x0], $0xffff;
	[tilespmem:s24+$0xFFFFFFB0] =	vst v5  }
0x1cc: {  	v48 =	vld.idx.msk [tilespmem:v21+s4+$0x0], $0xffff;
	[tilespmem:s24+$0xA0] =	vst v3  }
0x1cd: {  	v4 =	vld.idx.msk [tilespmem:v4+s4+$0x0], $0xffff;
	[tilespmem:s25+$0xFFFFFFE0] =	vst v45  }
0x1ce: {  	v53 =	vor.u32 v1, v20;
	v3 =	vld.idx.msk [tilespmem:v29+s4+$0x0], $0xffff;
	[tilespmem:s24+$0xFFFFFF40] =	vst v47  }
0x1cf: {  	v9 =	vld.idx.msk [tilespmem:v9+s4+$0x0], $0xffff;
	[tilespmem:s25+$0xE0] =	vst v18  }
0x1d0: {  	v46 =	vor.u32 v1, v32;
	[tilespmem:s0+$0xFFFFFF20] =	vst v16;
	v2 =	vld.idx.msk [tilespmem:v2+s4+$0x0], $0xffff  }
0x1d1: {  	s30 =	sadd.s32 $0xFFFFFFFF, s2;
	v52 =	vld.idx.msk [tilespmem:v28+s4+$0x0], $0xffff;
	[tilespmem:s25+$0x70] =	vst v48  }
0x1d2: {  	v49 =	vmov s30;
	v56 =	vld.idx.msk [tilespmem:v26+s4+$0x0], $0xffff;
	[tilespmem:s24+$0x30] =	vst v4  }
0x1d3: {  	v55 =	vor.u32 v1, v15;
	s31 =	sadd.s32 $0xFFFFFFF4, s2;
	v51 =	vand.u32 $0x7E, v49;
	v57 =	vld.idx.msk [tilespmem:v53+s4+$0x0], $0xffff;
	[tilespmem:s25+$0xFFFFFF70] =	vst v3  }
0x1d4: {  	v60 =	vmov s31;
	v4 =	vbroadcast v51, $0x0;
	v3 =	vld.idx.msk [tilespmem:v14+s4+$0x0], $0xffff;
	[tilespmem:s26+$0xFFFFFF90] =	vst v9  }
0x1d5: {  	v62 =	vand.u32 $0x73, v60;
	v50 =	vld.idx.msk [tilespmem:v46+s4+$0x0], $0xffff;
	[tilespmem:s24+$0xB0] =	vst v2  }
0x1d6: {  	v63 =	vbroadcast v62, $0x0;
	v54 =	vor.u32 v0, v4;
	v2 =	vld.idx.msk [tilespmem:v10+s4+$0x0], $0xffff;
	[tilespmem:s25+$0xFFFFFFF0] =	vst v52  }
0x1d7: {  	v6 =	vld.idx.msk [tilespmem:v6+s4+$0x0], $0xffff;
	[tilespmem:s24+$0xFFFFFFC0] =	vst v56  }
0x1d8: {  	v30 =	vor.u32 v0, v63;
	v14 =	vld.idx.msk [tilespmem:v55+s4+$0x0], $0xffff;
	[tilespmem:s24+$0xFFFFFF50] =	vst v57  }
0x1d9: {  	s6 =	sadd.s32 $0xFFFFFFF3, s28;
	v11 =	vld.idx.msk [tilespmem:v11+s4+$0x0], $0xffff;
	[tilespmem:s26+$0x10] =	vst v3  }
0x1da: {  	s10 =	sadd.s32 $0xFFFFFFF7, s28;
	v31 =	vmov s6;
	[tilespmem:s25+$0xF0] =	vst v50;
	v3 =	vmov s3;
	v61 =	vld.idx.msk [tilespmem:v13+s4+$0x0], $0xffff  }
0x1db: {  	v35 =	vmov s10;
	v18 =	vand.u32 $0x72, v31;
	v58 =	vld.idx.msk [tilespmem:v54+s4+$0x0], $0xffff;
	v3 =	vand.u32 $0x7A, v3;
	[tilespmem:s26+$0x90] =	vst v2  }
0x1dc: {  	v34 =	vbroadcast v18, $0x0;
	[tilespmem:s24+$0x40] =	vst v6;
	v2 =	vbroadcast v3, $0x0;
	v3 =	vor.u32 v1, v4;
	v26 =	vld.idx.msk [tilespmem:v25+s4+$0x0], $0xffff  }
0x1dd: {  	v27 =	vor.u32 v1, v19;
	v18 =	vand.u32 $0x76, v35;
	v16 =	vld.idx.msk [tilespmem:v30+s4+$0x0], $0xffff;
	[tilespmem:s26+$0xFFFFFF30] =	vst v14  }
0x1de: {  	s9 =	sadd.s32 $0xFFFFFFFF, s28;
	v18 =	vbroadcast v18, $0x0;
	v37 =	vor.u32 v0, v34;
	v8 =	vld.idx.msk [tilespmem:v8+s4+$0x0], $0xffff;
	[tilespmem:s26+$0xFFFFFFA0] =	vst v11  }
0x1df: {  	v59 =	vor.u32 v1, v23;
	v33 =	vmov s9;
	v40 =	vld.idx.msk [tilespmem:v24+s4+$0x0], $0xffff;
	[tilespmem:s26+$0x20] =	vst v61  }
0x1e0: {  	v9 =	vand.u32 $0x7E, v33;
	v42 =	vor.u32 v0, v18;
	[tilespmem:s24+$0xC0] =	vst v58;
	v17 =	vld.idx.msk [tilespmem:v17+s4+$0x0], $0xffff  }
0x1e1: {  	v9 =	vbroadcast v9, $0x0;
	v29 =	vor.u32 v0, v2;
	v3 =	vld.idx.msk [tilespmem:v3+s4+$0x0], $0xffff;
	[tilespmem:s26+$0xA0] =	vst v26  }
0x1e2: {  	s11 =	sadd.s32 $0xFFFFFFF8, s2;
	v28 =	vor.u32 v0, v7;
	[tilespmem:s24+$0xFFFFFF60] =	vst v16;
	v38 =	vld.idx.msk [tilespmem:v27+s4+$0x0], $0xffff  }
0x1e3: {  	v36 =	vmov s11;
	v41 =	vor.u32 v0, v9;
	v45 =	vld.idx.msk [tilespmem:v37+s4+$0x0], $0xffff;
	[tilespmem:s24+$0x50] =	vst v8  }
0x1e4: {  	v39 =	vand.u32 $0x77, v36;
	v47 =	vor.u32 v1, v34;
	v12 =	vld.idx.msk [tilespmem:v59+s4+$0x0], $0xffff;
	[tilespmem:s26+$0xFFFFFFB0] =	vst v40  }
0x1e5: {  	v32 =	vmov s2;
	v13 =	vbroadcast v39, $0x0;
	v4 =	vor.u32 v1, v63;
	v49 =	vld.idx.msk [tilespmem:v42+s4+$0x0], $0xffff;
	[tilespmem:s26+$0x30] =	vst v17  }
0x1e6: {  	s29 =	sadd.s32 $0xFFFFFFF4, s28;
	v50 =	vor.u32 v1, v18;
	v6 =	vand.u32 $0x7F, v32;
	[tilespmem:s24+$0xD0] =	vst v3;
	v3 =	vld.idx.msk [tilespmem:v29+s4+$0x0], $0xffff  }
0x1e7: {  	s30 =	sadd.s32 $0xFFFFFFF8, s28;
	v51 =	vmov s29;
	v6 =	vbroadcast v6, $0x0;
	v44 =	vor.u32 v0, v13;
	v15 =	vld.idx.msk [tilespmem:v28+s4+$0x0], $0xffff;
	[tilespmem:s26+$0xB0] =	vst v38  }
0x1e8: {  	v54 =	vmov s30;
	v16 =	vand.u32 $0x73, v51;
	v2 =	vor.u32 v1, v2;
	[tilespmem:s26+$0xFFFFFF40] =	vst v45;
	v48 =	vld.idx.msk [tilespmem:v41+s4+$0x0], $0xffff  }
0x1e9: {  	s25 =	sadd.s32 $0xFFFFFFFC, s28;
	v9 =	vor.u32 v1, v9;
	[tilespmem:s24+$0xFFFFFFD0] =	vst v12;
	v53 =	vbroadcast v16, $0x0;
	v16 =	vand.u32 $0x77, v54;
	v11 =	vld.idx.msk [tilespmem:v47+s4+$0x0], $0xffff  }
0x1ea: {  	v46 =	vmov s25;
	v43 =	vor.u32 v0, v6;
	v57 =	vbroadcast v16, $0x0;
	v4 =	vld.idx.msk [tilespmem:v4+s4+$0x0], $0xffff;
	[tilespmem:s26+$0xFFFFFFC0] =	vst v49  }
0x1eb: {  	v10 =	vand.u32 $0x7B, v46;
	v56 =	vor.u32 v0, v53;
	v58 =	vld.idx.msk [tilespmem:v50+s4+$0x0], $0xffff;
	[tilespmem:s26+$0x40] =	vst v3;
	v3 =	vmov s28  }
0x1ec: {  	v10 =	vbroadcast v10, $0x0;
	v16 =	vor.u32 v0, v57;
	[tilespmem:s24+$0x60] =	vst v15;
	v17 =	vld.idx.msk [tilespmem:v44+s4+$0x0], $0xffff;
	v3 =	vand.u32 $0x7F, v3  }
0x1ed: {  	v52 =	vor.u32 v1, v7;
	v2 =	vld.idx.msk [tilespmem:v2+s4+$0x0], $0xffff;
	[tilespmem:s26+$0xC0] =	vst v48;
	v3 =	vbroadcast v3, $0x0  }
0x1ee: {  	v55 =	vor.u32 v0, v10;
	[tilespmem:s26+$0xFFFFFF50] =	vst v11;
	v9 =	vld.idx.msk [tilespmem:v9+s4+$0x0], $0xffff  }
0x1ef: {  	[tilespmem:s24+$0xFFFFFF70] =	vst v4;
	v12 =	vld.idx.msk [tilespmem:v43+s4+$0x0], $0xffff;
	v59 =	vor.u32 v0, v3  }
0x1f0: {  	v6 =	vor.u32 v1, v6;
	v8 =	vld.idx.msk [tilespmem:v56+s4+$0x0], $0xffff;
	[tilespmem:s26+$0xFFFFFFD0] =	vst v58  }
0x1f1: {  	v5 =	vor.u32 v1, v53;
	[tilespmem:s24+$0xFFFFFFE0] =	vst v17;
	v61 =	vld.idx.msk [tilespmem:v16+s4+$0x0], $0xffff  }
0x1f2: {  	v62 =	vor.u32 v1, v57;
	v7 =	vld.idx.msk [tilespmem:v52+s4+$0x0], $0xffff;
	[tilespmem:s26+$0x50] =	vst v2  }
0x1f3: {  	v2 =	vor.u32 v1, v13;
	v60 =	vld.idx.msk [tilespmem:v55+s4+$0x0], $0xffff;
	[tilespmem:s26+$0xD0] =	vst v9  }
0x1f4: {  	v10 =	vor.u32 v1, v10;
	[tilespmem:s24+$0xE0] =	vst v12;
	v9 =	vld.idx.msk [tilespmem:v59+s4+$0x0], $0xffff  }
0x1f5: {  	[tilespmem:s26+$0xFFFFFF60] =	vst v8;
	v6 =	vld.idx.msk [tilespmem:v6+s4+$0x0], $0xffff;
	v3 =	vor.u32 v1, v3  }
0x1f6: {  	v5 =	vld.idx.msk [tilespmem:v5+s4+$0x0], $0xffff;
	[tilespmem:s26+$0xFFFFFFE0] =	vst v61  }
0x1f7: {  	[tilespmem:s24+$0x70] =	vst v7;
	v4 =	vld.idx.msk [tilespmem:v62+s4+$0x0], $0xffff  }
0x1f8: {  	v2 =	vld.idx.msk [tilespmem:v2+s4+$0x0], $0xffff;
	[tilespmem:s26+$0x60] =	vst v60  }
0x1f9: {  	v63 =	vld.idx.msk [tilespmem:v10+s4+$0x0], $0xffff;
	[tilespmem:s26+$0xE0] =	vst v9  }
0x1fa: {  	[tilespmem:s24+$0xF0] =	vst v6;
	v3 =	vld.idx.msk [tilespmem:v3+s4+$0x0], $0xffff  }
0x1fb: {  	[tilespmem:s26+$0xFFFFFF70] =	vst v5  }
0x1fc: {  	[tilespmem:s26+$0xFFFFFFF0] =	vst v4  }
0x1fd: {  	[tilespmem:s24+$0xFFFFFFF0] =	vst v2  }
0x1fe: {  	[tilespmem:s26+$0x70] =	vst v63  }
0x1ff: {  	[tilespmem:s26+$0xF0] =	vst v3  }
.Ltmp10:
0x200: {  	s31 =	rddreg [dreg:$0x6];
	(pc) =	sbr.rel .LBB2_15-.Ltmp10, $4  }
0x201: {  	[hbm4b:s31+s4] =	stream.linear.scatter [tilespmem:s18], [sflag:$0x3], $0x1000, $0x38;
	[tilespmem:$0x4000] =	vst v63  }
0x202: {  	_ =	swait.ge [sflag:s22], $0x1000  }
0x203: {  	[sflag:s22] =	ssyncset.done $0x0  }
0x204: {  	[sflag:s22] =	ssyncadd.s32 $0xFFFFF000  }
.LBB2_16:
0x205: {  	_ =	sfence.sel $0x180000  }
0x206: {  	[bflag:$0x0] =	sbarrier.arrive $0xFFFF  }
0x207: {  	_ =	strace $0x90000047  }
0x208: {  	s0 =	stileid.u32;
	[bflag:$0x2] =	sbarrier.arrive $0xFFFF  }
0x209: {  	p0 =	sne.s32 s0, $0x0;
	s0 =	rddreg [dreg:$0x3]  }
0x20a: {  	s0 =	sadd.s32 @!p0 $0x100000, s0  }
0x20b: {  	[sflag:s0] =	ssyncadd.tile.s32 @!p0 $0x1;
	_ =	shalt  }
.Lfunc_end2:
_tile_overlayer_lowered:
.L_overlay_start_2:
0x20c: {  	(tag) =	ssettag $0x2  }
0x20d: {  	s0 =	rddreg [dreg:$0x0];
	s2 =	stileid.u32  }
0x20e: {  	s1 =	rddreg [dreg:$0x1];
	p0 =	sne.s32 s2, $0x0  }
0x20f: {  	s3 =	rddreg [dreg:$0x2];
	[bflag:$0x3] =	sbarrier.arrive $0xFFFF;
	s2 =	simm.s32 @!p0 $0x1C05  }
0x210: {  	[timem:s3], [sflag:s2] =	dma.local @!p0 [hbm:s0], s1  }
0x211: {  	s0 =	simm.s32 @!p0 $0x5  }
0x212: {  	_ =	swait.ge @!p0 [sflag:s0], s1  }
0x213: {  	s1 =	ssub.s32 @!p0 $0x0, s1;
	[sflag:s0] =	ssyncset.done @!p0 $0x0  }
0x214: {  	[sflag:s0] =	ssyncadd.s32 @!p0 s1  }
0x215: {  	[bflag:$0x3] =	sbarrier.arrive $0xFFFF  }
0x216: {  	_ =	shalt  }

// kernel: kernel.7.cloned.1.call-start
scs
__scs_entry_jumppad:
0x0: {  	(pc) =	sbr.rel $0x88, $3  }
0x1: {  	(tag) =	ssettag $0x0;
	lr =	simm.s32 $0x1  }
0x2: {  	[smem:$0x3F9F] =	sst lr;
	_ =	strace $0xD0000000  }
0x3: {  	_ = 	snop  }
0x4: {  	_ = 	snop  }
0x5: {  	_ = 	snop  }
0x6: {  	_ = 	snop  }
0x7: {  	_ = 	snop  }
__scs_overlays_trampoline_lowered:
0x8: {  	[smem:$0x3FAE] =	sst s0  }
0x9: {  	[smem:$0x3FAF] =	sst s1  }
0xa: {  	[smem:$0x3FB0] =	sst s2  }
0xb: {  	[smem:$0x3FB1] =	sst s3  }
0xc: {  	[smem:$0x3FB2] =	sst s4  }
0xd: {  	[smem:$0x3FB3] =	sst s5  }
0xe: {  	[smem:$0x3FB4] =	sst s6  }
0xf: {  	[smem:$0x3FB5] =	sst s7  }
0x10: {  	[smem:$0x3FB6] =	sst s8  }
0x11: {  	[smem:$0x3FB7] =	sst s9;
	s0 =	simm.s32 @!p0 $0x0  }
0x12: {  	s1 =	sld [smem:$0x3F9D];
	s0 =	simm.s32 @p0 $0x1  }
0x13: {  	[smem:$0x3FB8] =	sst s0;
	s0 =	simm.s32 @!p1 $0x0  }
0x14: {  	s2 =	sld [smem:$0x3F9C];
	s0 =	simm.s32 @p1 $0x1  }
0x15: {  	[smem:$0x3FB9] =	sst s0;
	s0 =	simm.s32 @!p2 $0x0  }
0x16: {  	s3 =	sld [smem:$0x3FDB];
	s0 =	simm.s32 @p2 $0x1  }
0x17: {  	s4 =	simm.s32 $0x1BF5;
	[smem:$0x3FBB] =	sst s0  }
0x18: {  	s0 =	sld [smem:$0x3F9E];
	_ =	swait.ge [sflag:s4], $0x0  }
0x19: {  	s7 =	sld [smem:$0x3F9F]  }
0x1a: {  	s8 =	sadd.s32 $0xFFFFE003, lr  }
0x1b: {  	s9 =	sadd.s32 $0xFFFFFEF7, lr;
	s5 =	simm.s32 $0xFFFFFFFF;
	p2 =	slt.u32 s8, $0xFFFFF086  }
0x1c: {  	p1 =	slt.u32 s9, $0xF7A;
	s5 =	simm.s32 @!p2 $0x0  }
0x1d: {  	s5 =	simm.s32 @p1 $0x1;
	p0 =	seq.s32 s7, s2  }
0x1e: {  	s7 =	smul.u32 @!p0 $0xF7A, s2;
	p2 =	seq.s32 @!p0 s5, $0x0  }
0x1f: {  	s9 =	smul.u32 $0xF7A, s1;
	s8 =	simm.s32 @!p0 $0x1BF5;
	p2 =	por !p2, p0  }
0x20: {  	[sflag:s8] =	ssyncset.s32 @!p0 $0xFFFFF086;
	s6 =	sadd.s32 @!p0 s3, s7;
	s7 =	simm.s32 @!p0 $0x108  }
0x21: {  	s3 =	sadd.s32 s3, s9;
	s6 =	sadd.s32 @!p0 $0x88, s6;
	s7 =	simm.s32 @p2 $0x1082  }
0x22: {  	[simem:s7], [sflag:s8] =	dma.local @!p0 [hbm:s6], $0xF7A  }
0x23: {  	s9 =	sor.u32 $0xD0000000, s2;
	s6 =	simm.s32 $0x108;
	_ =	swait.ge @!p0 [sflag:s8], $0x0  }
0x24: {  	s3 =	sadd.s32 $0x88, s3;
	s6 =	simm.s32 @!p1 $0x1082;
	[sflag:s4] =	ssyncset.s32 $0xFFFFF086  }
0x25: {  	[simem:s6], [sflag:s4] =	dma.local [hbm:s3], $0xF7A  }
0x26: {  	[smem:$0x3F9F] =	sst s1;
	(tag) =	ssettag s2;
	_ =	strace s9  }
0x27: {  	s1 =	sld [smem:$0x3FAF]  }
0x28: {  	s2 =	sld [smem:$0x3FB0]  }
0x29: {  	s4 =	sld [smem:$0x3FB2]  }
0x2a: {  	p0 =	seq.s32 s5, $0x0;
	s5 =	sld [smem:$0x3FB3]  }
0x2b: {  	s6 =	sld [smem:$0x3FB4]  }
0x2c: {  	s7 =	sld [smem:$0x3FB5]  }
0x2d: {  	s3 =	simm.s32 $0x108;
	s8 =	sld [smem:$0x3FB6]  }
0x2e: {  	s3 =	simm.s32 @!p0 $0x1082;
	s9 =	sld [smem:$0x3FB7]  }
0x2f: {  	lr =	sadd.s32 s0, s3;
	s0 =	sld [smem:$0x3FAE]  }
0x30: {  	s3 =	sld [smem:$0x3FB1]  }
0x31: {  	[smem:$0x3FBA] =	sst s10  }
0x32: {  	s10 =	sld [smem:$0x3FB8];
	_ =	sdelay $0x3  }
0x33: {  	p0 =	seq.s32 s10, $0x1;
	s10 =	sld [smem:$0x3FBA];
	_ =	sdelay $0x3  }
0x34: {  	[smem:$0x3FBA] =	sst s10  }
0x35: {  	s10 =	sld [smem:$0x3FB9];
	_ =	sdelay $0x3  }
0x36: {  	p1 =	seq.s32 s10, $0x1;
	s10 =	sld [smem:$0x3FBA];
	_ =	sdelay $0x3  }
0x37: {  	[smem:$0x3FBA] =	sst s10  }
0x38: {  	s10 =	sld [smem:$0x3FBB]  }
0x39: {  	_ = 	snop;
	(pc) =	sbr.ind lr, $3  }
0x3a: {  	_ = 	snop  }
0x3b: {  	_ = 	snop  }
0x3c: {  	p2 =	seq.s32 s10, $0x1;
	s10 =	sld [smem:$0x3FBA]  }
0x3d: {  	_ =	shalt  }
0x3e: {  	_ =	shalt  }
0x3f: {  	_ =	shalt  }
0x40: {  	_ =	shalt  }
0x41: {  	_ =	shalt  }
0x42: {  	_ =	shalt  }
0x43: {  	_ =	shalt  }
0x44: {  	_ =	shalt  }
0x45: {  	_ =	shalt  }
0x46: {  	_ =	shalt  }
0x47: {  	_ =	shalt  }
0x48: {  	_ =	shalt  }
0x49: {  	_ =	shalt  }
0x4a: {  	_ =	shalt  }
0x4b: {  	_ =	shalt  }
0x4c: {  	_ =	shalt  }
0x4d: {  	_ =	shalt  }
0x4e: {  	_ =	shalt  }
0x4f: {  	_ =	shalt  }
0x50: {  	_ =	shalt  }
0x51: {  	_ =	shalt  }
0x52: {  	_ =	shalt  }
0x53: {  	_ =	shalt  }
0x54: {  	_ =	shalt  }
0x55: {  	_ =	shalt  }
0x56: {  	_ =	shalt  }
0x57: {  	_ =	shalt  }
0x58: {  	_ =	shalt  }
0x59: {  	_ =	shalt  }
0x5a: {  	_ =	shalt  }
0x5b: {  	_ =	shalt  }
0x5c: {  	_ =	shalt  }
0x5d: {  	_ =	shalt  }
0x5e: {  	_ =	shalt  }
0x5f: {  	_ =	shalt  }
0x60: {  	_ =	shalt  }
0x61: {  	_ =	shalt  }
0x62: {  	_ =	shalt  }
0x63: {  	_ =	shalt  }
0x64: {  	_ =	shalt  }
0x65: {  	_ =	shalt  }
0x66: {  	_ =	shalt  }
0x67: {  	_ =	shalt  }
0x68: {  	_ =	shalt  }
0x69: {  	_ =	shalt  }
0x6a: {  	_ =	shalt  }
0x6b: {  	_ =	shalt  }
0x6c: {  	_ =	shalt  }
0x6d: {  	_ =	shalt  }
0x6e: {  	_ =	shalt  }
0x6f: {  	_ =	shalt  }
0x70: {  	_ =	shalt  }
0x71: {  	_ =	shalt  }
0x72: {  	_ =	shalt  }
0x73: {  	_ =	shalt  }
0x74: {  	_ =	shalt  }
0x75: {  	_ =	shalt  }
0x76: {  	_ =	shalt  }
0x77: {  	_ =	shalt  }
0x78: {  	_ =	shalt  }
0x79: {  	_ =	shalt  }
0x7a: {  	_ =	shalt  }
0x7b: {  	_ =	shalt  }
0x7c: {  	_ =	shalt  }
0x7d: {  	_ =	shalt  }
0x7e: {  	_ =	shalt  }
0x7f: {  	_ =	shalt  }
0x80: {  	_ =	shalt  }
0x81: {  	_ =	shalt  }
0x82: {  	_ =	shalt  }
0x83: {  	_ =	shalt  }
0x84: {  	_ =	shalt  }
0x85: {  	_ =	shalt  }
0x86: {  	_ =	shalt  }
0x87: {  	_ =	shalt  }
.Lfunc_end0:
.L_simem_size_0:
called_computation.1_lowered:
.L_overlay_start_0:
0x88: {  	s2 =	sld [smem:$0x3FD9]  }
0x89: {  	s3 =	sld [smem:$0x3FFE];
	_ =	sdelay $0x1  }
0x8a: {  	s1 =	srdreg.scid  }
0x8b: {  	s0 =	sand.u32 $0x1, s1  }
0x8c: {  	s17 =	sshll.u32 s0, $0xA;
	s2 =	sadd.s32 s3, s2  }
0x8d: {  	s2 =	sadd.s32 s2, s17  }
0x8e: {  	[smem:$0x3FC6] =	sst s2  }
0x8f: {  	_ = 	snop  }
0x90: {  	s2 =	sld [smem:$0x3FC9]  }
0x91: {  	s18 =	sld [smem:$0x3FD0];
	(tm) =	ssettm $0x1  }
0x92: {  	s4 =	sld [smem:$0x3FFB];
	_ =	sdelay $0x3  }
0x93: {  	_ =	strace s4  }
0x94: {  	s4 =	sld [smem:$0x3FFC];
	_ =	sdelay $0x3  }
0x95: {  	_ =	strace s4  }
0x96: {  	s4 =	sld [smem:$0x3FFD];
	_ =	sdelay $0x3  }
0x97: {  	_ =	strace s4  }
0x98: {  	_ =	strace $0x8FFFFFFF  }
0x99: {  	s19 =	sld [smem:$0x3FDB];
	_ =	sdelay $0x1  }
0x9a: {  	s5 =	simm.s32 $_scs_section_size  }
0x9b: {  	s6 =	simm.s32 $_size__tile_overlayer_lowered;
	s7 =	simm.s32 $_tile_overlayer_lowered  }
0x9c: {  	s22 =	simm.s32 $0x1BFF;
	s21 =	sshll.u32 s7, $0x1;
	s4 =	sadd.s32 s5, s19  }
0x9d: {  	s8 =	simm.s32 $0x0;
	s20 =	sshll.u32 s6, $0x1;
	s6 =	sadd.s32 s21, s4  }
0x9e: {  	[timem:s8], [sflag:s22] =	dma.local [hbm:s6], s20  }
0x9f: {  	_ =	swait.ge [sflag:s22], s20  }
0xa0: {  	s5 =	ssub.s32 $0x0, s20;
	[sflag:s22] =	ssyncset.done $0x0  }
0xa1: {  	[sflag:s22] =	ssyncadd.s32 s5;
	_ =	sdelay $0x1  }
0xa2: {  	s23 =	simm.s32 $0x1B8B  }
0xa3: {  	_ =	swait.ge [sflag:s23], $0x1  }
0xa4: {  	[sflag:s23] =	ssyncset.done $0x0  }
0xa5: {  	s25 =	simm.s32 $0x1B8E;
	s24 =	sld [smem:$0x3FFE];
	[sflag:s23] =	ssyncadd.s32 $0xFFFFFFFF  }
0xa6: {  	s26 =	simm.s32 $execute0_lowered;
	[smem:$0x3FD2] =	sst s25  }
0xa7: {  	s6 =	sshll.u32 s26, $0x1;
	_ =	strace $0x80000049;
	[dreg:$0x1] =	wrdreg $0xFFFFFFFF  }
0xa8: {  	s28 =	simm.s32 $_size_execute0_lowered;
	s4 =	sadd.s32 s4, s6;
	[dreg:$0x0] =	wrdreg $0x0  }
0xa9: {  	s6 =	sshll.u32 s28, $0x1;
	[dreg:$0x2] =	wrdreg s4  }
0xaa: {  	[dreg:$0x3] =	wrdreg s6  }
0xab: {  	[dreg:$0x4] =	wrdreg $0xC0  }
0xac: {  	_ =	task [dreg:s8], $0x5FFFF  }
0xad: {  	[dreg:$0x1] =	wrdreg $0xFFFFFFFF  }
0xae: {  	[dreg:$0x0] =	wrdreg $0x60  }
0xaf: {  	[dreg:$0x2] =	wrdreg s24  }
0xb0: {  	[dreg:$0x3] =	wrdreg s2  }
0xb1: {  	[dreg:$0x4] =	wrdreg s18  }
0xb2: {  	[dreg:$0x5] =	wrdreg $0x9  }
0xb3: {  	_ =	task.clear_ibuf [dreg:s8], $0x6FFFF;
	_ =	strace $0x90000049  }
0xb4: {  	s29 =	simm.s32 $0x9;
	_ =	strace $0x8000004B  }
0xb5: {  	_ =	swait.ge [sflag:s29], $0x1  }
0xb6: {  	[sflag:s29] =	ssyncadd.s32 $0xFFFFFFFF  }
0xb7: {  	_ =	strace $0x9000004B  }
0xb8: {  	_ =	sfence  }
0xb9: {  	s30 =	sld [smem:$0x0];
	_ =	sdelay $0x2  }
0xba: {  	s31 =	sshll.u32 s1, $0xD;
	s1 =	sshrl.u32 s1, $0x2  }
0xbb: {  	s3 =	sand.u32 $0x4000, s31;
	s1 =	sadd.s32 s1, s30  }
0xbc: {  	s0 =	sor.u32 s3, s0;
	s1 =	sshll.u32 s1, $0x11  }
0xbd: {  	s0 =	sor.u32 s1, s0  }
0xbe: {  	s0 =	sadd.s32 $0x8F2B, s0  }
0xbf: {  	[sflag:s0] =	ssyncadd.remote.s32 $0x1  }
0xc0: {  	_ =	sfence.sel $0xFFFF  }
0xc1: {  	[dreg:$0x0] =	wrdreg $0xFFFFFFFF;
	(pc) =	sbr.abs _section_cstart, $3  }
0xc2: {  	[dreg:$0x1] =	wrdreg $0xFFFFFFFF  }
0xc3: {  	_ =	task.clear_ibuf [dreg:s8], $0x2FFFF;
	_ =	strace $0x9FFFFFFF  }
0xc4: {  	(tm) =	ssettm $0x7FFFFFFF  }
0xc5: {  	_ =	shalt  }
tec
execute0_lowered:
.L_overlay_start_1:
0x0: {  	(tag) =	ssettag $0x1  }
0x1: {  	s0 =	rddreg [dreg:$0x0]  }
0x2: {  	s2 =	rddreg [dreg:$0x2];
	s3 =	simm.s32 $0x0  }
0x3: {  	s1 =	srdreg.scid;
	s4 =	stileid.u32;
	s8 =	simm.s32 $0x400  }
0x4: {  	s9 =	simm.s32 $0x20000;
	s12 =	simm.s32 $0x80;
	s14 =	simm.s32 $0x1E00  }
0x5: {  	v0 =	vlaneseq.u32;
	s16 =	simm.s32 $0x5E00;
	s17 =	simm.s32 $0x2;
	s1 =	sand.u32 $0x1, s1  }
0x6: {  	s19 =	simm.s32 $0x3;
	[smem:$0x7FF] =	sst s3;
	v0 =	vmul.u32 $0x80, v0;
	s29 =	ssub.s32 $0x2, s1  }
0x7: {  	s31 =	sshll.u32 s4, $0xB;
	s1 =	sshll.u32 s1, $0xA;
	s30 =	sshrl.u32 s29, $0x1  }
0x8: {  	s5 =	sadd.s32 $0x800, s0;
	s1 =	sor.u32 s1, s31;
	v1 =	vor.u32 $0x800, v0;
	s0 =	ssub.s32 s29, s30  }
0x9: {  	_ =	strace $0x8000004A;
	v2 =	vor.u32 $0x1000, v0;
	v3 =	vor.u32 $0x1800, v0;
	v4 =	vor.u32 $0x2000, v0;
	[dreg:$0x4] =	wrdreg s1;
	s0 =	smax.u32 s0, $0x1  }
0xa: {  	s20 =	simm.s32 $0xAE00;
	s3 =	simm.s32 $0x0;
	v5 =	vor.u32 $0x2800, v0;
	v6 =	vor.u32 $0x3000, v0;
	v7 =	vor.u32 $0x3800, v0;
	[dreg:$0x5] =	wrdreg s0  }
.LBB2_1:
0xb: {  	[dreg:$0x6] =	wrdreg s3;
	s24 =	simm.s32 $0x0  }
.LBB2_2:
0xc: {  	s0 =	sshll.u32 s24, $0xF;
	s1 =	rddreg [dreg:$0x4]  }
0xd: {  	s25 =	sor.u32 s1, s0  }
0xe: {  	s28 =	rddreg [dreg:$0x1];
	s0 =	sshrl.u32 s25, $0x3  }
0xf: {  	s29 =	simm.s32 $0x0;
	s0 =	sadd.s32 s28, s0  }
0x10: {  	[tilespmem:s29], [sflag:$0x1] =	stream.strided.gather [hbm4b:s0+s8], $0x1800, s9, s8, $0x38;
	[tilespmem:$0xBE00] =	vst v63  }
0x11: {  	s3 =	simm.s32 $0x1800;
	s30 =	simm.s32 $0x1;
	s0 =	sadd.s32 $0x18000, s0  }
0x12: {  	[tilespmem:s3], [sflag:$0x1] =	stream.linear.gather [hbm4b:s0+s29], $0x100, $0x38;
	[tilespmem:$0xBE00] =	vst v63  }
0x13: {  	_ =	swait.ge [sflag:s30], $0x1900  }
0x14: {  	[sflag:s30] =	ssyncset.done $0x0  }
0x15: {  	s31 =	simm.s32 $0x10;
	[sflag:s30] =	ssyncadd.s32 $0xFFFFE700  }
0x16: {  	v8 =	vld [tilespmem:s31+$0xFFFFFFF0]  }
0x17: {  	v9 =	vld [tilespmem:s31+$0x0];
	_ =	sdelay $0x3  }
0x18: {  	s1 =	simm.s32 $0x30;
	s0 =	simm.s32 $0x1C10;
	v10 =	vshra.s32 v8, $0x2  }
0x19: {  	v11 =	vshll.u32 v8, $0x5;
	v8 =	vld [tilespmem:s1+$0xFFFFFFF0];
	v12 =	vshra.s32 v9, $0x2;
	v13 =	vshll.u32 v9, $0x5;
	[tilespmem:s0+$0xFFFFFFF0] =	vst v10  }
0x1a: {  	s6 =	simm.s32 $0x2;
	s4 =	simm.s32 $0x1D10;
	s3 =	simm.s32 $0x1D10;
	v9 =	vld [tilespmem:s1+$0x0];
	v10 =	vand.u32 $0x60, v11;
	[tilespmem:s0+$0x0] =	vst v12;
	v11 =	vand.u32 $0x60, v13  }
.LBB2_3:
0x1b: {  	s6 =	sadd.s32 $0x2, s6  }
0x1c: {  	[tilespmem:s3+$0x0] =	vst v11;
	s4 =	sadd.s32 $0x20, s4;
	s0 =	sadd.s32 $0x20, s0;
	p0 =	slt.u32 s6, $0x6  }
.Ltmp0:
0x1d: {  	[tilespmem:s3+$0xFFFFFFF0] =	vst v10;
	s3 =	smov.u32 s4;
	(pc) =	sbr.rel @p0 .LBB2_3-.Ltmp0, $4  }
0x1e: {  	_ = 	snop  }
0x1f: {  	s1 =	sadd.s32 $0x20, s1;
	v10 =	vshra.s32 v8, $0x2;
	v11 =	vshll.u32 v8, $0x5  }
0x20: {  	v8 =	vld [tilespmem:s1+$0xFFFFFFF0];
	[tilespmem:s0+$0xFFFFFFF0] =	vst v10;
	v10 =	vand.u32 $0x60, v11;
	v11 =	vshra.s32 v9, $0x2;
	v12 =	vshll.u32 v9, $0x5  }
0x21: {  	v9 =	vld [tilespmem:s1+$0x0];
	[tilespmem:s0+$0x0] =	vst v11;
	v11 =	vand.u32 $0x60, v12  }
0x22: {  	_ =	sdelay $0x1  }
0x23: {  	[tilespmem:s3+$0x0] =	vst v11  }
0x24: {  	s0 =	sadd.s32 $0x20, s0;
	[tilespmem:s3+$0xFFFFFFF0] =	vst v10;
	v61 =	vshra.s32 v8, $0x2  }
0x25: {  	v8 =	vshll.u32 v8, $0x5;
	[tilespmem:s0+$0xFFFFFFF0] =	vst v61;
	v62 =	vshra.s32 v9, $0x2  }
0x26: {  	s1 =	sadd.s32 $0x20, s4;
	v63 =	vshll.u32 v9, $0x5;
	v8 =	vand.u32 $0x60, v8;
	[tilespmem:s0+$0x0] =	vst v62  }
0x27: {  	s31 =	simm.s32 $0x1C00;
	v9 =	vand.u32 $0x60, v63;
	[tilespmem:s1+$0xFFFFFFF0] =	vst v8  }
0x28: {  	s26 =	simm.s32 $0x0;
	s28 =	simm.s32 $0x90;
	s29 =	simm.s32 $0x110;
	[tilespmem:s1+$0x0] =	vst v9  }
0x29: {  	[tilespmem:s14], [sflag:$0x2] =	stream.indirect.gather [hbm4b:s5+s12], $0x80, s31, s12, $0xb8;
	[tilespmem:$0xBE00] =	vst v63  }
.LBB2_5:
0x2a: {  	v8 =	vld [tilespmem:s28+$0xFFFFFFF0]  }
0x2b: {  	v9 =	vld [tilespmem:s28+$0x0];
	_ =	sdelay $0x3  }
0x2c: {  	s0 =	simm.s32 $0x1C90;
	s1 =	sadd.s32 $0x20, s28;
	v10 =	vshra.s32 v8, $0x2  }
0x2d: {  	s30 =	sshllo.u32 s26, $0x1;
	v11 =	vshll.u32 v8, $0x5;
	v8 =	vld [tilespmem:s1+$0xFFFFFFF0];
	v12 =	vshra.s32 v9, $0x2;
	v13 =	vshll.u32 v9, $0x5;
	[tilespmem:s0+$0xFFFFFFF0] =	vst v10  }
0x2e: {  	s3 =	simm.s32 $0x1D90;
	s6 =	simm.s32 $0x2;
	s4 =	simm.s32 $0x1D90;
	v9 =	vld [tilespmem:s1+$0x0];
	v10 =	vand.u32 $0x60, v11;
	[tilespmem:s0+$0x0] =	vst v12;
	v11 =	vand.u32 $0x60, v13  }
.LBB2_6:
0x2f: {  	s6 =	sadd.s32 $0x2, s6  }
0x30: {  	[tilespmem:s3+$0x0] =	vst v11;
	s0 =	sadd.s32 $0x20, s0;
	s4 =	sadd.s32 $0x20, s4;
	p0 =	slt.u32 s6, $0x6  }
.Ltmp1:
0x31: {  	[tilespmem:s3+$0xFFFFFFF0] =	vst v10;
	s3 =	smov.u32 s4;
	(pc) =	sbr.rel @p0 .LBB2_6-.Ltmp1, $4  }
0x32: {  	_ = 	snop  }
0x33: {  	s1 =	sadd.s32 $0x20, s1;
	v10 =	vshra.s32 v8, $0x2;
	v11 =	vshll.u32 v8, $0x5  }
0x34: {  	v8 =	vld [tilespmem:s1+$0xFFFFFFF0];
	[tilespmem:s0+$0xFFFFFFF0] =	vst v10;
	v10 =	vand.u32 $0x60, v11;
	v11 =	vshra.s32 v9, $0x2;
	v12 =	vshll.u32 v9, $0x5  }
0x35: {  	v9 =	vld [tilespmem:s1+$0x0];
	[tilespmem:s0+$0x0] =	vst v11;
	v11 =	vand.u32 $0x60, v12  }
0x36: {  	_ =	sdelay $0x1  }
0x37: {  	[tilespmem:s3+$0x0] =	vst v11  }
0x38: {  	s0 =	sadd.s32 $0x20, s0;
	[tilespmem:s3+$0xFFFFFFF0] =	vst v10;
	v10 =	vshra.s32 v8, $0x2  }
0x39: {  	v8 =	vshll.u32 v8, $0x5;
	[tilespmem:s0+$0xFFFFFFF0] =	vst v10;
	v10 =	vshra.s32 v9, $0x2  }
0x3a: {  	s1 =	sadd.s32 $0x20, s4;
	v9 =	vshll.u32 v9, $0x5;
	v8 =	vand.u32 $0x60, v8;
	[tilespmem:s0+$0x0] =	vst v10  }
0x3b: {  	v9 =	vand.u32 $0x60, v9;
	[tilespmem:s1+$0xFFFFFFF0] =	vst v8  }
0x3c: {  	s22 =	simm.s32 $0x1C80;
	[tilespmem:s1+$0x0] =	vst v9  }
0x3d: {  	[tilespmem:s16], [sflag:$0x3] =	stream.indirect.gather [hbm4b:s5+s12], $0x80, s22, s12, $0xb8;
	[tilespmem:$0xBE00] =	vst v63  }
0x3e: {  	s23 =	sor.u32 s24, s26;
	_ =	swait.ge [sflag:s17], $0x4000  }
0x3f: {  	p0 =	seq.s32 s23, $0x0;
	[sflag:s17] =	ssyncset.done $0x0  }
0x40: {  	s0 =	simm.s32 @!p0 $0x4;
	[sflag:s17] =	ssyncadd.s32 $0xFFFFC000  }
0x41: {  	_ =	swait.ge @!p0 [sflag:s0], $0x1000  }
0x42: {  	[sflag:s0] =	ssyncset.done @!p0 $0x0  }
0x43: {  	[sflag:s0] =	ssyncadd.s32 @!p0 $0xFFFFF000  }
0x44: {  	v15 =	vld [tilespmem:$0x1D00];
	_ =	sdelay $0x3  }
0x45: {  	s10 =	simm.s32 $0x1  }
0x46: {  	v8 =	vadd.s32 s10, v15  }
0x47: {  	v14 =	vld [tilespmem:$0x1D10];
	v8 =	vadd.s32 v0, v8;
	_ =	sdelay $0x1  }
0x48: {  	s6 =	simm.s32 $0x0  }
0x49: {  	v13 =	vld [tilespmem:$0x1D20];
	v9 =	vadd.s32 s6, v15  }
0x4a: {  	v12 =	vld [tilespmem:$0x1D30];
	v18 =	vadd.s32 v0, v9  }
0x4b: {  	v16 =	vld.idx.msk [tilespmem:v8+s14+$0x0], $0xffff;
	v8 =	vadd.s32 s10, v14  }
0x4c: {  	v11 =	vld [tilespmem:$0x1D40];
	v17 =	vadd.s32 v1, v8  }
0x4d: {  	v10 =	vld [tilespmem:$0x1D50]  }
0x4e: {  	v9 =	vld [tilespmem:$0x1D60]  }
0x4f: {  	s23 =	simm.s32 $0x9E80;
	v18 =	vld.idx.msk [tilespmem:v18+s14+$0x0], $0xffff  }
0x50: {  	v19 =	vadd.s32 s6, v14;
	v8 =	vld [tilespmem:$0x1D70];
	[tilespmem:s23+$0x0] =	vst v16  }
0x51: {  	s3 =	simm.s32 $0x3;
	v19 =	vadd.s32 v1, v19;
	v16 =	vld.idx.msk [tilespmem:v17+s14+$0x0], $0xffff;
	v17 =	vadd.s32 s10, v13  }
0x52: {  	v20 =	vadd.s32 s3, v15;
	v17 =	vadd.s32 v2, v17  }
0x53: {  	v20 =	vadd.s32 v0, v20  }
0x54: {  	s4 =	simm.s32 $0x2  }
0x55: {  	v21 =	vadd.s32 s4, v15;
	[tilespmem:s23+$0xFFFFFF80] =	vst v18  }
0x56: {  	v19 =	vld.idx.msk [tilespmem:v19+s14+$0x0], $0xffff;
	[tilespmem:s23+$0x10] =	vst v16;
	v16 =	vadd.s32 v0, v21;
	v21 =	vadd.s32 s6, v13  }
0x57: {  	v18 =	vadd.s32 s10, v12;
	v17 =	vld.idx.msk [tilespmem:v17+s14+$0x0], $0xffff;
	v21 =	vadd.s32 v2, v21  }
0x58: {  	v22 =	vadd.s32 s3, v14;
	v20 =	vld.idx.msk [tilespmem:v20+s14+$0x0], $0xffff;
	v18 =	vadd.s32 v3, v18  }
0x59: {  	v22 =	vadd.s32 v1, v22;
	_ =	sdelay $0x1  }
0x5a: {  	v23 =	vadd.s32 s4, v14;
	[tilespmem:s23+$0xFFFFFF90] =	vst v19;
	v16 =	vld.idx.msk [tilespmem:v16+s14+$0x0], $0xffff  }
0x5b: {  	s31 =	simm.s32 $0x9F80;
	[tilespmem:s23+$0x20] =	vst v17;
	v17 =	vadd.s32 v1, v23;
	v21 =	vld.idx.msk [tilespmem:v21+s14+$0x0], $0xffff;
	v23 =	vadd.s32 s6, v12  }
0x5c: {  	[tilespmem:s31+$0x0] =	vst v20;
	v19 =	vadd.s32 s10, v11;
	v18 =	vld.idx.msk [tilespmem:v18+s14+$0x0], $0xffff;
	v20 =	vadd.s32 v3, v23  }
0x5d: {  	v22 =	vld.idx.msk [tilespmem:v22+s14+$0x0], $0xffff;
	v19 =	vadd.s32 v4, v19;
	v23 =	vadd.s32 s3, v13  }
0x5e: {  	s7 =	simm.s32 $0x5;
	v23 =	vadd.s32 v2, v23  }
0x5f: {  	s0 =	simm.s32 $0x4;
	v24 =	vadd.s32 s7, v15;
	[tilespmem:s31+$0xFFFFFF80] =	vst v16  }
0x60: {  	v25 =	vadd.s32 s0, v15;
	v16 =	vadd.s32 v0, v24;
	v17 =	vld.idx.msk [tilespmem:v17+s14+$0x0], $0xffff;
	[tilespmem:s23+$0xFFFFFFA0] =	vst v21  }
0x61: {  	v24 =	vadd.s32 v0, v25;
	[tilespmem:s23+$0x30] =	vst v18;
	v18 =	vadd.s32 s4, v13;
	v20 =	vld.idx.msk [tilespmem:v20+s14+$0x0], $0xffff  }
0x62: {  	[tilespmem:s31+$0x10] =	vst v22;
	v21 =	vadd.s32 s10, v10;
	v19 =	vld.idx.msk [tilespmem:v19+s14+$0x0], $0xffff;
	v18 =	vadd.s32 v2, v18  }
0x63: {  	v25 =	vadd.s32 s3, v12;
	v21 =	vadd.s32 v5, v21;
	v23 =	vld.idx.msk [tilespmem:v23+s14+$0x0], $0xffff  }
0x64: {  	v22 =	vadd.s32 s6, v11;
	v25 =	vadd.s32 v3, v25  }
0x65: {  	s22 =	simm.s32 $0x6;
	v26 =	vadd.s32 s7, v14;
	v22 =	vadd.s32 v4, v22;
	v16 =	vld.idx.msk [tilespmem:v16+s14+$0x0], $0xffff;
	[tilespmem:s31+$0xFFFFFF90] =	vst v17  }
0x66: {  	v26 =	vadd.s32 v1, v26;
	v24 =	vld.idx.msk [tilespmem:v24+s14+$0x0], $0xffff;
	v17 =	vadd.s32 s22, v15;
	[tilespmem:s23+$0xFFFFFFB0] =	vst v20  }
0x67: {  	v17 =	vadd.s32 v0, v17;
	v18 =	vld.idx.msk [tilespmem:v18+s14+$0x0], $0xffff;
	[tilespmem:s23+$0x40] =	vst v19;
	v19 =	vadd.s32 s0, v14  }
0x68: {  	[tilespmem:s31+$0x20] =	vst v23;
	v20 =	vld.idx.msk [tilespmem:v21+s14+$0x0], $0xffff;
	v19 =	vadd.s32 v1, v19;
	v21 =	vadd.s32 s10, v9  }
0x69: {  	s21 =	simm.s32 $0xA080;
	v23 =	vadd.s32 s4, v12;
	v25 =	vld.idx.msk [tilespmem:v25+s14+$0x0], $0xffff;
	v21 =	vadd.s32 v6, v21  }
0x6a: {  	v22 =	vld.idx.msk [tilespmem:v22+s14+$0x0], $0xffff;
	[tilespmem:s21+$0x0] =	vst v16;
	v16 =	vadd.s32 v3, v23;
	v23 =	vadd.s32 s3, v11  }
0x6b: {  	v27 =	vadd.s32 s6, v10;
	[tilespmem:s21+$0xFFFFFF80] =	vst v24;
	v26 =	vld.idx.msk [tilespmem:v26+s14+$0x0], $0xffff;
	v23 =	vadd.s32 v4, v23  }
0x6c: {  	s1 =	simm.s32 $0x7;
	v24 =	vadd.s32 v5, v27;
	v28 =	vld.idx.msk [tilespmem:v17+s14+$0x0], $0xffff;
	v17 =	vadd.s32 s7, v13;
	[tilespmem:s31+$0xFFFFFFA0] =	vst v18  }
0x6d: {  	v17 =	vadd.s32 v2, v17;
	v19 =	vld.idx.msk [tilespmem:v19+s14+$0x0], $0xffff;
	[tilespmem:s23+$0x50] =	vst v20;
	v20 =	vadd.s32 s1, v15  }
0x6e: {  	[tilespmem:s31+$0x30] =	vst v25;
	v25 =	vadd.s32 s0, v13;
	v18 =	vld.idx.msk [tilespmem:v21+s14+$0x0], $0xffff;
	v20 =	vadd.s32 v0, v20  }
0x6f: {  	[tilespmem:s23+$0xFFFFFFC0] =	vst v22;
	v21 =	vadd.s32 s10, v8;
	v16 =	vld.idx.msk [tilespmem:v16+s14+$0x0], $0xffff;
	v22 =	vadd.s32 v2, v25  }
0x70: {  	v25 =	vadd.s32 s3, v10;
	v21 =	vadd.s32 v7, v21;
	v23 =	vld.idx.msk [tilespmem:v23+s14+$0x0], $0xffff  }
0x71: {  	v29 =	vadd.s32 s6, v9;
	v24 =	vld.idx.msk [tilespmem:v24+s14+$0x0], $0xffff;
	[tilespmem:s21+$0x10] =	vst v26;
	v25 =	vadd.s32 v5, v25  }
0x72: {  	v29 =	vadd.s32 v6, v29;
	v27 =	vadd.s32 s7, v12;
	v17 =	vld.idx.msk [tilespmem:v17+s14+$0x0], $0xffff;
	[tilespmem:s21+$0xFFFFFF90] =	vst v19  }
0x73: {  	v27 =	vadd.s32 v3, v27;
	v26 =	vadd.s32 s4, v11;
	v20 =	vld.idx.msk [tilespmem:v20+s14+$0x0], $0xffff;
	[tilespmem:s23+$0x60] =	vst v18  }
0x74: {  	s10 =	simm.s32 $0x8;
	v26 =	vadd.s32 v4, v26;
	v18 =	vadd.s32 s1, v14;
	v19 =	vld.idx.msk [tilespmem:v22+s14+$0x0], $0xffff;
	[tilespmem:s31+$0xFFFFFFB0] =	vst v16  }
0x75: {  	v30 =	vld.idx.msk [tilespmem:v21+s14+$0x0], $0xffff;
	v21 =	vadd.s32 s10, v15;
	v31 =	vadd.s32 v1, v18;
	[tilespmem:s31+$0x40] =	vst v23  }
0x76: {  	[tilespmem:s23+$0xFFFFFFD0] =	vst v24;
	v18 =	vadd.s32 s22, v14;
	v16 =	vadd.s32 v0, v21;
	v32 =	vld.idx.msk [tilespmem:v25+s14+$0x0], $0xffff  }
0x77: {  	v23 =	vadd.s32 s3, v9;
	v22 =	vadd.s32 v1, v18;
	v18 =	vld.idx.msk [tilespmem:v29+s14+$0x0], $0xffff;
	[tilespmem:s21+$0x20] =	vst v17  }
0x78: {  	s11 =	simm.s32 $0xA180;
	v24 =	vadd.s32 s0, v12;
	v21 =	vld.idx.msk [tilespmem:v27+s14+$0x0], $0xffff;
	v27 =	vadd.s32 v6, v23  }
0x79: {  	v17 =	vld.idx.msk [tilespmem:v26+s14+$0x0], $0xffff;
	v26 =	vadd.s32 v3, v24;
	[tilespmem:s11+$0x0] =	vst v20;
	v20 =	vadd.s32 s7, v11  }
0x7a: {  	[tilespmem:s11+$0xFFFFFF80] =	vst v28;
	v23 =	vld.idx.msk [tilespmem:v31+s14+$0x0], $0xffff;
	v25 =	vadd.s32 v4, v20;
	v20 =	vadd.s32 s4, v10  }
0x7b: {  	v28 =	vadd.s32 s1, v13;
	[tilespmem:s23+$0x70] =	vst v30;
	v16 =	vld.idx.msk [tilespmem:v16+s14+$0x0], $0xffff;
	v20 =	vadd.s32 v5, v20  }
0x7c: {  	s13 =	simm.s32 $0x9;
	s15 =	simm.s32 $0xA;
	v24 =	vld.idx.msk [tilespmem:v22+s14+$0x0], $0xffff;
	v22 =	vadd.s32 v2, v28;
	[tilespmem:s31+$0x50] =	vst v32;
	v28 =	vadd.s32 s6, v8;
	s6 =	simm.s32 $0xA180  }
.LBB2_8:
0x7d: {  	p1 =	slt.u32 s15, $0x1E;
	v29 =	vadd.s32 s13, v15;
	[tilespmem:s21+$0xFFFFFFA0] =	vst v19;
	v19 =	vld.idx.msk [tilespmem:v27+s14+$0x0], $0xffff;
	v27 =	vadd.s32 v7, v28;
	s18 =	smov.u32 s0;
	s0 =	smov.u32 s22  }
0x7e: {  	v28 =	vadd.s32 v0, v29;
	v26 =	vld.idx.msk [tilespmem:v26+s14+$0x0], $0xffff;
	[tilespmem:s21+$0x30] =	vst v21;
	v21 =	vadd.s32 s3, v8;
	s3 =	smov.u32 s7;
	s7 =	smov.u32 s1;
	s1 =	smov.u32 s13  }
0x7f: {  	s22 =	smov.u32 s10;
	s10 =	smov.u32 s15;
	v29 =	vadd.s32 s0, v13;
	v25 =	vld.idx.msk [tilespmem:v25+s14+$0x0], $0xffff;
	[tilespmem:s31+$0xFFFFFFC0] =	vst v17;
	v17 =	vadd.s32 v7, v21  }
0x80: {  	v21 =	vadd.s32 v2, v29;
	[tilespmem:s11+$0x10] =	vst v23;
	v23 =	vadd.s32 s3, v10;
	v20 =	vld.idx.msk [tilespmem:v20+s14+$0x0], $0xffff  }
0x81: {  	v29 =	vadd.s32 s18, v11;
	v22 =	vld.idx.msk [tilespmem:v22+s14+$0x0], $0xffff;
	v23 =	vadd.s32 v5, v23;
	[tilespmem:s23+$0xFFFFFFE0] =	vst v18  }
0x82: {  	v18 =	vadd.s32 s7, v12;
	[tilespmem:s11+$0xFFFFFF90] =	vst v24;
	v24 =	vadd.s32 v4, v29;
	v29 =	vld.idx.msk [tilespmem:v27+s14+$0x0], $0xffff  }
0x83: {  	v18 =	vadd.s32 v3, v18;
	v27 =	vadd.s32 s4, v9;
	v28 =	vld.idx.msk [tilespmem:v28+s14+$0x0], $0xffff;
	[tilespmem:s31+$0x60] =	vst v19  }
0x84: {  	v19 =	vadd.s32 s1, v14;
	v30 =	vadd.s32 v6, v27;
	[tilespmem:s21+$0xFFFFFFB0] =	vst v26;
	v31 =	vld.idx.msk [tilespmem:v17+s14+$0x0], $0xffff  }
0x85: {  	v17 =	vadd.s32 s15, v15;
	v32 =	vadd.s32 v1, v19;
	v19 =	vld.idx.msk [tilespmem:v21+s14+$0x0], $0xffff;
	[tilespmem:s21+$0x40] =	vst v25  }
0x86: {  	v33 =	vadd.s32 v0, v17;
	v17 =	vadd.s32 s22, v14;
	v34 =	vld.idx.msk [tilespmem:v23+s14+$0x0], $0xffff;
	[tilespmem:s31+$0xFFFFFFD0] =	vst v20  }
0x87: {  	v35 =	vadd.s32 v1, v17;
	v20 =	vadd.s32 s3, v9;
	[tilespmem:s11+$0x20] =	vst v22;
	v17 =	vld.idx.msk [tilespmem:v24+s14+$0x0], $0xffff  }
.Ltmp2:
0x88: {  	v22 =	vadd.s32 s0, v12;
	s11 =	sadd.s32 $0x100, s11;
	v27 =	vadd.s32 v6, v20;
	v21 =	vld.idx.msk [tilespmem:v18+s14+$0x0], $0xffff;
	[tilespmem:s23+$0xFFFFFFF0] =	vst v29;
	s23 =	smov.u32 s31;
	(pc) =	sbr.rel @p1 .LBB2_8-.Ltmp2, $4  }
0x89: {  	v20 =	vadd.s32 s7, v11;
	v26 =	vadd.s32 v3, v22;
	s31 =	smov.u32 s21;
	s21 =	smov.u32 s6;
	s6 =	smov.u32 s11;
	[tilespmem:s11+$0x0] =	vst v28;
	v18 =	vld.idx.msk [tilespmem:v30+s14+$0x0], $0xffff  }
0x8a: {  	v25 =	vadd.s32 v4, v20;
	v20 =	vadd.s32 s18, v10;
	v23 =	vld.idx.msk [tilespmem:v32+s14+$0x0], $0xffff;
	[tilespmem:s23+$0x70] =	vst v31  }
0x8b: {  	v22 =	vadd.s32 s1, v13;
	v20 =	vadd.s32 v5, v20;
	[tilespmem:s11+$0xFFFFFF80] =	vst v16;
	v16 =	vld.idx.msk [tilespmem:v33+s14+$0x0], $0xffff  }
0x8c: {  	s13 =	sadd.s32 $0x1, s10;
	s15 =	sadd.s32 $0x2, s15;
	v22 =	vadd.s32 v2, v22;
	v28 =	vadd.s32 s4, v8;
	s4 =	smov.u32 s18;
	v24 =	vld.idx.msk [tilespmem:v35+s14+$0x0], $0xffff;
	[tilespmem:s31+$0x50] =	vst v34  }
0x8d: {  	v15 =	vadd.s32 s13, v15  }
0x8e: {  	v15 =	vadd.s32 v0, v15;
	_ =	sdelay $0x2  }
0x8f: {  	v46 =	vadd.s32 s10, v14  }
0x90: {  	[tilespmem:s21+$0xFFFFFFA0] =	vst v19;
	v45 =	vadd.s32 s13, v14;
	v14 =	vadd.s32 v1, v46  }
0x91: {  	[tilespmem:s21+$0x30] =	vst v21;
	v15 =	vld.idx.msk [tilespmem:v15+s14+$0x0], $0xffff  }
0x92: {  	[tilespmem:s31+$0xFFFFFFC0] =	vst v17;
	v19 =	vadd.s32 v1, v45  }
0x93: {  	v47 =	vld.idx.msk [tilespmem:v27+s14+$0x0], $0xffff;
	s15 =	sadd.s32 $0x100, s11;
	[tilespmem:s23+$0xFFFFFFE0] =	vst v18  }
0x94: {  	v48 =	vld.idx.msk [tilespmem:v26+s14+$0x0], $0xffff;
	[tilespmem:s15+$0xFFFFFF80] =	vst v16  }
0x95: {  	v49 =	vadd.s32 v7, v28;
	v53 =	vadd.s32 s10, v13;
	[tilespmem:s11+$0x10] =	vst v23;
	v14 =	vld.idx.msk [tilespmem:v14+s14+$0x0], $0xffff  }
0x96: {  	v50 =	vadd.s32 s22, v13;
	v52 =	vadd.s32 s13, v13;
	v25 =	vld.idx.msk [tilespmem:v25+s14+$0x0], $0xffff;
	v13 =	vadd.s32 v2, v53;
	[tilespmem:s15+$0x0] =	vst v15  }
0x97: {  	v51 =	vadd.s32 v2, v50;
	[tilespmem:s11+$0xFFFFFF90] =	vst v24;
	v19 =	vld.idx.msk [tilespmem:v19+s14+$0x0], $0xffff  }
0x98: {  	v54 =	vadd.s32 s3, v8;
	v20 =	vld.idx.msk [tilespmem:v20+s14+$0x0], $0xffff;
	v16 =	vadd.s32 v2, v52;
	[tilespmem:s31+$0x60] =	vst v47  }
0x99: {  	v56 =	vadd.s32 s7, v10;
	v55 =	vadd.s32 v7, v54;
	v22 =	vld.idx.msk [tilespmem:v22+s14+$0x0], $0xffff;
	[tilespmem:s21+$0xFFFFFFB0] =	vst v48  }
0x9a: {  	v58 =	vadd.s32 s1, v12;
	v57 =	vadd.s32 v5, v56;
	v18 =	vld.idx.msk [tilespmem:v49+s14+$0x0], $0xffff;
	[tilespmem:s15+$0xFFFFFF90] =	vst v14  }
0x9b: {  	v62 =	vadd.s32 s10, v12;
	v23 =	vadd.s32 v3, v58;
	[tilespmem:s21+$0x40] =	vst v25;
	v13 =	vld.idx.msk [tilespmem:v13+s14+$0x0], $0xffff  }
0x9c: {  	v59 =	vadd.s32 s22, v12;
	v61 =	vadd.s32 s13, v12;
	v12 =	vadd.s32 v3, v62;
	v15 =	vld.idx.msk [tilespmem:v51+s14+$0x0], $0xffff;
	[tilespmem:s15+$0x10] =	vst v19  }
0x9d: {  	v60 =	vadd.s32 v3, v59;
	[tilespmem:s31+$0xFFFFFFD0] =	vst v20;
	v16 =	vld.idx.msk [tilespmem:v16+s14+$0x0], $0xffff  }
0x9e: {  	v63 =	vadd.s32 s0, v11;
	v17 =	vld.idx.msk [tilespmem:v55+s14+$0x0], $0xffff;
	[tilespmem:s11+$0x20] =	vst v22;
	v14 =	vadd.s32 v3, v61  }
0x9f: {  	v24 =	vadd.s32 s4, v9;
	v20 =	vadd.s32 v4, v63;
	v21 =	vld.idx.msk [tilespmem:v57+s14+$0x0], $0xffff;
	[tilespmem:s23+$0xFFFFFFF0] =	vst v18  }
0xa0: {  	v27 =	vadd.s32 s1, v11;
	v25 =	vadd.s32 v6, v24;
	v26 =	vld.idx.msk [tilespmem:v23+s14+$0x0], $0xffff;
	[tilespmem:s15+$0xFFFFFFA0] =	vst v13  }
0xa1: {  	v33 =	vadd.s32 s10, v11;
	v28 =	vadd.s32 v4, v27;
	[tilespmem:s6+$0xFFFFFFA0] =	vst v15;
	v12 =	vld.idx.msk [tilespmem:v12+s14+$0x0], $0xffff  }
0xa2: {  	v29 =	vadd.s32 s22, v11;
	v31 =	vadd.s32 s13, v11;
	v11 =	vadd.s32 v4, v33;
	v19 =	vld.idx.msk [tilespmem:v60+s14+$0x0], $0xffff;
	[tilespmem:s15+$0x20] =	vst v16  }
0xa3: {  	v30 =	vadd.s32 v4, v29;
	[tilespmem:s31+$0x70] =	vst v17;
	v14 =	vld.idx.msk [tilespmem:v14+s14+$0x0], $0xffff  }
0xa4: {  	v35 =	vadd.s32 s7, v9;
	v32 =	vadd.s32 v4, v31;
	v34 =	vld.idx.msk [tilespmem:v20+s14+$0x0], $0xffff;
	[tilespmem:s21+$0x50] =	vst v21  }
0xa5: {  	v36 =	vadd.s32 s0, v10;
	v20 =	vadd.s32 v6, v35;
	v18 =	vld.idx.msk [tilespmem:v25+s14+$0x0], $0xffff;
	[tilespmem:s6+$0x30] =	vst v26  }
0xa6: {  	v37 =	vadd.s32 s1, v10;
	v21 =	vadd.s32 v5, v36;
	v15 =	vld.idx.msk [tilespmem:v28+s14+$0x0], $0xffff;
	[tilespmem:s15+$0xFFFFFFB0] =	vst v12  }
0xa7: {  	v43 =	vadd.s32 s10, v10;
	v38 =	vadd.s32 v5, v37;
	[tilespmem:s6+$0xFFFFFFB0] =	vst v19;
	v11 =	vld.idx.msk [tilespmem:v11+s14+$0x0], $0xffff  }
0xa8: {  	v39 =	vadd.s32 s22, v10;
	v41 =	vadd.s32 s13, v10;
	v10 =	vadd.s32 v5, v43;
	v16 =	vld.idx.msk [tilespmem:v30+s14+$0x0], $0xffff;
	[tilespmem:s15+$0x30] =	vst v14  }
0xa9: {  	v40 =	vadd.s32 v5, v39;
	[tilespmem:s21+$0xFFFFFFC0] =	vst v34;
	v13 =	vld.idx.msk [tilespmem:v32+s14+$0x0], $0xffff  }
0xaa: {  	v44 =	vadd.s32 s4, v8;
	v42 =	vadd.s32 v5, v41;
	v20 =	vld.idx.msk [tilespmem:v20+s14+$0x0], $0xffff;
	[tilespmem:s31+$0xFFFFFFE0] =	vst v18  }
0xab: {  	v46 =	vadd.s32 s0, v9;
	v17 =	vadd.s32 v7, v44;
	v45 =	vld.idx.msk [tilespmem:v21+s14+$0x0], $0xffff;
	[tilespmem:s6+$0x40] =	vst v15  }
0xac: {  	v47 =	vadd.s32 v6, v46;
	v48 =	vadd.s32 s1, v9;
	v19 =	vld.idx.msk [tilespmem:v38+s14+$0x0], $0xffff;
	[tilespmem:s15+$0xFFFFFFC0] =	vst v11  }
0xad: {  	v54 =	vadd.s32 s10, v9;
	v49 =	vadd.s32 v6, v48;
	[tilespmem:s6+$0xFFFFFFC0] =	vst v16;
	v10 =	vld.idx.msk [tilespmem:v10+s14+$0x0], $0xffff  }
0xae: {  	v50 =	vadd.s32 s22, v9;
	v52 =	vadd.s32 s13, v9;
	v9 =	vadd.s32 v6, v54;
	v14 =	vld.idx.msk [tilespmem:v40+s14+$0x0], $0xffff;
	[tilespmem:s15+$0x40] =	vst v13  }
0xaf: {  	v51 =	vadd.s32 v6, v50;
	[tilespmem:s21+$0x60] =	vst v20;
	v12 =	vld.idx.msk [tilespmem:v42+s14+$0x0], $0xffff  }
0xb0: {  	v53 =	vadd.s32 v6, v52;
	v55 =	vadd.s32 s7, v8;
	v17 =	vld.idx.msk [tilespmem:v17+s14+$0x0], $0xffff;
	[tilespmem:s21+$0xFFFFFFD0] =	vst v45  }
0xb1: {  	v56 =	vadd.s32 v7, v55;
	v57 =	vadd.s32 s0, v8;
	v15 =	vld.idx.msk [tilespmem:v47+s14+$0x0], $0xffff;
	[tilespmem:s6+$0x50] =	vst v19  }
0xb2: {  	v58 =	vadd.s32 s1, v8;
	v61 =	vadd.s32 s13, v8;
	v19 =	vadd.s32 v7, v57;
	v16 =	vld.idx.msk [tilespmem:v49+s14+$0x0], $0xffff;
	[tilespmem:s15+$0xFFFFFFD0] =	vst v10  }
0xb3: {  	v59 =	vadd.s32 v7, v58;
	v60 =	vadd.s32 s22, v8;
	v8 =	vadd.s32 s10, v8;
	[tilespmem:s6+$0xFFFFFFD0] =	vst v14;
	v9 =	vld.idx.msk [tilespmem:v9+s14+$0x0], $0xffff  }
0xb4: {  	v8 =	vadd.s32 v7, v8;
	v13 =	vld.idx.msk [tilespmem:v51+s14+$0x0], $0xffff;
	[tilespmem:s15+$0x50] =	vst v12  }
0xb5: {  	[tilespmem:s31+$0xFFFFFFF0] =	vst v17;
	v12 =	vadd.s32 v7, v60;
	v11 =	vld.idx.msk [tilespmem:v53+s14+$0x0], $0xffff  }
0xb6: {  	v62 =	vadd.s32 v7, v61;
	v63 =	vld.idx.msk [tilespmem:v56+s14+$0x0], $0xffff;
	[tilespmem:s21+$0xFFFFFFE0] =	vst v15  }
0xb7: {  	v15 =	vld.idx.msk [tilespmem:v19+s14+$0x0], $0xffff;
	[tilespmem:s6+$0x60] =	vst v16  }
0xb8: {  	v14 =	vld.idx.msk [tilespmem:v59+s14+$0x0], $0xffff;
	[tilespmem:s15+$0xFFFFFFE0] =	vst v9  }
0xb9: {  	[tilespmem:s6+$0xFFFFFFE0] =	vst v13;
	v8 =	vld.idx.msk [tilespmem:v8+s14+$0x0], $0xffff  }
0xba: {  	v12 =	vld.idx.msk [tilespmem:v12+s14+$0x0], $0xffff;
	[tilespmem:s15+$0x60] =	vst v11  }
0xbb: {  	[tilespmem:s21+$0x70] =	vst v63;
	v10 =	vld.idx.msk [tilespmem:v62+s14+$0x0], $0xffff  }
0xbc: {  	p1 =	seq.s32 s26, $0x18;
	[tilespmem:s21+$0xFFFFFFF0] =	vst v15  }
.Ltmp3:
0xbd: {  	s23 =	sshll.u32 s26, $0x14;
	[tilespmem:s6+$0x70] =	vst v14;
	(pc) =	sbr.rel @p1 .LBB2_13-.Ltmp3, $4  }
0xbe: {  	s0 =	sadd.s32 s25, s23;
	[tilespmem:s15+$0xFFFFFFF0] =	vst v8  }
0xbf: {  	s0 =	sshrl.u32 s0, $0x3;
	[tilespmem:s6+$0xFFFFFFF0] =	vst v12  }
0xc0: {  	s0 =	sadd.s32 s2, s0;
	s31 =	simm.s32 $0x9E00;
	[tilespmem:s15+$0x70] =	vst v10  }
0xc1: {  	[hbm4b:s0+s8] =	stream.strided.scatter [tilespmem:s31], [sflag:$0x4], $0x1000, s9, s8, $0x38;
	[tilespmem:$0xBE00] =	vst v63  }
0xc2: {  	v8 =	vld [tilespmem:s29+$0xFFFFFFF0]  }
0xc3: {  	v9 =	vld [tilespmem:s29+$0x0];
	_ =	sdelay $0x3  }
0xc4: {  	s0 =	simm.s32 $0x1C10;
	s1 =	sadd.s32 $0x20, s29;
	v10 =	vshra.s32 v8, $0x2  }
0xc5: {  	v11 =	vshll.u32 v8, $0x5;
	v8 =	vld [tilespmem:s1+$0xFFFFFFF0];
	v12 =	vshra.s32 v9, $0x2;
	v13 =	vshll.u32 v9, $0x5;
	[tilespmem:s0+$0xFFFFFFF0] =	vst v10  }
0xc6: {  	s3 =	simm.s32 $0x1D10;
	s6 =	simm.s32 $0x2;
	s4 =	simm.s32 $0x1D10;
	v9 =	vld [tilespmem:s1+$0x0];
	v10 =	vand.u32 $0x60, v11;
	[tilespmem:s0+$0x0] =	vst v12;
	v11 =	vand.u32 $0x60, v13  }
.LBB2_11:
0xc7: {  	s6 =	sadd.s32 $0x2, s6  }
0xc8: {  	[tilespmem:s3+$0x0] =	vst v11;
	s4 =	sadd.s32 $0x20, s4;
	s0 =	sadd.s32 $0x20, s0;
	p1 =	slt.u32 s6, $0x6  }
.Ltmp4:
0xc9: {  	[tilespmem:s3+$0xFFFFFFF0] =	vst v10;
	s3 =	smov.u32 s4;
	(pc) =	sbr.rel @p1 .LBB2_11-.Ltmp4, $4  }
0xca: {  	_ = 	snop  }
0xcb: {  	s1 =	sadd.s32 $0x20, s1;
	v10 =	vshra.s32 v8, $0x2;
	v11 =	vshll.u32 v8, $0x5  }
0xcc: {  	v8 =	vld [tilespmem:s1+$0xFFFFFFF0];
	[tilespmem:s0+$0xFFFFFFF0] =	vst v10;
	v10 =	vand.u32 $0x60, v11;
	v11 =	vshra.s32 v9, $0x2;
	v12 =	vshll.u32 v9, $0x5  }
0xcd: {  	v9 =	vld [tilespmem:s1+$0x0];
	[tilespmem:s0+$0x0] =	vst v11;
	v11 =	vand.u32 $0x60, v12  }
0xce: {  	_ =	sdelay $0x1  }
0xcf: {  	[tilespmem:s3+$0x0] =	vst v11  }
0xd0: {  	s0 =	sadd.s32 $0x20, s0;
	[tilespmem:s3+$0xFFFFFFF0] =	vst v10;
	v61 =	vshra.s32 v8, $0x2  }
0xd1: {  	v8 =	vshll.u32 v8, $0x5;
	[tilespmem:s0+$0xFFFFFFF0] =	vst v61;
	v62 =	vshra.s32 v9, $0x2  }
0xd2: {  	s1 =	sadd.s32 $0x20, s4;
	v63 =	vshll.u32 v9, $0x5;
	v8 =	vand.u32 $0x60, v8;
	[tilespmem:s0+$0x0] =	vst v62  }
0xd3: {  	v9 =	vand.u32 $0x60, v63;
	[tilespmem:s1+$0xFFFFFFF0] =	vst v8  }
0xd4: {  	s31 =	simm.s32 $0x1C00;
	[tilespmem:s1+$0x0] =	vst v9  }
0xd5: {  	[tilespmem:s14], [sflag:$0x2] =	stream.indirect.gather [hbm4b:s5+s12], $0x80, s31, s12, $0xb8;
	[tilespmem:$0xBE00] =	vst v63  }
.LBB2_13:
0xd6: {  	_ =	swait.ge [sflag:s19], $0x4000  }
0xd7: {  	[sflag:s19] =	ssyncset.done $0x0  }
0xd8: {  	s0 =	simm.s32 @!p0 $0x5;
	[sflag:s19] =	ssyncadd.s32 $0xFFFFC000  }
0xd9: {  	_ =	swait.ge @!p0 [sflag:s0], $0x1000  }
0xda: {  	[sflag:s0] =	ssyncset.done @!p0 $0x0  }
0xdb: {  	[sflag:s0] =	ssyncadd.s32 @!p0 $0xFFFFF000  }
0xdc: {  	v15 =	vld [tilespmem:$0x1D80];
	_ =	sdelay $0x3  }
0xdd: {  	s10 =	simm.s32 $0x1  }
0xde: {  	v8 =	vadd.s32 s10, v15  }
0xdf: {  	v14 =	vld [tilespmem:$0x1D90];
	v8 =	vadd.s32 v0, v8;
	_ =	sdelay $0x1  }
0xe0: {  	s6 =	simm.s32 $0x0  }
0xe1: {  	v13 =	vld [tilespmem:$0x1DA0];
	v9 =	vadd.s32 s6, v15  }
0xe2: {  	v12 =	vld [tilespmem:$0x1DB0];
	v18 =	vadd.s32 v0, v9  }
0xe3: {  	v16 =	vld.idx.msk [tilespmem:v8+s16+$0x0], $0xffff;
	v8 =	vadd.s32 s10, v14  }
0xe4: {  	v11 =	vld [tilespmem:$0x1DC0];
	v17 =	vadd.s32 v1, v8  }
0xe5: {  	v10 =	vld [tilespmem:$0x1DD0]  }
0xe6: {  	v9 =	vld [tilespmem:$0x1DE0]  }
0xe7: {  	s23 =	simm.s32 $0xAEF0;
	v18 =	vld.idx.msk [tilespmem:v18+s16+$0x0], $0xffff  }
0xe8: {  	v19 =	vadd.s32 s6, v14;
	v8 =	vld [tilespmem:$0x1DF0];
	[tilespmem:s23+$0xFFFFFF90] =	vst v16  }
0xe9: {  	s3 =	simm.s32 $0x3;
	v19 =	vadd.s32 v1, v19;
	v16 =	vld.idx.msk [tilespmem:v17+s16+$0x0], $0xffff;
	v17 =	vadd.s32 s10, v13  }
0xea: {  	v20 =	vadd.s32 s3, v15;
	v17 =	vadd.s32 v2, v17  }
0xeb: {  	v20 =	vadd.s32 v0, v20  }
0xec: {  	s4 =	simm.s32 $0x2  }
0xed: {  	v21 =	vadd.s32 s4, v15;
	[tilespmem:s23+$0xFFFFFF10] =	vst v18  }
0xee: {  	v19 =	vld.idx.msk [tilespmem:v19+s16+$0x0], $0xffff;
	[tilespmem:s23+$0xFFFFFFA0] =	vst v16;
	v16 =	vadd.s32 v0, v21;
	v21 =	vadd.s32 s6, v13  }
0xef: {  	v18 =	vadd.s32 s10, v12;
	v17 =	vld.idx.msk [tilespmem:v17+s16+$0x0], $0xffff;
	v21 =	vadd.s32 v2, v21  }
0xf0: {  	v22 =	vadd.s32 s3, v14;
	v20 =	vld.idx.msk [tilespmem:v20+s16+$0x0], $0xffff;
	v18 =	vadd.s32 v3, v18  }
0xf1: {  	v22 =	vadd.s32 v1, v22;
	_ =	sdelay $0x1  }
0xf2: {  	v23 =	vadd.s32 s4, v14;
	[tilespmem:s23+$0xFFFFFF20] =	vst v19;
	v16 =	vld.idx.msk [tilespmem:v16+s16+$0x0], $0xffff  }
0xf3: {  	s31 =	simm.s32 $0xAFF0;
	[tilespmem:s23+$0xFFFFFFB0] =	vst v17;
	v17 =	vadd.s32 v1, v23;
	v21 =	vld.idx.msk [tilespmem:v21+s16+$0x0], $0xffff;
	v23 =	vadd.s32 s6, v12  }
0xf4: {  	[tilespmem:s31+$0xFFFFFF90] =	vst v20;
	v19 =	vadd.s32 s10, v11;
	v18 =	vld.idx.msk [tilespmem:v18+s16+$0x0], $0xffff;
	v20 =	vadd.s32 v3, v23  }
0xf5: {  	v22 =	vld.idx.msk [tilespmem:v22+s16+$0x0], $0xffff;
	v19 =	vadd.s32 v4, v19;
	v23 =	vadd.s32 s3, v13  }
0xf6: {  	s7 =	simm.s32 $0x5;
	v23 =	vadd.s32 v2, v23  }
0xf7: {  	s0 =	simm.s32 $0x4;
	v24 =	vadd.s32 s7, v15;
	[tilespmem:s31+$0xFFFFFF10] =	vst v16  }
0xf8: {  	v25 =	vadd.s32 s0, v15;
	v16 =	vadd.s32 v0, v24;
	v17 =	vld.idx.msk [tilespmem:v17+s16+$0x0], $0xffff;
	[tilespmem:s23+$0xFFFFFF30] =	vst v21  }
0xf9: {  	v24 =	vadd.s32 v0, v25;
	[tilespmem:s23+$0xFFFFFFC0] =	vst v18;
	v18 =	vadd.s32 s4, v13;
	v20 =	vld.idx.msk [tilespmem:v20+s16+$0x0], $0xffff  }
0xfa: {  	[tilespmem:s31+$0xFFFFFFA0] =	vst v22;
	v21 =	vadd.s32 s10, v10;
	v19 =	vld.idx.msk [tilespmem:v19+s16+$0x0], $0xffff;
	v18 =	vadd.s32 v2, v18  }
0xfb: {  	v25 =	vadd.s32 s3, v12;
	v21 =	vadd.s32 v5, v21;
	v23 =	vld.idx.msk [tilespmem:v23+s16+$0x0], $0xffff  }
0xfc: {  	v22 =	vadd.s32 s6, v11;
	v25 =	vadd.s32 v3, v25  }
0xfd: {  	s22 =	simm.s32 $0x6;
	v26 =	vadd.s32 s7, v14;
	v22 =	vadd.s32 v4, v22;
	v16 =	vld.idx.msk [tilespmem:v16+s16+$0x0], $0xffff;
	[tilespmem:s31+$0xFFFFFF20] =	vst v17  }
0xfe: {  	v26 =	vadd.s32 v1, v26;
	v24 =	vld.idx.msk [tilespmem:v24+s16+$0x0], $0xffff;
	v17 =	vadd.s32 s22, v15;
	[tilespmem:s23+$0xFFFFFF40] =	vst v20  }
0xff: {  	v17 =	vadd.s32 v0, v17;
	v18 =	vld.idx.msk [tilespmem:v18+s16+$0x0], $0xffff;
	[tilespmem:s23+$0xFFFFFFD0] =	vst v19;
	v19 =	vadd.s32 s0, v14  }
0x100: {  	[tilespmem:s31+$0xFFFFFFB0] =	vst v23;
	v20 =	vld.idx.msk [tilespmem:v21+s16+$0x0], $0xffff;
	v19 =	vadd.s32 v1, v19;
	v21 =	vadd.s32 s10, v9  }
0x101: {  	s21 =	simm.s32 $0xB0F0;
	v23 =	vadd.s32 s4, v12;
	v25 =	vld.idx.msk [tilespmem:v25+s16+$0x0], $0xffff;
	v21 =	vadd.s32 v6, v21  }
0x102: {  	v22 =	vld.idx.msk [tilespmem:v22+s16+$0x0], $0xffff;
	[tilespmem:s21+$0xFFFFFF90] =	vst v16;
	v16 =	vadd.s32 v3, v23;
	v23 =	vadd.s32 s3, v11  }
0x103: {  	v27 =	vadd.s32 s6, v10;
	[tilespmem:s21+$0xFFFFFF10] =	vst v24;
	v26 =	vld.idx.msk [tilespmem:v26+s16+$0x0], $0xffff;
	v23 =	vadd.s32 v4, v23  }
0x104: {  	s1 =	simm.s32 $0x7;
	v24 =	vadd.s32 v5, v27;
	v28 =	vld.idx.msk [tilespmem:v17+s16+$0x0], $0xffff;
	v17 =	vadd.s32 s7, v13;
	[tilespmem:s31+$0xFFFFFF30] =	vst v18  }
0x105: {  	v17 =	vadd.s32 v2, v17;
	v19 =	vld.idx.msk [tilespmem:v19+s16+$0x0], $0xffff;
	[tilespmem:s23+$0xFFFFFFE0] =	vst v20;
	v20 =	vadd.s32 s1, v15  }
0x106: {  	[tilespmem:s31+$0xFFFFFFC0] =	vst v25;
	v25 =	vadd.s32 s0, v13;
	v18 =	vld.idx.msk [tilespmem:v21+s16+$0x0], $0xffff;
	v20 =	vadd.s32 v0, v20  }
0x107: {  	[tilespmem:s23+$0xFFFFFF50] =	vst v22;
	v21 =	vadd.s32 s10, v8;
	v16 =	vld.idx.msk [tilespmem:v16+s16+$0x0], $0xffff;
	v22 =	vadd.s32 v2, v25  }
0x108: {  	v25 =	vadd.s32 s3, v10;
	v21 =	vadd.s32 v7, v21;
	v23 =	vld.idx.msk [tilespmem:v23+s16+$0x0], $0xffff  }
0x109: {  	v29 =	vadd.s32 s6, v9;
	v24 =	vld.idx.msk [tilespmem:v24+s16+$0x0], $0xffff;
	[tilespmem:s21+$0xFFFFFFA0] =	vst v26;
	v25 =	vadd.s32 v5, v25  }
0x10a: {  	v29 =	vadd.s32 v6, v29;
	v27 =	vadd.s32 s7, v12;
	v17 =	vld.idx.msk [tilespmem:v17+s16+$0x0], $0xffff;
	[tilespmem:s21+$0xFFFFFF20] =	vst v19  }
0x10b: {  	v27 =	vadd.s32 v3, v27;
	v26 =	vadd.s32 s4, v11;
	v20 =	vld.idx.msk [tilespmem:v20+s16+$0x0], $0xffff;
	[tilespmem:s23+$0xFFFFFFF0] =	vst v18  }
0x10c: {  	s10 =	simm.s32 $0x8;
	v26 =	vadd.s32 v4, v26;
	v18 =	vadd.s32 s1, v14;
	v19 =	vld.idx.msk [tilespmem:v22+s16+$0x0], $0xffff;
	[tilespmem:s31+$0xFFFFFF40] =	vst v16  }
0x10d: {  	v30 =	vld.idx.msk [tilespmem:v21+s16+$0x0], $0xffff;
	v21 =	vadd.s32 s10, v15;
	v31 =	vadd.s32 v1, v18;
	[tilespmem:s31+$0xFFFFFFD0] =	vst v23  }
0x10e: {  	[tilespmem:s23+$0xFFFFFF60] =	vst v24;
	v18 =	vadd.s32 s22, v14;
	v16 =	vadd.s32 v0, v21;
	v32 =	vld.idx.msk [tilespmem:v25+s16+$0x0], $0xffff  }
0x10f: {  	v23 =	vadd.s32 s3, v9;
	v22 =	vadd.s32 v1, v18;
	v18 =	vld.idx.msk [tilespmem:v29+s16+$0x0], $0xffff;
	[tilespmem:s21+$0xFFFFFFB0] =	vst v17  }
0x110: {  	s11 =	simm.s32 $0xB1F0;
	v24 =	vadd.s32 s0, v12;
	v21 =	vld.idx.msk [tilespmem:v27+s16+$0x0], $0xffff;
	v27 =	vadd.s32 v6, v23  }
0x111: {  	v17 =	vld.idx.msk [tilespmem:v26+s16+$0x0], $0xffff;
	v26 =	vadd.s32 v3, v24;
	[tilespmem:s11+$0xFFFFFF90] =	vst v20;
	v20 =	vadd.s32 s7, v11  }
0x112: {  	[tilespmem:s11+$0xFFFFFF10] =	vst v28;
	v23 =	vld.idx.msk [tilespmem:v31+s16+$0x0], $0xffff;
	v25 =	vadd.s32 v4, v20;
	v20 =	vadd.s32 s4, v10  }
0x113: {  	v28 =	vadd.s32 s1, v13;
	[tilespmem:s23+$0x0] =	vst v30;
	v16 =	vld.idx.msk [tilespmem:v16+s16+$0x0], $0xffff;
	v20 =	vadd.s32 v5, v20  }
0x114: {  	s13 =	simm.s32 $0x9;
	s15 =	simm.s32 $0xA;
	v24 =	vld.idx.msk [tilespmem:v22+s16+$0x0], $0xffff;
	v22 =	vadd.s32 v2, v28;
	[tilespmem:s31+$0xFFFFFFE0] =	vst v32;
	v28 =	vadd.s32 s6, v8;
	s6 =	simm.s32 $0xB1F0  }
.LBB2_14:
0x115: {  	p0 =	slt.u32 s15, $0x1E;
	v29 =	vadd.s32 s13, v15;
	[tilespmem:s21+$0xFFFFFF30] =	vst v19;
	v19 =	vld.idx.msk [tilespmem:v27+s16+$0x0], $0xffff;
	v27 =	vadd.s32 v7, v28;
	s18 =	smov.u32 s0;
	s0 =	smov.u32 s22  }
0x116: {  	v28 =	vadd.s32 v0, v29;
	v26 =	vld.idx.msk [tilespmem:v26+s16+$0x0], $0xffff;
	[tilespmem:s21+$0xFFFFFFC0] =	vst v21;
	v21 =	vadd.s32 s3, v8;
	s3 =	smov.u32 s7;
	s7 =	smov.u32 s1;
	s1 =	smov.u32 s13  }
0x117: {  	s22 =	smov.u32 s10;
	s10 =	smov.u32 s15;
	v29 =	vadd.s32 s0, v13;
	v25 =	vld.idx.msk [tilespmem:v25+s16+$0x0], $0xffff;
	[tilespmem:s31+$0xFFFFFF50] =	vst v17;
	v17 =	vadd.s32 v7, v21  }
0x118: {  	v21 =	vadd.s32 v2, v29;
	[tilespmem:s11+$0xFFFFFFA0] =	vst v23;
	v23 =	vadd.s32 s3, v10;
	v20 =	vld.idx.msk [tilespmem:v20+s16+$0x0], $0xffff  }
0x119: {  	v29 =	vadd.s32 s18, v11;
	v22 =	vld.idx.msk [tilespmem:v22+s16+$0x0], $0xffff;
	v23 =	vadd.s32 v5, v23;
	[tilespmem:s23+$0xFFFFFF70] =	vst v18  }
0x11a: {  	v18 =	vadd.s32 s7, v12;
	[tilespmem:s11+$0xFFFFFF20] =	vst v24;
	v24 =	vadd.s32 v4, v29;
	v29 =	vld.idx.msk [tilespmem:v27+s16+$0x0], $0xffff  }
0x11b: {  	v18 =	vadd.s32 v3, v18;
	v27 =	vadd.s32 s4, v9;
	v28 =	vld.idx.msk [tilespmem:v28+s16+$0x0], $0xffff;
	[tilespmem:s31+$0xFFFFFFF0] =	vst v19  }
0x11c: {  	v19 =	vadd.s32 s1, v14;
	v30 =	vadd.s32 v6, v27;
	[tilespmem:s21+$0xFFFFFF40] =	vst v26;
	v31 =	vld.idx.msk [tilespmem:v17+s16+$0x0], $0xffff  }
0x11d: {  	v17 =	vadd.s32 s15, v15;
	v32 =	vadd.s32 v1, v19;
	v19 =	vld.idx.msk [tilespmem:v21+s16+$0x0], $0xffff;
	[tilespmem:s21+$0xFFFFFFD0] =	vst v25  }
0x11e: {  	v33 =	vadd.s32 v0, v17;
	v17 =	vadd.s32 s22, v14;
	v34 =	vld.idx.msk [tilespmem:v23+s16+$0x0], $0xffff;
	[tilespmem:s31+$0xFFFFFF60] =	vst v20  }
0x11f: {  	v35 =	vadd.s32 v1, v17;
	v20 =	vadd.s32 s3, v9;
	[tilespmem:s11+$0xFFFFFFB0] =	vst v22;
	v17 =	vld.idx.msk [tilespmem:v24+s16+$0x0], $0xffff  }
.Ltmp5:
0x120: {  	v22 =	vadd.s32 s0, v12;
	s11 =	sadd.s32 $0x100, s11;
	v27 =	vadd.s32 v6, v20;
	v21 =	vld.idx.msk [tilespmem:v18+s16+$0x0], $0xffff;
	[tilespmem:s23+$0xFFFFFF80] =	vst v29;
	s23 =	smov.u32 s31;
	(pc) =	sbr.rel @p0 .LBB2_14-.Ltmp5, $4  }
0x121: {  	v20 =	vadd.s32 s7, v11;
	v26 =	vadd.s32 v3, v22;
	s31 =	smov.u32 s21;
	s21 =	smov.u32 s6;
	s6 =	smov.u32 s11;
	[tilespmem:s11+$0xFFFFFF90] =	vst v28;
	v18 =	vld.idx.msk [tilespmem:v30+s16+$0x0], $0xffff  }
0x122: {  	v25 =	vadd.s32 v4, v20;
	v20 =	vadd.s32 s18, v10;
	v23 =	vld.idx.msk [tilespmem:v32+s16+$0x0], $0xffff;
	[tilespmem:s23+$0x0] =	vst v31  }
0x123: {  	v22 =	vadd.s32 s1, v13;
	v20 =	vadd.s32 v5, v20;
	[tilespmem:s11+$0xFFFFFF10] =	vst v16;
	v16 =	vld.idx.msk [tilespmem:v33+s16+$0x0], $0xffff  }
0x124: {  	s13 =	sadd.s32 $0x1, s10;
	s15 =	sadd.s32 $0x2, s15;
	v22 =	vadd.s32 v2, v22;
	v28 =	vadd.s32 s4, v8;
	s4 =	smov.u32 s18;
	v24 =	vld.idx.msk [tilespmem:v35+s16+$0x0], $0xffff;
	[tilespmem:s31+$0xFFFFFFE0] =	vst v34  }
0x125: {  	v15 =	vadd.s32 s13, v15  }
0x126: {  	v15 =	vadd.s32 v0, v15;
	_ =	sdelay $0x2  }
0x127: {  	v46 =	vadd.s32 s10, v14  }
0x128: {  	[tilespmem:s21+$0xFFFFFF30] =	vst v19;
	v45 =	vadd.s32 s13, v14;
	v14 =	vadd.s32 v1, v46  }
0x129: {  	[tilespmem:s21+$0xFFFFFFC0] =	vst v21;
	v15 =	vld.idx.msk [tilespmem:v15+s16+$0x0], $0xffff  }
0x12a: {  	[tilespmem:s31+$0xFFFFFF50] =	vst v17;
	v19 =	vadd.s32 v1, v45  }
0x12b: {  	v47 =	vld.idx.msk [tilespmem:v27+s16+$0x0], $0xffff;
	s15 =	sadd.s32 $0x100, s11;
	[tilespmem:s23+$0xFFFFFF70] =	vst v18  }
0x12c: {  	v48 =	vld.idx.msk [tilespmem:v26+s16+$0x0], $0xffff;
	[tilespmem:s15+$0xFFFFFF10] =	vst v16  }
0x12d: {  	v49 =	vadd.s32 v7, v28;
	v53 =	vadd.s32 s10, v13;
	[tilespmem:s11+$0xFFFFFFA0] =	vst v23;
	v14 =	vld.idx.msk [tilespmem:v14+s16+$0x0], $0xffff  }
0x12e: {  	v50 =	vadd.s32 s22, v13;
	v52 =	vadd.s32 s13, v13;
	v25 =	vld.idx.msk [tilespmem:v25+s16+$0x0], $0xffff;
	v13 =	vadd.s32 v2, v53;
	[tilespmem:s15+$0xFFFFFF90] =	vst v15  }
0x12f: {  	v51 =	vadd.s32 v2, v50;
	[tilespmem:s11+$0xFFFFFF20] =	vst v24;
	v19 =	vld.idx.msk [tilespmem:v19+s16+$0x0], $0xffff  }
0x130: {  	v54 =	vadd.s32 s3, v8;
	v20 =	vld.idx.msk [tilespmem:v20+s16+$0x0], $0xffff;
	v16 =	vadd.s32 v2, v52;
	[tilespmem:s31+$0xFFFFFFF0] =	vst v47  }
0x131: {  	v56 =	vadd.s32 s7, v10;
	v55 =	vadd.s32 v7, v54;
	v22 =	vld.idx.msk [tilespmem:v22+s16+$0x0], $0xffff;
	[tilespmem:s21+$0xFFFFFF40] =	vst v48  }
0x132: {  	v58 =	vadd.s32 s1, v12;
	v57 =	vadd.s32 v5, v56;
	v18 =	vld.idx.msk [tilespmem:v49+s16+$0x0], $0xffff;
	[tilespmem:s15+$0xFFFFFF20] =	vst v14  }
0x133: {  	v62 =	vadd.s32 s10, v12;
	v23 =	vadd.s32 v3, v58;
	[tilespmem:s21+$0xFFFFFFD0] =	vst v25;
	v13 =	vld.idx.msk [tilespmem:v13+s16+$0x0], $0xffff  }
0x134: {  	v59 =	vadd.s32 s22, v12;
	v61 =	vadd.s32 s13, v12;
	v12 =	vadd.s32 v3, v62;
	v15 =	vld.idx.msk [tilespmem:v51+s16+$0x0], $0xffff;
	[tilespmem:s15+$0xFFFFFFA0] =	vst v19  }
0x135: {  	v60 =	vadd.s32 v3, v59;
	[tilespmem:s31+$0xFFFFFF60] =	vst v20;
	v16 =	vld.idx.msk [tilespmem:v16+s16+$0x0], $0xffff  }
0x136: {  	v63 =	vadd.s32 s0, v11;
	v17 =	vld.idx.msk [tilespmem:v55+s16+$0x0], $0xffff;
	[tilespmem:s11+$0xFFFFFFB0] =	vst v22;
	v14 =	vadd.s32 v3, v61  }
0x137: {  	v24 =	vadd.s32 s4, v9;
	v20 =	vadd.s32 v4, v63;
	v21 =	vld.idx.msk [tilespmem:v57+s16+$0x0], $0xffff;
	[tilespmem:s23+$0xFFFFFF80] =	vst v18  }
0x138: {  	v27 =	vadd.s32 s1, v11;
	v25 =	vadd.s32 v6, v24;
	v26 =	vld.idx.msk [tilespmem:v23+s16+$0x0], $0xffff;
	[tilespmem:s15+$0xFFFFFF30] =	vst v13  }
0x139: {  	v33 =	vadd.s32 s10, v11;
	v28 =	vadd.s32 v4, v27;
	[tilespmem:s6+$0xFFFFFF30] =	vst v15;
	v12 =	vld.idx.msk [tilespmem:v12+s16+$0x0], $0xffff  }
0x13a: {  	v29 =	vadd.s32 s22, v11;
	v31 =	vadd.s32 s13, v11;
	v11 =	vadd.s32 v4, v33;
	v19 =	vld.idx.msk [tilespmem:v60+s16+$0x0], $0xffff;
	[tilespmem:s15+$0xFFFFFFB0] =	vst v16  }
0x13b: {  	v30 =	vadd.s32 v4, v29;
	[tilespmem:s31+$0x0] =	vst v17;
	v14 =	vld.idx.msk [tilespmem:v14+s16+$0x0], $0xffff  }
0x13c: {  	v35 =	vadd.s32 s7, v9;
	v32 =	vadd.s32 v4, v31;
	v34 =	vld.idx.msk [tilespmem:v20+s16+$0x0], $0xffff;
	[tilespmem:s21+$0xFFFFFFE0] =	vst v21  }
0x13d: {  	v36 =	vadd.s32 s0, v10;
	v20 =	vadd.s32 v6, v35;
	v18 =	vld.idx.msk [tilespmem:v25+s16+$0x0], $0xffff;
	[tilespmem:s6+$0xFFFFFFC0] =	vst v26  }
0x13e: {  	v37 =	vadd.s32 s1, v10;
	v21 =	vadd.s32 v5, v36;
	v15 =	vld.idx.msk [tilespmem:v28+s16+$0x0], $0xffff;
	[tilespmem:s15+$0xFFFFFF40] =	vst v12  }
0x13f: {  	v43 =	vadd.s32 s10, v10;
	v38 =	vadd.s32 v5, v37;
	[tilespmem:s6+$0xFFFFFF40] =	vst v19;
	v11 =	vld.idx.msk [tilespmem:v11+s16+$0x0], $0xffff  }
0x140: {  	v39 =	vadd.s32 s22, v10;
	v41 =	vadd.s32 s13, v10;
	v10 =	vadd.s32 v5, v43;
	v16 =	vld.idx.msk [tilespmem:v30+s16+$0x0], $0xffff;
	[tilespmem:s15+$0xFFFFFFC0] =	vst v14  }
0x141: {  	v40 =	vadd.s32 v5, v39;
	[tilespmem:s21+$0xFFFFFF50] =	vst v34;
	v13 =	vld.idx.msk [tilespmem:v32+s16+$0x0], $0xffff  }
0x142: {  	v44 =	vadd.s32 s4, v8;
	v42 =	vadd.s32 v5, v41;
	v20 =	vld.idx.msk [tilespmem:v20+s16+$0x0], $0xffff;
	[tilespmem:s31+$0xFFFFFF70] =	vst v18  }
0x143: {  	v46 =	vadd.s32 s0, v9;
	v17 =	vadd.s32 v7, v44;
	v45 =	vld.idx.msk [tilespmem:v21+s16+$0x0], $0xffff;
	[tilespmem:s6+$0xFFFFFFD0] =	vst v15  }
0x144: {  	v47 =	vadd.s32 v6, v46;
	v48 =	vadd.s32 s1, v9;
	v19 =	vld.idx.msk [tilespmem:v38+s16+$0x0], $0xffff;
	[tilespmem:s15+$0xFFFFFF50] =	vst v11  }
0x145: {  	v54 =	vadd.s32 s10, v9;
	v49 =	vadd.s32 v6, v48;
	[tilespmem:s6+$0xFFFFFF50] =	vst v16;
	v10 =	vld.idx.msk [tilespmem:v10+s16+$0x0], $0xffff  }
0x146: {  	v50 =	vadd.s32 s22, v9;
	v52 =	vadd.s32 s13, v9;
	v9 =	vadd.s32 v6, v54;
	v14 =	vld.idx.msk [tilespmem:v40+s16+$0x0], $0xffff;
	[tilespmem:s15+$0xFFFFFFD0] =	vst v13  }
0x147: {  	v51 =	vadd.s32 v6, v50;
	[tilespmem:s21+$0xFFFFFFF0] =	vst v20;
	v12 =	vld.idx.msk [tilespmem:v42+s16+$0x0], $0xffff  }
0x148: {  	v53 =	vadd.s32 v6, v52;
	v55 =	vadd.s32 s7, v8;
	v17 =	vld.idx.msk [tilespmem:v17+s16+$0x0], $0xffff;
	[tilespmem:s21+$0xFFFFFF60] =	vst v45  }
0x149: {  	v56 =	vadd.s32 v7, v55;
	v57 =	vadd.s32 s0, v8;
	v15 =	vld.idx.msk [tilespmem:v47+s16+$0x0], $0xffff;
	[tilespmem:s6+$0xFFFFFFE0] =	vst v19  }
0x14a: {  	v58 =	vadd.s32 s1, v8;
	v61 =	vadd.s32 s13, v8;
	v19 =	vadd.s32 v7, v57;
	v16 =	vld.idx.msk [tilespmem:v49+s16+$0x0], $0xffff;
	[tilespmem:s15+$0xFFFFFF60] =	vst v10  }
0x14b: {  	v59 =	vadd.s32 v7, v58;
	v60 =	vadd.s32 s22, v8;
	v8 =	vadd.s32 s10, v8;
	[tilespmem:s6+$0xFFFFFF60] =	vst v14;
	v9 =	vld.idx.msk [tilespmem:v9+s16+$0x0], $0xffff  }
0x14c: {  	v8 =	vadd.s32 v7, v8;
	v13 =	vld.idx.msk [tilespmem:v51+s16+$0x0], $0xffff;
	[tilespmem:s15+$0xFFFFFFE0] =	vst v12  }
0x14d: {  	[tilespmem:s31+$0xFFFFFF80] =	vst v17;
	v12 =	vadd.s32 v7, v60;
	v11 =	vld.idx.msk [tilespmem:v53+s16+$0x0], $0xffff  }
0x14e: {  	v62 =	vadd.s32 v7, v61;
	v63 =	vld.idx.msk [tilespmem:v56+s16+$0x0], $0xffff;
	[tilespmem:s21+$0xFFFFFF70] =	vst v15  }
0x14f: {  	v15 =	vld.idx.msk [tilespmem:v19+s16+$0x0], $0xffff;
	[tilespmem:s6+$0xFFFFFFF0] =	vst v16  }
0x150: {  	v14 =	vld.idx.msk [tilespmem:v59+s16+$0x0], $0xffff;
	[tilespmem:s15+$0xFFFFFF70] =	vst v9  }
0x151: {  	[tilespmem:s6+$0xFFFFFF70] =	vst v13;
	v8 =	vld.idx.msk [tilespmem:v8+s16+$0x0], $0xffff  }
0x152: {  	v12 =	vld.idx.msk [tilespmem:v12+s16+$0x0], $0xffff;
	[tilespmem:s15+$0xFFFFFFF0] =	vst v11  }
0x153: {  	s26 =	sadd.s32 $0x1, s26;
	[tilespmem:s21+$0x0] =	vst v63;
	v10 =	vld.idx.msk [tilespmem:v62+s16+$0x0], $0xffff  }
0x154: {  	p0 =	sne.s32 s26, $0x19;
	[tilespmem:s21+$0xFFFFFF80] =	vst v15  }
.Ltmp6:
0x155: {  	s31 =	sshll.u32 s30, $0x13;
	[tilespmem:s6+$0x0] =	vst v14;
	(pc) =	sbr.rel @p0 .LBB2_5-.Ltmp6, $4  }
0x156: {  	s0 =	sadd.s32 s25, s31;
	[tilespmem:s15+$0xFFFFFF80] =	vst v8  }
0x157: {  	s0 =	sshrl.u32 s0, $0x3;
	[tilespmem:s6+$0xFFFFFF80] =	vst v12  }
0x158: {  	s28 =	sadd.s32 $0x100, s28;
	s29 =	sadd.s32 $0x100, s29;
	s0 =	sadd.s32 s2, s0;
	[tilespmem:s15+$0x0] =	vst v10  }
0x159: {  	[hbm4b:s0+s8] =	stream.strided.scatter [tilespmem:s20], [sflag:$0x5], $0x1000, s9, s8, $0x38;
	[tilespmem:$0xBE00] =	vst v63  }
0x15a: {  	s24 =	sadd.s32 $0x1, s24  }
0x15b: {  	p0 =	sne.s32 s24, $0x4  }
.Ltmp7:
0x15c: {  	_ = 	snop;
	(pc) =	sbr.rel @p0 .LBB2_2-.Ltmp7, $1  }
0x15d: {  	_ =	sdelay $0x3  }
0x15e: {  	s0 =	simm.s32 $0x4  }
0x15f: {  	_ =	swait.ge [sflag:s0], $0x1000  }
0x160: {  	[sflag:s0] =	ssyncset.done $0x0  }
0x161: {  	s1 =	simm.s32 $0x5;
	[sflag:s0] =	ssyncadd.s32 $0xFFFFF000  }
0x162: {  	_ =	swait.ge [sflag:s1], $0x1000  }
0x163: {  	s3 =	rddreg [dreg:$0x6]  }
0x164: {  	s31 =	rddreg [dreg:$0x5];
	s3 =	sadd.s32 $0x1, s3  }
0x165: {  	p0 =	sne.s32 s3, s31  }
.Ltmp8:
0x166: {  	_ = 	snop;
	(pc) =	sbr.rel @p0 .LBB2_1-.Ltmp8, $3  }
0x167: {  	_ =	sdelay $0x1  }
0x168: {  	[sflag:s1] =	ssyncset.done $0x0  }
0x169: {  	[sflag:s1] =	ssyncadd.s32 $0xFFFFF000  }
0x16a: {  	_ =	sfence.sel $0x180000  }
0x16b: {  	[bflag:$0x0] =	sbarrier.arrive $0xFFFF  }
0x16c: {  	_ =	strace $0x9000004A  }
0x16d: {  	s0 =	stileid.u32;
	[bflag:$0x2] =	sbarrier.arrive $0xFFFF  }
0x16e: {  	p0 =	sne.s32 s0, $0x0;
	s0 =	rddreg [dreg:$0x3]  }
0x16f: {  	s0 =	sadd.s32 @!p0 $0x100000, s0  }
0x170: {  	[sflag:s0] =	ssyncadd.tile.s32 @!p0 $0x1;
	_ =	shalt  }
.Lfunc_end2:
_tile_overlayer_lowered:
.L_overlay_start_2:
0x171: {  	(tag) =	ssettag $0x2  }
0x172: {  	s0 =	rddreg [dreg:$0x0];
	s2 =	stileid.u32  }
0x173: {  	s1 =	rddreg [dreg:$0x1];
	p0 =	sne.s32 s2, $0x0  }
0x174: {  	s3 =	rddreg [dreg:$0x2];
	[bflag:$0x3] =	sbarrier.arrive $0xFFFF;
	s2 =	simm.s32 @!p0 $0x1C06  }
0x175: {  	[timem:s3], [sflag:s2] =	dma.local @!p0 [hbm:s0], s1  }
0x176: {  	s0 =	simm.s32 @!p0 $0x6  }
0x177: {  	_ =	swait.ge @!p0 [sflag:s0], s1  }
0x178: {  	s1 =	ssub.s32 @!p0 $0x0, s1;
	[sflag:s0] =	ssyncset.done @!p0 $0x0  }
0x179: {  	[sflag:s0] =	ssyncadd.s32 @!p0 s1  }
0x17a: {  	[bflag:$0x3] =	sbarrier.arrive $0xFFFF  }
0x17b: {  	_ =	shalt  }

</sc_bundles>
